<compile_context>
chip_gen: v7x
topology: tpu7x:2x2x1
jax: 0.10.2.dev20260603
libtpu: 0.0.44.dev20260713+nightly
codegen_flags: <defaults>
</compile_context>

<pallas_src>
import functools

import jax
import jax.numpy as jnp
from jax import lax
from jax.experimental import pallas as pl
from jax.experimental.pallas import tpu as pltpu
from jax.experimental.pallas import tpu_sc as plsc

_NC = 2
_NS = 16
_NW = _NC * _NS
_EPS = 1e-5


def _softplus(x):
    return jnp.maximum(x, 0.0) + jnp.log1p(jnp.exp(-jnp.abs(x)))


def _pack_halves(lo, hi):
    lob = lo.astype(jnp.bfloat16).astype(jnp.float32)
    hib = hi.astype(jnp.bfloat16).astype(jnp.float32)
    ul = lax.bitcast_convert_type(lob, jnp.uint32) >> 16
    uh = lax.bitcast_convert_type(hib, jnp.uint32) & jnp.uint32(0xFFFF0000)
    return lax.bitcast_convert_type(ul | uh, jnp.float32)


def _unpack_halves(p):
    u = lax.bitcast_convert_type(p, jnp.uint32)
    lo = lax.bitcast_convert_type(u << 16, jnp.float32)
    hi = lax.bitcast_convert_type(u & jnp.uint32(0xFFFF0000), jnp.float32)
    return lo, hi


def _sigmoid(x):
    return 1.0 / (1.0 + jnp.exp(-x))


def _mesh():
    return plsc.VectorSubcoreMesh(
        core_axis_name="c", subcore_axis_name="s", num_cores=_NC,
        num_subcores=_NS)


def _project(atom, nbr0, nbr1, Wst, Wit, Wjt, Wkt, Weit, Wekt, Wes, bf, bt,
             be):
    N, A = atom.shape
    A2 = 2 * A
    E = nbr0.shape[1]
    BK = 400
    grid = (N // BK,)

    def body(a_ref, n0_ref, n1_ref, wst, wit, wjt, wkt, weit, wekt, wes,
             bf_ref, bt_ref, be_ref, s_ref, pik_ref, pj_ref, pk_ref, se_ref,
             atp_ref):
        a = a_ref[...]
        dot = functools.partial(jnp.dot, preferred_element_type=jnp.float32)
        atp_ref[...] = _pack_halves(a[:, :A // 2], a[:, A // 2:])
        s_ref[...] = dot(a, wst[...]) + bf_ref[...]
        pik = (dot(a, wit[...]) + dot(n0_ref[...], weit[...])
               + dot(n1_ref[...], wekt[...]) + bt_ref[...])
        pik_ref[...] = _pack_halves(pik[:, :A], pik[:, A:])
        pj = dot(a, wjt[...])
        pj_ref[...] = _pack_halves(pj[:, :A], pj[:, A:])
        pk = dot(a, wkt[...])
        pk_ref[...] = _pack_halves(pk[:, :A], pk[:, A:])
        se_ref[...] = dot(a, wes[...]) + be_ref[...]

    full = lambda shape: pl.BlockSpec(shape, lambda i: (0, 0))
    row = lambda w: pl.BlockSpec((BK, w), lambda i: (i, 0))
    return pl.pallas_call(
        body,
        grid=grid,
        in_specs=[row(A), row(E), row(E), full((A, A2)), full((A, A2)),
                  full((A, A2)), full((A, A2)), full((E, A2)), full((E, A2)),
                  full((A, E)), full((1, A2)), full((1, A2)), full((1, E))],
        out_specs=[row(A2), row(A), row(A), row(A), row(E), row(A // 2)],
        out_shape=[jax.ShapeDtypeStruct((N, A2), jnp.float32)]
        + [jax.ShapeDtypeStruct((N, A), jnp.float32)] * 3
        + [jax.ShapeDtypeStruct((N, E), jnp.float32),
           jax.ShapeDtypeStruct((N, A // 2), jnp.float32)],
    )(atom, nbr0, nbr1, Wst, Wit, Wjt, Wkt, Weit, Wekt, Wes, bf, bt, be)


def _gather2(atom, idx_flat):
    NM = idx_flat.shape[0]
    A = atom.shape[1]
    W2 = NM // _NW
    C2 = 200
    NCH = W2 // C2

    @functools.partial(
        pl.kernel,
        out_type=jax.ShapeDtypeStruct((NM, A), jnp.float32),
        mesh=_mesh(),
        scratch_types=[
            pltpu.VMEM((W2,), jnp.int32),
            pltpu.VMEM((C2, A), jnp.float32),
            pltpu.VMEM((C2, A), jnp.float32),
            pltpu.SemaphoreType.DMA,
            pltpu.SemaphoreType.DMA,
            pltpu.SemaphoreType.DMA,
            pltpu.SemaphoreType.DMA,
        ],
    )
    def k(atom_hbm, idx_hbm, ag_hbm, ia, r0, r1, sg0, sg1, sw0, sw1):
        wid = lax.axis_index("s") * _NC + lax.axis_index("c")
        base = wid * W2
        pltpu.sync_copy(idx_hbm.at[pl.ds(base, W2)], ia)
        slots = ((r0, sg0, sw0), (r1, sg1, sw1))

        def fire(n, slot, first):
            rv, sg, sw = slot
            if not first:
                pltpu.make_async_copy(
                    rv, ag_hbm.at[pl.ds(base + (n - 2) * C2, C2)], sw).wait()
            pltpu.async_copy(atom_hbm.at[ia.at[pl.ds(n * C2, C2)]], rv, sg)

        def drain(n, slot):
            rv, sg, sw = slot
            pltpu.make_async_copy(atom_hbm.at[ia.at[pl.ds(n * C2, C2)]], rv,
                                  sg).wait()
            pltpu.async_copy(rv, ag_hbm.at[pl.ds(base + n * C2, C2)], sw)

        fire(0, slots[0], True)
        fire(1, slots[1], True)

        def pair(g, _):
            n0 = 2 * g
            drain(n0, slots[0])

            @pl.when(n0 + 2 < NCH)
            def _():
                fire(n0 + 2, slots[0], False)

            drain(n0 + 1, slots[1])

            @pl.when(n0 + 3 < NCH)
            def _():
                fire(n0 + 3, slots[1], False)

            return 0

        lax.fori_loop(0, NCH // 2, pair, 0)
        if NCH % 2:
            drain(NCH - 1, slots[0])
            last0, last1 = NCH - 1, NCH - 2
        else:
            last0, last1 = NCH - 2, NCH - 1
        pltpu.make_async_copy(r0, ag_hbm.at[pl.ds(base + last0 * C2, C2)],
                              sw0).wait()
        pltpu.make_async_copy(r1, ag_hbm.at[pl.ds(base + last1 * C2, C2)],
                              sw1).wait()

    return k(atom, idx_flat)


def _gather3(Pik, Pj, Pk, ti, tj, tk):
    Tp = ti.shape[0]
    A2 = Pik.shape[1]
    W3 = Tp // _NW
    C3 = 64
    NCH = W3 // C3
    NV = A2 // 16

    @functools.partial(
        pl.kernel,
        out_type=jax.ShapeDtypeStruct((Tp, A2), jnp.float32),
        mesh=_mesh(),
        scratch_types=[
            pltpu.VMEM((W3,), jnp.int32),
            pltpu.VMEM((W3,), jnp.int32),
            pltpu.VMEM((W3,), jnp.int32),
            pltpu.VMEM((C3, A2), jnp.float32),
            pltpu.VMEM((C3, A2), jnp.float32),
            pltpu.VMEM((C3, A2), jnp.float32),
            pltpu.VMEM((C3, A2), jnp.float32),
            pltpu.VMEM((C3, A2), jnp.float32),
            pltpu.VMEM((C3, A2), jnp.float32),
            pltpu.SemaphoreType.DMA,
            pltpu.SemaphoreType.DMA,
            pltpu.SemaphoreType.DMA,
            pltpu.SemaphoreType.DMA,
        ],
    )
    def k(pik_hbm, pj_hbm, pk_hbm, ti_hbm, tj_hbm, tk_hbm, out_hbm, ii, ij,
          ik, bi0, bj0, bk0, bi1, bj1, bk1, sg0, sg1, sw0, sw1):
        wid = lax.axis_index("s") * _NC + lax.axis_index("c")
        base = wid * W3
        pltpu.sync_copy(ti_hbm.at[pl.ds(base, W3)], ii)
        pltpu.sync_copy(tj_hbm.at[pl.ds(base, W3)], ij)
        pltpu.sync_copy(tk_hbm.at[pl.ds(base, W3)], ik)
        slots = ((bi0, bj0, bk0, sg0, sw0), (bi1, bj1, bk1, sg1, sw1))

        def fire(n, slot, first):
            bi, bj, bk, sg, sw = slot
            off = n * C3
            if not first:
                pltpu.make_async_copy(
                    bi, out_hbm.at[pl.ds(base + (n - 2) * C3, C3)],
                    sw).wait()
            pltpu.async_copy(pik_hbm.at[ii.at[pl.ds(off, C3)]], bi, sg)
            pltpu.async_copy(pj_hbm.at[ij.at[pl.ds(off, C3)]], bj, sg)
            pltpu.async_copy(pk_hbm.at[ik.at[pl.ds(off, C3)]], bk, sg)

        def drain(n, slot):
            bi, bj, bk, sg, sw = slot
            off = n * C3
            pltpu.make_async_copy(pik_hbm.at[ii.at[pl.ds(off, C3)]], bi,
                                  sg).wait()
            pltpu.make_async_copy(pj_hbm.at[ij.at[pl.ds(off, C3)]], bj,
                                  sg).wait()
            pltpu.make_async_copy(pk_hbm.at[ik.at[pl.ds(off, C3)]], bk,
                                  sg).wait()

            def add_rows(r, _):
                msk = jnp.uint32(0xFFFF0000)
                rnd = jnp.uint32(0x8000)
                f32 = jnp.float32
                u32 = jnp.uint32
                bc = lax.bitcast_convert_type
                for l in range(NV):
                    sl = pl.ds(l * 16, 16)
                    ua = bc(bi[r, sl], u32)
                    ub = bc(bj[r, sl], u32)
                    uc = bc(bk[r, sl], u32)
                    lo = (bc(ua << 16, f32) + bc(ub << 16, f32)
                          + bc(uc << 16, f32))
                    hi = (bc(ua & msk, f32) + bc(ub & msk, f32)
                          + bc(uc & msk, f32))
                    ul = (bc(lo, u32) + rnd) >> 16
                    uh = (bc(hi, u32) + rnd) & msk
                    bi[r, sl] = bc(ul | uh, f32)
                return 0

            lax.fori_loop(0, C3, add_rows, 0)
            pltpu.async_copy(bi, out_hbm.at[pl.ds(base + n * C3, C3)], sw)

        fire(0, slots[0], True)
        fire(1, slots[1], True)

        def pair(g, _):
            n0 = 2 * g
            drain(n0, slots[0])

            @pl.when(n0 + 2 < NCH)
            def _():
                fire(n0 + 2, slots[0], False)

            drain(n0 + 1, slots[1])

            @pl.when(n0 + 3 < NCH)
            def _():
                fire(n0 + 3, slots[1], False)

            return 0

        lax.fori_loop(0, NCH // 2, pair, 0)
        pltpu.make_async_copy(
            bi0, out_hbm.at[pl.ds(base + (NCH - 2) * C3, C3)], sw0).wait()
        pltpu.make_async_copy(
            bi1, out_hbm.at[pl.ds(base + (NCH - 1) * C3, C3)], sw1).wait()

    return k(Pik, Pj, Pk, ti, tj, tk)


def _scatter(act3, ti_s, N):
    Tp, A = act3.shape
    CH = A // _NC
    W7 = Tp // _NS
    C7 = 64
    NCH = W7 // C7
    NACC = ((N + 1 + _NS * C7 - 1) // (_NS * C7)) * (_NS * C7)
    ZR = NACC // _NS
    ZCH = ZR // C7
    DR = (N // _NS) // 8 * 8
    REM = N - DR * _NS

    @functools.partial(
        pl.kernel,
        out_type=jax.ShapeDtypeStruct((N, A), jnp.float32),
        mesh=_mesh(),
        scratch_types=[
            pltpu.VMEM((C7,), jnp.int32),
            pltpu.VMEM((C7,), jnp.int32),
            pltpu.VMEM((C7, CH), jnp.float32),
            pltpu.VMEM((C7, CH), jnp.float32),
            pltpu.VMEM_SHARED((NACC, CH), jnp.float32),
            pltpu.SemaphoreType.DMA,
            pltpu.SemaphoreType.DMA,
            pltpu.SemaphoreType.DMA,
            pltpu.SemaphoreType.DMA,
        ],
    )
    def k(act_hbm, ti_hbm, out_hbm, id0, id1, r0, r1, acc, sg0, sg1, ss0,
          ss1):
        c = lax.axis_index("c")
        s = lax.axis_index("s")
        coff = c * CH

        def zrow(r, _):
            for l in range(CH // 16):
                r1[r, pl.ds(l * 16, 16)] = jnp.zeros((16,), jnp.float32)
            return 0

        lax.fori_loop(0, C7, zrow, 0)

        def zcp(z, _):
            pltpu.sync_copy(r1, acc.at[pl.ds(s * ZR + z * C7, C7)])
            return 0

        lax.fori_loop(0, ZCH, zcp, 0)
        plsc.subcore_barrier()

        slots = ((id0, r0, sg0, ss0), (id1, r1, sg1, ss1))

        def fire(n, slot, first):
            iv, rv, sg, ss = slot
            t0 = s * W7 + n * C7
            pltpu.async_copy(ti_hbm.at[pl.ds(t0, C7)], iv, sg)
            pltpu.async_copy(act_hbm.at[pl.ds(t0, C7), pl.ds(coff, CH)], rv,
                             sg)

        def drain(n, slot):
            iv, rv, sg, ss = slot
            t0 = s * W7 + n * C7
            pltpu.make_async_copy(ti_hbm.at[pl.ds(t0, C7)], iv, sg).wait()
            pltpu.make_async_copy(act_hbm.at[pl.ds(t0, C7), pl.ds(coff, CH)],
                                  rv, sg).wait()
            pltpu.sync_copy(rv, acc.at[iv], add=True)

        fire(0, slots[0], True)
        fire(1, slots[1], True)

        def pair(g, _):
            n0 = 2 * g
            drain(n0, slots[0])

            @pl.when(n0 + 2 < NCH)
            def _():
                fire(n0 + 2, slots[0], False)

            drain(n0 + 1, slots[1])

            @pl.when(n0 + 3 < NCH)
            def _():
                fire(n0 + 3, slots[1], False)

            return 0

        lax.fori_loop(0, NCH // 2, pair, 0)
        plsc.subcore_barrier()
        pltpu.sync_copy(acc.at[pl.ds(s * DR, DR)],
                        out_hbm.at[pl.ds(s * DR, DR), pl.ds(coff, CH)])
        if REM:
            @pl.when(s == _NS - 1)
            def _():
                pltpu.sync_copy(
                    acc.at[pl.ds(DR * _NS, REM)],
                    out_hbm.at[pl.ds(DR * _NS, REM), pl.ds(coff, CH)])

    return k(act3, ti_s)


def _stats(AGP, S, Se, nbrE, Wnt, Wen, Wet, Weet, N, M):
    NM, AP = AGP.shape
    A2 = S.shape[1]
    A = A2 // 2
    E = nbrE.shape[1]
    BN = 80
    R = BN * M
    grid = (N // BN,)

    def body(ag_ref, s_ref, se_ref, ne_ref, wnt, wen, wet, weet, st1_ref,
             st3_ref):
        i = pl.program_id(0)
        dot = functools.partial(jnp.dot, preferred_element_type=jnp.float32)
        aglo, aghi = _unpack_halves(ag_ref[...])
        ag = jnp.concatenate([aglo, aghi], axis=1)
        nb = dot(ag, wnt[...])
        ef = dot(ne_ref[...], wet[...])
        pre = (nb.reshape(BN, M, A2) + s_ref[...][:, None, :]
               + ef.reshape(BN, M, A2))
        neg = dot(ag, wen[...])
        ee = dot(ne_ref[...], weet[...])
        pre_e = (neg.reshape(BN, M, E) + se_ref[...][:, None, :]
                 + ee.reshape(BN, M, E))
        u1 = jnp.concatenate(
            [jnp.sum(pre, axis=(0, 1))[None, :],
             jnp.sum(pre * pre, axis=(0, 1))[None, :]], axis=0)
        u3 = jnp.concatenate(
            [jnp.sum(pre_e, axis=(0, 1))[None, :],
             jnp.sum(pre_e * pre_e, axis=(0, 1))[None, :]], axis=0)

        @pl.when(i == 0)
        def _():
            st1_ref[...] = jnp.zeros_like(st1_ref)
            st3_ref[...] = jnp.zeros_like(st3_ref)

        st1_ref[...] += u1
        st3_ref[...] += u3

    return pl.pallas_call(
        body,
        grid=grid,
        in_specs=[
            pl.BlockSpec((R, AP), lambda i: (i, 0)),
            pl.BlockSpec((BN, A2), lambda i: (i, 0)),
            pl.BlockSpec((BN, E), lambda i: (i, 0)),
            pl.BlockSpec((R, E), lambda i: (i, 0)),
            pl.BlockSpec((A, A2), lambda i: (0, 0)),
            pl.BlockSpec((A, E), lambda i: (0, 0)),
            pl.BlockSpec((E, A2), lambda i: (0, 0)),
            pl.BlockSpec((E, E), lambda i: (0, 0)),
        ],
        out_specs=[pl.BlockSpec((2, A2), lambda i: (0, 0)),
                   pl.BlockSpec((2, E), lambda i: (0, 0))],
        out_shape=[jax.ShapeDtypeStruct((2, A2), jnp.float32),
                   jax.ShapeDtypeStruct((2, E), jnp.float32)],
    )(AGP, S, Se, nbrE, Wnt, Wen, Wet, Weet)


def _apply(AGP, S, Se, nbrE, Wnt, Wen, Wet, Weet, st1, st3, g1, be1, g3, be3,
           N, M):
    NM, AP = AGP.shape
    A2 = S.shape[1]
    A = A2 // 2
    E = nbrE.shape[1]
    BN = 80
    R = BN * M
    grid = (N // BN,)
    cnt = float(NM)

    def body(ag_ref, s_ref, se_ref, ne_ref, wnt, wen, wet, weet, st1_ref,
             st3_ref, g1_ref, be1_ref, g3_ref, be3_ref, t2_ref, nn_ref,
             st2_ref):
        i = pl.program_id(0)
        dot = functools.partial(jnp.dot, preferred_element_type=jnp.float32)
        aglo, aghi = _unpack_halves(ag_ref[...])
        ag = jnp.concatenate([aglo, aghi], axis=1)
        nb = dot(ag, wnt[...])
        ef = dot(ne_ref[...], wet[...])
        pre = (nb.reshape(BN, M, A2) + s_ref[...][:, None, :]
               + ef.reshape(BN, M, A2))
        m1 = st1_ref[0:1, :] / cnt
        v1 = st1_ref[1:2, :] / cnt - m1 * m1
        gated = ((pre - m1[None]) * lax.rsqrt(v1[None] + _EPS)
                 * g1_ref[...][None] + be1_ref[...][None])
        f = gated[:, :, :A]
        c = gated[:, :, A:]
        t2 = jnp.sum(_sigmoid(f) * _softplus(c), axis=1)
        t2_ref[...] = t2
        u2 = jnp.concatenate(
            [jnp.sum(t2, axis=0)[None, :], jnp.sum(t2 * t2, axis=0)[None, :]],
            axis=0)

        @pl.when(i == 0)
        def _():
            st2_ref[...] = jnp.zeros_like(st2_ref)

        st2_ref[...] += u2

        neg = dot(ag, wen[...])
        ee = dot(ne_ref[...], weet[...])
        pre_e = neg + jnp.repeat(se_ref[...], M, axis=0) + ee
        m3 = st3_ref[0:1, :] / cnt
        v3 = st3_ref[1:2, :] / cnt - m3 * m3
        gated_e = ((pre_e - m3) * lax.rsqrt(v3 + _EPS) * g3_ref[...]
                   + be3_ref[...])
        nn_ref[...] = _softplus(gated_e)

    return pl.pallas_call(
        body,
        grid=grid,
        in_specs=[
            pl.BlockSpec((R, AP), lambda i: (i, 0)),
            pl.BlockSpec((BN, A2), lambda i: (i, 0)),
            pl.BlockSpec((BN, E), lambda i: (i, 0)),
            pl.BlockSpec((R, E), lambda i: (i, 0)),
            pl.BlockSpec((A, A2), lambda i: (0, 0)),
            pl.BlockSpec((A, E), lambda i: (0, 0)),
            pl.BlockSpec((E, A2), lambda i: (0, 0)),
            pl.BlockSpec((E, E), lambda i: (0, 0)),
            pl.BlockSpec((2, A2), lambda i: (0, 0)),
            pl.BlockSpec((2, E), lambda i: (0, 0)),
            pl.BlockSpec((1, A2), lambda i: (0, 0)),
            pl.BlockSpec((1, A2), lambda i: (0, 0)),
            pl.BlockSpec((1, E), lambda i: (0, 0)),
            pl.BlockSpec((1, E), lambda i: (0, 0)),
        ],
        out_specs=[pl.BlockSpec((BN, A), lambda i: (i, 0)),
                   pl.BlockSpec((R, E), lambda i: (i, 0)),
                   pl.BlockSpec((2, A), lambda i: (0, 0))],
        out_shape=[jax.ShapeDtypeStruct((N, A), jnp.float32),
                   jax.ShapeDtypeStruct((NM, E), jnp.float32),
                   jax.ShapeDtypeStruct((2, A), jnp.float32)],
    )(AGP, S, Se, nbrE, Wnt, Wen, Wet, Weet, st1, st3, g1, be1, g3, be3)


def _act3(G3):
    Tp, A = G3.shape
    BT = 1024
    grid = (Tp // BT,)

    def body(g_ref, o_ref):
        f, c = _unpack_halves(g_ref[...])
        o_ref[...] = _sigmoid(f) * _softplus(c)

    return pl.pallas_call(
        body,
        grid=grid,
        in_specs=[pl.BlockSpec((BT, A), lambda i: (i, 0))],
        out_specs=pl.BlockSpec((BT, A), lambda i: (i, 0)),
        out_shape=jax.ShapeDtypeStruct((Tp, A), jnp.float32),
    )(G3)


def _combine(atom, t2, tb, st2, g2, be2):
    N, A = atom.shape
    BN = 1000
    grid = (N // BN,)
    cnt = float(N)

    def body(a_ref, t2_ref, tb_ref, st2_ref, g2_ref, be2_ref, o_ref):
        m2 = st2_ref[0:1, :] / cnt
        v2 = st2_ref[1:2, :] / cnt - m2 * m2
        bn2 = ((t2_ref[...] - m2) * lax.rsqrt(v2 + _EPS) * g2_ref[...]
               + be2_ref[...])
        o_ref[...] = _softplus(a_ref[...] + bn2 + tb_ref[...])

    return pl.pallas_call(
        body,
        grid=grid,
        in_specs=[
            pl.BlockSpec((BN, A), lambda i: (i, 0)),
            pl.BlockSpec((BN, A), lambda i: (i, 0)),
            pl.BlockSpec((BN, A), lambda i: (i, 0)),
            pl.BlockSpec((2, A), lambda i: (0, 0)),
            pl.BlockSpec((1, A), lambda i: (0, 0)),
            pl.BlockSpec((1, A), lambda i: (0, 0)),
        ],
        out_specs=pl.BlockSpec((BN, A), lambda i: (i, 0)),
        out_shape=jax.ShapeDtypeStruct((N, A), jnp.float32),
    )(atom, t2, tb, st2, g2, be2)


def kernel(atom_fea, nbr_fea, nbr_fea_idx, triplet_i, triplet_j, triplet_k,
           W_full, b_full, W_three, b_three, W_edge, b_edge, g1, be1, g2, be2,
           g3, be3):
    N, A = atom_fea.shape
    _, M, E = nbr_fea.shape
    T = triplet_i.shape[0]
    A2 = 2 * A
    NM = N * M

    Wst = W_full[:, :A].T
    Wnt = W_full[:, A:A2].T
    Wet = W_full[:, A2:].T
    Wit = W_three[:, :A].T
    Wjt = W_three[:, A:A2].T
    Wkt = W_three[:, A2:3 * A].T
    Weit = W_three[:, 3 * A:3 * A + E].T
    Wekt = W_three[:, 3 * A + E:].T
    Wes = W_edge[:, :A].T
    Wen = W_edge[:, A:A2].T
    Weet = W_edge[:, A2:].T

    nbr0 = nbr_fea[:, 0, :]
    nbr1 = nbr_fea[:, 1 % M, :]
    nbrE = nbr_fea.reshape(NM, E)
    idx_flat = nbr_fea_idx.reshape(NM).astype(jnp.int32)

    W3 = (-(-T // _NW) + 63) // 64 * 64
    Tp = W3 * _NW
    padg = jnp.zeros((Tp - T,), jnp.int32)
    ti_g = jnp.concatenate([triplet_i.astype(jnp.int32), padg])
    tj_g = jnp.concatenate([triplet_j.astype(jnp.int32), padg])
    tk_g = jnp.concatenate([triplet_k.astype(jnp.int32), padg])
    ti_s = jnp.concatenate(
        [triplet_i.astype(jnp.int32), jnp.full((Tp - T,), N, jnp.int32)])

    S, Pik, Pj, Pk, Se, ATP = _project(
        atom_fea, nbr0, nbr1, Wst, Wit, Wjt, Wkt, Weit, Wekt, Wes,
        b_full[None], b_three[None], b_edge[None])

    AGP = _gather2(ATP, idx_flat)
    G3 = _gather3(Pik, Pj, Pk, ti_g, tj_g, tk_g)

    st1, st3 = _stats(AGP, S, Se, nbrE, Wnt, Wen, Wet, Weet, N, M)
    t2, nn_flat, st2 = _apply(AGP, S, Se, nbrE, Wnt, Wen, Wet, Weet, st1, st3,
                              g1[None], be1[None], g3[None], be3[None], N, M)

    act3 = _act3(G3)
    tb = _scatter(act3, ti_s, N)

    out = _combine(atom_fea, t2, tb, st2, g2[None], be2[None])
    return out, nn_flat.reshape(N, M, E)

# --- scband reference (transcript-rebuilt; emitter-appended) ---
"""Pipeline reference for scband-i-conv-layer-21345987461320 (READ-ONLY COPY).

The authoritative reference and input builder live on the scoring server;
editing this copy changes nothing except your own understanding.
"""

import jax, jax.numpy as jnp
import numpy as np

A = 256
E = 16
N = 10000
M = 16
T = 200000

def _bn(x, g, b, eps=1e-5):
    m = jnp.mean(x, axis=0, keepdims=True)
    v = jnp.var(x, axis=0, keepdims=True)
    return (x - m) / jnp.sqrt(v + eps) * g + b

def setup_inputs(seed: int = 0):
    key = jax.random.key(seed)
    ks = jax.random.split(key, 16)
    inp = {}
    inp["atom_fea"] = jax.random.normal(ks[0], (N, A), dtype=jnp.float32)
    inp["nbr_fea"] = jax.random.normal(ks[1], (N, M, E), dtype=jnp.float32)
    inp["nbr_fea_idx"] = jax.random.randint(ks[2], (N, M), 0, N)
    inp["triplet_i"] = jax.random.randint(ks[3], (T,), 0, N)
    inp["triplet_j"] = jax.random.randint(ks[4], (T,), 0, N)
    inp["triplet_k"] = jax.random.randint(ks[5], (T,), 0, N)
    inp["W_full"] = jax.random.normal(ks[6], (2 * A, 2 * A + E), dtype=jnp.float32) / np.sqrt(2 * A + E)
    inp["b_full"] = jnp.zeros((2 * A,), jnp.float32)
    inp["W_three"] = jax.random.normal(ks[7], (2 * A, 3 * A + 2 * E), dtype=jnp.float32) / np.sqrt(3 * A + 2 * E)
    inp["b_three"] = jnp.zeros((2 * A,), jnp.float32)
    inp["W_edge"] = jax.random.normal(ks[8], (E, 2 * A + E), dtype=jnp.float32) / np.sqrt(2 * A + E)
    inp["b_edge"] = jnp.zeros((E,), jnp.float32)
    inp["g1"] = jnp.ones((2 * A,), jnp.float32)
    inp["be1"] = jnp.zeros((2 * A,), jnp.float32)
    inp["g2"] = jnp.ones((A,), jnp.float32)
    inp["be2"] = jnp.zeros((A,), jnp.float32)
    inp["g3"] = jnp.ones((E,), jnp.float32)
    inp["be3"] = jnp.zeros((E,), jnp.float32)
    return inp

def reference(atom_fea, nbr_fea, nbr_fea_idx, triplet_i, triplet_j, triplet_k, W_full, b_full, W_three, b_three, W_edge, b_edge, g1, be1, g2, be2, g3, be3):
    Nn, Mm = nbr_fea_idx.shape
    atom_nbr = atom_fea[nbr_fea_idx.reshape(-1)].reshape(Nn, Mm, A)
    self_exp = jnp.broadcast_to(atom_fea[:, None, :], (Nn, Mm, A))
    total = jnp.concatenate([self_exp, atom_nbr, nbr_fea], axis=2)
    gated = _bn((total @ W_full.T + b_full).reshape(-1, 2 * A), g1, be1).reshape(Nn, Mm, 2 * A)
    f = gated[:, :, :A]
    c = gated[:, :, A:]
    two_body = _bn(jnp.sum(jax.nn.sigmoid(f) * jax.nn.softplus(c), axis=1), g2, be2)
    ai = atom_fea[triplet_i]
    aj = atom_fea[triplet_j]
    ak = atom_fea[triplet_k]
    eij = nbr_fea[triplet_i, 0, :]
    eik = nbr_fea[triplet_i, 1 % Mm, :]
    three_in = jnp.concatenate([ai, aj, ak, eij, eik], axis=1)
    three_out = three_in @ W_three.T + b_three
    f3 = three_out[:, :A]
    c3 = three_out[:, A:]
    three_body = jnp.zeros_like(atom_fea).at[triplet_i].add(jax.nn.sigmoid(f3) * jax.nn.softplus(c3))
    out = jax.nn.softplus(atom_fea + two_body + three_body)
    new_nbr = jax.nn.softplus(_bn((total @ W_edge.T + b_edge).reshape(-1, E), g3, be3).reshape(Nn, Mm, E))
    return (out, new_nbr)

if __name__ == "__main__":
    import jax
    _d = setup_inputs()
    print(jax.jit(kernel)(*tuple(_d.values())))

</pallas_src>

<mosaic_0001>
#map = affine_map<(d0, d1) -> (0, 0)>
#map1 = affine_map<(d0, d1) -> (0)>
module attributes {stable_mosaic.version = 14 : i64} {
  func.func @k(%arg0: i32, %arg1: i32, %arg2: memref<10000x256xf32, #tpu.memory_space<hbm>>, %arg3: memref<10000x256xf32, #tpu.memory_space<hbm>>, %arg4: memref<10000x256xf32, #tpu.memory_space<hbm>>, %arg5: memref<200704xi32, #tpu.memory_space<hbm>>, %arg6: memref<200704xi32, #tpu.memory_space<hbm>>, %arg7: memref<200704xi32, #tpu.memory_space<hbm>>, %arg8: memref<200704x256xf32, #tpu.memory_space<hbm>>, %arg9: memref<6272xi32, #tpu.memory_space<vmem>>, %arg10: memref<6272xi32, #tpu.memory_space<vmem>>, %arg11: memref<6272xi32, #tpu.memory_space<vmem>>, %arg12: memref<64x256xf32, #tpu.memory_space<vmem>>, %arg13: memref<64x256xf32, #tpu.memory_space<vmem>>, %arg14: memref<64x256xf32, #tpu.memory_space<vmem>>, %arg15: memref<64x256xf32, #tpu.memory_space<vmem>>, %arg16: memref<64x256xf32, #tpu.memory_space<vmem>>, %arg17: memref<64x256xf32, #tpu.memory_space<vmem>>, %arg18: memref<!tpu.dma_semaphore, #tpu.memory_space<semaphore_mem>>, %arg19: memref<!tpu.dma_semaphore, #tpu.memory_space<semaphore_mem>>, %arg20: memref<!tpu.dma_semaphore, #tpu.memory_space<semaphore_mem>>, %arg21: memref<!tpu.dma_semaphore, #tpu.memory_space<semaphore_mem>>) attributes {dimension_semantics = [#tpu.dimension_semantics<core_parallel>, #tpu.dimension_semantics<subcore_parallel>], iteration_bounds = array<i64: 2, 16>, scalar_prefetch = 0 : i64, scratch_operands = 13 : i64, tpu.core_type = #tpu.core_type<sc_vector_subcore>, window_params = [{transform_indices = #map}, {transform_indices = #map}, {transform_indices = #map}, {transform_indices = #map1}, {transform_indices = #map1}, {transform_indices = #map1}, {transform_indices = #map}]} {
    %mul3A = arith.constant 2 : i32
    %mul3A_0 = arith.muli %arg1, %mul3A : i32
    %add3A = arith.addi %mul3A_0, %arg0 : i32
    %mul3A_1 = arith.constant 6272 : i32
    %mul3A_2 = arith.muli %add3A, %mul3A_1 : i32
    "tpu.region"() ({
      %run_scoped3A = tpu.sem_alloc : memref<!tpu.dma_semaphore, #tpu.memory_space<semaphore_mem>>
      %dma_start3A_49 = tpu.memref_slice %arg5[%mul3A_2] : memref<200704xi32, #tpu.memory_space<hbm>> -> memref<6272xi32, #tpu.memory_space<hbm>>
      %dma_start3A_50 = tpu.memref_slice %arg5[%mul3A_2] : memref<200704xi32, #tpu.memory_space<hbm>> -> memref<6272xi32, #tpu.memory_space<hbm>>
      tpu.enqueue_dma source(%dma_start3A_50 : memref<6272xi32, #tpu.memory_space<hbm>>) target(%arg9 : memref<6272xi32, #tpu.memory_space<vmem>>) target_semaphore(%run_scoped3A : memref<!tpu.dma_semaphore, #tpu.memory_space<semaphore_mem>>)
      %dma_wait3A_51 = tpu.memref_slice %arg5[%mul3A_2] : memref<200704xi32, #tpu.memory_space<hbm>> -> memref<6272xi32, #tpu.memory_space<hbm>>
      %dma_wait3A_52 = tpu.memref_slice %arg5[%mul3A_2] : memref<200704xi32, #tpu.memory_space<hbm>> -> memref<6272xi32, #tpu.memory_space<hbm>>
      tpu.wait_dma2 semaphore(%run_scoped3A : memref<!tpu.dma_semaphore, #tpu.memory_space<semaphore_mem>>) src(%dma_wait3A_52 : memref<6272xi32, #tpu.memory_space<hbm>>) dst(%arg9 : memref<6272xi32, #tpu.memory_space<vmem>>)
      tpu.yield
    }) : () -> ()
    "tpu.region"() ({
      %run_scoped3A = tpu.sem_alloc : memref<!tpu.dma_semaphore, #tpu.memory_space<semaphore_mem>>
      %dma_start3A_49 = tpu.memref_slice %arg6[%mul3A_2] : memref<200704xi32, #tpu.memory_space<hbm>> -> memref<6272xi32, #tpu.memory_space<hbm>>
      %dma_start3A_50 = tpu.memref_slice %arg6[%mul3A_2] : memref<200704xi32, #tpu.memory_space<hbm>> -> memref<6272xi32, #tpu.memory_space<hbm>>
      tpu.enqueue_dma source(%dma_start3A_50 : memref<6272xi32, #tpu.memory_space<hbm>>) target(%arg10 : memref<6272xi32, #tpu.memory_space<vmem>>) target_semaphore(%run_scoped3A : memref<!tpu.dma_semaphore, #tpu.memory_space<semaphore_mem>>)
      %dma_wait3A_51 = tpu.memref_slice %arg6[%mul3A_2] : memref<200704xi32, #tpu.memory_space<hbm>> -> memref<6272xi32, #tpu.memory_space<hbm>>
      %dma_wait3A_52 = tpu.memref_slice %arg6[%mul3A_2] : memref<200704xi32, #tpu.memory_space<hbm>> -> memref<6272xi32, #tpu.memory_space<hbm>>
      tpu.wait_dma2 semaphore(%run_scoped3A : memref<!tpu.dma_semaphore, #tpu.memory_space<semaphore_mem>>) src(%dma_wait3A_52 : memref<6272xi32, #tpu.memory_space<hbm>>) dst(%arg10 : memref<6272xi32, #tpu.memory_space<vmem>>)
      tpu.yield
    }) : () -> ()
    "tpu.region"() ({
      %run_scoped3A = tpu.sem_alloc : memref<!tpu.dma_semaphore, #tpu.memory_space<semaphore_mem>>
      %dma_start3A_49 = tpu.memref_slice %arg7[%mul3A_2] : memref<200704xi32, #tpu.memory_space<hbm>> -> memref<6272xi32, #tpu.memory_space<hbm>>
      %dma_start3A_50 = tpu.memref_slice %arg7[%mul3A_2] : memref<200704xi32, #tpu.memory_space<hbm>> -> memref<6272xi32, #tpu.memory_space<hbm>>
      tpu.enqueue_dma source(%dma_start3A_50 : memref<6272xi32, #tpu.memory_space<hbm>>) target(%arg11 : memref<6272xi32, #tpu.memory_space<vmem>>) target_semaphore(%run_scoped3A : memref<!tpu.dma_semaphore, #tpu.memory_space<semaphore_mem>>)
      %dma_wait3A_51 = tpu.memref_slice %arg7[%mul3A_2] : memref<200704xi32, #tpu.memory_space<hbm>> -> memref<6272xi32, #tpu.memory_space<hbm>>
      %dma_wait3A_52 = tpu.memref_slice %arg7[%mul3A_2] : memref<200704xi32, #tpu.memory_space<hbm>> -> memref<6272xi32, #tpu.memory_space<hbm>>
      tpu.wait_dma2 semaphore(%run_scoped3A : memref<!tpu.dma_semaphore, #tpu.memory_space<semaphore_mem>>) src(%dma_wait3A_52 : memref<6272xi32, #tpu.memory_space<hbm>>) dst(%arg11 : memref<6272xi32, #tpu.memory_space<vmem>>)
      tpu.yield
    }) : () -> ()
    %dma_start3A = arith.constant 0 : i32
    %dma_start3A_3 = tpu.memref_slice %arg9[%dma_start3A] : memref<6272xi32, #tpu.memory_space<vmem>> -> memref<64xi32, #tpu.memory_space<vmem>>
    %dma_start3A_4 = arith.constant 0 : i32
    %dma_start3A_5 = arith.constant 0 : i32
    %dma_start3A_6 = tpu.memref_slice %arg2[%dma_start3A_4, %dma_start3A_5] : memref<10000x256xf32, #tpu.memory_space<hbm>> -> memref<10000x256xf32, #tpu.memory_space<hbm>>
    tpu.enqueue_indirect_dma source(%dma_start3A_6 : memref<10000x256xf32, #tpu.memory_space<hbm>>) target(%arg12 : memref<64x256xf32, #tpu.memory_space<vmem>>) offsets(%dma_start3A_3 : memref<64xi32, #tpu.memory_space<vmem>>) semaphore(%arg18 : memref<!tpu.dma_semaphore, #tpu.memory_space<semaphore_mem>>)
    %dma_start3A_7 = arith.constant 0 : i32
    %dma_start3A_8 = tpu.memref_slice %arg10[%dma_start3A_7] : memref<6272xi32, #tpu.memory_space<vmem>> -> memref<64xi32, #tpu.memory_space<vmem>>
    %dma_start3A_9 = arith.constant 0 : i32
    %dma_start3A_10 = arith.constant 0 : i32
    %dma_start3A_11 = tpu.memref_slice %arg3[%dma_start3A_9, %dma_start3A_10] : memref<10000x256xf32, #tpu.memory_space<hbm>> -> memref<10000x256xf32, #tpu.memory_space<hbm>>
    tpu.enqueue_indirect_dma source(%dma_start3A_11 : memref<10000x256xf32, #tpu.memory_space<hbm>>) target(%arg13 : memref<64x256xf32, #tpu.memory_space<vmem>>) offsets(%dma_start3A_8 : memref<64xi32, #tpu.memory_space<vmem>>) semaphore(%arg18 : memref<!tpu.dma_semaphore, #tpu.memory_space<semaphore_mem>>)
    %dma_start3A_12 = arith.constant 0 : i32
    %dma_start3A_13 = tpu.memref_slice %arg11[%dma_start3A_12] : memref<6272xi32, #tpu.memory_space<vmem>> -> memref<64xi32, #tpu.memory_space<vmem>>
    %dma_start3A_14 = arith.constant 0 : i32
    %dma_start3A_15 = arith.constant 0 : i32
    %dma_start3A_16 = tpu.memref_slice %arg4[%dma_start3A_14, %dma_start3A_15] : memref<10000x256xf32, #tpu.memory_space<hbm>> -> memref<10000x256xf32, #tpu.memory_space<hbm>>
    tpu.enqueue_indirect_dma source(%dma_start3A_16 : memref<10000x256xf32, #tpu.memory_space<hbm>>) target(%arg14 : memref<64x256xf32, #tpu.memory_space<vmem>>) offsets(%dma_start3A_13 : memref<64xi32, #tpu.memory_space<vmem>>) semaphore(%arg18 : memref<!tpu.dma_semaphore, #tpu.memory_space<semaphore_mem>>)
    %dma_start3A_17 = arith.constant 64 : i32
    %dma_start3A_18 = tpu.memref_slice %arg9[%dma_start3A_17] : memref<6272xi32, #tpu.memory_space<vmem>> -> memref<64xi32, #tpu.memory_space<vmem>>
    %dma_start3A_19 = arith.constant 0 : i32
    %dma_start3A_20 = arith.constant 0 : i32
    %dma_start3A_21 = tpu.memref_slice %arg2[%dma_start3A_19, %dma_start3A_20] : memref<10000x256xf32, #tpu.memory_space<hbm>> -> memref<10000x256xf32, #tpu.memory_space<hbm>>
    tpu.enqueue_indirect_dma source(%dma_start3A_21 : memref<10000x256xf32, #tpu.memory_space<hbm>>) target(%arg15 : memref<64x256xf32, #tpu.memory_space<vmem>>) offsets(%dma_start3A_18 : memref<64xi32, #tpu.memory_space<vmem>>) semaphore(%arg19 : memref<!tpu.dma_semaphore, #tpu.memory_space<semaphore_mem>>)
    %dma_start3A_22 = arith.constant 64 : i32
    %dma_start3A_23 = tpu.memref_slice %arg10[%dma_start3A_22] : memref<6272xi32, #tpu.memory_space<vmem>> -> memref<64xi32, #tpu.memory_space<vmem>>
    %dma_start3A_24 = arith.constant 0 : i32
    %dma_start3A_25 = arith.constant 0 : i32
    %dma_start3A_26 = tpu.memref_slice %arg3[%dma_start3A_24, %dma_start3A_25] : memref<10000x256xf32, #tpu.memory_space<hbm>> -> memref<10000x256xf32, #tpu.memory_space<hbm>>
    tpu.enqueue_indirect_dma source(%dma_start3A_26 : memref<10000x256xf32, #tpu.memory_space<hbm>>) target(%arg16 : memref<64x256xf32, #tpu.memory_space<vmem>>) offsets(%dma_start3A_23 : memref<64xi32, #tpu.memory_space<vmem>>) semaphore(%arg19 : memref<!tpu.dma_semaphore, #tpu.memory_space<semaphore_mem>>)
    %dma_start3A_27 = arith.constant 64 : i32
    %dma_start3A_28 = tpu.memref_slice %arg11[%dma_start3A_27] : memref<6272xi32, #tpu.memory_space<vmem>> -> memref<64xi32, #tpu.memory_space<vmem>>
    %dma_start3A_29 = arith.constant 0 : i32
    %dma_start3A_30 = arith.constant 0 : i32
    %dma_start3A_31 = tpu.memref_slice %arg4[%dma_start3A_29, %dma_start3A_30] : memref<10000x256xf32, #tpu.memory_space<hbm>> -> memref<10000x256xf32, #tpu.memory_space<hbm>>
    tpu.enqueue_indirect_dma source(%dma_start3A_31 : memref<10000x256xf32, #tpu.memory_space<hbm>>) target(%arg17 : memref<64x256xf32, #tpu.memory_space<vmem>>) offsets(%dma_start3A_28 : memref<64xi32, #tpu.memory_space<vmem>>) semaphore(%arg19 : memref<!tpu.dma_semaphore, #tpu.memory_space<semaphore_mem>>)
    %scan3A = arith.constant 0 : i32
    %scan3A_32 = arith.constant 0 : i32
    %scan3A_33 = arith.constant 49 : i32
    %scan3A_34 = arith.addi %scan3A_32, %scan3A_33 : i32
    %scan3A_35 = arith.constant 1 : i32
    %scan3A_36 = scf.for %scan3A_49 = %scan3A_32 to %scan3A_34 step %scan3A_35 iter_args(%scan3A_50 = %scan3A) -> (i32)  : i32 {
      %mul3A_51 = arith.constant 2 : i32
      %mul3A_52 = arith.muli %mul3A_51, %scan3A_49 : i32
      %mul3A_53 = arith.constant 64 : i32
      %mul3A_54 = arith.muli %mul3A_52, %mul3A_53 : i32
      %dma_wait3A_55 = tpu.memref_slice %arg9[%mul3A_54] : memref<6272xi32, #tpu.memory_space<vmem>> -> memref<64xi32, #tpu.memory_space<vmem>>
      %dma_wait3A_56 = arith.constant 0 : i32
      %dma_wait3A_57 = arith.constant 0 : i32
      %dma_wait3A_58 = tpu.memref_slice %arg2[%dma_wait3A_56, %dma_wait3A_57] : memref<10000x256xf32, #tpu.memory_space<hbm>> -> memref<10000x256xf32, #tpu.memory_space<hbm>>
      tpu.wait_indirect_dma semaphore(%arg18 : memref<!tpu.dma_semaphore, #tpu.memory_space<semaphore_mem>>) src(%dma_wait3A_58 : memref<10000x256xf32, #tpu.memory_space<hbm>>) dst(%arg12 : memref<64x256xf32, #tpu.memory_space<vmem>>)
      %dma_wait3A_59 = tpu.memref_slice %arg10[%mul3A_54] : memref<6272xi32, #tpu.memory_space<vmem>> -> memref<64xi32, #tpu.memory_space<vmem>>
      %dma_wait3A_60 = arith.constant 0 : i32
      %dma_wait3A_61 = arith.constant 0 : i32
      %dma_wait3A_62 = tpu.memref_slice %arg3[%dma_wait3A_60, %dma_wait3A_61] : memref<10000x256xf32, #tpu.memory_space<hbm>> -> memref<10000x256xf32, #tpu.memory_space<hbm>>
      tpu.wait_indirect_dma semaphore(%arg18 : memref<!tpu.dma_semaphore, #tpu.memory_space<semaphore_mem>>) src(%dma_wait3A_62 : memref<10000x256xf32, #tpu.memory_space<hbm>>) dst(%arg13 : memref<64x256xf32, #tpu.memory_space<vmem>>)
      %dma_wait3A_63 = tpu.memref_slice %arg11[%mul3A_54] : memref<6272xi32, #tpu.memory_space<vmem>> -> memref<64xi32, #tpu.memory_space<vmem>>
      %dma_wait3A_64 = arith.constant 0 : i32
      %dma_wait3A_65 = arith.constant 0 : i32
      %dma_wait3A_66 = tpu.memref_slice %arg4[%dma_wait3A_64, %dma_wait3A_65] : memref<10000x256xf32, #tpu.memory_space<hbm>> -> memref<10000x256xf32, #tpu.memory_space<hbm>>
      tpu.wait_indirect_dma semaphore(%arg18 : memref<!tpu.dma_semaphore, #tpu.memory_space<semaphore_mem>>) src(%dma_wait3A_66 : memref<10000x256xf32, #tpu.memory_space<hbm>>) dst(%arg14 : memref<64x256xf32, #tpu.memory_space<vmem>>)
      %scan3A_67 = arith.constant 0 : i32
      %scan3A_68 = arith.constant 0 : i32
      %scan3A_69 = arith.constant 64 : i32
      %scan3A_70 = arith.addi %scan3A_68, %scan3A_69 : i32
      %scan3A_71 = arith.constant 1 : i32
      %scan3A_72 = scf.for %scan3A_123 = %scan3A_68 to %scan3A_70 step %scan3A_71 iter_args(%scan3A_124 = %scan3A_67) -> (i32)  : i32 {
        %get3A = arith.index_cast %scan3A_123 : i32 to index
        %get3A_125 = arith.constant 0 : index
        %get3A_126 = tpu.vector_load %arg12[%get3A, %get3A_125] {strides = array<i32>} : memref<64x256xf32, #tpu.memory_space<vmem>>, vector<1x16xf32>,
        %get3A_127 = vector.shape_cast %get3A_126 : vector<1x16xf32> to vector<16xf32>
        %bitcast_convert_type3A = tpu.bitcast %get3A_127 : vector<16xf32> -> vector<16xi32>
        %get3A_128 = arith.index_cast %scan3A_123 : i32 to index
        %get3A_129 = arith.constant 0 : index
        %get3A_130 = tpu.vector_load %arg13[%get3A_128, %get3A_129] {strides = array<i32>} : memref<64x256xf32, #tpu.memory_space<vmem>>, vector<1x16xf32>,
        %get3A_131 = vector.shape_cast %get3A_130 : vector<1x16xf32> to vector<16xf32>
        %bitcast_convert_type3A_132 = tpu.bitcast %get3A_131 : vector<16xf32> -> vector<16xi32>
        %get3A_133 = arith.index_cast %scan3A_123 : i32 to index
        %get3A_134 = arith.constant 0 : index
        %get3A_135 = tpu.vector_load %arg14[%get3A_133, %get3A_134] {strides = array<i32>} : memref<64x256xf32, #tpu.memory_space<vmem>>, vector<1x16xf32>,
        %get3A_136 = vector.shape_cast %get3A_135 : vector<1x16xf32> to vector<16xf32>
        %bitcast_convert_type3A_137 = tpu.bitcast %get3A_136 : vector<16xf32> -> vector<16xi32>
        %shift_left3A = arith.constant 16 : i32
        %shift_left3A_138 = vector.broadcast %shift_left3A : i32 to vector<16xi32>
        %shift_left3A_139 = arith.shli %bitcast_convert_type3A, %shift_left3A_138 : vector<16xi32>
        %bitcast_convert_type3A_140 = tpu.bitcast %shift_left3A_139 : vector<16xi32> -> vector<16xf32>
        %shift_left3A_141 = arith.constant 16 : i32
        %shift_left3A_142 = vector.broadcast %shift_left3A_141 : i32 to vector<16xi32>
        %shift_left3A_143 = arith.shli %bitcast_convert_type3A_132, %shift_left3A_142 : vector<16xi32>
        %bitcast_convert_type3A_144 = tpu.bitcast %shift_left3A_143 : vector<16xi32> -> vector<16xf32>
        %add3A_145 = arith.addf %bitcast_convert_type3A_140, %bitcast_convert_type3A_144 : vector<16xf32>
        %shift_left3A_146 = arith.constant 16 : i32
        %shift_left3A_147 = vector.broadcast %shift_left3A_146 : i32 to vector<16xi32>
        %shift_left3A_148 = arith.shli %bitcast_convert_type3A_137, %shift_left3A_147 : vector<16xi32>
        %bitcast_convert_type3A_149 = tpu.bitcast %shift_left3A_148 : vector<16xi32> -> vector<16xf32>
        %add3A_150 = arith.addf %add3A_145, %bitcast_convert_type3A_149 : vector<16xf32>
        %and3A = arith.constant -65536 : i32
        %and3A_151 = vector.broadcast %and3A : i32 to vector<16xi32>
        %and3A_152 = arith.andi %bitcast_convert_type3A, %and3A_151 : vector<16xi32>
        %bitcast_convert_type3A_153 = tpu.bitcast %and3A_152 : vector<16xi32> -> vector<16xf32>
        %and3A_154 = arith.constant -65536 : i32
        %and3A_155 = vector.broadcast %and3A_154 : i32 to vector<16xi32>
        %and3A_156 = arith.andi %bitcast_convert_type3A_132, %and3A_155 : vector<16xi32>
        %bitcast_convert_type3A_157 = tpu.bitcast %and3A_156 : vector<16xi32> -> vector<16xf32>
        %add3A_158 = arith.addf %bitcast_convert_type3A_153, %bitcast_convert_type3A_157 : vector<16xf32>
        %and3A_159 = arith.constant -65536 : i32
        %and3A_160 = vector.broadcast %and3A_159 : i32 to vector<16xi32>
        %and3A_161 = arith.andi %bitcast_convert_type3A_137, %and3A_160 : vector<16xi32>
        %bitcast_convert_type3A_162 = tpu.bitcast %and3A_161 : vector<16xi32> -> vector<16xf32>
        %add3A_163 = arith.addf %add3A_158, %bitcast_convert_type3A_162 : vector<16xf32>
        %bitcast_convert_type3A_164 = tpu.bitcast %add3A_150 : vector<16xf32> -> vector<16xi32>
        %add3A_165 = arith.constant 32768 : i32
        %add3A_166 = vector.broadcast %add3A_165 : i32 to vector<16xi32>
        %add3A_167 = arith.addi %bitcast_convert_type3A_164, %add3A_166 : vector<16xi32>
        %shift_right_logical3A = arith.constant 16 : i32
        %shift_right_logical3A_168 = vector.broadcast %shift_right_logical3A : i32 to vector<16xi32>
        %shift_right_logical3A_169 = arith.shrui %add3A_167, %shift_right_logical3A_168 : vector<16xi32>
        %bitcast_convert_type3A_170 = tpu.bitcast %add3A_163 : vector<16xf32> -> vector<16xi32>
        %add3A_171 = arith.constant 32768 : i32
        %add3A_172 = vector.broadcast %add3A_171 : i32 to vector<16xi32>
        %add3A_173 = arith.addi %bitcast_convert_type3A_170, %add3A_172 : vector<16xi32>
        %and3A_174 = arith.constant -65536 : i32
        %and3A_175 = vector.broadcast %and3A_174 : i32 to vector<16xi32>
        %and3A_176 = arith.andi %add3A_173, %and3A_175 : vector<16xi32>
        %or3A = arith.ori %shift_right_logical3A_169, %and3A_176 : vector<16xi32>
        %bitcast_convert_type3A_177 = tpu.bitcast %or3A : vector<16xi32> -> vector<16xf32>
        %swap3A = arith.index_cast %scan3A_123 : i32 to index
        %swap3A_178 = arith.constant 0 : index
        %swap3A_179 = tpu.vector_load %arg12[%swap3A, %swap3A_178] {strides = array<i32>} : memref<64x256xf32, #tpu.memory_space<vmem>>, vector<1x16xf32>,
        %swap3A_180 = vector.shape_cast %swap3A_179 : vector<1x16xf32> to vector<16xf32>
        %swap3A_181 = vector.shape_cast %bitcast_convert_type3A_177 : vector<16xf32> to vector<1x16xf32>
        tpu.vector_store %arg12[%swap3A, %swap3A_178], %swap3A_181 {strides = array<i32>} : memref<64x256xf32, #tpu.memory_space<vmem>>, vector<1x16xf32>,
        %get3A_182 = arith.index_cast %scan3A_123 : i32 to index
        %get3A_183 = arith.constant 16 : index
        %get3A_184 = tpu.vector_load %arg12[%get3A_182, %get3A_183] {strides = array<i32>} : memref<64x256xf32, #tpu.memory_space<vmem>>, vector<1x16xf32>,
        %get3A_185 = vector.shape_cast %get3A_184 : vector<1x16xf32> to vector<16xf32>
        %bitcast_convert_type3A_186 = tpu.bitcast %get3A_185 : vector<16xf32> -> vector<16xi32>
        %get3A_187 = arith.index_cast %scan3A_123 : i32 to index
        %get3A_188 = arith.constant 16 : index
        %get3A_189 = tpu.vector_load %arg13[%get3A_187, %get3A_188] {strides = array<i32>} : memref<64x256xf32, #tpu.memory_space<vmem>>, vector<1x16xf32>,
        %get3A_190 = vector.shape_cast %get3A_189 : vector<1x16xf32> to vector<16xf32>
        %bitcast_convert_type3A_191 = tpu.bitcast %get3A_190 : vector<16xf32> -> vector<16xi32>
        %get3A_192 = arith.index_cast %scan3A_123 : i32 to index
        %get3A_193 = arith.constant 16 : index
        %get3A_194 = tpu.vector_load %arg14[%get3A_192, %get3A_193] {strides = array<i32>} : memref<64x256xf32, #tpu.memory_space<vmem>>, vector<1x16xf32>,
        %get3A_195 = vector.shape_cast %get3A_194 : vector<1x16xf32> to vector<16xf32>
        %bitcast_convert_type3A_196 = tpu.bitcast %get3A_195 : vector<16xf32> -> vector<16xi32>
        %shift_left3A_197 = arith.constant 16 : i32
        %shift_left3A_198 = vector.broadcast %shift_left3A_197 : i32 to vector<16xi32>
        %shift_left3A_199 = arith.shli %bitcast_convert_type3A_186, %shift_left3A_198 : vector<16xi32>
        %bitcast_convert_type3A_200 = tpu.bitcast %shift_left3A_199 : vector<16xi32> -> vector<16xf32>
        %shift_left3A_201 = arith.constant 16 : i32
        %shift_left3A_202 = vector.broadcast %shift_left3A_201 : i32 to vector<16xi32>
        %shift_left3A_203 = arith.shli %bitcast_convert_type3A_191, %shift_left3A_202 : vector<16xi32>
        %bitcast_convert_type3A_204 = tpu.bitcast %shift_left3A_203 : vector<16xi32> -> vector<16xf32>
        %add3A_205 = arith.addf %bitcast_convert_type3A_200, %bitcast_convert_type3A_204 : vector<16xf32>
        %shift_left3A_206 = arith.constant 16 : i32
        %shift_left3A_207 = vector.broadcast %shift_left3A_206 : i32 to vector<16xi32>
        %shift_left3A_208 = arith.shli %bitcast_convert_type3A_196, %shift_left3A_207 : vector<16xi32>
        %bitcast_convert_type3A_209 = tpu.bitcast %shift_left3A_208 : vector<16xi32> -> vector<16xf32>
        %add3A_210 = arith.addf %add3A_205, %bitcast_convert_type3A_209 : vector<16xf32>
        %and3A_211 = arith.constant -65536 : i32
        %and3A_212 = vector.broadcast %and3A_211 : i32 to vector<16xi32>
        %and3A_213 = arith.andi %bitcast_convert_type3A_186, %and3A_212 : vector<16xi32>
        %bitcast_convert_type3A_214 = tpu.bitcast %and3A_213 : vector<16xi32> -> vector<16xf32>
        %and3A_215 = arith.constant -65536 : i32
        %and3A_216 = vector.broadcast %and3A_215 : i32 to vector<16xi32>
        %and3A_217 = arith.andi %bitcast_convert_type3A_191, %and3A_216 : vector<16xi32>
        %bitcast_convert_type3A_218 = tpu.bitcast %and3A_217 : vector<16xi32> -> vector<16xf32>
        %add3A_219 = arith.addf %bitcast_convert_type3A_214, %bitcast_convert_type3A_218 : vector<16xf32>
        %and3A_220 = arith.constant -65536 : i32
        %and3A_221 = vector.broadcast %and3A_220 : i32 to vector<16xi32>
        %and3A_222 = arith.andi %bitcast_convert_type3A_196, %and3A_221 : vector<16xi32>
        %bitcast_convert_type3A_223 = tpu.bitcast %and3A_222 : vector<16xi32> -> vector<16xf32>
        %add3A_224 = arith.addf %add3A_219, %bitcast_convert_type3A_223 : vector<16xf32>
        %bitcast_convert_type3A_225 = tpu.bitcast %add3A_210 : vector<16xf32> -> vector<16xi32>
        %add3A_226 = arith.constant 32768 : i32
        %add3A_227 = vector.broadcast %add3A_226 : i32 to vector<16xi32>
        %add3A_228 = arith.addi %bitcast_convert_type3A_225, %add3A_227 : vector<16xi32>
        %shift_right_logical3A_229 = arith.constant 16 : i32
        %shift_right_logical3A_230 = vector.broadcast %shift_right_logical3A_229 : i32 to vector<16xi32>
        %shift_right_logical3A_231 = arith.shrui %add3A_228, %shift_right_logical3A_230 : vector<16xi32>
        %bitcast_convert_type3A_232 = tpu.bitcast %add3A_224 : vector<16xf32> -> vector<16xi32>
        %add3A_233 = arith.constant 32768 : i32
        %add3A_234 = vector.broadcast %add3A_233 : i32 to vector<16xi32>
        %add3A_235 = arith.addi %bitcast_convert_type3A_232, %add3A_234 : vector<16xi32>
        %and3A_236 = arith.constant -65536 : i32
        %and3A_237 = vector.broadcast %and3A_236 : i32 to vector<16xi32>
        %and3A_238 = arith.andi %add3A_235, %and3A_237 : vector<16xi32>
        %or3A_239 = arith.ori %shift_right_logical3A_231, %and3A_238 : vector<16xi32>
        %bitcast_convert_type3A_240 = tpu.bitcast %or3A_239 : vector<16xi32> -> vector<16xf32>
        %swap3A_241 = arith.index_cast %scan3A_123 : i32 to index
        %swap3A_242 = arith.constant 16 : index
        %swap3A_243 = tpu.vector_load %arg12[%swap3A_241, %swap3A_242] {strides = array<i32>} : memref<64x256xf32, #tpu.memory_space<vmem>>, vector<1x16xf32>,
        %swap3A_244 = vector.shape_cast %swap3A_243 : vector<1x16xf32> to vector<16xf32>
        %swap3A_245 = vector.shape_cast %bitcast_convert_type3A_240 : vector<16xf32> to vector<1x16xf32>
        tpu.vector_store %arg12[%swap3A_241, %swap3A_242], %swap3A_245 {strides = array<i32>} : memref<64x256xf32, #tpu.memory_space<vmem>>, vector<1x16xf32>,
        %get3A_246 = arith.index_cast %scan3A_123 : i32 to index
        %get3A_247 = arith.constant 32 : index
        %get3A_248 = tpu.vector_load %arg12[%get3A_246, %get3A_247] {strides = array<i32>} : memref<64x256xf32, #tpu.memory_space<vmem>>, vector<1x16xf32>,
        %get3A_249 = vector.shape_cast %get3A_248 : vector<1x16xf32> to vector<16xf32>
        %bitcast_convert_type3A_250 = tpu.bitcast %get3A_249 : vector<16xf32> -> vector<16xi32>
        %get3A_251 = arith.index_cast %scan3A_123 : i32 to index
        %get3A_252 = arith.constant 32 : index
        %get3A_253 = tpu.vector_load %arg13[%get3A_251, %get3A_252] {strides = array<i32>} : memref<64x256xf32, #tpu.memory_space<vmem>>, vector<1x16xf32>,
        %get3A_254 = vector.shape_cast %get3A_253 : vector<1x16xf32> to vector<16xf32>
        %bitcast_convert_type3A_255 = tpu.bitcast %get3A_254 : vector<16xf32> -> vector<16xi32>
        %get3A_256 = arith.index_cast %scan3A_123 : i32 to index
        %get3A_257 = arith.constant 32 : index
        %get3A_258 = tpu.vector_load %arg14[%get3A_256, %get3A_257] {strides = array<i32>} : memref<64x256xf32, #tpu.memory_space<vmem>>, vector<1x16xf32>,
        %get3A_259 = vector.shape_cast %get3A_258 : vector<1x16xf32> to vector<16xf32>
        %bitcast_convert_type3A_260 = tpu.bitcast %get3A_259 : vector<16xf32> -> vector<16xi32>
        %shift_left3A_261 = arith.constant 16 : i32
        %shift_left3A_262 = vector.broadcast %shift_left3A_261 : i32 to vector<16xi32>
        %shift_left3A_263 = arith.shli %bitcast_convert_type3A_250, %shift_left3A_262 : vector<16xi32>
        %bitcast_convert_type3A_264 = tpu.bitcast %shift_left3A_263 : vector<16xi32> -> vector<16xf32>
        %shift_left3A_265 = arith.constant 16 : i32
        %shift_left3A_266 = vector.broadcast %shift_left3A_265 : i32 to vector<16xi32>
        %shift_left3A_267 = arith.shli %bitcast_convert_type3A_255, %shift_left3A_266 : vector<16xi32>
        %bitcast_convert_type3A_268 = tpu.bitcast %shift_left3A_267 : vector<16xi32> -> vector<16xf32>
        %add3A_269 = arith.addf %bitcast_convert_type3A_264, %bitcast_convert_type3A_268 : vector<16xf32>
        %shift_left3A_270 = arith.constant 16 : i32
        %shift_left3A_271 = vector.broadcast %shift_left3A_270 : i32 to vector<16xi32>
        %shift_left3A_272 = arith.shli %bitcast_convert_type3A_260, %shift_left3A_271 : vector<16xi32>
        %bitcast_convert_type3A_273 = tpu.bitcast %shift_left3A_272 : vector<16xi32> -> vector<16xf32>
        %add3A_274 = arith.addf %add3A_269, %bitcast_convert_type3A_273 : vector<16xf32>
        %and3A_275 = arith.constant -65536 : i32
        %and3A_276 = vector.broadcast %and3A_275 : i32 to vector<16xi32>
        %and3A_277 = arith.andi %bitcast_convert_type3A_250, %and3A_276 : vector<16xi32>
        %bitcast_convert_type3A_278 = tpu.bitcast %and3A_277 : vector<16xi32> -> vector<16xf32>
        %and3A_279 = arith.constant -65536 : i32
        %and3A_280 = vector.broadcast %and3A_279 : i32 to vector<16xi32>
        %and3A_281 = arith.andi %bitcast_convert_type3A_255, %and3A_280 : vector<16xi32>
        %bitcast_convert_type3A_282 = tpu.bitcast %and3A_281 : vector<16xi32> -> vector<16xf32>
        %add3A_283 = arith.addf %bitcast_convert_type3A_278, %bitcast_convert_type3A_282 : vector<16xf32>
        %and3A_284 = arith.constant -65536 : i32
        %and3A_285 = vector.broadcast %and3A_284 : i32 to vector<16xi32>
        %and3A_286 = arith.andi %bitcast_convert_type3A_260, %and3A_285 : vector<16xi32>
        %bitcast_convert_type3A_287 = tpu.bitcast %and3A_286 : vector<16xi32> -> vector<16xf32>
        %add3A_288 = arith.addf %add3A_283, %bitcast_convert_type3A_287 : vector<16xf32>
        %bitcast_convert_type3A_289 = tpu.bitcast %add3A_274 : vector<16xf32> -> vector<16xi32>
        %add3A_290 = arith.constant 32768 : i32
        %add3A_291 = vector.broadcast %add3A_290 : i32 to vector<16xi32>
        %add3A_292 = arith.addi %bitcast_convert_type3A_289, %add3A_291 : vector<16xi32>
        %shift_right_logical3A_293 = arith.constant 16 : i32
        %shift_right_logical3A_294 = vector.broadcast %shift_right_logical3A_293 : i32 to vector<16xi32>
        %shift_right_logical3A_295 = arith.shrui %add3A_292, %shift_right_logical3A_294 : vector<16xi32>
        %bitcast_convert_type3A_296 = tpu.bitcast %add3A_288 : vector<16xf32> -> vector<16xi32>
        %add3A_297 = arith.constant 32768 : i32
        %add3A_298 = vector.broadcast %add3A_297 : i32 to vector<16xi32>
        %add3A_299 = arith.addi %bitcast_convert_type3A_296, %add3A_298 : vector<16xi32>
        %and3A_300 = arith.constant -65536 : i32
        %and3A_301 = vector.broadcast %and3A_300 : i32 to vector<16xi32>
        %and3A_302 = arith.andi %add3A_299, %and3A_301 : vector<16xi32>
        %or3A_303 = arith.ori %shift_right_logical3A_295, %and3A_302 : vector<16xi32>
        %bitcast_convert_type3A_304 = tpu.bitcast %or3A_303 : vector<16xi32> -> vector<16xf32>
        %swap3A_305 = arith.index_cast %scan3A_123 : i32 to index
        %swap3A_306 = arith.constant 32 : index
        %swap3A_307 = tpu.vector_load %arg12[%swap3A_305, %swap3A_306] {strides = array<i32>} : memref<64x256xf32, #tpu.memory_space<vmem>>, vector<1x16xf32>,
        %swap3A_308 = vector.shape_cast %swap3A_307 : vector<1x16xf32> to vector<16xf32>
        %swap3A_309 = vector.shape_cast %bitcast_convert_type3A_304 : vector<16xf32> to vector<1x16xf32>
        tpu.vector_store %arg12[%swap3A_305, %swap3A_306], %swap3A_309 {strides = array<i32>} : memref<64x256xf32, #tpu.memory_space<vmem>>, vector<1x16xf32>,
        %get3A_310 = arith.index_cast %scan3A_123 : i32 to index
        %get3A_311 = arith.constant 48 : index
        %get3A_312 = tpu.vector_load %arg12[%get3A_310, %get3A_311] {strides = array<i32>} : memref<64x256xf32, #tpu.memory_space<vmem>>, vector<1x16xf32>,
        %get3A_313 = vector.shape_cast %get3A_312 : vector<1x16xf32> to vector<16xf32>
        %bitcast_convert_type3A_314 = tpu.bitcast %get3A_313 : vector<16xf32> -> vector<16xi32>
        %get3A_315 = arith.index_cast %scan3A_123 : i32 to index
        %get3A_316 = arith.constant 48 : index
        %get3A_317 = tpu.vector_load %arg13[%get3A_315, %get3A_316] {strides = array<i32>} : memref<64x256xf32, #tpu.memory_space<vmem>>, vector<1x16xf32>,
        %get3A_318 = vector.shape_cast %get3A_317 : vector<1x16xf32> to vector<16xf32>
        %bitcast_convert_type3A_319 = tpu.bitcast %get3A_318 : vector<16xf32> -> vector<16xi32>
        %get3A_320 = arith.index_cast %scan3A_123 : i32 to index
        %get3A_321 = arith.constant 48 : index
        %get3A_322 = tpu.vector_load %arg14[%get3A_320, %get3A_321] {strides = array<i32>} : memref<64x256xf32, #tpu.memory_space<vmem>>, vector<1x16xf32>,
        %get3A_323 = vector.shape_cast %get3A_322 : vector<1x16xf32> to vector<16xf32>
        %bitcast_convert_type3A_324 = tpu.bitcast %get3A_323 : vector<16xf32> -> vector<16xi32>
        %shift_left3A_325 = arith.constant 16 : i32
        %shift_left3A_326 = vector.broadcast %shift_left3A_325 : i32 to vector<16xi32>
        %shift_left3A_327 = arith.shli %bitcast_convert_type3A_314, %shift_left3A_326 : vector<16xi32>
        %bitcast_convert_type3A_328 = tpu.bitcast %shift_left3A_327 : vector<16xi32> -> vector<16xf32>
        %shift_left3A_329 = arith.constant 16 : i32
        %shift_left3A_330 = vector.broadcast %shift_left3A_329 : i32 to vector<16xi32>
        %shift_left3A_331 = arith.shli %bitcast_convert_type3A_319, %shift_left3A_330 : vector<16xi32>
        %bitcast_convert_type3A_332 = tpu.bitcast %shift_left3A_331 : vector<16xi32> -> vector<16xf32>
        %add3A_333 = arith.addf %bitcast_convert_type3A_328, %bitcast_convert_type3A_332 : vector<16xf32>
        %shift_left3A_334 = arith.constant 16 : i32
        %shift_left3A_335 = vector.broadcast %shift_left3A_334 : i32 to vector<16xi32>
        %shift_left3A_336 = arith.shli %bitcast_convert_type3A_324, %shift_left3A_335 : vector<16xi32>
        %bitcast_convert_type3A_337 = tpu.bitcast %shift_left3A_336 : vector<16xi32> -> vector<16xf32>
        %add3A_338 = arith.addf %add3A_333, %bitcast_convert_type3A_337 : vector<16xf32>
        %and3A_339 = arith.constant -65536 : i32
        %and3A_340 = vector.broadcast %and3A_339 : i32 to vector<16xi32>
        %and3A_341 = arith.andi %bitcast_convert_type3A_314, %and3A_340 : vector<16xi32>
        %bitcast_convert_type3A_342 = tpu.bitcast %and3A_341 : vector<16xi32> -> vector<16xf32>
        %and3A_343 = arith.constant -65536 : i32
        %and3A_344 = vector.broadcast %and3A_343 : i32 to vector<16xi32>
        %and3A_345 = arith.andi %bitcast_convert_type3A_319, %and3A_344 : vector<16xi32>
        %bitcast_convert_type3A_346 = tpu.bitcast %and3A_345 : vector<16xi32> -> vector<16xf32>
        %add3A_347 = arith.addf %bitcast_convert_type3A_342, %bitcast_convert_type3A_346 : vector<16xf32>
        %and3A_348 = arith.constant -65536 : i32
        %and3A_349 = vector.broadcast %and3A_348 : i32 to vector<16xi32>
        %and3A_350 = arith.andi %bitcast_convert_type3A_324, %and3A_349 : vector<16xi32>
        %bitcast_convert_type3A_351 = tpu.bitcast %and3A_350 : vector<16xi32> -> vector<16xf32>
        %add3A_352 = arith.addf %add3A_347, %bitcast_convert_type3A_351 : vector<16xf32>
        %bitcast_convert_type3A_353 = tpu.bitcast %add3A_338 : vector<16xf32> -> vector<16xi32>
        %add3A_354 = arith.constant 32768 : i32
        %add3A_355 = vector.broadcast %add3A_354 : i32 to vector<16xi32>
        %add3A_356 = arith.addi %bitcast_convert_type3A_353, %add3A_355 : vector<16xi32>
        %shift_right_logical3A_357 = arith.constant 16 : i32
        %shift_right_logical3A_358 = vector.broadcast %shift_right_logical3A_357 : i32 to vector<16xi32>
        %shift_right_logical3A_359 = arith.shrui %add3A_356, %shift_right_logical3A_358 : vector<16xi32>
        %bitcast_convert_type3A_360 = tpu.bitcast %add3A_352 : vector<16xf32> -> vector<16xi32>
        %add3A_361 = arith.constant 32768 : i32
        %add3A_362 = vector.broadcast %add3A_361 : i32 to vector<16xi32>
        %add3A_363 = arith.addi %bitcast_convert_type3A_360, %add3A_362 : vector<16xi32>
        %and3A_364 = arith.constant -65536 : i32
        %and3A_365 = vector.broadcast %and3A_364 : i32 to vector<16xi32>
        %and3A_366 = arith.andi %add3A_363, %and3A_365 : vector<16xi32>
        %or3A_367 = arith.ori %shift_right_logical3A_359, %and3A_366 : vector<16xi32>
        %bitcast_convert_type3A_368 = tpu.bitcast %or3A_367 : vector<16xi32> -> vector<16xf32>
        %swap3A_369 = arith.index_cast %scan3A_123 : i32 to index
        %swap3A_370 = arith.constant 48 : index
        %swap3A_371 = tpu.vector_load %arg12[%swap3A_369, %swap3A_370] {strides = array<i32>} : memref<64x256xf32, #tpu.memory_space<vmem>>, vector<1x16xf32>,
        %swap3A_372 = vector.shape_cast %swap3A_371 : vector<1x16xf32> to vector<16xf32>
        %swap3A_373 = vector.shape_cast %bitcast_convert_type3A_368 : vector<16xf32> to vector<1x16xf32>
        tpu.vector_store %arg12[%swap3A_369, %swap3A_370], %swap3A_373 {strides = array<i32>} : memref<64x256xf32, #tpu.memory_space<vmem>>, vector<1x16xf32>,
        %get3A_374 = arith.index_cast %scan3A_123 : i32 to index
        %get3A_375 = arith.constant 64 : index
        %get3A_376 = tpu.vector_load %arg12[%get3A_374, %get3A_375] {strides = array<i32>} : memref<64x256xf32, #tpu.memory_space<vmem>>, vector<1x16xf32>,
        %get3A_377 = vector.shape_cast %get3A_376 : vector<1x16xf32> to vector<16xf32>
        %bitcast_convert_type3A_378 = tpu.bitcast %get3A_377 : vector<16xf32> -> vector<16xi32>
        %get3A_379 = arith.index_cast %scan3A_123 : i32 to index
        %get3A_380 = arith.constant 64 : index
        %get3A_381 = tpu.vector_load %arg13[%get3A_379, %get3A_380] {strides = array<i32>} : memref<64x256xf32, #tpu.memory_space<vmem>>, vector<1x16xf32>,
        %get3A_382 = vector.shape_cast %get3A_381 : vector<1x16xf32> to vector<16xf32>
        %bitcast_convert_type3A_383 = tpu.bitcast %get3A_382 : vector<16xf32> -> vector<16xi32>
        %get3A_384 = arith.index_cast %scan3A_123 : i32 to index
        %get3A_385 = arith.constant 64 : index
        %get3A_386 = tpu.vector_load %arg14[%get3A_384, %get3A_385] {strides = array<i32>} : memref<64x256xf32, #tpu.memory_space<vmem>>, vector<1x16xf32>,
        %get3A_387 = vector.shape_cast %get3A_386 : vector<1x16xf32> to vector<16xf32>
        %bitcast_convert_type3A_388 = tpu.bitcast %get3A_387 : vector<16xf32> -> vector<16xi32>
        %shift_left3A_389 = arith.constant 16 : i32
        %shift_left3A_390 = vector.broadcast %shift_left3A_389 : i32 to vector<16xi32>
        %shift_left3A_391 = arith.shli %bitcast_convert_type3A_378, %shift_left3A_390 : vector<16xi32>
        %bitcast_convert_type3A_392 = tpu.bitcast %shift_left3A_391 : vector<16xi32> -> vector<16xf32>
        %shift_left3A_393 = arith.constant 16 : i32
        %shift_left3A_394 = vector.broadcast %shift_left3A_393 : i32 to vector<16xi32>
        %shift_left3A_395 = arith.shli %bitcast_convert_type3A_383, %shift_left3A_394 : vector<16xi32>
        %bitcast_convert_type3A_396 = tpu.bitcast %shift_left3A_395 : vector<16xi32> -> vector<16xf32>
        %add3A_397 = arith.addf %bitcast_convert_type3A_392, %bitcast_convert_type3A_396 : vector<16xf32>
        %shift_left3A_398 = arith.constant 16 : i32
        %shift_left3A_399 = vector.broadcast %shift_left3A_398 : i32 to vector<16xi32>
        %shift_left3A_400 = arith.shli %bitcast_convert_type3A_388, %shift_left3A_399 : vector<16xi32>
        %bitcast_convert_type3A_401 = tpu.bitcast %shift_left3A_400 : vector<16xi32> -> vector<16xf32>
        %add3A_402 = arith.addf %add3A_397, %bitcast_convert_type3A_401 : vector<16xf32>
        %and3A_403 = arith.constant -65536 : i32
        %and3A_404 = vector.broadcast %and3A_403 : i32 to vector<16xi32>
        %and3A_405 = arith.andi %bitcast_convert_type3A_378, %and3A_404 : vector<16xi32>
        %bitcast_convert_type3A_406 = tpu.bitcast %and3A_405 : vector<16xi32> -> vector<16xf32>
        %and3A_407 = arith.constant -65536 : i32
        %and3A_408 = vector.broadcast %and3A_407 : i32 to vector<16xi32>
        %and3A_409 = arith.andi %bitcast_convert_type3A_383, %and3A_408 : vector<16xi32>
        %bitcast_convert_type3A_410 = tpu.bitcast %and3A_409 : vector<16xi32> -> vector<16xf32>
        %add3A_411 = arith.addf %bitcast_convert_type3A_406, %bitcast_convert_type3A_410 : vector<16xf32>
        %and3A_412 = arith.constant -65536 : i32
        %and3A_413 = vector.broadcast %and3A_412 : i32 to vector<16xi32>
        %and3A_414 = arith.andi %bitcast_convert_type3A_388, %and3A_413 : vector<16xi32>
        %bitcast_convert_type3A_415 = tpu.bitcast %and3A_414 : vector<16xi32> -> vector<16xf32>
        %add3A_416 = arith.addf %add3A_411, %bitcast_convert_type3A_415 : vector<16xf32>
        %bitcast_convert_type3A_417 = tpu.bitcast %add3A_402 : vector<16xf32> -> vector<16xi32>
        %add3A_418 = arith.constant 32768 : i32
        %add3A_419 = vector.broadcast %add3A_418 : i32 to vector<16xi32>
        %add3A_420 = arith.addi %bitcast_convert_type3A_417, %add3A_419 : vector<16xi32>
        %shift_right_logical3A_421 = arith.constant 16 : i32
        %shift_right_logical3A_422 = vector.broadcast %shift_right_logical3A_421 : i32 to vector<16xi32>
        %shift_right_logical3A_423 = arith.shrui %add3A_420, %shift_right_logical3A_422 : vector<16xi32>
        %bitcast_convert_type3A_424 = tpu.bitcast %add3A_416 : vector<16xf32> -> vector<16xi32>
        %add3A_425 = arith.constant 32768 : i32
        %add3A_426 = vector.broadcast %add3A_425 : i32 to vector<16xi32>
        %add3A_427 = arith.addi %bitcast_convert_type3A_424, %add3A_426 : vector<16xi32>
        %and3A_428 = arith.constant -65536 : i32
        %and3A_429 = vector.broadcast %and3A_428 : i32 to vector<16xi32>
        %and3A_430 = arith.andi %add3A_427, %and3A_429 : vector<16xi32>
        %or3A_431 = arith.ori %shift_right_logical3A_423, %and3A_430 : vector<16xi32>
        %bitcast_convert_type3A_432 = tpu.bitcast %or3A_431 : vector<16xi32> -> vector<16xf32>
        %swap3A_433 = arith.index_cast %scan3A_123 : i32 to index
        %swap3A_434 = arith.constant 64 : index
        %swap3A_435 = tpu.vector_load %arg12[%swap3A_433, %swap3A_434] {strides = array<i32>} : memref<64x256xf32, #tpu.memory_space<vmem>>, vector<1x16xf32>,
        %swap3A_436 = vector.shape_cast %swap3A_435 : vector<1x16xf32> to vector<16xf32>
        %swap3A_437 = vector.shape_cast %bitcast_convert_type3A_432 : vector<16xf32> to vector<1x16xf32>
        tpu.vector_store %arg12[%swap3A_433, %swap3A_434], %swap3A_437 {strides = array<i32>} : memref<64x256xf32, #tpu.memory_space<vmem>>, vector<1x16xf32>,
        %get3A_438 = arith.index_cast %scan3A_123 : i32 to index
        %get3A_439 = arith.constant 80 : index
        %get3A_440 = tpu.vector_load %arg12[%get3A_438, %get3A_439] {strides = array<i32>} : memref<64x256xf32, #tpu.memory_space<vmem>>, vector<1x16xf32>,
        %get3A_441 = vector.shape_cast %get3A_440 : vector<1x16xf32> to vector<16xf32>
        %bitcast_convert_type3A_442 = tpu.bitcast %get3A_441 : vector<16xf32> -> vector<16xi32>
        %get3A_443 = arith.index_cast %scan3A_123 : i32 to index
        %get3A_444 = arith.constant 80 : index
        %get3A_445 = tpu.vector_load %arg13[%get3A_443, %get3A_444] {strides = array<i32>} : memref<64x256xf32, #tpu.memory_space<vmem>>, vector<1x16xf32>,
        %get3A_446 = vector.shape_cast %get3A_445 : vector<1x16xf32> to vector<16xf32>
        %bitcast_convert_type3A_447 = tpu.bitcast %get3A_446 : vector<16xf32> -> vector<16xi32>
        %get3A_448 = arith.index_cast %scan3A_123 : i32 to index
        %get3A_449 = arith.constant 80 : index
        %get3A_450 = tpu.vector_load %arg14[%get3A_448, %get3A_449] {strides = array<i32>} : memref<64x256xf32, #tpu.memory_space<vmem>>, vector<1x16xf32>,
        %get3A_451 = vector.shape_cast %get3A_450 : vector<1x16xf32> to vector<16xf32>
        %bitcast_convert_type3A_452 = tpu.bitcast %get3A_451 : vector<16xf32> -> vector<16xi32>
        %shift_left3A_453 = arith.constant 16 : i32
        %shift_left3A_454 = vector.broadcast %shift_left3A_453 : i32 to vector<16xi32>
        %shift_left3A_455 = arith.shli %bitcast_convert_type3A_442, %shift_left3A_454 : vector<16xi32>
        %bitcast_convert_type3A_456 = tpu.bitcast %shift_left3A_455 : vector<16xi32> -> vector<16xf32>
        %shift_left3A_457 = arith.constant 16 : i32
        %shift_left3A_458 = vector.broadcast %shift_left3A_457 : i32 to vector<16xi32>
        %shift_left3A_459 = arith.shli %bitcast_convert_type3A_447, %shift_left3A_458 : vector<16xi32>
        %bitcast_convert_type3A_460 = tpu.bitcast %shift_left3A_459 : vector<16xi32> -> vector<16xf32>
        %add3A_461 = arith.addf %bitcast_convert_type3A_456, %bitcast_convert_type3A_460 : vector<16xf32>
        %shift_left3A_462 = arith.constant 16 : i32
        %shift_left3A_463 = vector.broadcast %shift_left3A_462 : i32 to vector<16xi32>
        %shift_left3A_464 = arith.shli %bitcast_convert_type3A_452, %shift_left3A_463 : vector<16xi32>
        %bitcast_convert_type3A_465 = tpu.bitcast %shift_left3A_464 : vector<16xi32> -> vector<16xf32>
        %add3A_466 = arith.addf %add3A_461, %bitcast_convert_type3A_465 : vector<16xf32>
        %and3A_467 = arith.constant -65536 : i32
        %and3A_468 = vector.broadcast %and3A_467 : i32 to vector<16xi32>
        %and3A_469 = arith.andi %bitcast_convert_type3A_442, %and3A_468 : vector<16xi32>
        %bitcast_convert_type3A_470 = tpu.bitcast %and3A_469 : vector<16xi32> -> vector<16xf32>
        %and3A_471 = arith.constant -65536 : i32
        %and3A_472 = vector.broadcast %and3A_471 : i32 to vector<16xi32>
        %and3A_473 = arith.andi %bitcast_convert_type3A_447, %and3A_472 : vector<16xi32>
        %bitcast_convert_type3A_474 = tpu.bitcast %and3A_473 : vector<16xi32> -> vector<16xf32>
        %add3A_475 = arith.addf %bitcast_convert_type3A_470, %bitcast_convert_type3A_474 : vector<16xf32>
        %and3A_476 = arith.constant -65536 : i32
        %and3A_477 = vector.broadcast %and3A_476 : i32 to vector<16xi32>
        %and3A_478 = arith.andi %bitcast_convert_type3A_452, %and3A_477 : vector<16xi32>
        %bitcast_convert_type3A_479 = tpu.bitcast %and3A_478 : vector<16xi32> -> vector<16xf32>
        %add3A_480 = arith.addf %add3A_475, %bitcast_convert_type3A_479 : vector<16xf32>
        %bitcast_convert_type3A_481 = tpu.bitcast %add3A_466 : vector<16xf32> -> vector<16xi32>
        %add3A_482 = arith.constant 32768 : i32
        %add3A_483 = vector.broadcast %add3A_482 : i32 to vector<16xi32>
        %add3A_484 = arith.addi %bitcast_convert_type3A_481, %add3A_483 : vector<16xi32>
        %shift_right_logical3A_485 = arith.constant 16 : i32
        %shift_right_logical3A_486 = vector.broadcast %shift_right_logical3A_485 : i32 to vector<16xi32>
        %shift_right_logical3A_487 = arith.shrui %add3A_484, %shift_right_logical3A_486 : vector<16xi32>
        %bitcast_convert_type3A_488 = tpu.bitcast %add3A_480 : vector<16xf32> -> vector<16xi32>
        %add3A_489 = arith.constant 32768 : i32
        %add3A_490 = vector.broadcast %add3A_489 : i32 to vector<16xi32>
        %add3A_491 = arith.addi %bitcast_convert_type3A_488, %add3A_490 : vector<16xi32>
        %and3A_492 = arith.constant -65536 : i32
        %and3A_493 = vector.broadcast %and3A_492 : i32 to vector<16xi32>
        %and3A_494 = arith.andi %add3A_491, %and3A_493 : vector<16xi32>
        %or3A_495 = arith.ori %shift_right_logical3A_487, %and3A_494 : vector<16xi32>
        %bitcast_convert_type3A_496 = tpu.bitcast %or3A_495 : vector<16xi32> -> vector<16xf32>
        %swap3A_497 = arith.index_cast %scan3A_123 : i32 to index
        %swap3A_498 = arith.constant 80 : index
        %swap3A_499 = tpu.vector_load %arg12[%swap3A_497, %swap3A_498] {strides = array<i32>} : memref<64x256xf32, #tpu.memory_space<vmem>>, vector<1x16xf32>,
        %swap3A_500 = vector.shape_cast %swap3A_499 : vector<1x16xf32> to vector<16xf32>
        %swap3A_501 = vector.shape_cast %bitcast_convert_type3A_496 : vector<16xf32> to vector<1x16xf32>
        tpu.vector_store %arg12[%swap3A_497, %swap3A_498], %swap3A_501 {strides = array<i32>} : memref<64x256xf32, #tpu.memory_space<vmem>>, vector<1x16xf32>,
        %get3A_502 = arith.index_cast %scan3A_123 : i32 to index
        %get3A_503 = arith.constant 96 : index
        %get3A_504 = tpu.vector_load %arg12[%get3A_502, %get3A_503] {strides = array<i32>} : memref<64x256xf32, #tpu.memory_space<vmem>>, vector<1x16xf32>,
        %get3A_505 = vector.shape_cast %get3A_504 : vector<1x16xf32> to vector<16xf32>
        %bitcast_convert_type3A_506 = tpu.bitcast %get3A_505 : vector<16xf32> -> vector<16xi32>
        %get3A_507 = arith.index_cast %scan3A_123 : i32 to index
        %get3A_508 = arith.constant 96 : index
        %get3A_509 = tpu.vector_load %arg13[%get3A_507, %get3A_508] {strides = array<i32>} : memref<64x256xf32, #tpu.memory_space<vmem>>, vector<1x16xf32>,
        %get3A_510 = vector.shape_cast %get3A_509 : vector<1x16xf32> to vector<16xf32>
        %bitcast_convert_type3A_511 = tpu.bitcast %get3A_510 : vector<16xf32> -> vector<16xi32>
        %get3A_512 = arith.index_cast %scan3A_123 : i32 to index
        %get3A_513 = arith.constant 96 : index
        %get3A_514 = tpu.vector_load %arg14[%get3A_512, %get3A_513] {strides = array<i32>} : memref<64x256xf32, #tpu.memory_space<vmem>>, vector<1x16xf32>,
        %get3A_515 = vector.shape_cast %get3A_514 : vector<1x16xf32> to vector<16xf32>
        %bitcast_convert_type3A_516 = tpu.bitcast %get3A_515 : vector<16xf32> -> vector<16xi32>
        %shift_left3A_517 = arith.constant 16 : i32
        %shift_left3A_518 = vector.broadcast %shift_left3A_517 : i32 to vector<16xi32>
        %shift_left3A_519 = arith.shli %bitcast_convert_type3A_506, %shift_left3A_518 : vector<16xi32>
        %bitcast_convert_type3A_520 = tpu.bitcast %shift_left3A_519 : vector<16xi32> -> vector<16xf32>
        %shift_left3A_521 = arith.constant 16 : i32
        %shift_left3A_522 = vector.broadcast %shift_left3A_521 : i32 to vector<16xi32>
        %shift_left3A_523 = arith.shli %bitcast_convert_type3A_511, %shift_left3A_522 : vector<16xi32>
        %bitcast_convert_type3A_524 = tpu.bitcast %shift_left3A_523 : vector<16xi32> -> vector<16xf32>
        %add3A_525 = arith.addf %bitcast_convert_type3A_520, %bitcast_convert_type3A_524 : vector<16xf32>
        %shift_left3A_526 = arith.constant 16 : i32
        %shift_left3A_527 = vector.broadcast %shift_left3A_526 : i32 to vector<16xi32>
        %shift_left3A_528 = arith.shli %bitcast_convert_type3A_516, %shift_left3A_527 : vector<16xi32>
        %bitcast_convert_type3A_529 = tpu.bitcast %shift_left3A_528 : vector<16xi32> -> vector<16xf32>
        %add3A_530 = arith.addf %add3A_525, %bitcast_convert_type3A_529 : vector<16xf32>
        %and3A_531 = arith.constant -65536 : i32
        %and3A_532 = vector.broadcast %and3A_531 : i32 to vector<16xi32>
        %and3A_533 = arith.andi %bitcast_convert_type3A_506, %and3A_532 : vector<16xi32>
        %bitcast_convert_type3A_534 = tpu.bitcast %and3A_533 : vector<16xi32> -> vector<16xf32>
        %and3A_535 = arith.constant -65536 : i32
        %and3A_536 = vector.broadcast %and3A_535 : i32 to vector<16xi32>
        %and3A_537 = arith.andi %bitcast_convert_type3A_511, %and3A_536 : vector<16xi32>
        %bitcast_convert_type3A_538 = tpu.bitcast %and3A_537 : vector<16xi32> -> vector<16xf32>
        %add3A_539 = arith.addf %bitcast_convert_type3A_534, %bitcast_convert_type3A_538 : vector<16xf32>
        %and3A_540 = arith.constant -65536 : i32
        %and3A_541 = vector.broadcast %and3A_540 : i32 to vector<16xi32>
        %and3A_542 = arith.andi %bitcast_convert_type3A_516, %and3A_541 : vector<16xi32>
        %bitcast_convert_type3A_543 = tpu.bitcast %and3A_542 : vector<16xi32> -> vector<16xf32>
        %add3A_544 = arith.addf %add3A_539, %bitcast_convert_type3A_543 : vector<16xf32>
        %bitcast_convert_type3A_545 = tpu.bitcast %add3A_530 : vector<16xf32> -> vector<16xi32>
        %add3A_546 = arith.constant 32768 : i32
        %add3A_547 = vector.broadcast %add3A_546 : i32 to vector<16xi32>
        %add3A_548 = arith.addi %bitcast_convert_type3A_545, %add3A_547 : vector<16xi32>
        %shift_right_logical3A_549 = arith.constant 16 : i32
        %shift_right_logical3A_550 = vector.broadcast %shift_right_logical3A_549 : i32 to vector<16xi32>
        %shift_right_logical3A_551 = arith.shrui %add3A_548, %shift_right_logical3A_550 : vector<16xi32>
        %bitcast_convert_type3A_552 = tpu.bitcast %add3A_544 : vector<16xf32> -> vector<16xi32>
        %add3A_553 = arith.constant 32768 : i32
        %add3A_554 = vector.broadcast %add3A_553 : i32 to vector<16xi32>
        %add3A_555 = arith.addi %bitcast_convert_type3A_552, %add3A_554 : vector<16xi32>
        %and3A_556 = arith.constant -65536 : i32
        %and3A_557 = vector.broadcast %and3A_556 : i32 to vector<16xi32>
        %and3A_558 = arith.andi %add3A_555, %and3A_557 : vector<16xi32>
        %or3A_559 = arith.ori %shift_right_logical3A_551, %and3A_558 : vector<16xi32>
        %bitcast_convert_type3A_560 = tpu.bitcast %or3A_559 : vector<16xi32> -> vector<16xf32>
        %swap3A_561 = arith.index_cast %scan3A_123 : i32 to index
        %swap3A_562 = arith.constant 96 : index
        %swap3A_563 = tpu.vector_load %arg12[%swap3A_561, %swap3A_562] {strides = array<i32>} : memref<64x256xf32, #tpu.memory_space<vmem>>, vector<1x16xf32>,
        %swap3A_564 = vector.shape_cast %swap3A_563 : vector<1x16xf32> to vector<16xf32>
        %swap3A_565 = vector.shape_cast %bitcast_convert_type3A_560 : vector<16xf32> to vector<1x16xf32>
        tpu.vector_store %arg12[%swap3A_561, %swap3A_562], %swap3A_565 {strides = array<i32>} : memref<64x256xf32, #tpu.memory_space<vmem>>, vector<1x16xf32>,
        %get3A_566 = arith.index_cast %scan3A_123 : i32 to index
        %get3A_567 = arith.constant 112 : index
        %get3A_568 = tpu.vector_load %arg12[%get3A_566, %get3A_567] {strides = array<i32>} : memref<64x256xf32, #tpu.memory_space<vmem>>, vector<1x16xf32>,
        %get3A_569 = vector.shape_cast %get3A_568 : vector<1x16xf32> to vector<16xf32>
        %bitcast_convert_type3A_570 = tpu.bitcast %get3A_569 : vector<16xf32> -> vector<16xi32>
        %get3A_571 = arith.index_cast %scan3A_123 : i32 to index
        %get3A_572 = arith.constant 112 : index
        %get3A_573 = tpu.vector_load %arg13[%get3A_571, %get3A_572] {strides = array<i32>} : memref<64x256xf32, #tpu.memory_space<vmem>>, vector<1x16xf32>,
        %get3A_574 = vector.shape_cast %get3A_573 : vector<1x16xf32> to vector<16xf32>
        %bitcast_convert_type3A_575 = tpu.bitcast %get3A_574 : vector<16xf32> -> vector<16xi32>
        %get3A_576 = arith.index_cast %scan3A_123 : i32 to index
        %get3A_577 = arith.constant 112 : index
        %get3A_578 = tpu.vector_load %arg14[%get3A_576, %get3A_577] {strides = array<i32>} : memref<64x256xf32, #tpu.memory_space<vmem>>, vector<1x16xf32>,
        %get3A_579 = vector.shape_cast %get3A_578 : vector<1x16xf32> to vector<16xf32>
        %bitcast_convert_type3A_580 = tpu.bitcast %get3A_579 : vector<16xf32> -> vector<16xi32>
        %shift_left3A_581 = arith.constant 16 : i32
        %shift_left3A_582 = vector.broadcast %shift_left3A_581 : i32 to vector<16xi32>
        %shift_left3A_583 = arith.shli %bitcast_convert_type3A_570, %shift_left3A_582 : vector<16xi32>
        %bitcast_convert_type3A_584 = tpu.bitcast %shift_left3A_583 : vector<16xi32> -> vector<16xf32>
        %shift_left3A_585 = arith.constant 16 : i32
        %shift_left3A_586 = vector.broadcast %shift_left3A_585 : i32 to vector<16xi32>
        %shift_left3A_587 = arith.shli %bitcast_convert_type3A_575, %shift_left3A_586 : vector<16xi32>
        %bitcast_convert_type3A_588 = tpu.bitcast %shift_left3A_587 : vector<16xi32> -> vector<16xf32>
        %add3A_589 = arith.addf %bitcast_convert_type3A_584, %bitcast_convert_type3A_588 : vector<16xf32>
        %shift_left3A_590 = arith.constant 16 : i32
        %shift_left3A_591 = vector.broadcast %shift_left3A_590 : i32 to vector<16xi32>
        %shift_left3A_592 = arith.shli %bitcast_convert_type3A_580, %shift_left3A_591 : vector<16xi32>
        %bitcast_convert_type3A_593 = tpu.bitcast %shift_left3A_592 : vector<16xi32> -> vector<16xf32>
        %add3A_594 = arith.addf %add3A_589, %bitcast_convert_type3A_593 : vector<16xf32>
        %and3A_595 = arith.constant -65536 : i32
        %and3A_596 = vector.broadcast %and3A_595 : i32 to vector<16xi32>
        %and3A_597 = arith.andi %bitcast_convert_type3A_570, %and3A_596 : vector<16xi32>
        %bitcast_convert_type3A_598 = tpu.bitcast %and3A_597 : vector<16xi32> -> vector<16xf32>
        %and3A_599 = arith.constant -65536 : i32
        %and3A_600 = vector.broadcast %and3A_599 : i32 to vector<16xi32>
        %and3A_601 = arith.andi %bitcast_convert_type3A_575, %and3A_600 : vector<16xi32>
        %bitcast_convert_type3A_602 = tpu.bitcast %and3A_601 : vector<16xi32> -> vector<16xf32>
        %add3A_603 = arith.addf %bitcast_convert_type3A_598, %bitcast_convert_type3A_602 : vector<16xf32>
        %and3A_604 = arith.constant -65536 : i32
        %and3A_605 = vector.broadcast %and3A_604 : i32 to vector<16xi32>
        %and3A_606 = arith.andi %bitcast_convert_type3A_580, %and3A_605 : vector<16xi32>
        %bitcast_convert_type3A_607 = tpu.bitcast %and3A_606 : vector<16xi32> -> vector<16xf32>
        %add3A_608 = arith.addf %add3A_603, %bitcast_convert_type3A_607 : vector<16xf32>
        %bitcast_convert_type3A_609 = tpu.bitcast %add3A_594 : vector<16xf32> -> vector<16xi32>
        %add3A_610 = arith.constant 32768 : i32
        %add3A_611 = vector.broadcast %add3A_610 : i32 to vector<16xi32>
        %add3A_612 = arith.addi %bitcast_convert_type3A_609, %add3A_611 : vector<16xi32>
        %shift_right_logical3A_613 = arith.constant 16 : i32
        %shift_right_logical3A_614 = vector.broadcast %shift_right_logical3A_613 : i32 to vector<16xi32>
        %shift_right_logical3A_615 = arith.shrui %add3A_612, %shift_right_logical3A_614 : vector<16xi32>
        %bitcast_convert_type3A_616 = tpu.bitcast %add3A_608 : vector<16xf32> -> vector<16xi32>
        %add3A_617 = arith.constant 32768 : i32
        %add3A_618 = vector.broadcast %add3A_617 : i32 to vector<16xi32>
        %add3A_619 = arith.addi %bitcast_convert_type3A_616, %add3A_618 : vector<16xi32>
        %and3A_620 = arith.constant -65536 : i32
        %and3A_621 = vector.broadcast %and3A_620 : i32 to vector<16xi32>
        %and3A_622 = arith.andi %add3A_619, %and3A_621 : vector<16xi32>
        %or3A_623 = arith.ori %shift_right_logical3A_615, %and3A_622 : vector<16xi32>
        %bitcast_convert_type3A_624 = tpu.bitcast %or3A_623 : vector<16xi32> -> vector<16xf32>
        %swap3A_625 = arith.index_cast %scan3A_123 : i32 to index
        %swap3A_626 = arith.constant 112 : index
        %swap3A_627 = tpu.vector_load %arg12[%swap3A_625, %swap3A_626] {strides = array<i32>} : memref<64x256xf32, #tpu.memory_space<vmem>>, vector<1x16xf32>,
        %swap3A_628 = vector.shape_cast %swap3A_627 : vector<1x16xf32> to vector<16xf32>
        %swap3A_629 = vector.shape_cast %bitcast_convert_type3A_624 : vector<16xf32> to vector<1x16xf32>
        tpu.vector_store %arg12[%swap3A_625, %swap3A_626], %swap3A_629 {strides = array<i32>} : memref<64x256xf32, #tpu.memory_space<vmem>>, vector<1x16xf32>,
        %get3A_630 = arith.index_cast %scan3A_123 : i32 to index
        %get3A_631 = arith.constant 128 : index
        %get3A_632 = tpu.vector_load %arg12[%get3A_630, %get3A_631] {strides = array<i32>} : memref<64x256xf32, #tpu.memory_space<vmem>>, vector<1x16xf32>,
        %get3A_633 = vector.shape_cast %get3A_632 : vector<1x16xf32> to vector<16xf32>
        %bitcast_convert_type3A_634 = tpu.bitcast %get3A_633 : vector<16xf32> -> vector<16xi32>
        %get3A_635 = arith.index_cast %scan3A_123 : i32 to index
        %get3A_636 = arith.constant 128 : index
        %get3A_637 = tpu.vector_load %arg13[%get3A_635, %get3A_636] {strides = array<i32>} : memref<64x256xf32, #tpu.memory_space<vmem>>, vector<1x16xf32>,
        %get3A_638 = vector.shape_cast %get3A_637 : vector<1x16xf32> to vector<16xf32>
        %bitcast_convert_type3A_639 = tpu.bitcast %get3A_638 : vector<16xf32> -> vector<16xi32>
        %get3A_640 = arith.index_cast %scan3A_123 : i32 to index
        %get3A_641 = arith.constant 128 : index
        %get3A_642 = tpu.vector_load %arg14[%get3A_640, %get3A_641] {strides = array<i32>} : memref<64x256xf32, #tpu.memory_space<vmem>>, vector<1x16xf32>,
        %get3A_643 = vector.shape_cast %get3A_642 : vector<1x16xf32> to vector<16xf32>
        %bitcast_convert_type3A_644 = tpu.bitcast %get3A_643 : vector<16xf32> -> vector<16xi32>
        %shift_left3A_645 = arith.constant 16 : i32
        %shift_left3A_646 = vector.broadcast %shift_left3A_645 : i32 to vector<16xi32>
        %shift_left3A_647 = arith.shli %bitcast_convert_type3A_634, %shift_left3A_646 : vector<16xi32>
        %bitcast_convert_type3A_648 = tpu.bitcast %shift_left3A_647 : vector<16xi32> -> vector<16xf32>
        %shift_left3A_649 = arith.constant 16 : i32
        %shift_left3A_650 = vector.broadcast %shift_left3A_649 : i32 to vector<16xi32>
        %shift_left3A_651 = arith.shli %bitcast_convert_type3A_639, %shift_left3A_650 : vector<16xi32>
        %bitcast_convert_type3A_652 = tpu.bitcast %shift_left3A_651 : vector<16xi32> -> vector<16xf32>
        %add3A_653 = arith.addf %bitcast_convert_type3A_648, %bitcast_convert_type3A_652 : vector<16xf32>
        %shift_left3A_654 = arith.constant 16 : i32
        %shift_left3A_655 = vector.broadcast %shift_left3A_654 : i32 to vector<16xi32>
        %shift_left3A_656 = arith.shli %bitcast_convert_type3A_644, %shift_left3A_655 : vector<16xi32>
        %bitcast_convert_type3A_657 = tpu.bitcast %shift_left3A_656 : vector<16xi32> -> vector<16xf32>
        %add3A_658 = arith.addf %add3A_653, %bitcast_convert_type3A_657 : vector<16xf32>
        %and3A_659 = arith.constant -65536 : i32
        %and3A_660 = vector.broadcast %and3A_659 : i32 to vector<16xi32>
        %and3A_661 = arith.andi %bitcast_convert_type3A_634, %and3A_660 : vector<16xi32>
        %bitcast_convert_type3A_662 = tpu.bitcast %and3A_661 : vector<16xi32> -> vector<16xf32>
        %and3A_663 = arith.constant -65536 : i32
        %and3A_664 = vector.broadcast %and3A_663 : i32 to vector<16xi32>
        %and3A_665 = arith.andi %bitcast_convert_type3A_639, %and3A_664 : vector<16xi32>
        %bitcast_convert_type3A_666 = tpu.bitcast %and3A_665 : vector<16xi32> -> vector<16xf32>
        %add3A_667 = arith.addf %bitcast_convert_type3A_662, %bitcast_convert_type3A_666 : vector<16xf32>
        %and3A_668 = arith.constant -65536 : i32
        %and3A_669 = vector.broadcast %and3A_668 : i32 to vector<16xi32>
        %and3A_670 = arith.andi %bitcast_convert_type3A_644, %and3A_669 : vector<16xi32>
        %bitcast_convert_type3A_671 = tpu.bitcast %and3A_670 : vector<16xi32> -> vector<16xf32>
        %add3A_672 = arith.addf %add3A_667, %bitcast_convert_type3A_671 : vector<16xf32>
        %bitcast_convert_type3A_673 = tpu.bitcast %add3A_658 : vector<16xf32> -> vector<16xi32>
        %add3A_674 = arith.constant 32768 : i32
        %add3A_675 = vector.broadcast %add3A_674 : i32 to vector<16xi32>
        %add3A_676 = arith.addi %bitcast_convert_type3A_673, %add3A_675 : vector<16xi32>
        %shift_right_logical3A_677 = arith.constant 16 : i32
        %shift_right_logical3A_678 = vector.broadcast %shift_right_logical3A_677 : i32 to vector<16xi32>
        %shift_right_logical3A_679 = arith.shrui %add3A_676, %shift_right_logical3A_678 : vector<16xi32>
        %bitcast_convert_type3A_680 = tpu.bitcast %add3A_672 : vector<16xf32> -> vector<16xi32>
        %add3A_681 = arith.constant 32768 : i32
        %add3A_682 = vector.broadcast %add3A_681 : i32 to vector<16xi32>
        %add3A_683 = arith.addi %bitcast_convert_type3A_680, %add3A_682 : vector<16xi32>
        %and3A_684 = arith.constant -65536 : i32
        %and3A_685 = vector.broadcast %and3A_684 : i32 to vector<16xi32>
        %and3A_686 = arith.andi %add3A_683, %and3A_685 : vector<16xi32>
        %or3A_687 = arith.ori %shift_right_logical3A_679, %and3A_686 : vector<16xi32>
        %bitcast_convert_type3A_688 = tpu.bitcast %or3A_687 : vector<16xi32> -> vector<16xf32>
        %swap3A_689 = arith.index_cast %scan3A_123 : i32 to index
        %swap3A_690 = arith.constant 128 : index
        %swap3A_691 = tpu.vector_load %arg12[%swap3A_689, %swap3A_690] {strides = array<i32>} : memref<64x256xf32, #tpu.memory_space<vmem>>, vector<1x16xf32>,
        %swap3A_692 = vector.shape_cast %swap3A_691 : vector<1x16xf32> to vector<16xf32>
        %swap3A_693 = vector.shape_cast %bitcast_convert_type3A_688 : vector<16xf32> to vector<1x16xf32>
        tpu.vector_store %arg12[%swap3A_689, %swap3A_690], %swap3A_693 {strides = array<i32>} : memref<64x256xf32, #tpu.memory_space<vmem>>, vector<1x16xf32>,
        %get3A_694 = arith.index_cast %scan3A_123 : i32 to index
        %get3A_695 = arith.constant 144 : index
        %get3A_696 = tpu.vector_load %arg12[%get3A_694, %get3A_695] {strides = array<i32>} : memref<64x256xf32, #tpu.memory_space<vmem>>, vector<1x16xf32>,
        %get3A_697 = vector.shape_cast %get3A_696 : vector<1x16xf32> to vector<16xf32>
        %bitcast_convert_type3A_698 = tpu.bitcast %get3A_697 : vector<16xf32> -> vector<16xi32>
        %get3A_699 = arith.index_cast %scan3A_123 : i32 to index
        %get3A_700 = arith.constant 144 : index
        %get3A_701 = tpu.vector_load %arg13[%get3A_699, %get3A_700] {strides = array<i32>} : memref<64x256xf32, #tpu.memory_space<vmem>>, vector<1x16xf32>,
        %get3A_702 = vector.shape_cast %get3A_701 : vector<1x16xf32> to vector<16xf32>
        %bitcast_convert_type3A_703 = tpu.bitcast %get3A_702 : vector<16xf32> -> vector<16xi32>
        %get3A_704 = arith.index_cast %scan3A_123 : i32 to index
        %get3A_705 = arith.constant 144 : index
        %get3A_706 = tpu.vector_load %arg14[%get3A_704, %get3A_705] {strides = array<i32>} : memref<64x256xf32, #tpu.memory_space<vmem>>, vector<1x16xf32>,
        %get3A_707 = vector.shape_cast %get3A_706 : vector<1x16xf32> to vector<16xf32>
        %bitcast_convert_type3A_708 = tpu.bitcast %get3A_707 : vector<16xf32> -> vector<16xi32>
        %shift_left3A_709 = arith.constant 16 : i32
        %shift_left3A_710 = vector.broadcast %shift_left3A_709 : i32 to vector<16xi32>
        %shift_left3A_711 = arith.shli %bitcast_convert_type3A_698, %shift_left3A_710 : vector<16xi32>
        %bitcast_convert_type3A_712 = tpu.bitcast %shift_left3A_711 : vector<16xi32> -> vector<16xf32>
        %shift_left3A_713 = arith.constant 16 : i32
        %shift_left3A_714 = vector.broadcast %shift_left3A_713 : i32 to vector<16xi32>
        %shift_left3A_715 = arith.shli %bitcast_convert_type3A_703, %shift_left3A_714 : vector<16xi32>
        %bitcast_convert_type3A_716 = tpu.bitcast %shift_left3A_715 : vector<16xi32> -> vector<16xf32>
        %add3A_717 = arith.addf %bitcast_convert_type3A_712, %bitcast_convert_type3A_716 : vector<16xf32>
        %shift_left3A_718 = arith.constant 16 : i32
        %shift_left3A_719 = vector.broadcast %shift_left3A_718 : i32 to vector<16xi32>
        %shift_left3A_720 = arith.shli %bitcast_convert_type3A_708, %shift_left3A_719 : vector<16xi32>
        %bitcast_convert_type3A_721 = tpu.bitcast %shift_left3A_720 : vector<16xi32> -> vector<16xf32>
        %add3A_722 = arith.addf %add3A_717, %bitcast_convert_type3A_721 : vector<16xf32>
        %and3A_723 = arith.constant -65536 : i32
        %and3A_724 = vector.broadcast %and3A_723 : i32 to vector<16xi32>
        %and3A_725 = arith.andi %bitcast_convert_type3A_698, %and3A_724 : vector<16xi32>
        %bitcast_convert_type3A_726 = tpu.bitcast %and3A_725 : vector<16xi32> -> vector<16xf32>
        %and3A_727 = arith.constant -65536 : i32
        %and3A_728 = vector.broadcast %and3A_727 : i32 to vector<16xi32>
        %and3A_729 = arith.andi %bitcast_convert_type3A_703, %and3A_728 : vector<16xi32>
        %bitcast_convert_type3A_730 = tpu.bitcast %and3A_729 : vector<16xi32> -> vector<16xf32>
        %add3A_731 = arith.addf %bitcast_convert_type3A_726, %bitcast_convert_type3A_730 : vector<16xf32>
        %and3A_732 = arith.constant -65536 : i32
        %and3A_733 = vector.broadcast %and3A_732 : i32 to vector<16xi32>
        %and3A_734 = arith.andi %bitcast_convert_type3A_708, %and3A_733 : vector<16xi32>
        %bitcast_convert_type3A_735 = tpu.bitcast %and3A_734 : vector<16xi32> -> vector<16xf32>
        %add3A_736 = arith.addf %add3A_731, %bitcast_convert_type3A_735 : vector<16xf32>
        %bitcast_convert_type3A_737 = tpu.bitcast %add3A_722 : vector<16xf32> -> vector<16xi32>
        %add3A_738 = arith.constant 32768 : i32
        %add3A_739 = vector.broadcast %add3A_738 : i32 to vector<16xi32>
        %add3A_740 = arith.addi %bitcast_convert_type3A_737, %add3A_739 : vector<16xi32>
        %shift_right_logical3A_741 = arith.constant 16 : i32
        %shift_right_logical3A_742 = vector.broadcast %shift_right_logical3A_741 : i32 to vector<16xi32>
        %shift_right_logical3A_743 = arith.shrui %add3A_740, %shift_right_logical3A_742 : vector<16xi32>
        %bitcast_convert_type3A_744 = tpu.bitcast %add3A_736 : vector<16xf32> -> vector<16xi32>
        %add3A_745 = arith.constant 32768 : i32
        %add3A_746 = vector.broadcast %add3A_745 : i32 to vector<16xi32>
        %add3A_747 = arith.addi %bitcast_convert_type3A_744, %add3A_746 : vector<16xi32>
        %and3A_748 = arith.constant -65536 : i32
        %and3A_749 = vector.broadcast %and3A_748 : i32 to vector<16xi32>
        %and3A_750 = arith.andi %add3A_747, %and3A_749 : vector<16xi32>
        %or3A_751 = arith.ori %shift_right_logical3A_743, %and3A_750 : vector<16xi32>
        %bitcast_convert_type3A_752 = tpu.bitcast %or3A_751 : vector<16xi32> -> vector<16xf32>
        %swap3A_753 = arith.index_cast %scan3A_123 : i32 to index
        %swap3A_754 = arith.constant 144 : index
        %swap3A_755 = tpu.vector_load %arg12[%swap3A_753, %swap3A_754] {strides = array<i32>} : memref<64x256xf32, #tpu.memory_space<vmem>>, vector<1x16xf32>,
        %swap3A_756 = vector.shape_cast %swap3A_755 : vector<1x16xf32> to vector<16xf32>
        %swap3A_757 = vector.shape_cast %bitcast_convert_type3A_752 : vector<16xf32> to vector<1x16xf32>
        tpu.vector_store %arg12[%swap3A_753, %swap3A_754], %swap3A_757 {strides = array<i32>} : memref<64x256xf32, #tpu.memory_space<vmem>>, vector<1x16xf32>,
        %get3A_758 = arith.index_cast %scan3A_123 : i32 to index
        %get3A_759 = arith.constant 160 : index
        %get3A_760 = tpu.vector_load %arg12[%get3A_758, %get3A_759] {strides = array<i32>} : memref<64x256xf32, #tpu.memory_space<vmem>>, vector<1x16xf32>,
        %get3A_761 = vector.shape_cast %get3A_760 : vector<1x16xf32> to vector<16xf32>
        %bitcast_convert_type3A_762 = tpu.bitcast %get3A_761 : vector<16xf32> -> vector<16xi32>
        %get3A_763 = arith.index_cast %scan3A_123 : i32 to index
        %get3A_764 = arith.constant 160 : index
        %get3A_765 = tpu.vector_load %arg13[%get3A_763, %get3A_764] {strides = array<i32>} : memref<64x256xf32, #tpu.memory_space<vmem>>, vector<1x16xf32>,
        %get3A_766 = vector.shape_cast %get3A_765 : vector<1x16xf32> to vector<16xf32>
        %bitcast_convert_type3A_767 = tpu.bitcast %get3A_766 : vector<16xf32> -> vector<16xi32>
        %get3A_768 = arith.index_cast %scan3A_123 : i32 to index
        %get3A_769 = arith.constant 160 : index
        %get3A_770 = tpu.vector_load %arg14[%get3A_768, %get3A_769] {strides = array<i32>} : memref<64x256xf32, #tpu.memory_space<vmem>>, vector<1x16xf32>,
        %get3A_771 = vector.shape_cast %get3A_770 : vector<1x16xf32> to vector<16xf32>
        %bitcast_convert_type3A_772 = tpu.bitcast %get3A_771 : vector<16xf32> -> vector<16xi32>
        %shift_left3A_773 = arith.constant 16 : i32
        %shift_left3A_774 = vector.broadcast %shift_left3A_773 : i32 to vector<16xi32>
        %shift_left3A_775 = arith.shli %bitcast_convert_type3A_762, %shift_left3A_774 : vector<16xi32>
        %bitcast_convert_type3A_776 = tpu.bitcast %shift_left3A_775 : vector<16xi32> -> vector<16xf32>
        %shift_left3A_777 = arith.constant 16 : i32
        %shift_left3A_778 = vector.broadcast %shift_left3A_777 : i32 to vector<16xi32>
        %shift_left3A_779 = arith.shli %bitcast_convert_type3A_767, %shift_left3A_778 : vector<16xi32>
        %bitcast_convert_type3A_780 = tpu.bitcast %shift_left3A_779 : vector<16xi32> -> vector<16xf32>
        %add3A_781 = arith.addf %bitcast_convert_type3A_776, %bitcast_convert_type3A_780 : vector<16xf32>
        %shift_left3A_782 = arith.constant 16 : i32
        %shift_left3A_783 = vector.broadcast %shift_left3A_782 : i32 to vector<16xi32>
        %shift_left3A_784 = arith.shli %bitcast_convert_type3A_772, %shift_left3A_783 : vector<16xi32>
        %bitcast_convert_type3A_785 = tpu.bitcast %shift_left3A_784 : vector<16xi32> -> vector<16xf32>
        %add3A_786 = arith.addf %add3A_781, %bitcast_convert_type3A_785 : vector<16xf32>
        %and3A_787 = arith.constant -65536 : i32
        %and3A_788 = vector.broadcast %and3A_787 : i32 to vector<16xi32>
        %and3A_789 = arith.andi %bitcast_convert_type3A_762, %and3A_788 : vector<16xi32>
        %bitcast_convert_type3A_790 = tpu.bitcast %and3A_789 : vector<16xi32> -> vector<16xf32>
        %and3A_791 = arith.constant -65536 : i32
        %and3A_792 = vector.broadcast %and3A_791 : i32 to vector<16xi32>
        %and3A_793 = arith.andi %bitcast_convert_type3A_767, %and3A_792 : vector<16xi32>
        %bitcast_convert_type3A_794 = tpu.bitcast %and3A_793 : vector<16xi32> -> vector<16xf32>
        %add3A_795 = arith.addf %bitcast_convert_type3A_790, %bitcast_convert_type3A_794 : vector<16xf32>
        %and3A_796 = arith.constant -65536 : i32
        %and3A_797 = vector.broadcast %and3A_796 : i32 to vector<16xi32>
        %and3A_798 = arith.andi %bitcast_convert_type3A_772, %and3A_797 : vector<16xi32>
        %bitcast_convert_type3A_799 = tpu.bitcast %and3A_798 : vector<16xi32> -> vector<16xf32>
        %add3A_800 = arith.addf %add3A_795, %bitcast_convert_type3A_799 : vector<16xf32>
        %bitcast_convert_type3A_801 = tpu.bitcast %add3A_786 : vector<16xf32> -> vector<16xi32>
        %add3A_802 = arith.constant 32768 : i32
        %add3A_803 = vector.broadcast %add3A_802 : i32 to vector<16xi32>
        %add3A_804 = arith.addi %bitcast_convert_type3A_801, %add3A_803 : vector<16xi32>
        %shift_right_logical3A_805 = arith.constant 16 : i32
        %shift_right_logical3A_806 = vector.broadcast %shift_right_logical3A_805 : i32 to vector<16xi32>
        %shift_right_logical3A_807 = arith.shrui %add3A_804, %shift_right_logical3A_806 : vector<16xi32>
        %bitcast_convert_type3A_808 = tpu.bitcast %add3A_800 : vector<16xf32> -> vector<16xi32>
        %add3A_809 = arith.constant 32768 : i32
        %add3A_810 = vector.broadcast %add3A_809 : i32 to vector<16xi32>
        %add3A_811 = arith.addi %bitcast_convert_type3A_808, %add3A_810 : vector<16xi32>
        %and3A_812 = arith.constant -65536 : i32
        %and3A_813 = vector.broadcast %and3A_812 : i32 to vector<16xi32>
        %and3A_814 = arith.andi %add3A_811, %and3A_813 : vector<16xi32>
        %or3A_815 = arith.ori %shift_right_logical3A_807, %and3A_814 : vector<16xi32>
        %bitcast_convert_type3A_816 = tpu.bitcast %or3A_815 : vector<16xi32> -> vector<16xf32>
        %swap3A_817 = arith.index_cast %scan3A_123 : i32 to index
        %swap3A_818 = arith.constant 160 : index
        %swap3A_819 = tpu.vector_load %arg12[%swap3A_817, %swap3A_818] {strides = array<i32>} : memref<64x256xf32, #tpu.memory_space<vmem>>, vector<1x16xf32>,
        %swap3A_820 = vector.shape_cast %swap3A_819 : vector<1x16xf32> to vector<16xf32>
        %swap3A_821 = vector.shape_cast %bitcast_convert_type3A_816 : vector<16xf32> to vector<1x16xf32>
        tpu.vector_store %arg12[%swap3A_817, %swap3A_818], %swap3A_821 {strides = array<i32>} : memref<64x256xf32, #tpu.memory_space<vmem>>, vector<1x16xf32>,
        %get3A_822 = arith.index_cast %scan3A_123 : i32 to index
        %get3A_823 = arith.constant 176 : index
        %get3A_824 = tpu.vector_load %arg12[%get3A_822, %get3A_823] {strides = array<i32>} : memref<64x256xf32, #tpu.memory_space<vmem>>, vector<1x16xf32>,
        %get3A_825 = vector.shape_cast %get3A_824 : vector<1x16xf32> to vector<16xf32>
        %bitcast_convert_type3A_826 = tpu.bitcast %get3A_825 : vector<16xf32> -> vector<16xi32>
        %get3A_827 = arith.index_cast %scan3A_123 : i32 to index
        %get3A_828 = arith.constant 176 : index
        %get3A_829 = tpu.vector_load %arg13[%get3A_827, %get3A_828] {strides = array<i32>} : memref<64x256xf32, #tpu.memory_space<vmem>>, vector<1x16xf32>,
        %get3A_830 = vector.shape_cast %get3A_829 : vector<1x16xf32> to vector<16xf32>
        %bitcast_convert_type3A_831 = tpu.bitcast %get3A_830 : vector<16xf32> -> vector<16xi32>
        %get3A_832 = arith.index_cast %scan3A_123 : i32 to index
        %get3A_833 = arith.constant 176 : index
        %get3A_834 = tpu.vector_load %arg14[%get3A_832, %get3A_833] {strides = array<i32>} : memref<64x256xf32, #tpu.memory_space<vmem>>, vector<1x16xf32>,
        %get3A_835 = vector.shape_cast %get3A_834 : vector<1x16xf32> to vector<16xf32>
        %bitcast_convert_type3A_836 = tpu.bitcast %get3A_835 : vector<16xf32> -> vector<16xi32>
        %shift_left3A_837 = arith.constant 16 : i32
        %shift_left3A_838 = vector.broadcast %shift_left3A_837 : i32 to vector<16xi32>
        %shift_left3A_839 = arith.shli %bitcast_convert_type3A_826, %shift_left3A_838 : vector<16xi32>
        %bitcast_convert_type3A_840 = tpu.bitcast %shift_left3A_839 : vector<16xi32> -> vector<16xf32>
        %shift_left3A_841 = arith.constant 16 : i32
        %shift_left3A_842 = vector.broadcast %shift_left3A_841 : i32 to vector<16xi32>
        %shift_left3A_843 = arith.shli %bitcast_convert_type3A_831, %shift_left3A_842 : vector<16xi32>
        %bitcast_convert_type3A_844 = tpu.bitcast %shift_left3A_843 : vector<16xi32> -> vector<16xf32>
        %add3A_845 = arith.addf %bitcast_convert_type3A_840, %bitcast_convert_type3A_844 : vector<16xf32>
        %shift_left3A_846 = arith.constant 16 : i32
        %shift_left3A_847 = vector.broadcast %shift_left3A_846 : i32 to vector<16xi32>
        %shift_left3A_848 = arith.shli %bitcast_convert_type3A_836, %shift_left3A_847 : vector<16xi32>
        %bitcast_convert_type3A_849 = tpu.bitcast %shift_left3A_848 : vector<16xi32> -> vector<16xf32>
        %add3A_850 = arith.addf %add3A_845, %bitcast_convert_type3A_849 : vector<16xf32>
        %and3A_851 = arith.constant -65536 : i32
        %and3A_852 = vector.broadcast %and3A_851 : i32 to vector<16xi32>
        %and3A_853 = arith.andi %bitcast_convert_type3A_826, %and3A_852 : vector<16xi32>
        %bitcast_convert_type3A_854 = tpu.bitcast %and3A_853 : vector<16xi32> -> vector<16xf32>
        %and3A_855 = arith.constant -65536 : i32
        %and3A_856 = vector.broadcast %and3A_855 : i32 to vector<16xi32>
        %and3A_857 = arith.andi %bitcast_convert_type3A_831, %and3A_856 : vector<16xi32>
        %bitcast_convert_type3A_858 = tpu.bitcast %and3A_857 : vector<16xi32> -> vector<16xf32>
        %add3A_859 = arith.addf %bitcast_convert_type3A_854, %bitcast_convert_type3A_858 : vector<16xf32>
        %and3A_860 = arith.constant -65536 : i32
        %and3A_861 = vector.broadcast %and3A_860 : i32 to vector<16xi32>
        %and3A_862 = arith.andi %bitcast_convert_type3A_836, %and3A_861 : vector<16xi32>
        %bitcast_convert_type3A_863 = tpu.bitcast %and3A_862 : vector<16xi32> -> vector<16xf32>
        %add3A_864 = arith.addf %add3A_859, %bitcast_convert_type3A_863 : vector<16xf32>
        %bitcast_convert_type3A_865 = tpu.bitcast %add3A_850 : vector<16xf32> -> vector<16xi32>
        %add3A_866 = arith.constant 32768 : i32
        %add3A_867 = vector.broadcast %add3A_866 : i32 to vector<16xi32>
        %add3A_868 = arith.addi %bitcast_convert_type3A_865, %add3A_867 : vector<16xi32>
        %shift_right_logical3A_869 = arith.constant 16 : i32
        %shift_right_logical3A_870 = vector.broadcast %shift_right_logical3A_869 : i32 to vector<16xi32>
        %shift_right_logical3A_871 = arith.shrui %add3A_868, %shift_right_logical3A_870 : vector<16xi32>
        %bitcast_convert_type3A_872 = tpu.bitcast %add3A_864 : vector<16xf32> -> vector<16xi32>
        %add3A_873 = arith.constant 32768 : i32
        %add3A_874 = vector.broadcast %add3A_873 : i32 to vector<16xi32>
        %add3A_875 = arith.addi %bitcast_convert_type3A_872, %add3A_874 : vector<16xi32>
        %and3A_876 = arith.constant -65536 : i32
        %and3A_877 = vector.broadcast %and3A_876 : i32 to vector<16xi32>
        %and3A_878 = arith.andi %add3A_875, %and3A_877 : vector<16xi32>
        %or3A_879 = arith.ori %shift_right_logical3A_871, %and3A_878 : vector<16xi32>
        %bitcast_convert_type3A_880 = tpu.bitcast %or3A_879 : vector<16xi32> -> vector<16xf32>
        %swap3A_881 = arith.index_cast %scan3A_123 : i32 to index
        %swap3A_882 = arith.constant 176 : index
        %swap3A_883 = tpu.vector_load %arg12[%swap3A_881, %swap3A_882] {strides = array<i32>} : memref<64x256xf32, #tpu.memory_space<vmem>>, vector<1x16xf32>,
        %swap3A_884 = vector.shape_cast %swap3A_883 : vector<1x16xf32> to vector<16xf32>
        %swap3A_885 = vector.shape_cast %bitcast_convert_type3A_880 : vector<16xf32> to vector<1x16xf32>
        tpu.vector_store %arg12[%swap3A_881, %swap3A_882], %swap3A_885 {strides = array<i32>} : memref<64x256xf32, #tpu.memory_space<vmem>>, vector<1x16xf32>,
        %get3A_886 = arith.index_cast %scan3A_123 : i32 to index
        %get3A_887 = arith.constant 192 : index
        %get3A_888 = tpu.vector_load %arg12[%get3A_886, %get3A_887] {strides = array<i32>} : memref<64x256xf32, #tpu.memory_space<vmem>>, vector<1x16xf32>,
        %get3A_889 = vector.shape_cast %get3A_888 : vector<1x16xf32> to vector<16xf32>
        %bitcast_convert_type3A_890 = tpu.bitcast %get3A_889 : vector<16xf32> -> vector<16xi32>
        %get3A_891 = arith.index_cast %scan3A_123 : i32 to index
        %get3A_892 = arith.constant 192 : index
        %get3A_893 = tpu.vector_load %arg13[%get3A_891, %get3A_892] {strides = array<i32>} : memref<64x256xf32, #tpu.memory_space<vmem>>, vector<1x16xf32>,
        %get3A_894 = vector.shape_cast %get3A_893 : vector<1x16xf32> to vector<16xf32>
        %bitcast_convert_type3A_895 = tpu.bitcast %get3A_894 : vector<16xf32> -> vector<16xi32>
        %get3A_896 = arith.index_cast %scan3A_123 : i32 to index
        %get3A_897 = arith.constant 192 : index
        %get3A_898 = tpu.vector_load %arg14[%get3A_896, %get3A_897] {strides = array<i32>} : memref<64x256xf32, #tpu.memory_space<vmem>>, vector<1x16xf32>,
        %get3A_899 = vector.shape_cast %get3A_898 : vector<1x16xf32> to vector<16xf32>
        %bitcast_convert_type3A_900 = tpu.bitcast %get3A_899 : vector<16xf32> -> vector<16xi32>
        %shift_left3A_901 = arith.constant 16 : i32
        %shift_left3A_902 = vector.broadcast %shift_left3A_901 : i32 to vector<16xi32>
        %shift_left3A_903 = arith.shli %bitcast_convert_type3A_890, %shift_left3A_902 : vector<16xi32>
        %bitcast_convert_type3A_904 = tpu.bitcast %shift_left3A_903 : vector<16xi32> -> vector<16xf32>
        %shift_left3A_905 = arith.constant 16 : i32
        %shift_left3A_906 = vector.broadcast %shift_left3A_905 : i32 to vector<16xi32>
        %shift_left3A_907 = arith.shli %bitcast_convert_type3A_895, %shift_left3A_906 : vector<16xi32>
        %bitcast_convert_type3A_908 = tpu.bitcast %shift_left3A_907 : vector<16xi32> -> vector<16xf32>
        %add3A_909 = arith.addf %bitcast_convert_type3A_904, %bitcast_convert_type3A_908 : vector<16xf32>
        %shift_left3A_910 = arith.constant 16 : i32
        %shift_left3A_911 = vector.broadcast %shift_left3A_910 : i32 to vector<16xi32>
        %shift_left3A_912 = arith.shli %bitcast_convert_type3A_900, %shift_left3A_911 : vector<16xi32>
        %bitcast_convert_type3A_913 = tpu.bitcast %shift_left3A_912 : vector<16xi32> -> vector<16xf32>
        %add3A_914 = arith.addf %add3A_909, %bitcast_convert_type3A_913 : vector<16xf32>
        %and3A_915 = arith.constant -65536 : i32
        %and3A_916 = vector.broadcast %and3A_915 : i32 to vector<16xi32>
        %and3A_917 = arith.andi %bitcast_convert_type3A_890, %and3A_916 : vector<16xi32>
        %bitcast_convert_type3A_918 = tpu.bitcast %and3A_917 : vector<16xi32> -> vector<16xf32>
        %and3A_919 = arith.constant -65536 : i32
        %and3A_920 = vector.broadcast %and3A_919 : i32 to vector<16xi32>
        %and3A_921 = arith.andi %bitcast_convert_type3A_895, %and3A_920 : vector<16xi32>
        %bitcast_convert_type3A_922 = tpu.bitcast %and3A_921 : vector<16xi32> -> vector<16xf32>
        %add3A_923 = arith.addf %bitcast_convert_type3A_918, %bitcast_convert_type3A_922 : vector<16xf32>
        %and3A_924 = arith.constant -65536 : i32
        %and3A_925 = vector.broadcast %and3A_924 : i32 to vector<16xi32>
        %and3A_926 = arith.andi %bitcast_convert_type3A_900, %and3A_925 : vector<16xi32>
        %bitcast_convert_type3A_927 = tpu.bitcast %and3A_926 : vector<16xi32> -> vector<16xf32>
        %add3A_928 = arith.addf %add3A_923, %bitcast_convert_type3A_927 : vector<16xf32>
        %bitcast_convert_type3A_929 = tpu.bitcast %add3A_914 : vector<16xf32> -> vector<16xi32>
        %add3A_930 = arith.constant 32768 : i32
        %add3A_931 = vector.broadcast %add3A_930 : i32 to vector<16xi32>
        %add3A_932 = arith.addi %bitcast_convert_type3A_929, %add3A_931 : vector<16xi32>
        %shift_right_logical3A_933 = arith.constant 16 : i32
        %shift_right_logical3A_934 = vector.broadcast %shift_right_logical3A_933 : i32 to vector<16xi32>
        %shift_right_logical3A_935 = arith.shrui %add3A_932, %shift_right_logical3A_934 : vector<16xi32>
        %bitcast_convert_type3A_936 = tpu.bitcast %add3A_928 : vector<16xf32> -> vector<16xi32>
        %add3A_937 = arith.constant 32768 : i32
        %add3A_938 = vector.broadcast %add3A_937 : i32 to vector<16xi32>
        %add3A_939 = arith.addi %bitcast_convert_type3A_936, %add3A_938 : vector<16xi32>
        %and3A_940 = arith.constant -65536 : i32
        %and3A_941 = vector.broadcast %and3A_940 : i32 to vector<16xi32>
        %and3A_942 = arith.andi %add3A_939, %and3A_941 : vector<16xi32>
        %or3A_943 = arith.ori %shift_right_logical3A_935, %and3A_942 : vector<16xi32>
        %bitcast_convert_type3A_944 = tpu.bitcast %or3A_943 : vector<16xi32> -> vector<16xf32>
        %swap3A_945 = arith.index_cast %scan3A_123 : i32 to index
        %swap3A_946 = arith.constant 192 : index
        %swap3A_947 = tpu.vector_load %arg12[%swap3A_945, %swap3A_946] {strides = array<i32>} : memref<64x256xf32, #tpu.memory_space<vmem>>, vector<1x16xf32>,
        %swap3A_948 = vector.shape_cast %swap3A_947 : vector<1x16xf32> to vector<16xf32>
        %swap3A_949 = vector.shape_cast %bitcast_convert_type3A_944 : vector<16xf32> to vector<1x16xf32>
        tpu.vector_store %arg12[%swap3A_945, %swap3A_946], %swap3A_949 {strides = array<i32>} : memref<64x256xf32, #tpu.memory_space<vmem>>, vector<1x16xf32>,
        %get3A_950 = arith.index_cast %scan3A_123 : i32 to index
        %get3A_951 = arith.constant 208 : index
        %get3A_952 = tpu.vector_load %arg12[%get3A_950, %get3A_951] {strides = array<i32>} : memref<64x256xf32, #tpu.memory_space<vmem>>, vector<1x16xf32>,
        %get3A_953 = vector.shape_cast %get3A_952 : vector<1x16xf32> to vector<16xf32>
        %bitcast_convert_type3A_954 = tpu.bitcast %get3A_953 : vector<16xf32> -> vector<16xi32>
        %get3A_955 = arith.index_cast %scan3A_123 : i32 to index
        %get3A_956 = arith.constant 208 : index
        %get3A_957 = tpu.vector_load %arg13[%get3A_955, %get3A_956] {strides = array<i32>} : memref<64x256xf32, #tpu.memory_space<vmem>>, vector<1x16xf32>,
        %get3A_958 = vector.shape_cast %get3A_957 : vector<1x16xf32> to vector<16xf32>
        %bitcast_convert_type3A_959 = tpu.bitcast %get3A_958 : vector<16xf32> -> vector<16xi32>
        %get3A_960 = arith.index_cast %scan3A_123 : i32 to index
        %get3A_961 = arith.constant 208 : index
        %get3A_962 = tpu.vector_load %arg14[%get3A_960, %get3A_961] {strides = array<i32>} : memref<64x256xf32, #tpu.memory_space<vmem>>, vector<1x16xf32>,
        %get3A_963 = vector.shape_cast %get3A_962 : vector<1x16xf32> to vector<16xf32>
        %bitcast_convert_type3A_964 = tpu.bitcast %get3A_963 : vector<16xf32> -> vector<16xi32>
        %shift_left3A_965 = arith.constant 16 : i32
        %shift_left3A_966 = vector.broadcast %shift_left3A_965 : i32 to vector<16xi32>
        %shift_left3A_967 = arith.shli %bitcast_convert_type3A_954, %shift_left3A_966 : vector<16xi32>
        %bitcast_convert_type3A_968 = tpu.bitcast %shift_left3A_967 : vector<16xi32> -> vector<16xf32>
        %shift_left3A_969 = arith.constant 16 : i32
        %shift_left3A_970 = vector.broadcast %shift_left3A_969 : i32 to vector<16xi32>
        %shift_left3A_971 = arith.shli %bitcast_convert_type3A_959, %shift_left3A_970 : vector<16xi32>
        %bitcast_convert_type3A_972 = tpu.bitcast %shift_left3A_971 : vector<16xi32> -> vector<16xf32>
        %add3A_973 = arith.addf %bitcast_convert_type3A_968, %bitcast_convert_type3A_972 : vector<16xf32>
        %shift_left3A_974 = arith.constant 16 : i32
        %shift_left3A_975 = vector.broadcast %shift_left3A_974 : i32 to vector<16xi32>
        %shift_left3A_976 = arith.shli %bitcast_convert_type3A_964, %shift_left3A_975 : vector<16xi32>
        %bitcast_convert_type3A_977 = tpu.bitcast %shift_left3A_976 : vector<16xi32> -> vector<16xf32>
        %add3A_978 = arith.addf %add3A_973, %bitcast_convert_type3A_977 : vector<16xf32>
        %and3A_979 = arith.constant -65536 : i32
        %and3A_980 = vector.broadcast %and3A_979 : i32 to vector<16xi32>
        %and3A_981 = arith.andi %bitcast_convert_type3A_954, %and3A_980 : vector<16xi32>
        %bitcast_convert_type3A_982 = tpu.bitcast %and3A_981 : vector<16xi32> -> vector<16xf32>
        %and3A_983 = arith.constant -65536 : i32
        %and3A_984 = vector.broadcast %and3A_983 : i32 to vector<16xi32>
        %and3A_985 = arith.andi %bitcast_convert_type3A_959, %and3A_984 : vector<16xi32>
        %bitcast_convert_type3A_986 = tpu.bitcast %and3A_985 : vector<16xi32> -> vector<16xf32>
        %add3A_987 = arith.addf %bitcast_convert_type3A_982, %bitcast_convert_type3A_986 : vector<16xf32>
        %and3A_988 = arith.constant -65536 : i32
        %and3A_989 = vector.broadcast %and3A_988 : i32 to vector<16xi32>
        %and3A_990 = arith.andi %bitcast_convert_type3A_964, %and3A_989 : vector<16xi32>
        %bitcast_convert_type3A_991 = tpu.bitcast %and3A_990 : vector<16xi32> -> vector<16xf32>
        %add3A_992 = arith.addf %add3A_987, %bitcast_convert_type3A_991 : vector<16xf32>
        %bitcast_convert_type3A_993 = tpu.bitcast %add3A_978 : vector<16xf32> -> vector<16xi32>
        %add3A_994 = arith.constant 32768 : i32
        %add3A_995 = vector.broadcast %add3A_994 : i32 to vector<16xi32>
        %add3A_996 = arith.addi %bitcast_convert_type3A_993, %add3A_995 : vector<16xi32>
        %shift_right_logical3A_997 = arith.constant 16 : i32
        %shift_right_logical3A_998 = vector.broadcast %shift_right_logical3A_997 : i32 to vector<16xi32>
        %shift_right_logical3A_999 = arith.shrui %add3A_996, %shift_right_logical3A_998 : vector<16xi32>
        %bitcast_convert_type3A_1000 = tpu.bitcast %add3A_992 : vector<16xf32> -> vector<16xi32>
        %add3A_1001 = arith.constant 32768 : i32
        %add3A_1002 = vector.broadcast %add3A_1001 : i32 to vector<16xi32>
        %add3A_1003 = arith.addi %bitcast_convert_type3A_1000, %add3A_1002 : vector<16xi32>
        %and3A_1004 = arith.constant -65536 : i32
        %and3A_1005 = vector.broadcast %and3A_1004 : i32 to vector<16xi32>
        %and3A_1006 = arith.andi %add3A_1003, %and3A_1005 : vector<16xi32>
        %or3A_1007 = arith.ori %shift_right_logical3A_999, %and3A_1006 : vector<16xi32>
        %bitcast_convert_type3A_1008 = tpu.bitcast %or3A_1007 : vector<16xi32> -> vector<16xf32>
        %swap3A_1009 = arith.index_cast %scan3A_123 : i32 to index
        %swap3A_1010 = arith.constant 208 : index
        %swap3A_1011 = tpu.vector_load %arg12[%swap3A_1009, %swap3A_1010] {strides = array<i32>} : memref<64x256xf32, #tpu.memory_space<vmem>>, vector<1x16xf32>,
        %swap3A_1012 = vector.shape_cast %swap3A_1011 : vector<1x16xf32> to vector<16xf32>
        %swap3A_1013 = vector.shape_cast %bitcast_convert_type3A_1008 : vector<16xf32> to vector<1x16xf32>
        tpu.vector_store %arg12[%swap3A_1009, %swap3A_1010], %swap3A_1013 {strides = array<i32>} : memref<64x256xf32, #tpu.memory_space<vmem>>, vector<1x16xf32>,
        %get3A_1014 = arith.index_cast %scan3A_123 : i32 to index
        %get3A_1015 = arith.constant 224 : index
        %get3A_1016 = tpu.vector_load %arg12[%get3A_1014, %get3A_1015] {strides = array<i32>} : memref<64x256xf32, #tpu.memory_space<vmem>>, vector<1x16xf32>,
        %get3A_1017 = vector.shape_cast %get3A_1016 : vector<1x16xf32> to vector<16xf32>
        %bitcast_convert_type3A_1018 = tpu.bitcast %get3A_1017 : vector<16xf32> -> vector<16xi32>
        %get3A_1019 = arith.index_cast %scan3A_123 : i32 to index
        %get3A_1020 = arith.constant 224 : index
        %get3A_1021 = tpu.vector_load %arg13[%get3A_1019, %get3A_1020] {strides = array<i32>} : memref<64x256xf32, #tpu.memory_space<vmem>>, vector<1x16xf32>,
        %get3A_1022 = vector.shape_cast %get3A_1021 : vector<1x16xf32> to vector<16xf32>
        %bitcast_convert_type3A_1023 = tpu.bitcast %get3A_1022 : vector<16xf32> -> vector<16xi32>
        %get3A_1024 = arith.index_cast %scan3A_123 : i32 to index
        %get3A_1025 = arith.constant 224 : index
        %get3A_1026 = tpu.vector_load %arg14[%get3A_1024, %get3A_1025] {strides = array<i32>} : memref<64x256xf32, #tpu.memory_space<vmem>>, vector<1x16xf32>,
        %get3A_1027 = vector.shape_cast %get3A_1026 : vector<1x16xf32> to vector<16xf32>
        %bitcast_convert_type3A_1028 = tpu.bitcast %get3A_1027 : vector<16xf32> -> vector<16xi32>
        %shift_left3A_1029 = arith.constant 16 : i32
        %shift_left3A_1030 = vector.broadcast %shift_left3A_1029 : i32 to vector<16xi32>
        %shift_left3A_1031 = arith.shli %bitcast_convert_type3A_1018, %shift_left3A_1030 : vector<16xi32>
        %bitcast_convert_type3A_1032 = tpu.bitcast %shift_left3A_1031 : vector<16xi32> -> vector<16xf32>
        %shift_left3A_1033 = arith.constant 16 : i32
        %shift_left3A_1034 = vector.broadcast %shift_left3A_1033 : i32 to vector<16xi32>
        %shift_left3A_1035 = arith.shli %bitcast_convert_type3A_1023, %shift_left3A_1034 : vector<16xi32>
        %bitcast_convert_type3A_1036 = tpu.bitcast %shift_left3A_1035 : vector<16xi32> -> vector<16xf32>
        %add3A_1037 = arith.addf %bitcast_convert_type3A_1032, %bitcast_convert_type3A_1036 : vector<16xf32>
        %shift_left3A_1038 = arith.constant 16 : i32
        %shift_left3A_1039 = vector.broadcast %shift_left3A_1038 : i32 to vector<16xi32>
        %shift_left3A_1040 = arith.shli %bitcast_convert_type3A_1028, %shift_left3A_1039 : vector<16xi32>
        %bitcast_convert_type3A_1041 = tpu.bitcast %shift_left3A_1040 : vector<16xi32> -> vector<16xf32>
        %add3A_1042 = arith.addf %add3A_1037, %bitcast_convert_type3A_1041 : vector<16xf32>
        %and3A_1043 = arith.constant -65536 : i32
        %and3A_1044 = vector.broadcast %and3A_1043 : i32 to vector<16xi32>
        %and3A_1045 = arith.andi %bitcast_convert_type3A_1018, %and3A_1044 : vector<16xi32>
        %bitcast_convert_type3A_1046 = tpu.bitcast %and3A_1045 : vector<16xi32> -> vector<16xf32>
        %and3A_1047 = arith.constant -65536 : i32
        %and3A_1048 = vector.broadcast %and3A_1047 : i32 to vector<16xi32>
        %and3A_1049 = arith.andi %bitcast_convert_type3A_1023, %and3A_1048 : vector<16xi32>
        %bitcast_convert_type3A_1050 = tpu.bitcast %and3A_1049 : vector<16xi32> -> vector<16xf32>
        %add3A_1051 = arith.addf %bitcast_convert_type3A_1046, %bitcast_convert_type3A_1050 : vector<16xf32>
        %and3A_1052 = arith.constant -65536 : i32
        %and3A_1053 = vector.broadcast %and3A_1052 : i32 to vector<16xi32>
        %and3A_1054 = arith.andi %bitcast_convert_type3A_1028, %and3A_1053 : vector<16xi32>
        %bitcast_convert_type3A_1055 = tpu.bitcast %and3A_1054 : vector<16xi32> -> vector<16xf32>
        %add3A_1056 = arith.addf %add3A_1051, %bitcast_convert_type3A_1055 : vector<16xf32>
        %bitcast_convert_type3A_1057 = tpu.bitcast %add3A_1042 : vector<16xf32> -> vector<16xi32>
        %add3A_1058 = arith.constant 32768 : i32
        %add3A_1059 = vector.broadcast %add3A_1058 : i32 to vector<16xi32>
        %add3A_1060 = arith.addi %bitcast_convert_type3A_1057, %add3A_1059 : vector<16xi32>
        %shift_right_logical3A_1061 = arith.constant 16 : i32
        %shift_right_logical3A_1062 = vector.broadcast %shift_right_logical3A_1061 : i32 to vector<16xi32>
        %shift_right_logical3A_1063 = arith.shrui %add3A_1060, %shift_right_logical3A_1062 : vector<16xi32>
        %bitcast_convert_type3A_1064 = tpu.bitcast %add3A_1056 : vector<16xf32> -> vector<16xi32>
        %add3A_1065 = arith.constant 32768 : i32
        %add3A_1066 = vector.broadcast %add3A_1065 : i32 to vector<16xi32>
        %add3A_1067 = arith.addi %bitcast_convert_type3A_1064, %add3A_1066 : vector<16xi32>
        %and3A_1068 = arith.constant -65536 : i32
        %and3A_1069 = vector.broadcast %and3A_1068 : i32 to vector<16xi32>
        %and3A_1070 = arith.andi %add3A_1067, %and3A_1069 : vector<16xi32>
        %or3A_1071 = arith.ori %shift_right_logical3A_1063, %and3A_1070 : vector<16xi32>
        %bitcast_convert_type3A_1072 = tpu.bitcast %or3A_1071 : vector<16xi32> -> vector<16xf32>
        %swap3A_1073 = arith.index_cast %scan3A_123 : i32 to index
        %swap3A_1074 = arith.constant 224 : index
        %swap3A_1075 = tpu.vector_load %arg12[%swap3A_1073, %swap3A_1074] {strides = array<i32>} : memref<64x256xf32, #tpu.memory_space<vmem>>, vector<1x16xf32>,
        %swap3A_1076 = vector.shape_cast %swap3A_1075 : vector<1x16xf32> to vector<16xf32>
        %swap3A_1077 = vector.shape_cast %bitcast_convert_type3A_1072 : vector<16xf32> to vector<1x16xf32>
        tpu.vector_store %arg12[%swap3A_1073, %swap3A_1074], %swap3A_1077 {strides = array<i32>} : memref<64x256xf32, #tpu.memory_space<vmem>>, vector<1x16xf32>,
        %get3A_1078 = arith.index_cast %scan3A_123 : i32 to index
        %get3A_1079 = arith.constant 240 : index
        %get3A_1080 = tpu.vector_load %arg12[%get3A_1078, %get3A_1079] {strides = array<i32>} : memref<64x256xf32, #tpu.memory_space<vmem>>, vector<1x16xf32>,
        %get3A_1081 = vector.shape_cast %get3A_1080 : vector<1x16xf32> to vector<16xf32>
        %bitcast_convert_type3A_1082 = tpu.bitcast %get3A_1081 : vector<16xf32> -> vector<16xi32>
        %get3A_1083 = arith.index_cast %scan3A_123 : i32 to index
        %get3A_1084 = arith.constant 240 : index
        %get3A_1085 = tpu.vector_load %arg13[%get3A_1083, %get3A_1084] {strides = array<i32>} : memref<64x256xf32, #tpu.memory_space<vmem>>, vector<1x16xf32>,
        %get3A_1086 = vector.shape_cast %get3A_1085 : vector<1x16xf32> to vector<16xf32>
        %bitcast_convert_type3A_1087 = tpu.bitcast %get3A_1086 : vector<16xf32> -> vector<16xi32>
        %get3A_1088 = arith.index_cast %scan3A_123 : i32 to index
        %get3A_1089 = arith.constant 240 : index
        %get3A_1090 = tpu.vector_load %arg14[%get3A_1088, %get3A_1089] {strides = array<i32>} : memref<64x256xf32, #tpu.memory_space<vmem>>, vector<1x16xf32>,
        %get3A_1091 = vector.shape_cast %get3A_1090 : vector<1x16xf32> to vector<16xf32>
        %bitcast_convert_type3A_1092 = tpu.bitcast %get3A_1091 : vector<16xf32> -> vector<16xi32>
        %shift_left3A_1093 = arith.constant 16 : i32
        %shift_left3A_1094 = vector.broadcast %shift_left3A_1093 : i32 to vector<16xi32>
        %shift_left3A_1095 = arith.shli %bitcast_convert_type3A_1082, %shift_left3A_1094 : vector<16xi32>
        %bitcast_convert_type3A_1096 = tpu.bitcast %shift_left3A_1095 : vector<16xi32> -> vector<16xf32>
        %shift_left3A_1097 = arith.constant 16 : i32
        %shift_left3A_1098 = vector.broadcast %shift_left3A_1097 : i32 to vector<16xi32>
        %shift_left3A_1099 = arith.shli %bitcast_convert_type3A_1087, %shift_left3A_1098 : vector<16xi32>
        %bitcast_convert_type3A_1100 = tpu.bitcast %shift_left3A_1099 : vector<16xi32> -> vector<16xf32>
        %add3A_1101 = arith.addf %bitcast_convert_type3A_1096, %bitcast_convert_type3A_1100 : vector<16xf32>
        %shift_left3A_1102 = arith.constant 16 : i32
        %shift_left3A_1103 = vector.broadcast %shift_left3A_1102 : i32 to vector<16xi32>
        %shift_left3A_1104 = arith.shli %bitcast_convert_type3A_1092, %shift_left3A_1103 : vector<16xi32>
        %bitcast_convert_type3A_1105 = tpu.bitcast %shift_left3A_1104 : vector<16xi32> -> vector<16xf32>
        %add3A_1106 = arith.addf %add3A_1101, %bitcast_convert_type3A_1105 : vector<16xf32>
        %and3A_1107 = arith.constant -65536 : i32
        %and3A_1108 = vector.broadcast %and3A_1107 : i32 to vector<16xi32>
        %and3A_1109 = arith.andi %bitcast_convert_type3A_1082, %and3A_1108 : vector<16xi32>
        %bitcast_convert_type3A_1110 = tpu.bitcast %and3A_1109 : vector<16xi32> -> vector<16xf32>
        %and3A_1111 = arith.constant -65536 : i32
        %and3A_1112 = vector.broadcast %and3A_1111 : i32 to vector<16xi32>
        %and3A_1113 = arith.andi %bitcast_convert_type3A_1087, %and3A_1112 : vector<16xi32>
        %bitcast_convert_type3A_1114 = tpu.bitcast %and3A_1113 : vector<16xi32> -> vector<16xf32>
        %add3A_1115 = arith.addf %bitcast_convert_type3A_1110, %bitcast_convert_type3A_1114 : vector<16xf32>
        %and3A_1116 = arith.constant -65536 : i32
        %and3A_1117 = vector.broadcast %and3A_1116 : i32 to vector<16xi32>
        %and3A_1118 = arith.andi %bitcast_convert_type3A_1092, %and3A_1117 : vector<16xi32>
        %bitcast_convert_type3A_1119 = tpu.bitcast %and3A_1118 : vector<16xi32> -> vector<16xf32>
        %add3A_1120 = arith.addf %add3A_1115, %bitcast_convert_type3A_1119 : vector<16xf32>
        %bitcast_convert_type3A_1121 = tpu.bitcast %add3A_1106 : vector<16xf32> -> vector<16xi32>
        %add3A_1122 = arith.constant 32768 : i32
        %add3A_1123 = vector.broadcast %add3A_1122 : i32 to vector<16xi32>
        %add3A_1124 = arith.addi %bitcast_convert_type3A_1121, %add3A_1123 : vector<16xi32>
        %shift_right_logical3A_1125 = arith.constant 16 : i32
        %shift_right_logical3A_1126 = vector.broadcast %shift_right_logical3A_1125 : i32 to vector<16xi32>
        %shift_right_logical3A_1127 = arith.shrui %add3A_1124, %shift_right_logical3A_1126 : vector<16xi32>
        %bitcast_convert_type3A_1128 = tpu.bitcast %add3A_1120 : vector<16xf32> -> vector<16xi32>
        %add3A_1129 = arith.constant 32768 : i32
        %add3A_1130 = vector.broadcast %add3A_1129 : i32 to vector<16xi32>
        %add3A_1131 = arith.addi %bitcast_convert_type3A_1128, %add3A_1130 : vector<16xi32>
        %and3A_1132 = arith.constant -65536 : i32
        %and3A_1133 = vector.broadcast %and3A_1132 : i32 to vector<16xi32>
        %and3A_1134 = arith.andi %add3A_1131, %and3A_1133 : vector<16xi32>
        %or3A_1135 = arith.ori %shift_right_logical3A_1127, %and3A_1134 : vector<16xi32>
        %bitcast_convert_type3A_1136 = tpu.bitcast %or3A_1135 : vector<16xi32> -> vector<16xf32>
        %swap3A_1137 = arith.index_cast %scan3A_123 : i32 to index
        %swap3A_1138 = arith.constant 240 : index
        %swap3A_1139 = tpu.vector_load %arg12[%swap3A_1137, %swap3A_1138] {strides = array<i32>} : memref<64x256xf32, #tpu.memory_space<vmem>>, vector<1x16xf32>,
        %swap3A_1140 = vector.shape_cast %swap3A_1139 : vector<1x16xf32> to vector<16xf32>
        %swap3A_1141 = vector.shape_cast %bitcast_convert_type3A_1136 : vector<16xf32> to vector<1x16xf32>
        tpu.vector_store %arg12[%swap3A_1137, %swap3A_1138], %swap3A_1141 {strides = array<i32>} : memref<64x256xf32, #tpu.memory_space<vmem>>, vector<1x16xf32>,
        %scan3A_1142 = arith.constant 0 : i32
        scf.yield %scan3A_1142 : i32
      }
      %scan3A_73 = arith.constant 64 : i32
      %mul3A_74 = arith.constant 64 : i32
      %mul3A_75 = arith.muli %mul3A_52, %mul3A_74 : i32
      %add3A_76 = arith.addi %mul3A_2, %mul3A_75 : i32
      %dma_start3A_77 = arith.constant 0 : i32
      %dma_start3A_78 = tpu.memref_slice %arg8[%add3A_76, %dma_start3A_77] : memref<200704x256xf32, #tpu.memory_space<hbm>> -> memref<64x256xf32, #tpu.memory_space<hbm>>
      %dma_start3A_79 = arith.constant 0 : i32
      %dma_start3A_80 = tpu.memref_slice %arg8[%add3A_76, %dma_start3A_79] : memref<200704x256xf32, #tpu.memory_space<hbm>> -> memref<64x256xf32, #tpu.memory_space<hbm>>
      tpu.enqueue_dma source(%arg12 : memref<64x256xf32, #tpu.memory_space<vmem>>) target(%dma_start3A_80 : memref<64x256xf32, #tpu.memory_space<hbm>>) target_semaphore(%arg20 : memref<!tpu.dma_semaphore, #tpu.memory_space<semaphore_mem>>)
      %add3A_81 = arith.constant 2 : i32
      %add3A_82 = arith.addi %mul3A_52, %add3A_81 : i32
      %lt3A = arith.constant 98 : i32
      %lt3A_83 = arith.cmpi slt, %add3A_82, %lt3A : i32
      %convert_element_type3A = arith.extui %lt3A_83 : i1 to i32
      %cond3A = arith.constant 0 : i32
      %cond3A_84 = arith.cmpi ne, %convert_element_type3A, %cond3A : i32
      scf.if %cond3A_84 {
        %add3A_123 = arith.constant 2 : i32
        %add3A_124 = arith.addi %mul3A_52, %add3A_123 : i32
        %mul3A_125 = arith.constant 64 : i32
        %mul3A_126 = arith.muli %add3A_124, %mul3A_125 : i32
        %sub3A = arith.constant 2 : i32
        %sub3A_127 = arith.subi %add3A_124, %sub3A : i32
        %mul3A_128 = arith.constant 64 : i32
        %mul3A_129 = arith.muli %sub3A_127, %mul3A_128 : i32
        %add3A_130 = arith.addi %mul3A_2, %mul3A_129 : i32
        %dma_wait3A_131 = arith.constant 0 : i32
        %dma_wait3A_132 = tpu.memref_slice %arg8[%add3A_130, %dma_wait3A_131] : memref<200704x256xf32, #tpu.memory_space<hbm>> -> memref<64x256xf32, #tpu.memory_space<hbm>>
        %dma_wait3A_133 = arith.constant 0 : i32
        %dma_wait3A_134 = tpu.memref_slice %arg8[%add3A_130, %dma_wait3A_133] : memref<200704x256xf32, #tpu.memory_space<hbm>> -> memref<64x256xf32, #tpu.memory_space<hbm>>
        tpu.wait_dma2 semaphore(%arg20 : memref<!tpu.dma_semaphore, #tpu.memory_space<semaphore_mem>>) src(%arg12 : memref<64x256xf32, #tpu.memory_space<vmem>>) dst(%dma_wait3A_134 : memref<64x256xf32, #tpu.memory_space<hbm>>)
        %dma_start3A_135 = tpu.memref_slice %arg9[%mul3A_126] : memref<6272xi32, #tpu.memory_space<vmem>> -> memref<64xi32, #tpu.memory_space<vmem>>
        %dma_start3A_136 = arith.constant 0 : i32
        %dma_start3A_137 = arith.constant 0 : i32
        %dma_start3A_138 = tpu.memref_slice %arg2[%dma_start3A_136, %dma_start3A_137] : memref<10000x256xf32, #tpu.memory_space<hbm>> -> memref<10000x256xf32, #tpu.memory_space<hbm>>
        tpu.enqueue_indirect_dma source(%dma_start3A_138 : memref<10000x256xf32, #tpu.memory_space<hbm>>) target(%arg12 : memref<64x256xf32, #tpu.memory_space<vmem>>) offsets(%dma_start3A_135 : memref<64xi32, #tpu.memory_space<vmem>>) semaphore(%arg18 : memref<!tpu.dma_semaphore, #tpu.memory_space<semaphore_mem>>)
        %dma_start3A_139 = tpu.memref_slice %arg10[%mul3A_126] : memref<6272xi32, #tpu.memory_space<vmem>> -> memref<64xi32, #tpu.memory_space<vmem>>
        %dma_start3A_140 = arith.constant 0 : i32
        %dma_start3A_141 = arith.constant 0 : i32
        %dma_start3A_142 = tpu.memref_slice %arg3[%dma_start3A_140, %dma_start3A_141] : memref<10000x256xf32, #tpu.memory_space<hbm>> -> memref<10000x256xf32, #tpu.memory_space<hbm>>
        tpu.enqueue_indirect_dma source(%dma_start3A_142 : memref<10000x256xf32, #tpu.memory_space<hbm>>) target(%arg13 : memref<64x256xf32, #tpu.memory_space<vmem>>) offsets(%dma_start3A_139 : memref<64xi32, #tpu.memory_space<vmem>>) semaphore(%arg18 : memref<!tpu.dma_semaphore, #tpu.memory_space<semaphore_mem>>)
        %dma_start3A_143 = tpu.memref_slice %arg11[%mul3A_126] : memref<6272xi32, #tpu.memory_space<vmem>> -> memref<64xi32, #tpu.memory_space<vmem>>
        %dma_start3A_144 = arith.constant 0 : i32
        %dma_start3A_145 = arith.constant 0 : i32
        %dma_start3A_146 = tpu.memref_slice %arg4[%dma_start3A_144, %dma_start3A_145] : memref<10000x256xf32, #tpu.memory_space<hbm>> -> memref<10000x256xf32, #tpu.memory_space<hbm>>
        tpu.enqueue_indirect_dma source(%dma_start3A_146 : memref<10000x256xf32, #tpu.memory_space<hbm>>) target(%arg14 : memref<64x256xf32, #tpu.memory_space<vmem>>) offsets(%dma_start3A_143 : memref<64xi32, #tpu.memory_space<vmem>>) semaphore(%arg18 : memref<!tpu.dma_semaphore, #tpu.memory_space<semaphore_mem>>)
      } else {
      }
      %add3A_85 = arith.constant 1 : i32
      %add3A_86 = arith.addi %mul3A_52, %add3A_85 : i32
      %mul3A_87 = arith.constant 64 : i32
      %mul3A_88 = arith.muli %add3A_86, %mul3A_87 : i32
      %dma_wait3A_89 = tpu.memref_slice %arg9[%mul3A_88] : memref<6272xi32, #tpu.memory_space<vmem>> -> memref<64xi32, #tpu.memory_space<vmem>>
      %dma_wait3A_90 = arith.constant 0 : i32
      %dma_wait3A_91 = arith.constant 0 : i32
      %dma_wait3A_92 = tpu.memref_slice %arg2[%dma_wait3A_90, %dma_wait3A_91] : memref<10000x256xf32, #tpu.memory_space<hbm>> -> memref<10000x256xf32, #tpu.memory_space<hbm>>
      tpu.wait_indirect_dma semaphore(%arg19 : memref<!tpu.dma_semaphore, #tpu.memory_space<semaphore_mem>>) src(%dma_wait3A_92 : memref<10000x256xf32, #tpu.memory_space<hbm>>) dst(%arg15 : memref<64x256xf32, #tpu.memory_space<vmem>>)
      %dma_wait3A_93 = tpu.memref_slice %arg10[%mul3A_88] : memref<6272xi32, #tpu.memory_space<vmem>> -> memref<64xi32, #tpu.memory_space<vmem>>
      %dma_wait3A_94 = arith.constant 0 : i32
      %dma_wait3A_95 = arith.constant 0 : i32
      %dma_wait3A_96 = tpu.memref_slice %arg3[%dma_wait3A_94, %dma_wait3A_95] : memref<10000x256xf32, #tpu.memory_space<hbm>> -> memref<10000x256xf32, #tpu.memory_space<hbm>>
      tpu.wait_indirect_dma semaphore(%arg19 : memref<!tpu.dma_semaphore, #tpu.memory_space<semaphore_mem>>) src(%dma_wait3A_96 : memref<10000x256xf32, #tpu.memory_space<hbm>>) dst(%arg16 : memref<64x256xf32, #tpu.memory_space<vmem>>)
      %dma_wait3A_97 = tpu.memref_slice %arg11[%mul3A_88] : memref<6272xi32, #tpu.memory_space<vmem>> -> memref<64xi32, #tpu.memory_space<vmem>>
      %dma_wait3A_98 = arith.constant 0 : i32
      %dma_wait3A_99 = arith.constant 0 : i32
      %dma_wait3A_100 = tpu.memref_slice %arg4[%dma_wait3A_98, %dma_wait3A_99] : memref<10000x256xf32, #tpu.memory_space<hbm>> -> memref<10000x256xf32, #tpu.memory_space<hbm>>
      tpu.wait_indirect_dma semaphore(%arg19 : memref<!tpu.dma_semaphore, #tpu.memory_space<semaphore_mem>>) src(%dma_wait3A_100 : memref<10000x256xf32, #tpu.memory_space<hbm>>) dst(%arg17 : memref<64x256xf32, #tpu.memory_space<vmem>>)
      %scan3A_101 = arith.constant 0 : i32
      %scan3A_102 = arith.constant 0 : i32
      %scan3A_103 = arith.constant 64 : i32
      %scan3A_104 = arith.addi %scan3A_102, %scan3A_103 : i32
      %scan3A_105 = arith.constant 1 : i32
      %scan3A_106 = scf.for %scan3A_123 = %scan3A_102 to %scan3A_104 step %scan3A_105 iter_args(%scan3A_124 = %scan3A_101) -> (i32)  : i32 {
        %get3A = arith.index_cast %scan3A_123 : i32 to index
        %get3A_125 = arith.constant 0 : index
        %get3A_126 = tpu.vector_load %arg15[%get3A, %get3A_125] {strides = array<i32>} : memref<64x256xf32, #tpu.memory_space<vmem>>, vector<1x16xf32>,
        %get3A_127 = vector.shape_cast %get3A_126 : vector<1x16xf32> to vector<16xf32>
        %bitcast_convert_type3A = tpu.bitcast %get3A_127 : vector<16xf32> -> vector<16xi32>
        %get3A_128 = arith.index_cast %scan3A_123 : i32 to index
        %get3A_129 = arith.constant 0 : index
        %get3A_130 = tpu.vector_load %arg16[%get3A_128, %get3A_129] {strides = array<i32>} : memref<64x256xf32, #tpu.memory_space<vmem>>, vector<1x16xf32>,
        %get3A_131 = vector.shape_cast %get3A_130 : vector<1x16xf32> to vector<16xf32>
        %bitcast_convert_type3A_132 = tpu.bitcast %get3A_131 : vector<16xf32> -> vector<16xi32>
        %get3A_133 = arith.index_cast %scan3A_123 : i32 to index
        %get3A_134 = arith.constant 0 : index
        %get3A_135 = tpu.vector_load %arg17[%get3A_133, %get3A_134] {strides = array<i32>} : memref<64x256xf32, #tpu.memory_space<vmem>>, vector<1x16xf32>,
        %get3A_136 = vector.shape_cast %get3A_135 : vector<1x16xf32> to vector<16xf32>
        %bitcast_convert_type3A_137 = tpu.bitcast %get3A_136 : vector<16xf32> -> vector<16xi32>
        %shift_left3A = arith.constant 16 : i32
        %shift_left3A_138 = vector.broadcast %shift_left3A : i32 to vector<16xi32>
        %shift_left3A_139 = arith.shli %bitcast_convert_type3A, %shift_left3A_138 : vector<16xi32>
        %bitcast_convert_type3A_140 = tpu.bitcast %shift_left3A_139 : vector<16xi32> -> vector<16xf32>
        %shift_left3A_141 = arith.constant 16 : i32
        %shift_left3A_142 = vector.broadcast %shift_left3A_141 : i32 to vector<16xi32>
        %shift_left3A_143 = arith.shli %bitcast_convert_type3A_132, %shift_left3A_142 : vector<16xi32>
        %bitcast_convert_type3A_144 = tpu.bitcast %shift_left3A_143 : vector<16xi32> -> vector<16xf32>
        %add3A_145 = arith.addf %bitcast_convert_type3A_140, %bitcast_convert_type3A_144 : vector<16xf32>
        %shift_left3A_146 = arith.constant 16 : i32
        %shift_left3A_147 = vector.broadcast %shift_left3A_146 : i32 to vector<16xi32>
        %shift_left3A_148 = arith.shli %bitcast_convert_type3A_137, %shift_left3A_147 : vector<16xi32>
        %bitcast_convert_type3A_149 = tpu.bitcast %shift_left3A_148 : vector<16xi32> -> vector<16xf32>
        %add3A_150 = arith.addf %add3A_145, %bitcast_convert_type3A_149 : vector<16xf32>
        %and3A = arith.constant -65536 : i32
        %and3A_151 = vector.broadcast %and3A : i32 to vector<16xi32>
        %and3A_152 = arith.andi %bitcast_convert_type3A, %and3A_151 : vector<16xi32>
        %bitcast_convert_type3A_153 = tpu.bitcast %and3A_152 : vector<16xi32> -> vector<16xf32>
        %and3A_154 = arith.constant -65536 : i32
        %and3A_155 = vector.broadcast %and3A_154 : i32 to vector<16xi32>
        %and3A_156 = arith.andi %bitcast_convert_type3A_132, %and3A_155 : vector<16xi32>
        %bitcast_convert_type3A_157 = tpu.bitcast %and3A_156 : vector<16xi32> -> vector<16xf32>
        %add3A_158 = arith.addf %bitcast_convert_type3A_153, %bitcast_convert_type3A_157 : vector<16xf32>
        %and3A_159 = arith.constant -65536 : i32
        %and3A_160 = vector.broadcast %and3A_159 : i32 to vector<16xi32>
        %and3A_161 = arith.andi %bitcast_convert_type3A_137, %and3A_160 : vector<16xi32>
        %bitcast_convert_type3A_162 = tpu.bitcast %and3A_161 : vector<16xi32> -> vector<16xf32>
        %add3A_163 = arith.addf %add3A_158, %bitcast_convert_type3A_162 : vector<16xf32>
        %bitcast_convert_type3A_164 = tpu.bitcast %add3A_150 : vector<16xf32> -> vector<16xi32>
        %add3A_165 = arith.constant 32768 : i32
        %add3A_166 = vector.broadcast %add3A_165 : i32 to vector<16xi32>
        %add3A_167 = arith.addi %bitcast_convert_type3A_164, %add3A_166 : vector<16xi32>
        %shift_right_logical3A = arith.constant 16 : i32
        %shift_right_logical3A_168 = vector.broadcast %shift_right_logical3A : i32 to vector<16xi32>
        %shift_right_logical3A_169 = arith.shrui %add3A_167, %shift_right_logical3A_168 : vector<16xi32>
        %bitcast_convert_type3A_170 = tpu.bitcast %add3A_163 : vector<16xf32> -> vector<16xi32>
        %add3A_171 = arith.constant 32768 : i32
        %add3A_172 = vector.broadcast %add3A_171 : i32 to vector<16xi32>
        %add3A_173 = arith.addi %bitcast_convert_type3A_170, %add3A_172 : vector<16xi32>
        %and3A_174 = arith.constant -65536 : i32
        %and3A_175 = vector.broadcast %and3A_174 : i32 to vector<16xi32>
        %and3A_176 = arith.andi %add3A_173, %and3A_175 : vector<16xi32>
        %or3A = arith.ori %shift_right_logical3A_169, %and3A_176 : vector<16xi32>
        %bitcast_convert_type3A_177 = tpu.bitcast %or3A : vector<16xi32> -> vector<16xf32>
        %swap3A = arith.index_cast %scan3A_123 : i32 to index
        %swap3A_178 = arith.constant 0 : index
        %swap3A_179 = tpu.vector_load %arg15[%swap3A, %swap3A_178] {strides = array<i32>} : memref<64x256xf32, #tpu.memory_space<vmem>>, vector<1x16xf32>,
        %swap3A_180 = vector.shape_cast %swap3A_179 : vector<1x16xf32> to vector<16xf32>
        %swap3A_181 = vector.shape_cast %bitcast_convert_type3A_177 : vector<16xf32> to vector<1x16xf32>
        tpu.vector_store %arg15[%swap3A, %swap3A_178], %swap3A_181 {strides = array<i32>} : memref<64x256xf32, #tpu.memory_space<vmem>>, vector<1x16xf32>,
        %get3A_182 = arith.index_cast %scan3A_123 : i32 to index
        %get3A_183 = arith.constant 16 : index
        %get3A_184 = tpu.vector_load %arg15[%get3A_182, %get3A_183] {strides = array<i32>} : memref<64x256xf32, #tpu.memory_space<vmem>>, vector<1x16xf32>,
        %get3A_185 = vector.shape_cast %get3A_184 : vector<1x16xf32> to vector<16xf32>
        %bitcast_convert_type3A_186 = tpu.bitcast %get3A_185 : vector<16xf32> -> vector<16xi32>
        %get3A_187 = arith.index_cast %scan3A_123 : i32 to index
        %get3A_188 = arith.constant 16 : index
        %get3A_189 = tpu.vector_load %arg16[%get3A_187, %get3A_188] {strides = array<i32>} : memref<64x256xf32, #tpu.memory_space<vmem>>, vector<1x16xf32>,
        %get3A_190 = vector.shape_cast %get3A_189 : vector<1x16xf32> to vector<16xf32>
        %bitcast_convert_type3A_191 = tpu.bitcast %get3A_190 : vector<16xf32> -> vector<16xi32>
        %get3A_192 = arith.index_cast %scan3A_123 : i32 to index
        %get3A_193 = arith.constant 16 : index
        %get3A_194 = tpu.vector_load %arg17[%get3A_192, %get3A_193] {strides = array<i32>} : memref<64x256xf32, #tpu.memory_space<vmem>>, vector<1x16xf32>,
        %get3A_195 = vector.shape_cast %get3A_194 : vector<1x16xf32> to vector<16xf32>
        %bitcast_convert_type3A_196 = tpu.bitcast %get3A_195 : vector<16xf32> -> vector<16xi32>
        %shift_left3A_197 = arith.constant 16 : i32
        %shift_left3A_198 = vector.broadcast %shift_left3A_197 : i32 to vector<16xi32>
        %shift_left3A_199 = arith.shli %bitcast_convert_type3A_186, %shift_left3A_198 : vector<16xi32>
        %bitcast_convert_type3A_200 = tpu.bitcast %shift_left3A_199 : vector<16xi32> -> vector<16xf32>
        %shift_left3A_201 = arith.constant 16 : i32
        %shift_left3A_202 = vector.broadcast %shift_left3A_201 : i32 to vector<16xi32>
        %shift_left3A_203 = arith.shli %bitcast_convert_type3A_191, %shift_left3A_202 : vector<16xi32>
        %bitcast_convert_type3A_204 = tpu.bitcast %shift_left3A_203 : vector<16xi32> -> vector<16xf32>
        %add3A_205 = arith.addf %bitcast_convert_type3A_200, %bitcast_convert_type3A_204 : vector<16xf32>
        %shift_left3A_206 = arith.constant 16 : i32
        %shift_left3A_207 = vector.broadcast %shift_left3A_206 : i32 to vector<16xi32>
        %shift_left3A_208 = arith.shli %bitcast_convert_type3A_196, %shift_left3A_207 : vector<16xi32>
        %bitcast_convert_type3A_209 = tpu.bitcast %shift_left3A_208 : vector<16xi32> -> vector<16xf32>
        %add3A_210 = arith.addf %add3A_205, %bitcast_convert_type3A_209 : vector<16xf32>
        %and3A_211 = arith.constant -65536 : i32
        %and3A_212 = vector.broadcast %and3A_211 : i32 to vector<16xi32>
        %and3A_213 = arith.andi %bitcast_convert_type3A_186, %and3A_212 : vector<16xi32>
        %bitcast_convert_type3A_214 = tpu.bitcast %and3A_213 : vector<16xi32> -> vector<16xf32>
        %and3A_215 = arith.constant -65536 : i32
        %and3A_216 = vector.broadcast %and3A_215 : i32 to vector<16xi32>
        %and3A_217 = arith.andi %bitcast_convert_type3A_191, %and3A_216 : vector<16xi32>
        %bitcast_convert_type3A_218 = tpu.bitcast %and3A_217 : vector<16xi32> -> vector<16xf32>
        %add3A_219 = arith.addf %bitcast_convert_type3A_214, %bitcast_convert_type3A_218 : vector<16xf32>
        %and3A_220 = arith.constant -65536 : i32
        %and3A_221 = vector.broadcast %and3A_220 : i32 to vector<16xi32>
        %and3A_222 = arith.andi %bitcast_convert_type3A_196, %and3A_221 : vector<16xi32>
        %bitcast_convert_type3A_223 = tpu.bitcast %and3A_222 : vector<16xi32> -> vector<16xf32>
        %add3A_224 = arith.addf %add3A_219, %bitcast_convert_type3A_223 : vector<16xf32>
        %bitcast_convert_type3A_225 = tpu.bitcast %add3A_210 : vector<16xf32> -> vector<16xi32>
        %add3A_226 = arith.constant 32768 : i32
        %add3A_227 = vector.broadcast %add3A_226 : i32 to vector<16xi32>
        %add3A_228 = arith.addi %bitcast_convert_type3A_225, %add3A_227 : vector<16xi32>
        %shift_right_logical3A_229 = arith.constant 16 : i32
        %shift_right_logical3A_230 = vector.broadcast %shift_right_logical3A_229 : i32 to vector<16xi32>
        %shift_right_logical3A_231 = arith.shrui %add3A_228, %shift_right_logical3A_230 : vector<16xi32>
        %bitcast_convert_type3A_232 = tpu.bitcast %add3A_224 : vector<16xf32> -> vector<16xi32>
        %add3A_233 = arith.constant 32768 : i32
        %add3A_234 = vector.broadcast %add3A_233 : i32 to vector<16xi32>
        %add3A_235 = arith.addi %bitcast_convert_type3A_232, %add3A_234 : vector<16xi32>
        %and3A_236 = arith.constant -65536 : i32
        %and3A_237 = vector.broadcast %and3A_236 : i32 to vector<16xi32>
        %and3A_238 = arith.andi %add3A_235, %and3A_237 : vector<16xi32>
        %or3A_239 = arith.ori %shift_right_logical3A_231, %and3A_238 : vector<16xi32>
        %bitcast_convert_type3A_240 = tpu.bitcast %or3A_239 : vector<16xi32> -> vector<16xf32>
        %swap3A_241 = arith.index_cast %scan3A_123 : i32 to index
        %swap3A_242 = arith.constant 16 : index
        %swap3A_243 = tpu.vector_load %arg15[%swap3A_241, %swap3A_242] {strides = array<i32>} : memref<64x256xf32, #tpu.memory_space<vmem>>, vector<1x16xf32>,
        %swap3A_244 = vector.shape_cast %swap3A_243 : vector<1x16xf32> to vector<16xf32>
        %swap3A_245 = vector.shape_cast %bitcast_convert_type3A_240 : vector<16xf32> to vector<1x16xf32>
        tpu.vector_store %arg15[%swap3A_241, %swap3A_242], %swap3A_245 {strides = array<i32>} : memref<64x256xf32, #tpu.memory_space<vmem>>, vector<1x16xf32>,
        %get3A_246 = arith.index_cast %scan3A_123 : i32 to index
        %get3A_247 = arith.constant 32 : index
        %get3A_248 = tpu.vector_load %arg15[%get3A_246, %get3A_247] {strides = array<i32>} : memref<64x256xf32, #tpu.memory_space<vmem>>, vector<1x16xf32>,
        %get3A_249 = vector.shape_cast %get3A_248 : vector<1x16xf32> to vector<16xf32>
        %bitcast_convert_type3A_250 = tpu.bitcast %get3A_249 : vector<16xf32> -> vector<16xi32>
        %get3A_251 = arith.index_cast %scan3A_123 : i32 to index
        %get3A_252 = arith.constant 32 : index
        %get3A_253 = tpu.vector_load %arg16[%get3A_251, %get3A_252] {strides = array<i32>} : memref<64x256xf32, #tpu.memory_space<vmem>>, vector<1x16xf32>,
        %get3A_254 = vector.shape_cast %get3A_253 : vector<1x16xf32> to vector<16xf32>
        %bitcast_convert_type3A_255 = tpu.bitcast %get3A_254 : vector<16xf32> -> vector<16xi32>
        %get3A_256 = arith.index_cast %scan3A_123 : i32 to index
        %get3A_257 = arith.constant 32 : index
        %get3A_258 = tpu.vector_load %arg17[%get3A_256, %get3A_257] {strides = array<i32>} : memref<64x256xf32, #tpu.memory_space<vmem>>, vector<1x16xf32>,
        %get3A_259 = vector.shape_cast %get3A_258 : vector<1x16xf32> to vector<16xf32>
        %bitcast_convert_type3A_260 = tpu.bitcast %get3A_259 : vector<16xf32> -> vector<16xi32>
        %shift_left3A_261 = arith.constant 16 : i32
        %shift_left3A_262 = vector.broadcast %shift_left3A_261 : i32 to vector<16xi32>
        %shift_left3A_263 = arith.shli %bitcast_convert_type3A_250, %shift_left3A_262 : vector<16xi32>
        %bitcast_convert_type3A_264 = tpu.bitcast %shift_left3A_263 : vector<16xi32> -> vector<16xf32>
        %shift_left3A_265 = arith.constant 16 : i32
        %shift_left3A_266 = vector.broadcast %shift_left3A_265 : i32 to vector<16xi32>
        %shift_left3A_267 = arith.shli %bitcast_convert_type3A_255, %shift_left3A_266 : vector<16xi32>
        %bitcast_convert_type3A_268 = tpu.bitcast %shift_left3A_267 : vector<16xi32> -> vector<16xf32>
        %add3A_269 = arith.addf %bitcast_convert_type3A_264, %bitcast_convert_type3A_268 : vector<16xf32>
        %shift_left3A_270 = arith.constant 16 : i32
        %shift_left3A_271 = vector.broadcast %shift_left3A_270 : i32 to vector<16xi32>
        %shift_left3A_272 = arith.shli %bitcast_convert_type3A_260, %shift_left3A_271 : vector<16xi32>
        %bitcast_convert_type3A_273 = tpu.bitcast %shift_left3A_272 : vector<16xi32> -> vector<16xf32>
        %add3A_274 = arith.addf %add3A_269, %bitcast_convert_type3A_273 : vector<16xf32>
        %and3A_275 = arith.constant -65536 : i32
        %and3A_276 = vector.broadcast %and3A_275 : i32 to vector<16xi32>
        %and3A_277 = arith.andi %bitcast_convert_type3A_250, %and3A_276 : vector<16xi32>
        %bitcast_convert_type3A_278 = tpu.bitcast %and3A_277 : vector<16xi32> -> vector<16xf32>
        %and3A_279 = arith.constant -65536 : i32
        %and3A_280 = vector.broadcast %and3A_279 : i32 to vector<16xi32>
        %and3A_281 = arith.andi %bitcast_convert_type3A_255, %and3A_280 : vector<16xi32>
        %bitcast_convert_type3A_282 = tpu.bitcast %and3A_281 : vector<16xi32> -> vector<16xf32>
        %add3A_283 = arith.addf %bitcast_convert_type3A_278, %bitcast_convert_type3A_282 : vector<16xf32>
        %and3A_284 = arith.constant -65536 : i32
        %and3A_285 = vector.broadcast %and3A_284 : i32 to vector<16xi32>
        %and3A_286 = arith.andi %bitcast_convert_type3A_260, %and3A_285 : vector<16xi32>
        %bitcast_convert_type3A_287 = tpu.bitcast %and3A_286 : vector<16xi32> -> vector<16xf32>
        %add3A_288 = arith.addf %add3A_283, %bitcast_convert_type3A_287 : vector<16xf32>
        %bitcast_convert_type3A_289 = tpu.bitcast %add3A_274 : vector<16xf32> -> vector<16xi32>
        %add3A_290 = arith.constant 32768 : i32
        %add3A_291 = vector.broadcast %add3A_290 : i32 to vector<16xi32>
        %add3A_292 = arith.addi %bitcast_convert_type3A_289, %add3A_291 : vector<16xi32>
        %shift_right_logical3A_293 = arith.constant 16 : i32
        %shift_right_logical3A_294 = vector.broadcast %shift_right_logical3A_293 : i32 to vector<16xi32>
        %shift_right_logical3A_295 = arith.shrui %add3A_292, %shift_right_logical3A_294 : vector<16xi32>
        %bitcast_convert_type3A_296 = tpu.bitcast %add3A_288 : vector<16xf32> -> vector<16xi32>
        %add3A_297 = arith.constant 32768 : i32
        %add3A_298 = vector.broadcast %add3A_297 : i32 to vector<16xi32>
        %add3A_299 = arith.addi %bitcast_convert_type3A_296, %add3A_298 : vector<16xi32>
        %and3A_300 = arith.constant -65536 : i32
        %and3A_301 = vector.broadcast %and3A_300 : i32 to vector<16xi32>
        %and3A_302 = arith.andi %add3A_299, %and3A_301 : vector<16xi32>
        %or3A_303 = arith.ori %shift_right_logical3A_295, %and3A_302 : vector<16xi32>
        %bitcast_convert_type3A_304 = tpu.bitcast %or3A_303 : vector<16xi32> -> vector<16xf32>
        %swap3A_305 = arith.index_cast %scan3A_123 : i32 to index
        %swap3A_306 = arith.constant 32 : index
        %swap3A_307 = tpu.vector_load %arg15[%swap3A_305, %swap3A_306] {strides = array<i32>} : memref<64x256xf32, #tpu.memory_space<vmem>>, vector<1x16xf32>,
        %swap3A_308 = vector.shape_cast %swap3A_307 : vector<1x16xf32> to vector<16xf32>
        %swap3A_309 = vector.shape_cast %bitcast_convert_type3A_304 : vector<16xf32> to vector<1x16xf32>
        tpu.vector_store %arg15[%swap3A_305, %swap3A_306], %swap3A_309 {strides = array<i32>} : memref<64x256xf32, #tpu.memory_space<vmem>>, vector<1x16xf32>,
        %get3A_310 = arith.index_cast %scan3A_123 : i32 to index
        %get3A_311 = arith.constant 48 : index
        %get3A_312 = tpu.vector_load %arg15[%get3A_310, %get3A_311] {strides = array<i32>} : memref<64x256xf32, #tpu.memory_space<vmem>>, vector<1x16xf32>,
        %get3A_313 = vector.shape_cast %get3A_312 : vector<1x16xf32> to vector<16xf32>
        %bitcast_convert_type3A_314 = tpu.bitcast %get3A_313 : vector<16xf32> -> vector<16xi32>
        %get3A_315 = arith.index_cast %scan3A_123 : i32 to index
        %get3A_316 = arith.constant 48 : index
        %get3A_317 = tpu.vector_load %arg16[%get3A_315, %get3A_316] {strides = array<i32>} : memref<64x256xf32, #tpu.memory_space<vmem>>, vector<1x16xf32>,
        %get3A_318 = vector.shape_cast %get3A_317 : vector<1x16xf32> to vector<16xf32>
        %bitcast_convert_type3A_319 = tpu.bitcast %get3A_318 : vector<16xf32> -> vector<16xi32>
        %get3A_320 = arith.index_cast %scan3A_123 : i32 to index
        %get3A_321 = arith.constant 48 : index
        %get3A_322 = tpu.vector_load %arg17[%get3A_320, %get3A_321] {strides = array<i32>} : memref<64x256xf32, #tpu.memory_space<vmem>>, vector<1x16xf32>,
        %get3A_323 = vector.shape_cast %get3A_322 : vector<1x16xf32> to vector<16xf32>
        %bitcast_convert_type3A_324 = tpu.bitcast %get3A_323 : vector<16xf32> -> vector<16xi32>
        %shift_left3A_325 = arith.constant 16 : i32
        %shift_left3A_326 = vector.broadcast %shift_left3A_325 : i32 to vector<16xi32>
        %shift_left3A_327 = arith.shli %bitcast_convert_type3A_314, %shift_left3A_326 : vector<16xi32>
        %bitcast_convert_type3A_328 = tpu.bitcast %shift_left3A_327 : vector<16xi32> -> vector<16xf32>
        %shift_left3A_329 = arith.constant 16 : i32
        %shift_left3A_330 = vector.broadcast %shift_left3A_329 : i32 to vector<16xi32>
        %shift_left3A_331 = arith.shli %bitcast_convert_type3A_319, %shift_left3A_330 : vector<16xi32>
        %bitcast_convert_type3A_332 = tpu.bitcast %shift_left3A_331 : vector<16xi32> -> vector<16xf32>
        %add3A_333 = arith.addf %bitcast_convert_type3A_328, %bitcast_convert_type3A_332 : vector<16xf32>
        %shift_left3A_334 = arith.constant 16 : i32
        %shift_left3A_335 = vector.broadcast %shift_left3A_334 : i32 to vector<16xi32>
        %shift_left3A_336 = arith.shli %bitcast_convert_type3A_324, %shift_left3A_335 : vector<16xi32>
        %bitcast_convert_type3A_337 = tpu.bitcast %shift_left3A_336 : vector<16xi32> -> vector<16xf32>
        %add3A_338 = arith.addf %add3A_333, %bitcast_convert_type3A_337 : vector<16xf32>
        %and3A_339 = arith.constant -65536 : i32
        %and3A_340 = vector.broadcast %and3A_339 : i32 to vector<16xi32>
        %and3A_341 = arith.andi %bitcast_convert_type3A_314, %and3A_340 : vector<16xi32>
        %bitcast_convert_type3A_342 = tpu.bitcast %and3A_341 : vector<16xi32> -> vector<16xf32>
        %and3A_343 = arith.constant -65536 : i32
        %and3A_344 = vector.broadcast %and3A_343 : i32 to vector<16xi32>
        %and3A_345 = arith.andi %bitcast_convert_type3A_319, %and3A_344 : vector<16xi32>
        %bitcast_convert_type3A_346 = tpu.bitcast %and3A_345 : vector<16xi32> -> vector<16xf32>
        %add3A_347 = arith.addf %bitcast_convert_type3A_342, %bitcast_convert_type3A_346 : vector<16xf32>
        %and3A_348 = arith.constant -65536 : i32
        %and3A_349 = vector.broadcast %and3A_348 : i32 to vector<16xi32>
        %and3A_350 = arith.andi %bitcast_convert_type3A_324, %and3A_349 : vector<16xi32>
        %bitcast_convert_type3A_351 = tpu.bitcast %and3A_350 : vector<16xi32> -> vector<16xf32>
        %add3A_352 = arith.addf %add3A_347, %bitcast_convert_type3A_351 : vector<16xf32>
        %bitcast_convert_type3A_353 = tpu.bitcast %add3A_338 : vector<16xf32> -> vector<16xi32>
        %add3A_354 = arith.constant 32768 : i32
        %add3A_355 = vector.broadcast %add3A_354 : i32 to vector<16xi32>
        %add3A_356 = arith.addi %bitcast_convert_type3A_353, %add3A_355 : vector<16xi32>
        %shift_right_logical3A_357 = arith.constant 16 : i32
        %shift_right_logical3A_358 = vector.broadcast %shift_right_logical3A_357 : i32 to vector<16xi32>
        %shift_right_logical3A_359 = arith.shrui %add3A_356, %shift_right_logical3A_358 : vector<16xi32>
        %bitcast_convert_type3A_360 = tpu.bitcast %add3A_352 : vector<16xf32> -> vector<16xi32>
        %add3A_361 = arith.constant 32768 : i32
        %add3A_362 = vector.broadcast %add3A_361 : i32 to vector<16xi32>
        %add3A_363 = arith.addi %bitcast_convert_type3A_360, %add3A_362 : vector<16xi32>
        %and3A_364 = arith.constant -65536 : i32
        %and3A_365 = vector.broadcast %and3A_364 : i32 to vector<16xi32>
        %and3A_366 = arith.andi %add3A_363, %and3A_365 : vector<16xi32>
        %or3A_367 = arith.ori %shift_right_logical3A_359, %and3A_366 : vector<16xi32>
        %bitcast_convert_type3A_368 = tpu.bitcast %or3A_367 : vector<16xi32> -> vector<16xf32>
        %swap3A_369 = arith.index_cast %scan3A_123 : i32 to index
        %swap3A_370 = arith.constant 48 : index
        %swap3A_371 = tpu.vector_load %arg15[%swap3A_369, %swap3A_370] {strides = array<i32>} : memref<64x256xf32, #tpu.memory_space<vmem>>, vector<1x16xf32>,
        %swap3A_372 = vector.shape_cast %swap3A_371 : vector<1x16xf32> to vector<16xf32>
        %swap3A_373 = vector.shape_cast %bitcast_convert_type3A_368 : vector<16xf32> to vector<1x16xf32>
        tpu.vector_store %arg15[%swap3A_369, %swap3A_370], %swap3A_373 {strides = array<i32>} : memref<64x256xf32, #tpu.memory_space<vmem>>, vector<1x16xf32>,
        %get3A_374 = arith.index_cast %scan3A_123 : i32 to index
        %get3A_375 = arith.constant 64 : index
        %get3A_376 = tpu.vector_load %arg15[%get3A_374, %get3A_375] {strides = array<i32>} : memref<64x256xf32, #tpu.memory_space<vmem>>, vector<1x16xf32>,
        %get3A_377 = vector.shape_cast %get3A_376 : vector<1x16xf32> to vector<16xf32>
        %bitcast_convert_type3A_378 = tpu.bitcast %get3A_377 : vector<16xf32> -> vector<16xi32>
        %get3A_379 = arith.index_cast %scan3A_123 : i32 to index
        %get3A_380 = arith.constant 64 : index
        %get3A_381 = tpu.vector_load %arg16[%get3A_379, %get3A_380] {strides = array<i32>} : memref<64x256xf32, #tpu.memory_space<vmem>>, vector<1x16xf32>,
        %get3A_382 = vector.shape_cast %get3A_381 : vector<1x16xf32> to vector<16xf32>
        %bitcast_convert_type3A_383 = tpu.bitcast %get3A_382 : vector<16xf32> -> vector<16xi32>
        %get3A_384 = arith.index_cast %scan3A_123 : i32 to index
        %get3A_385 = arith.constant 64 : index
        %get3A_386 = tpu.vector_load %arg17[%get3A_384, %get3A_385] {strides = array<i32>} : memref<64x256xf32, #tpu.memory_space<vmem>>, vector<1x16xf32>,
        %get3A_387 = vector.shape_cast %get3A_386 : vector<1x16xf32> to vector<16xf32>
        %bitcast_convert_type3A_388 = tpu.bitcast %get3A_387 : vector<16xf32> -> vector<16xi32>
        %shift_left3A_389 = arith.constant 16 : i32
        %shift_left3A_390 = vector.broadcast %shift_left3A_389 : i32 to vector<16xi32>
        %shift_left3A_391 = arith.shli %bitcast_convert_type3A_378, %shift_left3A_390 : vector<16xi32>
        %bitcast_convert_type3A_392 = tpu.bitcast %shift_left3A_391 : vector<16xi32> -> vector<16xf32>
        %shift_left3A_393 = arith.constant 16 : i32
        %shift_left3A_394 = vector.broadcast %shift_left3A_393 : i32 to vector<16xi32>
        %shift_left3A_395 = arith.shli %bitcast_convert_type3A_383, %shift_left3A_394 : vector<16xi32>
        %bitcast_convert_type3A_396 = tpu.bitcast %shift_left3A_395 : vector<16xi32> -> vector<16xf32>
        %add3A_397 = arith.addf %bitcast_convert_type3A_392, %bitcast_convert_type3A_396 : vector<16xf32>
        %shift_left3A_398 = arith.constant 16 : i32
        %shift_left3A_399 = vector.broadcast %shift_left3A_398 : i32 to vector<16xi32>
        %shift_left3A_400 = arith.shli %bitcast_convert_type3A_388, %shift_left3A_399 : vector<16xi32>
        %bitcast_convert_type3A_401 = tpu.bitcast %shift_left3A_400 : vector<16xi32> -> vector<16xf32>
        %add3A_402 = arith.addf %add3A_397, %bitcast_convert_type3A_401 : vector<16xf32>
        %and3A_403 = arith.constant -65536 : i32
        %and3A_404 = vector.broadcast %and3A_403 : i32 to vector<16xi32>
        %and3A_405 = arith.andi %bitcast_convert_type3A_378, %and3A_404 : vector<16xi32>
        %bitcast_convert_type3A_406 = tpu.bitcast %and3A_405 : vector<16xi32> -> vector<16xf32>
        %and3A_407 = arith.constant -65536 : i32
        %and3A_408 = vector.broadcast %and3A_407 : i32 to vector<16xi32>
        %and3A_409 = arith.andi %bitcast_convert_type3A_383, %and3A_408 : vector<16xi32>
        %bitcast_convert_type3A_410 = tpu.bitcast %and3A_409 : vector<16xi32> -> vector<16xf32>
        %add3A_411 = arith.addf %bitcast_convert_type3A_406, %bitcast_convert_type3A_410 : vector<16xf32>
        %and3A_412 = arith.constant -65536 : i32
        %and3A_413 = vector.broadcast %and3A_412 : i32 to vector<16xi32>
        %and3A_414 = arith.andi %bitcast_convert_type3A_388, %and3A_413 : vector<16xi32>
        %bitcast_convert_type3A_415 = tpu.bitcast %and3A_414 : vector<16xi32> -> vector<16xf32>
        %add3A_416 = arith.addf %add3A_411, %bitcast_convert_type3A_415 : vector<16xf32>
        %bitcast_convert_type3A_417 = tpu.bitcast %add3A_402 : vector<16xf32> -> vector<16xi32>
        %add3A_418 = arith.constant 32768 : i32
        %add3A_419 = vector.broadcast %add3A_418 : i32 to vector<16xi32>
        %add3A_420 = arith.addi %bitcast_convert_type3A_417, %add3A_419 : vector<16xi32>
        %shift_right_logical3A_421 = arith.constant 16 : i32
        %shift_right_logical3A_422 = vector.broadcast %shift_right_logical3A_421 : i32 to vector<16xi32>
        %shift_right_logical3A_423 = arith.shrui %add3A_420, %shift_right_logical3A_422 : vector<16xi32>
        %bitcast_convert_type3A_424 = tpu.bitcast %add3A_416 : vector<16xf32> -> vector<16xi32>
        %add3A_425 = arith.constant 32768 : i32
        %add3A_426 = vector.broadcast %add3A_425 : i32 to vector<16xi32>
        %add3A_427 = arith.addi %bitcast_convert_type3A_424, %add3A_426 : vector<16xi32>
        %and3A_428 = arith.constant -65536 : i32
        %and3A_429 = vector.broadcast %and3A_428 : i32 to vector<16xi32>
        %and3A_430 = arith.andi %add3A_427, %and3A_429 : vector<16xi32>
        %or3A_431 = arith.ori %shift_right_logical3A_423, %and3A_430 : vector<16xi32>
        %bitcast_convert_type3A_432 = tpu.bitcast %or3A_431 : vector<16xi32> -> vector<16xf32>
        %swap3A_433 = arith.index_cast %scan3A_123 : i32 to index
        %swap3A_434 = arith.constant 64 : index
        %swap3A_435 = tpu.vector_load %arg15[%swap3A_433, %swap3A_434] {strides = array<i32>} : memref<64x256xf32, #tpu.memory_space<vmem>>, vector<1x16xf32>,
        %swap3A_436 = vector.shape_cast %swap3A_435 : vector<1x16xf32> to vector<16xf32>
        %swap3A_437 = vector.shape_cast %bitcast_convert_type3A_432 : vector<16xf32> to vector<1x16xf32>
        tpu.vector_store %arg15[%swap3A_433, %swap3A_434], %swap3A_437 {strides = array<i32>} : memref<64x256xf32, #tpu.memory_space<vmem>>, vector<1x16xf32>,
        %get3A_438 = arith.index_cast %scan3A_123 : i32 to index
        %get3A_439 = arith.constant 80 : index
        %get3A_440 = tpu.vector_load %arg15[%get3A_438, %get3A_439] {strides = array<i32>} : memref<64x256xf32, #tpu.memory_space<vmem>>, vector<1x16xf32>,
        %get3A_441 = vector.shape_cast %get3A_440 : vector<1x16xf32> to vector<16xf32>
        %bitcast_convert_type3A_442 = tpu.bitcast %get3A_441 : vector<16xf32> -> vector<16xi32>
        %get3A_443 = arith.index_cast %scan3A_123 : i32 to index
        %get3A_444 = arith.constant 80 : index
        %get3A_445 = tpu.vector_load %arg16[%get3A_443, %get3A_444] {strides = array<i32>} : memref<64x256xf32, #tpu.memory_space<vmem>>, vector<1x16xf32>,
        %get3A_446 = vector.shape_cast %get3A_445 : vector<1x16xf32> to vector<16xf32>
        %bitcast_convert_type3A_447 = tpu.bitcast %get3A_446 : vector<16xf32> -> vector<16xi32>
        %get3A_448 = arith.index_cast %scan3A_123 : i32 to index
        %get3A_449 = arith.constant 80 : index
        %get3A_450 = tpu.vector_load %arg17[%get3A_448, %get3A_449] {strides = array<i32>} : memref<64x256xf32, #tpu.memory_space<vmem>>, vector<1x16xf32>,
        %get3A_451 = vector.shape_cast %get3A_450 : vector<1x16xf32> to vector<16xf32>
        %bitcast_convert_type3A_452 = tpu.bitcast %get3A_451 : vector<16xf32> -> vector<16xi32>
        %shift_left3A_453 = arith.constant 16 : i32
        %shift_left3A_454 = vector.broadcast %shift_left3A_453 : i32 to vector<16xi32>
        %shift_left3A_455 = arith.shli %bitcast_convert_type3A_442, %shift_left3A_454 : vector<16xi32>
        %bitcast_convert_type3A_456 = tpu.bitcast %shift_left3A_455 : vector<16xi32> -> vector<16xf32>
        %shift_left3A_457 = arith.constant 16 : i32
        %shift_left3A_458 = vector.broadcast %shift_left3A_457 : i32 to vector<16xi32>
        %shift_left3A_459 = arith.shli %bitcast_convert_type3A_447, %shift_left3A_458 : vector<16xi32>
        %bitcast_convert_type3A_460 = tpu.bitcast %shift_left3A_459 : vector<16xi32> -> vector<16xf32>
        %add3A_461 = arith.addf %bitcast_convert_type3A_456, %bitcast_convert_type3A_460 : vector<16xf32>
        %shift_left3A_462 = arith.constant 16 : i32
        %shift_left3A_463 = vector.broadcast %shift_left3A_462 : i32 to vector<16xi32>
        %shift_left3A_464 = arith.shli %bitcast_convert_type3A_452, %shift_left3A_463 : vector<16xi32>
        %bitcast_convert_type3A_465 = tpu.bitcast %shift_left3A_464 : vector<16xi32> -> vector<16xf32>
        %add3A_466 = arith.addf %add3A_461, %bitcast_convert_type3A_465 : vector<16xf32>
        %and3A_467 = arith.constant -65536 : i32
        %and3A_468 = vector.broadcast %and3A_467 : i32 to vector<16xi32>
        %and3A_469 = arith.andi %bitcast_convert_type3A_442, %and3A_468 : vector<16xi32>
        %bitcast_convert_type3A_470 = tpu.bitcast %and3A_469 : vector<16xi32> -> vector<16xf32>
        %and3A_471 = arith.constant -65536 : i32
        %and3A_472 = vector.broadcast %and3A_471 : i32 to vector<16xi32>
        %and3A_473 = arith.andi %bitcast_convert_type3A_447, %and3A_472 : vector<16xi32>
        %bitcast_convert_type3A_474 = tpu.bitcast %and3A_473 : vector<16xi32> -> vector<16xf32>
        %add3A_475 = arith.addf %bitcast_convert_type3A_470, %bitcast_convert_type3A_474 : vector<16xf32>
        %and3A_476 = arith.constant -65536 : i32
        %and3A_477 = vector.broadcast %and3A_476 : i32 to vector<16xi32>
        %and3A_478 = arith.andi %bitcast_convert_type3A_452, %and3A_477 : vector<16xi32>
        %bitcast_convert_type3A_479 = tpu.bitcast %and3A_478 : vector<16xi32> -> vector<16xf32>
        %add3A_480 = arith.addf %add3A_475, %bitcast_convert_type3A_479 : vector<16xf32>
        %bitcast_convert_type3A_481 = tpu.bitcast %add3A_466 : vector<16xf32> -> vector<16xi32>
        %add3A_482 = arith.constant 32768 : i32
        %add3A_483 = vector.broadcast %add3A_482 : i32 to vector<16xi32>
        %add3A_484 = arith.addi %bitcast_convert_type3A_481, %add3A_483 : vector<16xi32>
        %shift_right_logical3A_485 = arith.constant 16 : i32
        %shift_right_logical3A_486 = vector.broadcast %shift_right_logical3A_485 : i32 to vector<16xi32>
        %shift_right_logical3A_487 = arith.shrui %add3A_484, %shift_right_logical3A_486 : vector<16xi32>
        %bitcast_convert_type3A_488 = tpu.bitcast %add3A_480 : vector<16xf32> -> vector<16xi32>
        %add3A_489 = arith.constant 32768 : i32
        %add3A_490 = vector.broadcast %add3A_489 : i32 to vector<16xi32>
        %add3A_491 = arith.addi %bitcast_convert_type3A_488, %add3A_490 : vector<16xi32>
        %and3A_492 = arith.constant -65536 : i32
        %and3A_493 = vector.broadcast %and3A_492 : i32 to vector<16xi32>
        %and3A_494 = arith.andi %add3A_491, %and3A_493 : vector<16xi32>
        %or3A_495 = arith.ori %shift_right_logical3A_487, %and3A_494 : vector<16xi32>
        %bitcast_convert_type3A_496 = tpu.bitcast %or3A_495 : vector<16xi32> -> vector<16xf32>
        %swap3A_497 = arith.index_cast %scan3A_123 : i32 to index
        %swap3A_498 = arith.constant 80 : index
        %swap3A_499 = tpu.vector_load %arg15[%swap3A_497, %swap3A_498] {strides = array<i32>} : memref<64x256xf32, #tpu.memory_space<vmem>>, vector<1x16xf32>,
        %swap3A_500 = vector.shape_cast %swap3A_499 : vector<1x16xf32> to vector<16xf32>
        %swap3A_501 = vector.shape_cast %bitcast_convert_type3A_496 : vector<16xf32> to vector<1x16xf32>
        tpu.vector_store %arg15[%swap3A_497, %swap3A_498], %swap3A_501 {strides = array<i32>} : memref<64x256xf32, #tpu.memory_space<vmem>>, vector<1x16xf32>,
        %get3A_502 = arith.index_cast %scan3A_123 : i32 to index
        %get3A_503 = arith.constant 96 : index
        %get3A_504 = tpu.vector_load %arg15[%get3A_502, %get3A_503] {strides = array<i32>} : memref<64x256xf32, #tpu.memory_space<vmem>>, vector<1x16xf32>,
        %get3A_505 = vector.shape_cast %get3A_504 : vector<1x16xf32> to vector<16xf32>
        %bitcast_convert_type3A_506 = tpu.bitcast %get3A_505 : vector<16xf32> -> vector<16xi32>
        %get3A_507 = arith.index_cast %scan3A_123 : i32 to index
        %get3A_508 = arith.constant 96 : index
        %get3A_509 = tpu.vector_load %arg16[%get3A_507, %get3A_508] {strides = array<i32>} : memref<64x256xf32, #tpu.memory_space<vmem>>, vector<1x16xf32>,
        %get3A_510 = vector.shape_cast %get3A_509 : vector<1x16xf32> to vector<16xf32>
        %bitcast_convert_type3A_511 = tpu.bitcast %get3A_510 : vector<16xf32> -> vector<16xi32>
        %get3A_512 = arith.index_cast %scan3A_123 : i32 to index
        %get3A_513 = arith.constant 96 : index
        %get3A_514 = tpu.vector_load %arg17[%get3A_512, %get3A_513] {strides = array<i32>} : memref<64x256xf32, #tpu.memory_space<vmem>>, vector<1x16xf32>,
        %get3A_515 = vector.shape_cast %get3A_514 : vector<1x16xf32> to vector<16xf32>
        %bitcast_convert_type3A_516 = tpu.bitcast %get3A_515 : vector<16xf32> -> vector<16xi32>
        %shift_left3A_517 = arith.constant 16 : i32
        %shift_left3A_518 = vector.broadcast %shift_left3A_517 : i32 to vector<16xi32>
        %shift_left3A_519 = arith.shli %bitcast_convert_type3A_506, %shift_left3A_518 : vector<16xi32>
        %bitcast_convert_type3A_520 = tpu.bitcast %shift_left3A_519 : vector<16xi32> -> vector<16xf32>
        %shift_left3A_521 = arith.constant 16 : i32
        %shift_left3A_522 = vector.broadcast %shift_left3A_521 : i32 to vector<16xi32>
        %shift_left3A_523 = arith.shli %bitcast_convert_type3A_511, %shift_left3A_522 : vector<16xi32>
        %bitcast_convert_type3A_524 = tpu.bitcast %shift_left3A_523 : vector<16xi32> -> vector<16xf32>
        %add3A_525 = arith.addf %bitcast_convert_type3A_520, %bitcast_convert_type3A_524 : vector<16xf32>
        %shift_left3A_526 = arith.constant 16 : i32
        %shift_left3A_527 = vector.broadcast %shift_left3A_526 : i32 to vector<16xi32>
        %shift_left3A_528 = arith.shli %bitcast_convert_type3A_516, %shift_left3A_527 : vector<16xi32>
        %bitcast_convert_type3A_529 = tpu.bitcast %shift_left3A_528 : vector<16xi32> -> vector<16xf32>
        %add3A_530 = arith.addf %add3A_525, %bitcast_convert_type3A_529 : vector<16xf32>
        %and3A_531 = arith.constant -65536 : i32
        %and3A_532 = vector.broadcast %and3A_531 : i32 to vector<16xi32>
        %and3A_533 = arith.andi %bitcast_convert_type3A_506, %and3A_532 : vector<16xi32>
        %bitcast_convert_type3A_534 = tpu.bitcast %and3A_533 : vector<16xi32> -> vector<16xf32>
        %and3A_535 = arith.constant -65536 : i32
        %and3A_536 = vector.broadcast %and3A_535 : i32 to vector<16xi32>
        %and3A_537 = arith.andi %bitcast_convert_type3A_511, %and3A_536 : vector<16xi32>
        %bitcast_convert_type3A_538 = tpu.bitcast %and3A_537 : vector<16xi32> -> vector<16xf32>
        %add3A_539 = arith.addf %bitcast_convert_type3A_534, %bitcast_convert_type3A_538 : vector<16xf32>
        %and3A_540 = arith.constant -65536 : i32
        %and3A_541 = vector.broadcast %and3A_540 : i32 to vector<16xi32>
        %and3A_542 = arith.andi %bitcast_convert_type3A_516, %and3A_541 : vector<16xi32>
        %bitcast_convert_type3A_543 = tpu.bitcast %and3A_542 : vector<16xi32> -> vector<16xf32>
        %add3A_544 = arith.addf %add3A_539, %bitcast_convert_type3A_543 : vector<16xf32>
        %bitcast_convert_type3A_545 = tpu.bitcast %add3A_530 : vector<16xf32> -> vector<16xi32>
        %add3A_546 = arith.constant 32768 : i32
        %add3A_547 = vector.broadcast %add3A_546 : i32 to vector<16xi32>
        %add3A_548 = arith.addi %bitcast_convert_type3A_545, %add3A_547 : vector<16xi32>
        %shift_right_logical3A_549 = arith.constant 16 : i32
        %shift_right_logical3A_550 = vector.broadcast %shift_right_logical3A_549 : i32 to vector<16xi32>
        %shift_right_logical3A_551 = arith.shrui %add3A_548, %shift_right_logical3A_550 : vector<16xi32>
        %bitcast_convert_type3A_552 = tpu.bitcast %add3A_544 : vector<16xf32> -> vector<16xi32>
        %add3A_553 = arith.constant 32768 : i32
        %add3A_554 = vector.broadcast %add3A_553 : i32 to vector<16xi32>
        %add3A_555 = arith.addi %bitcast_convert_type3A_552, %add3A_554 : vector<16xi32>
        %and3A_556 = arith.constant -65536 : i32
        %and3A_557 = vector.broadcast %and3A_556 : i32 to vector<16xi32>
        %and3A_558 = arith.andi %add3A_555, %and3A_557 : vector<16xi32>
        %or3A_559 = arith.ori %shift_right_logical3A_551, %and3A_558 : vector<16xi32>
        %bitcast_convert_type3A_560 = tpu.bitcast %or3A_559 : vector<16xi32> -> vector<16xf32>
        %swap3A_561 = arith.index_cast %scan3A_123 : i32 to index
        %swap3A_562 = arith.constant 96 : index
        %swap3A_563 = tpu.vector_load %arg15[%swap3A_561, %swap3A_562] {strides = array<i32>} : memref<64x256xf32, #tpu.memory_space<vmem>>, vector<1x16xf32>,
        %swap3A_564 = vector.shape_cast %swap3A_563 : vector<1x16xf32> to vector<16xf32>
        %swap3A_565 = vector.shape_cast %bitcast_convert_type3A_560 : vector<16xf32> to vector<1x16xf32>
        tpu.vector_store %arg15[%swap3A_561, %swap3A_562], %swap3A_565 {strides = array<i32>} : memref<64x256xf32, #tpu.memory_space<vmem>>, vector<1x16xf32>,
        %get3A_566 = arith.index_cast %scan3A_123 : i32 to index
        %get3A_567 = arith.constant 112 : index
        %get3A_568 = tpu.vector_load %arg15[%get3A_566, %get3A_567] {strides = array<i32>} : memref<64x256xf32, #tpu.memory_space<vmem>>, vector<1x16xf32>,
        %get3A_569 = vector.shape_cast %get3A_568 : vector<1x16xf32> to vector<16xf32>
        %bitcast_convert_type3A_570 = tpu.bitcast %get3A_569 : vector<16xf32> -> vector<16xi32>
        %get3A_571 = arith.index_cast %scan3A_123 : i32 to index
        %get3A_572 = arith.constant 112 : index
        %get3A_573 = tpu.vector_load %arg16[%get3A_571, %get3A_572] {strides = array<i32>} : memref<64x256xf32, #tpu.memory_space<vmem>>, vector<1x16xf32>,
        %get3A_574 = vector.shape_cast %get3A_573 : vector<1x16xf32> to vector<16xf32>
        %bitcast_convert_type3A_575 = tpu.bitcast %get3A_574 : vector<16xf32> -> vector<16xi32>
        %get3A_576 = arith.index_cast %scan3A_123 : i32 to index
        %get3A_577 = arith.constant 112 : index
        %get3A_578 = tpu.vector_load %arg17[%get3A_576, %get3A_577] {strides = array<i32>} : memref<64x256xf32, #tpu.memory_space<vmem>>, vector<1x16xf32>,
        %get3A_579 = vector.shape_cast %get3A_578 : vector<1x16xf32> to vector<16xf32>
        %bitcast_convert_type3A_580 = tpu.bitcast %get3A_579 : vector<16xf32> -> vector<16xi32>
        %shift_left3A_581 = arith.constant 16 : i32
        %shift_left3A_582 = vector.broadcast %shift_left3A_581 : i32 to vector<16xi32>
        %shift_left3A_583 = arith.shli %bitcast_convert_type3A_570, %shift_left3A_582 : vector<16xi32>
        %bitcast_convert_type3A_584 = tpu.bitcast %shift_left3A_583 : vector<16xi32> -> vector<16xf32>
        %shift_left3A_585 = arith.constant 16 : i32
        %shift_left3A_586 = vector.broadcast %shift_left3A_585 : i32 to vector<16xi32>
        %shift_left3A_587 = arith.shli %bitcast_convert_type3A_575, %shift_left3A_586 : vector<16xi32>
        %bitcast_convert_type3A_588 = tpu.bitcast %shift_left3A_587 : vector<16xi32> -> vector<16xf32>
        %add3A_589 = arith.addf %bitcast_convert_type3A_584, %bitcast_convert_type3A_588 : vector<16xf32>
        %shift_left3A_590 = arith.constant 16 : i32
        %shift_left3A_591 = vector.broadcast %shift_left3A_590 : i32 to vector<16xi32>
        %shift_left3A_592 = arith.shli %bitcast_convert_type3A_580, %shift_left3A_591 : vector<16xi32>
        %bitcast_convert_type3A_593 = tpu.bitcast %shift_left3A_592 : vector<16xi32> -> vector<16xf32>
        %add3A_594 = arith.addf %add3A_589, %bitcast_convert_type3A_593 : vector<16xf32>
        %and3A_595 = arith.constant -65536 : i32
        %and3A_596 = vector.broadcast %and3A_595 : i32 to vector<16xi32>
        %and3A_597 = arith.andi %bitcast_convert_type3A_570, %and3A_596 : vector<16xi32>
        %bitcast_convert_type3A_598 = tpu.bitcast %and3A_597 : vector<16xi32> -> vector<16xf32>
        %and3A_599 = arith.constant -65536 : i32
        %and3A_600 = vector.broadcast %and3A_599 : i32 to vector<16xi32>
        %and3A_601 = arith.andi %bitcast_convert_type3A_575, %and3A_600 : vector<16xi32>
        %bitcast_convert_type3A_602 = tpu.bitcast %and3A_601 : vector<16xi32> -> vector<16xf32>
        %add3A_603 = arith.addf %bitcast_convert_type3A_598, %bitcast_convert_type3A_602 : vector<16xf32>
        %and3A_604 = arith.constant -65536 : i32
        %and3A_605 = vector.broadcast %and3A_604 : i32 to vector<16xi32>
        %and3A_606 = arith.andi %bitcast_convert_type3A_580, %and3A_605 : vector<16xi32>
        %bitcast_convert_type3A_607 = tpu.bitcast %and3A_606 : vector<16xi32> -> vector<16xf32>
        %add3A_608 = arith.addf %add3A_603, %bitcast_convert_type3A_607 : vector<16xf32>
        %bitcast_convert_type3A_609 = tpu.bitcast %add3A_594 : vector<16xf32> -> vector<16xi32>
        %add3A_610 = arith.constant 32768 : i32
        %add3A_611 = vector.broadcast %add3A_610 : i32 to vector<16xi32>
        %add3A_612 = arith.addi %bitcast_convert_type3A_609, %add3A_611 : vector<16xi32>
        %shift_right_logical3A_613 = arith.constant 16 : i32
        %shift_right_logical3A_614 = vector.broadcast %shift_right_logical3A_613 : i32 to vector<16xi32>
        %shift_right_logical3A_615 = arith.shrui %add3A_612, %shift_right_logical3A_614 : vector<16xi32>
        %bitcast_convert_type3A_616 = tpu.bitcast %add3A_608 : vector<16xf32> -> vector<16xi32>
        %add3A_617 = arith.constant 32768 : i32
        %add3A_618 = vector.broadcast %add3A_617 : i32 to vector<16xi32>
        %add3A_619 = arith.addi %bitcast_convert_type3A_616, %add3A_618 : vector<16xi32>
        %and3A_620 = arith.constant -65536 : i32
        %and3A_621 = vector.broadcast %and3A_620 : i32 to vector<16xi32>
        %and3A_622 = arith.andi %add3A_619, %and3A_621 : vector<16xi32>
        %or3A_623 = arith.ori %shift_right_logical3A_615, %and3A_622 : vector<16xi32>
        %bitcast_convert_type3A_624 = tpu.bitcast %or3A_623 : vector<16xi32> -> vector<16xf32>
        %swap3A_625 = arith.index_cast %scan3A_123 : i32 to index
        %swap3A_626 = arith.constant 112 : index
        %swap3A_627 = tpu.vector_load %arg15[%swap3A_625, %swap3A_626] {strides = array<i32>} : memref<64x256xf32, #tpu.memory_space<vmem>>, vector<1x16xf32>,
        %swap3A_628 = vector.shape_cast %swap3A_627 : vector<1x16xf32> to vector<16xf32>
        %swap3A_629 = vector.shape_cast %bitcast_convert_type3A_624 : vector<16xf32> to vector<1x16xf32>
        tpu.vector_store %arg15[%swap3A_625, %swap3A_626], %swap3A_629 {strides = array<i32>} : memref<64x256xf32, #tpu.memory_space<vmem>>, vector<1x16xf32>,
        %get3A_630 = arith.index_cast %scan3A_123 : i32 to index
        %get3A_631 = arith.constant 128 : index
        %get3A_632 = tpu.vector_load %arg15[%get3A_630, %get3A_631] {strides = array<i32>} : memref<64x256xf32, #tpu.memory_space<vmem>>, vector<1x16xf32>,
        %get3A_633 = vector.shape_cast %get3A_632 : vector<1x16xf32> to vector<16xf32>
        %bitcast_convert_type3A_634 = tpu.bitcast %get3A_633 : vector<16xf32> -> vector<16xi32>
        %get3A_635 = arith.index_cast %scan3A_123 : i32 to index
        %get3A_636 = arith.constant 128 : index
        %get3A_637 = tpu.vector_load %arg16[%get3A_635, %get3A_636] {strides = array<i32>} : memref<64x256xf32, #tpu.memory_space<vmem>>, vector<1x16xf32>,
        %get3A_638 = vector.shape_cast %get3A_637 : vector<1x16xf32> to vector<16xf32>
        %bitcast_convert_type3A_639 = tpu.bitcast %get3A_638 : vector<16xf32> -> vector<16xi32>
        %get3A_640 = arith.index_cast %scan3A_123 : i32 to index
        %get3A_641 = arith.constant 128 : index
        %get3A_642 = tpu.vector_load %arg17[%get3A_640, %get3A_641] {strides = array<i32>} : memref<64x256xf32, #tpu.memory_space<vmem>>, vector<1x16xf32>,
        %get3A_643 = vector.shape_cast %get3A_642 : vector<1x16xf32> to vector<16xf32>
        %bitcast_convert_type3A_644 = tpu.bitcast %get3A_643 : vector<16xf32> -> vector<16xi32>
        %shift_left3A_645 = arith.constant 16 : i32
        %shift_left3A_646 = vector.broadcast %shift_left3A_645 : i32 to vector<16xi32>
        %shift_left3A_647 = arith.shli %bitcast_convert_type3A_634, %shift_left3A_646 : vector<16xi32>
        %bitcast_convert_type3A_648 = tpu.bitcast %shift_left3A_647 : vector<16xi32> -> vector<16xf32>
        %shift_left3A_649 = arith.constant 16 : i32
        %shift_left3A_650 = vector.broadcast %shift_left3A_649 : i32 to vector<16xi32>
        %shift_left3A_651 = arith.shli %bitcast_convert_type3A_639, %shift_left3A_650 : vector<16xi32>
        %bitcast_convert_type3A_652 = tpu.bitcast %shift_left3A_651 : vector<16xi32> -> vector<16xf32>
        %add3A_653 = arith.addf %bitcast_convert_type3A_648, %bitcast_convert_type3A_652 : vector<16xf32>
        %shift_left3A_654 = arith.constant 16 : i32
        %shift_left3A_655 = vector.broadcast %shift_left3A_654 : i32 to vector<16xi32>
        %shift_left3A_656 = arith.shli %bitcast_convert_type3A_644, %shift_left3A_655 : vector<16xi32>
        %bitcast_convert_type3A_657 = tpu.bitcast %shift_left3A_656 : vector<16xi32> -> vector<16xf32>
        %add3A_658 = arith.addf %add3A_653, %bitcast_convert_type3A_657 : vector<16xf32>
        %and3A_659 = arith.constant -65536 : i32
        %and3A_660 = vector.broadcast %and3A_659 : i32 to vector<16xi32>
        %and3A_661 = arith.andi %bitcast_convert_type3A_634, %and3A_660 : vector<16xi32>
        %bitcast_convert_type3A_662 = tpu.bitcast %and3A_661 : vector<16xi32> -> vector<16xf32>
        %and3A_663 = arith.constant -65536 : i32
        %and3A_664 = vector.broadcast %and3A_663 : i32 to vector<16xi32>
        %and3A_665 = arith.andi %bitcast_convert_type3A_639, %and3A_664 : vector<16xi32>
        %bitcast_convert_type3A_666 = tpu.bitcast %and3A_665 : vector<16xi32> -> vector<16xf32>
        %add3A_667 = arith.addf %bitcast_convert_type3A_662, %bitcast_convert_type3A_666 : vector<16xf32>
        %and3A_668 = arith.constant -65536 : i32
        %and3A_669 = vector.broadcast %and3A_668 : i32 to vector<16xi32>
        %and3A_670 = arith.andi %bitcast_convert_type3A_644, %and3A_669 : vector<16xi32>
        %bitcast_convert_type3A_671 = tpu.bitcast %and3A_670 : vector<16xi32> -> vector<16xf32>
        %add3A_672 = arith.addf %add3A_667, %bitcast_convert_type3A_671 : vector<16xf32>
        %bitcast_convert_type3A_673 = tpu.bitcast %add3A_658 : vector<16xf32> -> vector<16xi32>
        %add3A_674 = arith.constant 32768 : i32
        %add3A_675 = vector.broadcast %add3A_674 : i32 to vector<16xi32>
        %add3A_676 = arith.addi %bitcast_convert_type3A_673, %add3A_675 : vector<16xi32>
        %shift_right_logical3A_677 = arith.constant 16 : i32
        %shift_right_logical3A_678 = vector.broadcast %shift_right_logical3A_677 : i32 to vector<16xi32>
        %shift_right_logical3A_679 = arith.shrui %add3A_676, %shift_right_logical3A_678 : vector<16xi32>
        %bitcast_convert_type3A_680 = tpu.bitcast %add3A_672 : vector<16xf32> -> vector<16xi32>
        %add3A_681 = arith.constant 32768 : i32
        %add3A_682 = vector.broadcast %add3A_681 : i32 to vector<16xi32>
        %add3A_683 = arith.addi %bitcast_convert_type3A_680, %add3A_682 : vector<16xi32>
        %and3A_684 = arith.constant -65536 : i32
        %and3A_685 = vector.broadcast %and3A_684 : i32 to vector<16xi32>
        %and3A_686 = arith.andi %add3A_683, %and3A_685 : vector<16xi32>
        %or3A_687 = arith.ori %shift_right_logical3A_679, %and3A_686 : vector<16xi32>
        %bitcast_convert_type3A_688 = tpu.bitcast %or3A_687 : vector<16xi32> -> vector<16xf32>
        %swap3A_689 = arith.index_cast %scan3A_123 : i32 to index
        %swap3A_690 = arith.constant 128 : index
        %swap3A_691 = tpu.vector_load %arg15[%swap3A_689, %swap3A_690] {strides = array<i32>} : memref<64x256xf32, #tpu.memory_space<vmem>>, vector<1x16xf32>,
        %swap3A_692 = vector.shape_cast %swap3A_691 : vector<1x16xf32> to vector<16xf32>
        %swap3A_693 = vector.shape_cast %bitcast_convert_type3A_688 : vector<16xf32> to vector<1x16xf32>
        tpu.vector_store %arg15[%swap3A_689, %swap3A_690], %swap3A_693 {strides = array<i32>} : memref<64x256xf32, #tpu.memory_space<vmem>>, vector<1x16xf32>,
        %get3A_694 = arith.index_cast %scan3A_123 : i32 to index
        %get3A_695 = arith.constant 144 : index
        %get3A_696 = tpu.vector_load %arg15[%get3A_694, %get3A_695] {strides = array<i32>} : memref<64x256xf32, #tpu.memory_space<vmem>>, vector<1x16xf32>,
        %get3A_697 = vector.shape_cast %get3A_696 : vector<1x16xf32> to vector<16xf32>
        %bitcast_convert_type3A_698 = tpu.bitcast %get3A_697 : vector<16xf32> -> vector<16xi32>
        %get3A_699 = arith.index_cast %scan3A_123 : i32 to index
        %get3A_700 = arith.constant 144 : index
        %get3A_701 = tpu.vector_load %arg16[%get3A_699, %get3A_700] {strides = array<i32>} : memref<64x256xf32, #tpu.memory_space<vmem>>, vector<1x16xf32>,
        %get3A_702 = vector.shape_cast %get3A_701 : vector<1x16xf32> to vector<16xf32>
        %bitcast_convert_type3A_703 = tpu.bitcast %get3A_702 : vector<16xf32> -> vector<16xi32>
        %get3A_704 = arith.index_cast %scan3A_123 : i32 to index
        %get3A_705 = arith.constant 144 : index
        %get3A_706 = tpu.vector_load %arg17[%get3A_704, %get3A_705] {strides = array<i32>} : memref<64x256xf32, #tpu.memory_space<vmem>>, vector<1x16xf32>,
        %get3A_707 = vector.shape_cast %get3A_706 : vector<1x16xf32> to vector<16xf32>
        %bitcast_convert_type3A_708 = tpu.bitcast %get3A_707 : vector<16xf32> -> vector<16xi32>
        %shift_left3A_709 = arith.constant 16 : i32
        %shift_left3A_710 = vector.broadcast %shift_left3A_709 : i32 to vector<16xi32>
        %shift_left3A_711 = arith.shli %bitcast_convert_type3A_698, %shift_left3A_710 : vector<16xi32>
        %bitcast_convert_type3A_712 = tpu.bitcast %shift_left3A_711 : vector<16xi32> -> vector<16xf32>
        %shift_left3A_713 = arith.constant 16 : i32
        %shift_left3A_714 = vector.broadcast %shift_left3A_713 : i32 to vector<16xi32>
        %shift_left3A_715 = arith.shli %bitcast_convert_type3A_703, %shift_left3A_714 : vector<16xi32>
        %bitcast_convert_type3A_716 = tpu.bitcast %shift_left3A_715 : vector<16xi32> -> vector<16xf32>
        %add3A_717 = arith.addf %bitcast_convert_type3A_712, %bitcast_convert_type3A_716 : vector<16xf32>
        %shift_left3A_718 = arith.constant 16 : i32
        %shift_left3A_719 = vector.broadcast %shift_left3A_718 : i32 to vector<16xi32>
        %shift_left3A_720 = arith.shli %bitcast_convert_type3A_708, %shift_left3A_719 : vector<16xi32>
        %bitcast_convert_type3A_721 = tpu.bitcast %shift_left3A_720 : vector<16xi32> -> vector<16xf32>
        %add3A_722 = arith.addf %add3A_717, %bitcast_convert_type3A_721 : vector<16xf32>
        %and3A_723 = arith.constant -65536 : i32
        %and3A_724 = vector.broadcast %and3A_723 : i32 to vector<16xi32>
        %and3A_725 = arith.andi %bitcast_convert_type3A_698, %and3A_724 : vector<16xi32>
        %bitcast_convert_type3A_726 = tpu.bitcast %and3A_725 : vector<16xi32> -> vector<16xf32>
        %and3A_727 = arith.constant -65536 : i32
        %and3A_728 = vector.broadcast %and3A_727 : i32 to vector<16xi32>
        %and3A_729 = arith.andi %bitcast_convert_type3A_703, %and3A_728 : vector<16xi32>
        %bitcast_convert_type3A_730 = tpu.bitcast %and3A_729 : vector<16xi32> -> vector<16xf32>
        %add3A_731 = arith.addf %bitcast_convert_type3A_726, %bitcast_convert_type3A_730 : vector<16xf32>
        %and3A_732 = arith.constant -65536 : i32
        %and3A_733 = vector.broadcast %and3A_732 : i32 to vector<16xi32>
        %and3A_734 = arith.andi %bitcast_convert_type3A_708, %and3A_733 : vector<16xi32>
        %bitcast_convert_type3A_735 = tpu.bitcast %and3A_734 : vector<16xi32> -> vector<16xf32>
        %add3A_736 = arith.addf %add3A_731, %bitcast_convert_type3A_735 : vector<16xf32>
        %bitcast_convert_type3A_737 = tpu.bitcast %add3A_722 : vector<16xf32> -> vector<16xi32>
        %add3A_738 = arith.constant 32768 : i32
        %add3A_739 = vector.broadcast %add3A_738 : i32 to vector<16xi32>
        %add3A_740 = arith.addi %bitcast_convert_type3A_737, %add3A_739 : vector<16xi32>
        %shift_right_logical3A_741 = arith.constant 16 : i32
        %shift_right_logical3A_742 = vector.broadcast %shift_right_logical3A_741 : i32 to vector<16xi32>
        %shift_right_logical3A_743 = arith.shrui %add3A_740, %shift_right_logical3A_742 : vector<16xi32>
        %bitcast_convert_type3A_744 = tpu.bitcast %add3A_736 : vector<16xf32> -> vector<16xi32>
        %add3A_745 = arith.constant 32768 : i32
        %add3A_746 = vector.broadcast %add3A_745 : i32 to vector<16xi32>
        %add3A_747 = arith.addi %bitcast_convert_type3A_744, %add3A_746 : vector<16xi32>
        %and3A_748 = arith.constant -65536 : i32
        %and3A_749 = vector.broadcast %and3A_748 : i32 to vector<16xi32>
        %and3A_750 = arith.andi %add3A_747, %and3A_749 : vector<16xi32>
        %or3A_751 = arith.ori %shift_right_logical3A_743, %and3A_750 : vector<16xi32>
        %bitcast_convert_type3A_752 = tpu.bitcast %or3A_751 : vector<16xi32> -> vector<16xf32>
        %swap3A_753 = arith.index_cast %scan3A_123 : i32 to index
        %swap3A_754 = arith.constant 144 : index
        %swap3A_755 = tpu.vector_load %arg15[%swap3A_753, %swap3A_754] {strides = array<i32>} : memref<64x256xf32, #tpu.memory_space<vmem>>, vector<1x16xf32>,
        %swap3A_756 = vector.shape_cast %swap3A_755 : vector<1x16xf32> to vector<16xf32>
        %swap3A_757 = vector.shape_cast %bitcast_convert_type3A_752 : vector<16xf32> to vector<1x16xf32>
        tpu.vector_store %arg15[%swap3A_753, %swap3A_754], %swap3A_757 {strides = array<i32>} : memref<64x256xf32, #tpu.memory_space<vmem>>, vector<1x16xf32>,
        %get3A_758 = arith.index_cast %scan3A_123 : i32 to index
        %get3A_759 = arith.constant 160 : index
        %get3A_760 = tpu.vector_load %arg15[%get3A_758, %get3A_759] {strides = array<i32>} : memref<64x256xf32, #tpu.memory_space<vmem>>, vector<1x16xf32>,
        %get3A_761 = vector.shape_cast %get3A_760 : vector<1x16xf32> to vector<16xf32>
        %bitcast_convert_type3A_762 = tpu.bitcast %get3A_761 : vector<16xf32> -> vector<16xi32>
        %get3A_763 = arith.index_cast %scan3A_123 : i32 to index
        %get3A_764 = arith.constant 160 : index
        %get3A_765 = tpu.vector_load %arg16[%get3A_763, %get3A_764] {strides = array<i32>} : memref<64x256xf32, #tpu.memory_space<vmem>>, vector<1x16xf32>,
        %get3A_766 = vector.shape_cast %get3A_765 : vector<1x16xf32> to vector<16xf32>
        %bitcast_convert_type3A_767 = tpu.bitcast %get3A_766 : vector<16xf32> -> vector<16xi32>
        %get3A_768 = arith.index_cast %scan3A_123 : i32 to index
        %get3A_769 = arith.constant 160 : index
        %get3A_770 = tpu.vector_load %arg17[%get3A_768, %get3A_769] {strides = array<i32>} : memref<64x256xf32, #tpu.memory_space<vmem>>, vector<1x16xf32>,
        %get3A_771 = vector.shape_cast %get3A_770 : vector<1x16xf32> to vector<16xf32>
        %bitcast_convert_type3A_772 = tpu.bitcast %get3A_771 : vector<16xf32> -> vector<16xi32>
        %shift_left3A_773 = arith.constant 16 : i32
        %shift_left3A_774 = vector.broadcast %shift_left3A_773 : i32 to vector<16xi32>
        %shift_left3A_775 = arith.shli %bitcast_convert_type3A_762, %shift_left3A_774 : vector<16xi32>
        %bitcast_convert_type3A_776 = tpu.bitcast %shift_left3A_775 : vector<16xi32> -> vector<16xf32>
        %shift_left3A_777 = arith.constant 16 : i32
        %shift_left3A_778 = vector.broadcast %shift_left3A_777 : i32 to vector<16xi32>
        %shift_left3A_779 = arith.shli %bitcast_convert_type3A_767, %shift_left3A_778 : vector<16xi32>
        %bitcast_convert_type3A_780 = tpu.bitcast %shift_left3A_779 : vector<16xi32> -> vector<16xf32>
        %add3A_781 = arith.addf %bitcast_convert_type3A_776, %bitcast_convert_type3A_780 : vector<16xf32>
        %shift_left3A_782 = arith.constant 16 : i32
        %shift_left3A_783 = vector.broadcast %shift_left3A_782 : i32 to vector<16xi32>
        %shift_left3A_784 = arith.shli %bitcast_convert_type3A_772, %shift_left3A_783 : vector<16xi32>
        %bitcast_convert_type3A_785 = tpu.bitcast %shift_left3A_784 : vector<16xi32> -> vector<16xf32>
        %add3A_786 = arith.addf %add3A_781, %bitcast_convert_type3A_785 : vector<16xf32>
        %and3A_787 = arith.constant -65536 : i32
        %and3A_788 = vector.broadcast %and3A_787 : i32 to vector<16xi32>
        %and3A_789 = arith.andi %bitcast_convert_type3A_762, %and3A_788 : vector<16xi32>
        %bitcast_convert_type3A_790 = tpu.bitcast %and3A_789 : vector<16xi32> -> vector<16xf32>
        %and3A_791 = arith.constant -65536 : i32
        %and3A_792 = vector.broadcast %and3A_791 : i32 to vector<16xi32>
        %and3A_793 = arith.andi %bitcast_convert_type3A_767, %and3A_792 : vector<16xi32>
        %bitcast_convert_type3A_794 = tpu.bitcast %and3A_793 : vector<16xi32> -> vector<16xf32>
        %add3A_795 = arith.addf %bitcast_convert_type3A_790, %bitcast_convert_type3A_794 : vector<16xf32>
        %and3A_796 = arith.constant -65536 : i32
        %and3A_797 = vector.broadcast %and3A_796 : i32 to vector<16xi32>
        %and3A_798 = arith.andi %bitcast_convert_type3A_772, %and3A_797 : vector<16xi32>
        %bitcast_convert_type3A_799 = tpu.bitcast %and3A_798 : vector<16xi32> -> vector<16xf32>
        %add3A_800 = arith.addf %add3A_795, %bitcast_convert_type3A_799 : vector<16xf32>
        %bitcast_convert_type3A_801 = tpu.bitcast %add3A_786 : vector<16xf32> -> vector<16xi32>
        %add3A_802 = arith.constant 32768 : i32
        %add3A_803 = vector.broadcast %add3A_802 : i32 to vector<16xi32>
        %add3A_804 = arith.addi %bitcast_convert_type3A_801, %add3A_803 : vector<16xi32>
        %shift_right_logical3A_805 = arith.constant 16 : i32
        %shift_right_logical3A_806 = vector.broadcast %shift_right_logical3A_805 : i32 to vector<16xi32>
        %shift_right_logical3A_807 = arith.shrui %add3A_804, %shift_right_logical3A_806 : vector<16xi32>
        %bitcast_convert_type3A_808 = tpu.bitcast %add3A_800 : vector<16xf32> -> vector<16xi32>
        %add3A_809 = arith.constant 32768 : i32
        %add3A_810 = vector.broadcast %add3A_809 : i32 to vector<16xi32>
        %add3A_811 = arith.addi %bitcast_convert_type3A_808, %add3A_810 : vector<16xi32>
        %and3A_812 = arith.constant -65536 : i32
        %and3A_813 = vector.broadcast %and3A_812 : i32 to vector<16xi32>
        %and3A_814 = arith.andi %add3A_811, %and3A_813 : vector<16xi32>
        %or3A_815 = arith.ori %shift_right_logical3A_807, %and3A_814 : vector<16xi32>
        %bitcast_convert_type3A_816 = tpu.bitcast %or3A_815 : vector<16xi32> -> vector<16xf32>
        %swap3A_817 = arith.index_cast %scan3A_123 : i32 to index
        %swap3A_818 = arith.constant 160 : index
        %swap3A_819 = tpu.vector_load %arg15[%swap3A_817, %swap3A_818] {strides = array<i32>} : memref<64x256xf32, #tpu.memory_space<vmem>>, vector<1x16xf32>,
        %swap3A_820 = vector.shape_cast %swap3A_819 : vector<1x16xf32> to vector<16xf32>
        %swap3A_821 = vector.shape_cast %bitcast_convert_type3A_816 : vector<16xf32> to vector<1x16xf32>
        tpu.vector_store %arg15[%swap3A_817, %swap3A_818], %swap3A_821 {strides = array<i32>} : memref<64x256xf32, #tpu.memory_space<vmem>>, vector<1x16xf32>,
        %get3A_822 = arith.index_cast %scan3A_123 : i32 to index
        %get3A_823 = arith.constant 176 : index
        %get3A_824 = tpu.vector_load %arg15[%get3A_822, %get3A_823] {strides = array<i32>} : memref<64x256xf32, #tpu.memory_space<vmem>>, vector<1x16xf32>,
        %get3A_825 = vector.shape_cast %get3A_824 : vector<1x16xf32> to vector<16xf32>
        %bitcast_convert_type3A_826 = tpu.bitcast %get3A_825 : vector<16xf32> -> vector<16xi32>
        %get3A_827 = arith.index_cast %scan3A_123 : i32 to index
        %get3A_828 = arith.constant 176 : index
        %get3A_829 = tpu.vector_load %arg16[%get3A_827, %get3A_828] {strides = array<i32>} : memref<64x256xf32, #tpu.memory_space<vmem>>, vector<1x16xf32>,
        %get3A_830 = vector.shape_cast %get3A_829 : vector<1x16xf32> to vector<16xf32>
        %bitcast_convert_type3A_831 = tpu.bitcast %get3A_830 : vector<16xf32> -> vector<16xi32>
        %get3A_832 = arith.index_cast %scan3A_123 : i32 to index
        %get3A_833 = arith.constant 176 : index
        %get3A_834 = tpu.vector_load %arg17[%get3A_832, %get3A_833] {strides = array<i32>} : memref<64x256xf32, #tpu.memory_space<vmem>>, vector<1x16xf32>,
        %get3A_835 = vector.shape_cast %get3A_834 : vector<1x16xf32> to vector<16xf32>
        %bitcast_convert_type3A_836 = tpu.bitcast %get3A_835 : vector<16xf32> -> vector<16xi32>
        %shift_left3A_837 = arith.constant 16 : i32
        %shift_left3A_838 = vector.broadcast %shift_left3A_837 : i32 to vector<16xi32>
        %shift_left3A_839 = arith.shli %bitcast_convert_type3A_826, %shift_left3A_838 : vector<16xi32>
        %bitcast_convert_type3A_840 = tpu.bitcast %shift_left3A_839 : vector<16xi32> -> vector<16xf32>
        %shift_left3A_841 = arith.constant 16 : i32
        %shift_left3A_842 = vector.broadcast %shift_left3A_841 : i32 to vector<16xi32>
        %shift_left3A_843 = arith.shli %bitcast_convert_type3A_831, %shift_left3A_842 : vector<16xi32>
        %bitcast_convert_type3A_844 = tpu.bitcast %shift_left3A_843 : vector<16xi32> -> vector<16xf32>
        %add3A_845 = arith.addf %bitcast_convert_type3A_840, %bitcast_convert_type3A_844 : vector<16xf32>
        %shift_left3A_846 = arith.constant 16 : i32
        %shift_left3A_847 = vector.broadcast %shift_left3A_846 : i32 to vector<16xi32>
        %shift_left3A_848 = arith.shli %bitcast_convert_type3A_836, %shift_left3A_847 : vector<16xi32>
        %bitcast_convert_type3A_849 = tpu.bitcast %shift_left3A_848 : vector<16xi32> -> vector<16xf32>
        %add3A_850 = arith.addf %add3A_845, %bitcast_convert_type3A_849 : vector<16xf32>
        %and3A_851 = arith.constant -65536 : i32
        %and3A_852 = vector.broadcast %and3A_851 : i32 to vector<16xi32>
        %and3A_853 = arith.andi %bitcast_convert_type3A_826, %and3A_852 : vector<16xi32>
        %bitcast_convert_type3A_854 = tpu.bitcast %and3A_853 : vector<16xi32> -> vector<16xf32>
        %and3A_855 = arith.constant -65536 : i32
        %and3A_856 = vector.broadcast %and3A_855 : i32 to vector<16xi32>
        %and3A_857 = arith.andi %bitcast_convert_type3A_831, %and3A_856 : vector<16xi32>
        %bitcast_convert_type3A_858 = tpu.bitcast %and3A_857 : vector<16xi32> -> vector<16xf32>
        %add3A_859 = arith.addf %bitcast_convert_type3A_854, %bitcast_convert_type3A_858 : vector<16xf32>
        %and3A_860 = arith.constant -65536 : i32
        %and3A_861 = vector.broadcast %and3A_860 : i32 to vector<16xi32>
        %and3A_862 = arith.andi %bitcast_convert_type3A_836, %and3A_861 : vector<16xi32>
        %bitcast_convert_type3A_863 = tpu.bitcast %and3A_862 : vector<16xi32> -> vector<16xf32>
        %add3A_864 = arith.addf %add3A_859, %bitcast_convert_type3A_863 : vector<16xf32>
        %bitcast_convert_type3A_865 = tpu.bitcast %add3A_850 : vector<16xf32> -> vector<16xi32>
        %add3A_866 = arith.constant 32768 : i32
        %add3A_867 = vector.broadcast %add3A_866 : i32 to vector<16xi32>
        %add3A_868 = arith.addi %bitcast_convert_type3A_865, %add3A_867 : vector<16xi32>
        %shift_right_logical3A_869 = arith.constant 16 : i32
        %shift_right_logical3A_870 = vector.broadcast %shift_right_logical3A_869 : i32 to vector<16xi32>
        %shift_right_logical3A_871 = arith.shrui %add3A_868, %shift_right_logical3A_870 : vector<16xi32>
        %bitcast_convert_type3A_872 = tpu.bitcast %add3A_864 : vector<16xf32> -> vector<16xi32>
        %add3A_873 = arith.constant 32768 : i32
        %add3A_874 = vector.broadcast %add3A_873 : i32 to vector<16xi32>
        %add3A_875 = arith.addi %bitcast_convert_type3A_872, %add3A_874 : vector<16xi32>
        %and3A_876 = arith.constant -65536 : i32
        %and3A_877 = vector.broadcast %and3A_876 : i32 to vector<16xi32>
        %and3A_878 = arith.andi %add3A_875, %and3A_877 : vector<16xi32>
        %or3A_879 = arith.ori %shift_right_logical3A_871, %and3A_878 : vector<16xi32>
        %bitcast_convert_type3A_880 = tpu.bitcast %or3A_879 : vector<16xi32> -> vector<16xf32>
        %swap3A_881 = arith.index_cast %scan3A_123 : i32 to index
        %swap3A_882 = arith.constant 176 : index
        %swap3A_883 = tpu.vector_load %arg15[%swap3A_881, %swap3A_882] {strides = array<i32>} : memref<64x256xf32, #tpu.memory_space<vmem>>, vector<1x16xf32>,
        %swap3A_884 = vector.shape_cast %swap3A_883 : vector<1x16xf32> to vector<16xf32>
        %swap3A_885 = vector.shape_cast %bitcast_convert_type3A_880 : vector<16xf32> to vector<1x16xf32>
        tpu.vector_store %arg15[%swap3A_881, %swap3A_882], %swap3A_885 {strides = array<i32>} : memref<64x256xf32, #tpu.memory_space<vmem>>, vector<1x16xf32>,
        %get3A_886 = arith.index_cast %scan3A_123 : i32 to index
        %get3A_887 = arith.constant 192 : index
        %get3A_888 = tpu.vector_load %arg15[%get3A_886, %get3A_887] {strides = array<i32>} : memref<64x256xf32, #tpu.memory_space<vmem>>, vector<1x16xf32>,
        %get3A_889 = vector.shape_cast %get3A_888 : vector<1x16xf32> to vector<16xf32>
        %bitcast_convert_type3A_890 = tpu.bitcast %get3A_889 : vector<16xf32> -> vector<16xi32>
        %get3A_891 = arith.index_cast %scan3A_123 : i32 to index
        %get3A_892 = arith.constant 192 : index
        %get3A_893 = tpu.vector_load %arg16[%get3A_891, %get3A_892] {strides = array<i32>} : memref<64x256xf32, #tpu.memory_space<vmem>>, vector<1x16xf32>,
        %get3A_894 = vector.shape_cast %get3A_893 : vector<1x16xf32> to vector<16xf32>
        %bitcast_convert_type3A_895 = tpu.bitcast %get3A_894 : vector<16xf32> -> vector<16xi32>
        %get3A_896 = arith.index_cast %scan3A_123 : i32 to index
        %get3A_897 = arith.constant 192 : index
        %get3A_898 = tpu.vector_load %arg17[%get3A_896, %get3A_897] {strides = array<i32>} : memref<64x256xf32, #tpu.memory_space<vmem>>, vector<1x16xf32>,
        %get3A_899 = vector.shape_cast %get3A_898 : vector<1x16xf32> to vector<16xf32>
        %bitcast_convert_type3A_900 = tpu.bitcast %get3A_899 : vector<16xf32> -> vector<16xi32>
        %shift_left3A_901 = arith.constant 16 : i32
        %shift_left3A_902 = vector.broadcast %shift_left3A_901 : i32 to vector<16xi32>
        %shift_left3A_903 = arith.shli %bitcast_convert_type3A_890, %shift_left3A_902 : vector<16xi32>
        %bitcast_convert_type3A_904 = tpu.bitcast %shift_left3A_903 : vector<16xi32> -> vector<16xf32>
        %shift_left3A_905 = arith.constant 16 : i32
        %shift_left3A_906 = vector.broadcast %shift_left3A_905 : i32 to vector<16xi32>
        %shift_left3A_907 = arith.shli %bitcast_convert_type3A_895, %shift_left3A_906 : vector<16xi32>
        %bitcast_convert_type3A_908 = tpu.bitcast %shift_left3A_907 : vector<16xi32> -> vector<16xf32>
        %add3A_909 = arith.addf %bitcast_convert_type3A_904, %bitcast_convert_type3A_908 : vector<16xf32>
        %shift_left3A_910 = arith.constant 16 : i32
        %shift_left3A_911 = vector.broadcast %shift_left3A_910 : i32 to vector<16xi32>
        %shift_left3A_912 = arith.shli %bitcast_convert_type3A_900, %shift_left3A_911 : vector<16xi32>
        %bitcast_convert_type3A_913 = tpu.bitcast %shift_left3A_912 : vector<16xi32> -> vector<16xf32>
        %add3A_914 = arith.addf %add3A_909, %bitcast_convert_type3A_913 : vector<16xf32>
        %and3A_915 = arith.constant -65536 : i32
        %and3A_916 = vector.broadcast %and3A_915 : i32 to vector<16xi32>
        %and3A_917 = arith.andi %bitcast_convert_type3A_890, %and3A_916 : vector<16xi32>
        %bitcast_convert_type3A_918 = tpu.bitcast %and3A_917 : vector<16xi32> -> vector<16xf32>
        %and3A_919 = arith.constant -65536 : i32
        %and3A_920 = vector.broadcast %and3A_919 : i32 to vector<16xi32>
        %and3A_921 = arith.andi %bitcast_convert_type3A_895, %and3A_920 : vector<16xi32>
        %bitcast_convert_type3A_922 = tpu.bitcast %and3A_921 : vector<16xi32> -> vector<16xf32>
        %add3A_923 = arith.addf %bitcast_convert_type3A_918, %bitcast_convert_type3A_922 : vector<16xf32>
        %and3A_924 = arith.constant -65536 : i32
        %and3A_925 = vector.broadcast %and3A_924 : i32 to vector<16xi32>
        %and3A_926 = arith.andi %bitcast_convert_type3A_900, %and3A_925 : vector<16xi32>
        %bitcast_convert_type3A_927 = tpu.bitcast %and3A_926 : vector<16xi32> -> vector<16xf32>
        %add3A_928 = arith.addf %add3A_923, %bitcast_convert_type3A_927 : vector<16xf32>
        %bitcast_convert_type3A_929 = tpu.bitcast %add3A_914 : vector<16xf32> -> vector<16xi32>
        %add3A_930 = arith.constant 32768 : i32
        %add3A_931 = vector.broadcast %add3A_930 : i32 to vector<16xi32>
        %add3A_932 = arith.addi %bitcast_convert_type3A_929, %add3A_931 : vector<16xi32>
        %shift_right_logical3A_933 = arith.constant 16 : i32
        %shift_right_logical3A_934 = vector.broadcast %shift_right_logical3A_933 : i32 to vector<16xi32>
        %shift_right_logical3A_935 = arith.shrui %add3A_932, %shift_right_logical3A_934 : vector<16xi32>
        %bitcast_convert_type3A_936 = tpu.bitcast %add3A_928 : vector<16xf32> -> vector<16xi32>
        %add3A_937 = arith.constant 32768 : i32
        %add3A_938 = vector.broadcast %add3A_937 : i32 to vector<16xi32>
        %add3A_939 = arith.addi %bitcast_convert_type3A_936, %add3A_938 : vector<16xi32>
        %and3A_940 = arith.constant -65536 : i32
        %and3A_941 = vector.broadcast %and3A_940 : i32 to vector<16xi32>
        %and3A_942 = arith.andi %add3A_939, %and3A_941 : vector<16xi32>
        %or3A_943 = arith.ori %shift_right_logical3A_935, %and3A_942 : vector<16xi32>
        %bitcast_convert_type3A_944 = tpu.bitcast %or3A_943 : vector<16xi32> -> vector<16xf32>
        %swap3A_945 = arith.index_cast %scan3A_123 : i32 to index
        %swap3A_946 = arith.constant 192 : index
        %swap3A_947 = tpu.vector_load %arg15[%swap3A_945, %swap3A_946] {strides = array<i32>} : memref<64x256xf32, #tpu.memory_space<vmem>>, vector<1x16xf32>,
        %swap3A_948 = vector.shape_cast %swap3A_947 : vector<1x16xf32> to vector<16xf32>
        %swap3A_949 = vector.shape_cast %bitcast_convert_type3A_944 : vector<16xf32> to vector<1x16xf32>
        tpu.vector_store %arg15[%swap3A_945, %swap3A_946], %swap3A_949 {strides = array<i32>} : memref<64x256xf32, #tpu.memory_space<vmem>>, vector<1x16xf32>,
        %get3A_950 = arith.index_cast %scan3A_123 : i32 to index
        %get3A_951 = arith.constant 208 : index
        %get3A_952 = tpu.vector_load %arg15[%get3A_950, %get3A_951] {strides = array<i32>} : memref<64x256xf32, #tpu.memory_space<vmem>>, vector<1x16xf32>,
        %get3A_953 = vector.shape_cast %get3A_952 : vector<1x16xf32> to vector<16xf32>
        %bitcast_convert_type3A_954 = tpu.bitcast %get3A_953 : vector<16xf32> -> vector<16xi32>
        %get3A_955 = arith.index_cast %scan3A_123 : i32 to index
        %get3A_956 = arith.constant 208 : index
        %get3A_957 = tpu.vector_load %arg16[%get3A_955, %get3A_956] {strides = array<i32>} : memref<64x256xf32, #tpu.memory_space<vmem>>, vector<1x16xf32>,
        %get3A_958 = vector.shape_cast %get3A_957 : vector<1x16xf32> to vector<16xf32>
        %bitcast_convert_type3A_959 = tpu.bitcast %get3A_958 : vector<16xf32> -> vector<16xi32>
        %get3A_960 = arith.index_cast %scan3A_123 : i32 to index
        %get3A_961 = arith.constant 208 : index
        %get3A_962 = tpu.vector_load %arg17[%get3A_960, %get3A_961] {strides = array<i32>} : memref<64x256xf32, #tpu.memory_space<vmem>>, vector<1x16xf32>,
        %get3A_963 = vector.shape_cast %get3A_962 : vector<1x16xf32> to vector<16xf32>
        %bitcast_convert_type3A_964 = tpu.bitcast %get3A_963 : vector<16xf32> -> vector<16xi32>
        %shift_left3A_965 = arith.constant 16 : i32
        %shift_left3A_966 = vector.broadcast %shift_left3A_965 : i32 to vector<16xi32>
        %shift_left3A_967 = arith.shli %bitcast_convert_type3A_954, %shift_left3A_966 : vector<16xi32>
        %bitcast_convert_type3A_968 = tpu.bitcast %shift_left3A_967 : vector<16xi32> -> vector<16xf32>
        %shift_left3A_969 = arith.constant 16 : i32
        %shift_left3A_970 = vector.broadcast %shift_left3A_969 : i32 to vector<16xi32>
        %shift_left3A_971 = arith.shli %bitcast_convert_type3A_959, %shift_left3A_970 : vector<16xi32>
        %bitcast_convert_type3A_972 = tpu.bitcast %shift_left3A_971 : vector<16xi32> -> vector<16xf32>
        %add3A_973 = arith.addf %bitcast_convert_type3A_968, %bitcast_convert_type3A_972 : vector<16xf32>
        %shift_left3A_974 = arith.constant 16 : i32
        %shift_left3A_975 = vector.broadcast %shift_left3A_974 : i32 to vector<16xi32>
        %shift_left3A_976 = arith.shli %bitcast_convert_type3A_964, %shift_left3A_975 : vector<16xi32>
        %bitcast_convert_type3A_977 = tpu.bitcast %shift_left3A_976 : vector<16xi32> -> vector<16xf32>
        %add3A_978 = arith.addf %add3A_973, %bitcast_convert_type3A_977 : vector<16xf32>
        %and3A_979 = arith.constant -65536 : i32
        %and3A_980 = vector.broadcast %and3A_979 : i32 to vector<16xi32>
        %and3A_981 = arith.andi %bitcast_convert_type3A_954, %and3A_980 : vector<16xi32>
        %bitcast_convert_type3A_982 = tpu.bitcast %and3A_981 : vector<16xi32> -> vector<16xf32>
        %and3A_983 = arith.constant -65536 : i32
        %and3A_984 = vector.broadcast %and3A_983 : i32 to vector<16xi32>
        %and3A_985 = arith.andi %bitcast_convert_type3A_959, %and3A_984 : vector<16xi32>
        %bitcast_convert_type3A_986 = tpu.bitcast %and3A_985 : vector<16xi32> -> vector<16xf32>
        %add3A_987 = arith.addf %bitcast_convert_type3A_982, %bitcast_convert_type3A_986 : vector<16xf32>
        %and3A_988 = arith.constant -65536 : i32
        %and3A_989 = vector.broadcast %and3A_988 : i32 to vector<16xi32>
        %and3A_990 = arith.andi %bitcast_convert_type3A_964, %and3A_989 : vector<16xi32>
        %bitcast_convert_type3A_991 = tpu.bitcast %and3A_990 : vector<16xi32> -> vector<16xf32>
        %add3A_992 = arith.addf %add3A_987, %bitcast_convert_type3A_991 : vector<16xf32>
        %bitcast_convert_type3A_993 = tpu.bitcast %add3A_978 : vector<16xf32> -> vector<16xi32>
        %add3A_994 = arith.constant 32768 : i32
        %add3A_995 = vector.broadcast %add3A_994 : i32 to vector<16xi32>
        %add3A_996 = arith.addi %bitcast_convert_type3A_993, %add3A_995 : vector<16xi32>
        %shift_right_logical3A_997 = arith.constant 16 : i32
        %shift_right_logical3A_998 = vector.broadcast %shift_right_logical3A_997 : i32 to vector<16xi32>
        %shift_right_logical3A_999 = arith.shrui %add3A_996, %shift_right_logical3A_998 : vector<16xi32>
        %bitcast_convert_type3A_1000 = tpu.bitcast %add3A_992 : vector<16xf32> -> vector<16xi32>
        %add3A_1001 = arith.constant 32768 : i32
        %add3A_1002 = vector.broadcast %add3A_1001 : i32 to vector<16xi32>
        %add3A_1003 = arith.addi %bitcast_convert_type3A_1000, %add3A_1002 : vector<16xi32>
        %and3A_1004 = arith.constant -65536 : i32
        %and3A_1005 = vector.broadcast %and3A_1004 : i32 to vector<16xi32>
        %and3A_1006 = arith.andi %add3A_1003, %and3A_1005 : vector<16xi32>
        %or3A_1007 = arith.ori %shift_right_logical3A_999, %and3A_1006 : vector<16xi32>
        %bitcast_convert_type3A_1008 = tpu.bitcast %or3A_1007 : vector<16xi32> -> vector<16xf32>
        %swap3A_1009 = arith.index_cast %scan3A_123 : i32 to index
        %swap3A_1010 = arith.constant 208 : index
        %swap3A_1011 = tpu.vector_load %arg15[%swap3A_1009, %swap3A_1010] {strides = array<i32>} : memref<64x256xf32, #tpu.memory_space<vmem>>, vector<1x16xf32>,
        %swap3A_1012 = vector.shape_cast %swap3A_1011 : vector<1x16xf32> to vector<16xf32>
        %swap3A_1013 = vector.shape_cast %bitcast_convert_type3A_1008 : vector<16xf32> to vector<1x16xf32>
        tpu.vector_store %arg15[%swap3A_1009, %swap3A_1010], %swap3A_1013 {strides = array<i32>} : memref<64x256xf32, #tpu.memory_space<vmem>>, vector<1x16xf32>,
        %get3A_1014 = arith.index_cast %scan3A_123 : i32 to index
        %get3A_1015 = arith.constant 224 : index
        %get3A_1016 = tpu.vector_load %arg15[%get3A_1014, %get3A_1015] {strides = array<i32>} : memref<64x256xf32, #tpu.memory_space<vmem>>, vector<1x16xf32>,
        %get3A_1017 = vector.shape_cast %get3A_1016 : vector<1x16xf32> to vector<16xf32>
        %bitcast_convert_type3A_1018 = tpu.bitcast %get3A_1017 : vector<16xf32> -> vector<16xi32>
        %get3A_1019 = arith.index_cast %scan3A_123 : i32 to index
        %get3A_1020 = arith.constant 224 : index
        %get3A_1021 = tpu.vector_load %arg16[%get3A_1019, %get3A_1020] {strides = array<i32>} : memref<64x256xf32, #tpu.memory_space<vmem>>, vector<1x16xf32>,
        %get3A_1022 = vector.shape_cast %get3A_1021 : vector<1x16xf32> to vector<16xf32>
        %bitcast_convert_type3A_1023 = tpu.bitcast %get3A_1022 : vector<16xf32> -> vector<16xi32>
        %get3A_1024 = arith.index_cast %scan3A_123 : i32 to index
        %get3A_1025 = arith.constant 224 : index
        %get3A_1026 = tpu.vector_load %arg17[%get3A_1024, %get3A_1025] {strides = array<i32>} : memref<64x256xf32, #tpu.memory_space<vmem>>, vector<1x16xf32>,
        %get3A_1027 = vector.shape_cast %get3A_1026 : vector<1x16xf32> to vector<16xf32>
        %bitcast_convert_type3A_1028 = tpu.bitcast %get3A_1027 : vector<16xf32> -> vector<16xi32>
        %shift_left3A_1029 = arith.constant 16 : i32
        %shift_left3A_1030 = vector.broadcast %shift_left3A_1029 : i32 to vector<16xi32>
        %shift_left3A_1031 = arith.shli %bitcast_convert_type3A_1018, %shift_left3A_1030 : vector<16xi32>
        %bitcast_convert_type3A_1032 = tpu.bitcast %shift_left3A_1031 : vector<16xi32> -> vector<16xf32>
        %shift_left3A_1033 = arith.constant 16 : i32
        %shift_left3A_1034 = vector.broadcast %shift_left3A_1033 : i32 to vector<16xi32>
        %shift_left3A_1035 = arith.shli %bitcast_convert_type3A_1023, %shift_left3A_1034 : vector<16xi32>
        %bitcast_convert_type3A_1036 = tpu.bitcast %shift_left3A_1035 : vector<16xi32> -> vector<16xf32>
        %add3A_1037 = arith.addf %bitcast_convert_type3A_1032, %bitcast_convert_type3A_1036 : vector<16xf32>
        %shift_left3A_1038 = arith.constant 16 : i32
        %shift_left3A_1039 = vector.broadcast %shift_left3A_1038 : i32 to vector<16xi32>
        %shift_left3A_1040 = arith.shli %bitcast_convert_type3A_1028, %shift_left3A_1039 : vector<16xi32>
        %bitcast_convert_type3A_1041 = tpu.bitcast %shift_left3A_1040 : vector<16xi32> -> vector<16xf32>
        %add3A_1042 = arith.addf %add3A_1037, %bitcast_convert_type3A_1041 : vector<16xf32>
        %and3A_1043 = arith.constant -65536 : i32
        %and3A_1044 = vector.broadcast %and3A_1043 : i32 to vector<16xi32>
        %and3A_1045 = arith.andi %bitcast_convert_type3A_1018, %and3A_1044 : vector<16xi32>
        %bitcast_convert_type3A_1046 = tpu.bitcast %and3A_1045 : vector<16xi32> -> vector<16xf32>
        %and3A_1047 = arith.constant -65536 : i32
        %and3A_1048 = vector.broadcast %and3A_1047 : i32 to vector<16xi32>
        %and3A_1049 = arith.andi %bitcast_convert_type3A_1023, %and3A_1048 : vector<16xi32>
        %bitcast_convert_type3A_1050 = tpu.bitcast %and3A_1049 : vector<16xi32> -> vector<16xf32>
        %add3A_1051 = arith.addf %bitcast_convert_type3A_1046, %bitcast_convert_type3A_1050 : vector<16xf32>
        %and3A_1052 = arith.constant -65536 : i32
        %and3A_1053 = vector.broadcast %and3A_1052 : i32 to vector<16xi32>
        %and3A_1054 = arith.andi %bitcast_convert_type3A_1028, %and3A_1053 : vector<16xi32>
        %bitcast_convert_type3A_1055 = tpu.bitcast %and3A_1054 : vector<16xi32> -> vector<16xf32>
        %add3A_1056 = arith.addf %add3A_1051, %bitcast_convert_type3A_1055 : vector<16xf32>
        %bitcast_convert_type3A_1057 = tpu.bitcast %add3A_1042 : vector<16xf32> -> vector<16xi32>
        %add3A_1058 = arith.constant 32768 : i32
        %add3A_1059 = vector.broadcast %add3A_1058 : i32 to vector<16xi32>
        %add3A_1060 = arith.addi %bitcast_convert_type3A_1057, %add3A_1059 : vector<16xi32>
        %shift_right_logical3A_1061 = arith.constant 16 : i32
        %shift_right_logical3A_1062 = vector.broadcast %shift_right_logical3A_1061 : i32 to vector<16xi32>
        %shift_right_logical3A_1063 = arith.shrui %add3A_1060, %shift_right_logical3A_1062 : vector<16xi32>
        %bitcast_convert_type3A_1064 = tpu.bitcast %add3A_1056 : vector<16xf32> -> vector<16xi32>
        %add3A_1065 = arith.constant 32768 : i32
        %add3A_1066 = vector.broadcast %add3A_1065 : i32 to vector<16xi32>
        %add3A_1067 = arith.addi %bitcast_convert_type3A_1064, %add3A_1066 : vector<16xi32>
        %and3A_1068 = arith.constant -65536 : i32
        %and3A_1069 = vector.broadcast %and3A_1068 : i32 to vector<16xi32>
        %and3A_1070 = arith.andi %add3A_1067, %and3A_1069 : vector<16xi32>
        %or3A_1071 = arith.ori %shift_right_logical3A_1063, %and3A_1070 : vector<16xi32>
        %bitcast_convert_type3A_1072 = tpu.bitcast %or3A_1071 : vector<16xi32> -> vector<16xf32>
        %swap3A_1073 = arith.index_cast %scan3A_123 : i32 to index
        %swap3A_1074 = arith.constant 224 : index
        %swap3A_1075 = tpu.vector_load %arg15[%swap3A_1073, %swap3A_1074] {strides = array<i32>} : memref<64x256xf32, #tpu.memory_space<vmem>>, vector<1x16xf32>,
        %swap3A_1076 = vector.shape_cast %swap3A_1075 : vector<1x16xf32> to vector<16xf32>
        %swap3A_1077 = vector.shape_cast %bitcast_convert_type3A_1072 : vector<16xf32> to vector<1x16xf32>
        tpu.vector_store %arg15[%swap3A_1073, %swap3A_1074], %swap3A_1077 {strides = array<i32>} : memref<64x256xf32, #tpu.memory_space<vmem>>, vector<1x16xf32>,
        %get3A_1078 = arith.index_cast %scan3A_123 : i32 to index
        %get3A_1079 = arith.constant 240 : index
        %get3A_1080 = tpu.vector_load %arg15[%get3A_1078, %get3A_1079] {strides = array<i32>} : memref<64x256xf32, #tpu.memory_space<vmem>>, vector<1x16xf32>,
        %get3A_1081 = vector.shape_cast %get3A_1080 : vector<1x16xf32> to vector<16xf32>
        %bitcast_convert_type3A_1082 = tpu.bitcast %get3A_1081 : vector<16xf32> -> vector<16xi32>
        %get3A_1083 = arith.index_cast %scan3A_123 : i32 to index
        %get3A_1084 = arith.constant 240 : index
        %get3A_1085 = tpu.vector_load %arg16[%get3A_1083, %get3A_1084] {strides = array<i32>} : memref<64x256xf32, #tpu.memory_space<vmem>>, vector<1x16xf32>,
        %get3A_1086 = vector.shape_cast %get3A_1085 : vector<1x16xf32> to vector<16xf32>
        %bitcast_convert_type3A_1087 = tpu.bitcast %get3A_1086 : vector<16xf32> -> vector<16xi32>
        %get3A_1088 = arith.index_cast %scan3A_123 : i32 to index
        %get3A_1089 = arith.constant 240 : index
        %get3A_1090 = tpu.vector_load %arg17[%get3A_1088, %get3A_1089] {strides = array<i32>} : memref<64x256xf32, #tpu.memory_space<vmem>>, vector<1x16xf32>,
        %get3A_1091 = vector.shape_cast %get3A_1090 : vector<1x16xf32> to vector<16xf32>
        %bitcast_convert_type3A_1092 = tpu.bitcast %get3A_1091 : vector<16xf32> -> vector<16xi32>
        %shift_left3A_1093 = arith.constant 16 : i32
        %shift_left3A_1094 = vector.broadcast %shift_left3A_1093 : i32 to vector<16xi32>
        %shift_left3A_1095 = arith.shli %bitcast_convert_type3A_1082, %shift_left3A_1094 : vector<16xi32>
        %bitcast_convert_type3A_1096 = tpu.bitcast %shift_left3A_1095 : vector<16xi32> -> vector<16xf32>
        %shift_left3A_1097 = arith.constant 16 : i32
        %shift_left3A_1098 = vector.broadcast %shift_left3A_1097 : i32 to vector<16xi32>
        %shift_left3A_1099 = arith.shli %bitcast_convert_type3A_1087, %shift_left3A_1098 : vector<16xi32>
        %bitcast_convert_type3A_1100 = tpu.bitcast %shift_left3A_1099 : vector<16xi32> -> vector<16xf32>
        %add3A_1101 = arith.addf %bitcast_convert_type3A_1096, %bitcast_convert_type3A_1100 : vector<16xf32>
        %shift_left3A_1102 = arith.constant 16 : i32
        %shift_left3A_1103 = vector.broadcast %shift_left3A_1102 : i32 to vector<16xi32>
        %shift_left3A_1104 = arith.shli %bitcast_convert_type3A_1092, %shift_left3A_1103 : vector<16xi32>
        %bitcast_convert_type3A_1105 = tpu.bitcast %shift_left3A_1104 : vector<16xi32> -> vector<16xf32>
        %add3A_1106 = arith.addf %add3A_1101, %bitcast_convert_type3A_1105 : vector<16xf32>
        %and3A_1107 = arith.constant -65536 : i32
        %and3A_1108 = vector.broadcast %and3A_1107 : i32 to vector<16xi32>
        %and3A_1109 = arith.andi %bitcast_convert_type3A_1082, %and3A_1108 : vector<16xi32>
        %bitcast_convert_type3A_1110 = tpu.bitcast %and3A_1109 : vector<16xi32> -> vector<16xf32>
        %and3A_1111 = arith.constant -65536 : i32
        %and3A_1112 = vector.broadcast %and3A_1111 : i32 to vector<16xi32>
        %and3A_1113 = arith.andi %bitcast_convert_type3A_1087, %and3A_1112 : vector<16xi32>
        %bitcast_convert_type3A_1114 = tpu.bitcast %and3A_1113 : vector<16xi32> -> vector<16xf32>
        %add3A_1115 = arith.addf %bitcast_convert_type3A_1110, %bitcast_convert_type3A_1114 : vector<16xf32>
        %and3A_1116 = arith.constant -65536 : i32
        %and3A_1117 = vector.broadcast %and3A_1116 : i32 to vector<16xi32>
        %and3A_1118 = arith.andi %bitcast_convert_type3A_1092, %and3A_1117 : vector<16xi32>
        %bitcast_convert_type3A_1119 = tpu.bitcast %and3A_1118 : vector<16xi32> -> vector<16xf32>
        %add3A_1120 = arith.addf %add3A_1115, %bitcast_convert_type3A_1119 : vector<16xf32>
        %bitcast_convert_type3A_1121 = tpu.bitcast %add3A_1106 : vector<16xf32> -> vector<16xi32>
        %add3A_1122 = arith.constant 32768 : i32
        %add3A_1123 = vector.broadcast %add3A_1122 : i32 to vector<16xi32>
        %add3A_1124 = arith.addi %bitcast_convert_type3A_1121, %add3A_1123 : vector<16xi32>
        %shift_right_logical3A_1125 = arith.constant 16 : i32
        %shift_right_logical3A_1126 = vector.broadcast %shift_right_logical3A_1125 : i32 to vector<16xi32>
        %shift_right_logical3A_1127 = arith.shrui %add3A_1124, %shift_right_logical3A_1126 : vector<16xi32>
        %bitcast_convert_type3A_1128 = tpu.bitcast %add3A_1120 : vector<16xf32> -> vector<16xi32>
        %add3A_1129 = arith.constant 32768 : i32
        %add3A_1130 = vector.broadcast %add3A_1129 : i32 to vector<16xi32>
        %add3A_1131 = arith.addi %bitcast_convert_type3A_1128, %add3A_1130 : vector<16xi32>
        %and3A_1132 = arith.constant -65536 : i32
        %and3A_1133 = vector.broadcast %and3A_1132 : i32 to vector<16xi32>
        %and3A_1134 = arith.andi %add3A_1131, %and3A_1133 : vector<16xi32>
        %or3A_1135 = arith.ori %shift_right_logical3A_1127, %and3A_1134 : vector<16xi32>
        %bitcast_convert_type3A_1136 = tpu.bitcast %or3A_1135 : vector<16xi32> -> vector<16xf32>
        %swap3A_1137 = arith.index_cast %scan3A_123 : i32 to index
        %swap3A_1138 = arith.constant 240 : index
        %swap3A_1139 = tpu.vector_load %arg15[%swap3A_1137, %swap3A_1138] {strides = array<i32>} : memref<64x256xf32, #tpu.memory_space<vmem>>, vector<1x16xf32>,
        %swap3A_1140 = vector.shape_cast %swap3A_1139 : vector<1x16xf32> to vector<16xf32>
        %swap3A_1141 = vector.shape_cast %bitcast_convert_type3A_1136 : vector<16xf32> to vector<1x16xf32>
        tpu.vector_store %arg15[%swap3A_1137, %swap3A_1138], %swap3A_1141 {strides = array<i32>} : memref<64x256xf32, #tpu.memory_space<vmem>>, vector<1x16xf32>,
        %scan3A_1142 = arith.constant 0 : i32
        scf.yield %scan3A_1142 : i32
      }
      %scan3A_107 = arith.constant 64 : i32
      %mul3A_108 = arith.constant 64 : i32
      %mul3A_109 = arith.muli %add3A_86, %mul3A_108 : i32
      %add3A_110 = arith.addi %mul3A_2, %mul3A_109 : i32
      %dma_start3A_111 = arith.constant 0 : i32
      %dma_start3A_112 = tpu.memref_slice %arg8[%add3A_110, %dma_start3A_111] : memref<200704x256xf32, #tpu.memory_space<hbm>> -> memref<64x256xf32, #tpu.memory_space<hbm>>
      %dma_start3A_113 = arith.constant 0 : i32
      %dma_start3A_114 = tpu.memref_slice %arg8[%add3A_110, %dma_start3A_113] : memref<200704x256xf32, #tpu.memory_space<hbm>> -> memref<64x256xf32, #tpu.memory_space<hbm>>
      tpu.enqueue_dma source(%arg15 : memref<64x256xf32, #tpu.memory_space<vmem>>) target(%dma_start3A_114 : memref<64x256xf32, #tpu.memory_space<hbm>>) target_semaphore(%arg21 : memref<!tpu.dma_semaphore, #tpu.memory_space<semaphore_mem>>)
      %add3A_115 = arith.constant 3 : i32
      %add3A_116 = arith.addi %mul3A_52, %add3A_115 : i32
      %lt3A_117 = arith.constant 98 : i32
      %lt3A_118 = arith.cmpi slt, %add3A_116, %lt3A_117 : i32
      %convert_element_type3A_119 = arith.extui %lt3A_118 : i1 to i32
      %cond3A_120 = arith.constant 0 : i32
      %cond3A_121 = arith.cmpi ne, %convert_element_type3A_119, %cond3A_120 : i32
      scf.if %cond3A_121 {
        %add3A_123 = arith.constant 3 : i32
        %add3A_124 = arith.addi %mul3A_52, %add3A_123 : i32
        %mul3A_125 = arith.constant 64 : i32
        %mul3A_126 = arith.muli %add3A_124, %mul3A_125 : i32
        %sub3A = arith.constant 2 : i32
        %sub3A_127 = arith.subi %add3A_124, %sub3A : i32
        %mul3A_128 = arith.constant 64 : i32
        %mul3A_129 = arith.muli %sub3A_127, %mul3A_128 : i32
        %add3A_130 = arith.addi %mul3A_2, %mul3A_129 : i32
        %dma_wait3A_131 = arith.constant 0 : i32
        %dma_wait3A_132 = tpu.memref_slice %arg8[%add3A_130, %dma_wait3A_131] : memref<200704x256xf32, #tpu.memory_space<hbm>> -> memref<64x256xf32, #tpu.memory_space<hbm>>
        %dma_wait3A_133 = arith.constant 0 : i32
        %dma_wait3A_134 = tpu.memref_slice %arg8[%add3A_130, %dma_wait3A_133] : memref<200704x256xf32, #tpu.memory_space<hbm>> -> memref<64x256xf32, #tpu.memory_space<hbm>>
        tpu.wait_dma2 semaphore(%arg21 : memref<!tpu.dma_semaphore, #tpu.memory_space<semaphore_mem>>) src(%arg15 : memref<64x256xf32, #tpu.memory_space<vmem>>) dst(%dma_wait3A_134 : memref<64x256xf32, #tpu.memory_space<hbm>>)
        %dma_start3A_135 = tpu.memref_slice %arg9[%mul3A_126] : memref<6272xi32, #tpu.memory_space<vmem>> -> memref<64xi32, #tpu.memory_space<vmem>>
        %dma_start3A_136 = arith.constant 0 : i32
        %dma_start3A_137 = arith.constant 0 : i32
        %dma_start3A_138 = tpu.memref_slice %arg2[%dma_start3A_136, %dma_start3A_137] : memref<10000x256xf32, #tpu.memory_space<hbm>> -> memref<10000x256xf32, #tpu.memory_space<hbm>>
        tpu.enqueue_indirect_dma source(%dma_start3A_138 : memref<10000x256xf32, #tpu.memory_space<hbm>>) target(%arg15 : memref<64x256xf32, #tpu.memory_space<vmem>>) offsets(%dma_start3A_135 : memref<64xi32, #tpu.memory_space<vmem>>) semaphore(%arg19 : memref<!tpu.dma_semaphore, #tpu.memory_space<semaphore_mem>>)
        %dma_start3A_139 = tpu.memref_slice %arg10[%mul3A_126] : memref<6272xi32, #tpu.memory_space<vmem>> -> memref<64xi32, #tpu.memory_space<vmem>>
        %dma_start3A_140 = arith.constant 0 : i32
        %dma_start3A_141 = arith.constant 0 : i32
        %dma_start3A_142 = tpu.memref_slice %arg3[%dma_start3A_140, %dma_start3A_141] : memref<10000x256xf32, #tpu.memory_space<hbm>> -> memref<10000x256xf32, #tpu.memory_space<hbm>>
        tpu.enqueue_indirect_dma source(%dma_start3A_142 : memref<10000x256xf32, #tpu.memory_space<hbm>>) target(%arg16 : memref<64x256xf32, #tpu.memory_space<vmem>>) offsets(%dma_start3A_139 : memref<64xi32, #tpu.memory_space<vmem>>) semaphore(%arg19 : memref<!tpu.dma_semaphore, #tpu.memory_space<semaphore_mem>>)
        %dma_start3A_143 = tpu.memref_slice %arg11[%mul3A_126] : memref<6272xi32, #tpu.memory_space<vmem>> -> memref<64xi32, #tpu.memory_space<vmem>>
        %dma_start3A_144 = arith.constant 0 : i32
        %dma_start3A_145 = arith.constant 0 : i32
        %dma_start3A_146 = tpu.memref_slice %arg4[%dma_start3A_144, %dma_start3A_145] : memref<10000x256xf32, #tpu.memory_space<hbm>> -> memref<10000x256xf32, #tpu.memory_space<hbm>>
        tpu.enqueue_indirect_dma source(%dma_start3A_146 : memref<10000x256xf32, #tpu.memory_space<hbm>>) target(%arg17 : memref<64x256xf32, #tpu.memory_space<vmem>>) offsets(%dma_start3A_143 : memref<64xi32, #tpu.memory_space<vmem>>) semaphore(%arg19 : memref<!tpu.dma_semaphore, #tpu.memory_space<semaphore_mem>>)
      } else {
      }
      %scan3A_122 = arith.constant 0 : i32
      scf.yield %scan3A_122 : i32
    }
    %scan3A_37 = arith.constant 49 : i32
    %add3A_38 = arith.constant 6144 : i32
    %add3A_39 = arith.addi %mul3A_2, %add3A_38 : i32
    %dma_wait3A = arith.constant 0 : i32
    %dma_wait3A_40 = tpu.memref_slice %arg8[%add3A_39, %dma_wait3A] : memref<200704x256xf32, #tpu.memory_space<hbm>> -> memref<64x256xf32, #tpu.memory_space<hbm>>
    %dma_wait3A_41 = arith.constant 0 : i32
    %dma_wait3A_42 = tpu.memref_slice %arg8[%add3A_39, %dma_wait3A_41] : memref<200704x256xf32, #tpu.memory_space<hbm>> -> memref<64x256xf32, #tpu.memory_space<hbm>>
    tpu.wait_dma2 semaphore(%arg20 : memref<!tpu.dma_semaphore, #tpu.memory_space<semaphore_mem>>) src(%arg12 : memref<64x256xf32, #tpu.memory_space<vmem>>) dst(%dma_wait3A_42 : memref<64x256xf32, #tpu.memory_space<hbm>>)
    %add3A_43 = arith.constant 6208 : i32
    %add3A_44 = arith.addi %mul3A_2, %add3A_43 : i32
    %dma_wait3A_45 = arith.constant 0 : i32
    %dma_wait3A_46 = tpu.memref_slice %arg8[%add3A_44, %dma_wait3A_45] : memref<200704x256xf32, #tpu.memory_space<hbm>> -> memref<64x256xf32, #tpu.memory_space<hbm>>
    %dma_wait3A_47 = arith.constant 0 : i32
    %dma_wait3A_48 = tpu.memref_slice %arg8[%add3A_44, %dma_wait3A_47] : memref<200704x256xf32, #tpu.memory_space<hbm>> -> memref<64x256xf32, #tpu.memory_space<hbm>>
    tpu.wait_dma2 semaphore(%arg21 : memref<!tpu.dma_semaphore, #tpu.memory_space<semaphore_mem>>) src(%arg15 : memref<64x256xf32, #tpu.memory_space<vmem>>) dst(%dma_wait3A_48 : memref<64x256xf32, #tpu.memory_space<hbm>>)
    return
  }
}

#map = affine_map<(d0, d1) -> (0, 0)>
#map1 = affine_map<(d0, d1) -> (0)>
module attributes {stable_mosaic.version = 14 : i64} {
  func.func @k(%arg0: i32, %arg1: i32, %arg2: memref<200704x256xf32, #tpu.memory_space<hbm>>, %arg3: memref<200704xi32, #tpu.memory_space<hbm>>, %arg4: memref<10000x256xf32, #tpu.memory_space<hbm>>, %arg5: memref<64xi32, #tpu.memory_space<vmem>>, %arg6: memref<64xi32, #tpu.memory_space<vmem>>, %arg7: memref<64x128xf32, #tpu.memory_space<vmem>>, %arg8: memref<64x128xf32, #tpu.memory_space<vmem>>, %arg9: memref<10240x128xf32, #tpu.memory_space<vmem_shared>>, %arg10: memref<!tpu.dma_semaphore, #tpu.memory_space<semaphore_mem>>, %arg11: memref<!tpu.dma_semaphore, #tpu.memory_space<semaphore_mem>>, %arg12: memref<!tpu.dma_semaphore, #tpu.memory_space<semaphore_mem>>, %arg13: memref<!tpu.dma_semaphore, #tpu.memory_space<semaphore_mem>>) attributes {dimension_semantics = [#tpu.dimension_semantics<core_parallel>, #tpu.dimension_semantics<subcore_parallel>], iteration_bounds = array<i64: 2, 16>, scalar_prefetch = 0 : i64, scratch_operands = 9 : i64, tpu.core_type = #tpu.core_type<sc_vector_subcore>, window_params = [{transform_indices = #map}, {transform_indices = #map1}, {transform_indices = #map}]} {
    %mul3A = arith.constant 128 : i32
    %mul3A_0 = arith.muli %arg0, %mul3A : i32
    %scan3A = arith.constant 0 : i32
    %scan3A_1 = arith.constant 0 : i32
    %scan3A_2 = arith.constant 64 : i32
    %scan3A_3 = arith.addi %scan3A_1, %scan3A_2 : i32
    %scan3A_4 = arith.constant 1 : i32
    %scan3A_5 = scf.for %scan3A_42 = %scan3A_1 to %scan3A_3 step %scan3A_4 iter_args(%scan3A_43 = %scan3A) -> (i32)  : i32 {
      %broadcast_in_dim3A = arith.constant 0.000000e+00 : f32
      %broadcast_in_dim3A_44 = vector.broadcast %broadcast_in_dim3A : f32 to vector<16xf32>
      %swap3A = arith.index_cast %scan3A_42 : i32 to index
      %swap3A_45 = arith.constant 0 : index
      %swap3A_46 = tpu.vector_load %arg8[%swap3A, %swap3A_45] {strides = array<i32>} : memref<64x128xf32, #tpu.memory_space<vmem>>, vector<1x16xf32>,
      %swap3A_47 = vector.shape_cast %swap3A_46 : vector<1x16xf32> to vector<16xf32>
      %swap3A_48 = vector.shape_cast %broadcast_in_dim3A_44 : vector<16xf32> to vector<1x16xf32>
      tpu.vector_store %arg8[%swap3A, %swap3A_45], %swap3A_48 {strides = array<i32>} : memref<64x128xf32, #tpu.memory_space<vmem>>, vector<1x16xf32>,
      %broadcast_in_dim3A_49 = arith.constant 0.000000e+00 : f32
      %broadcast_in_dim3A_50 = vector.broadcast %broadcast_in_dim3A_49 : f32 to vector<16xf32>
      %swap3A_51 = arith.index_cast %scan3A_42 : i32 to index
      %swap3A_52 = arith.constant 16 : index
      %swap3A_53 = tpu.vector_load %arg8[%swap3A_51, %swap3A_52] {strides = array<i32>} : memref<64x128xf32, #tpu.memory_space<vmem>>, vector<1x16xf32>,
      %swap3A_54 = vector.shape_cast %swap3A_53 : vector<1x16xf32> to vector<16xf32>
      %swap3A_55 = vector.shape_cast %broadcast_in_dim3A_50 : vector<16xf32> to vector<1x16xf32>
      tpu.vector_store %arg8[%swap3A_51, %swap3A_52], %swap3A_55 {strides = array<i32>} : memref<64x128xf32, #tpu.memory_space<vmem>>, vector<1x16xf32>,
      %broadcast_in_dim3A_56 = arith.constant 0.000000e+00 : f32
      %broadcast_in_dim3A_57 = vector.broadcast %broadcast_in_dim3A_56 : f32 to vector<16xf32>
      %swap3A_58 = arith.index_cast %scan3A_42 : i32 to index
      %swap3A_59 = arith.constant 32 : index
      %swap3A_60 = tpu.vector_load %arg8[%swap3A_58, %swap3A_59] {strides = array<i32>} : memref<64x128xf32, #tpu.memory_space<vmem>>, vector<1x16xf32>,
      %swap3A_61 = vector.shape_cast %swap3A_60 : vector<1x16xf32> to vector<16xf32>
      %swap3A_62 = vector.shape_cast %broadcast_in_dim3A_57 : vector<16xf32> to vector<1x16xf32>
      tpu.vector_store %arg8[%swap3A_58, %swap3A_59], %swap3A_62 {strides = array<i32>} : memref<64x128xf32, #tpu.memory_space<vmem>>, vector<1x16xf32>,
      %broadcast_in_dim3A_63 = arith.constant 0.000000e+00 : f32
      %broadcast_in_dim3A_64 = vector.broadcast %broadcast_in_dim3A_63 : f32 to vector<16xf32>
      %swap3A_65 = arith.index_cast %scan3A_42 : i32 to index
      %swap3A_66 = arith.constant 48 : index
      %swap3A_67 = tpu.vector_load %arg8[%swap3A_65, %swap3A_66] {strides = array<i32>} : memref<64x128xf32, #tpu.memory_space<vmem>>, vector<1x16xf32>,
      %swap3A_68 = vector.shape_cast %swap3A_67 : vector<1x16xf32> to vector<16xf32>
      %swap3A_69 = vector.shape_cast %broadcast_in_dim3A_64 : vector<16xf32> to vector<1x16xf32>
      tpu.vector_store %arg8[%swap3A_65, %swap3A_66], %swap3A_69 {strides = array<i32>} : memref<64x128xf32, #tpu.memory_space<vmem>>, vector<1x16xf32>,
      %broadcast_in_dim3A_70 = arith.constant 0.000000e+00 : f32
      %broadcast_in_dim3A_71 = vector.broadcast %broadcast_in_dim3A_70 : f32 to vector<16xf32>
      %swap3A_72 = arith.index_cast %scan3A_42 : i32 to index
      %swap3A_73 = arith.constant 64 : index
      %swap3A_74 = tpu.vector_load %arg8[%swap3A_72, %swap3A_73] {strides = array<i32>} : memref<64x128xf32, #tpu.memory_space<vmem>>, vector<1x16xf32>,
      %swap3A_75 = vector.shape_cast %swap3A_74 : vector<1x16xf32> to vector<16xf32>
      %swap3A_76 = vector.shape_cast %broadcast_in_dim3A_71 : vector<16xf32> to vector<1x16xf32>
      tpu.vector_store %arg8[%swap3A_72, %swap3A_73], %swap3A_76 {strides = array<i32>} : memref<64x128xf32, #tpu.memory_space<vmem>>, vector<1x16xf32>,
      %broadcast_in_dim3A_77 = arith.constant 0.000000e+00 : f32
      %broadcast_in_dim3A_78 = vector.broadcast %broadcast_in_dim3A_77 : f32 to vector<16xf32>
      %swap3A_79 = arith.index_cast %scan3A_42 : i32 to index
      %swap3A_80 = arith.constant 80 : index
      %swap3A_81 = tpu.vector_load %arg8[%swap3A_79, %swap3A_80] {strides = array<i32>} : memref<64x128xf32, #tpu.memory_space<vmem>>, vector<1x16xf32>,
      %swap3A_82 = vector.shape_cast %swap3A_81 : vector<1x16xf32> to vector<16xf32>
      %swap3A_83 = vector.shape_cast %broadcast_in_dim3A_78 : vector<16xf32> to vector<1x16xf32>
      tpu.vector_store %arg8[%swap3A_79, %swap3A_80], %swap3A_83 {strides = array<i32>} : memref<64x128xf32, #tpu.memory_space<vmem>>, vector<1x16xf32>,
      %broadcast_in_dim3A_84 = arith.constant 0.000000e+00 : f32
      %broadcast_in_dim3A_85 = vector.broadcast %broadcast_in_dim3A_84 : f32 to vector<16xf32>
      %swap3A_86 = arith.index_cast %scan3A_42 : i32 to index
      %swap3A_87 = arith.constant 96 : index
      %swap3A_88 = tpu.vector_load %arg8[%swap3A_86, %swap3A_87] {strides = array<i32>} : memref<64x128xf32, #tpu.memory_space<vmem>>, vector<1x16xf32>,
      %swap3A_89 = vector.shape_cast %swap3A_88 : vector<1x16xf32> to vector<16xf32>
      %swap3A_90 = vector.shape_cast %broadcast_in_dim3A_85 : vector<16xf32> to vector<1x16xf32>
      tpu.vector_store %arg8[%swap3A_86, %swap3A_87], %swap3A_90 {strides = array<i32>} : memref<64x128xf32, #tpu.memory_space<vmem>>, vector<1x16xf32>,
      %broadcast_in_dim3A_91 = arith.constant 0.000000e+00 : f32
      %broadcast_in_dim3A_92 = vector.broadcast %broadcast_in_dim3A_91 : f32 to vector<16xf32>
      %swap3A_93 = arith.index_cast %scan3A_42 : i32 to index
      %swap3A_94 = arith.constant 112 : index
      %swap3A_95 = tpu.vector_load %arg8[%swap3A_93, %swap3A_94] {strides = array<i32>} : memref<64x128xf32, #tpu.memory_space<vmem>>, vector<1x16xf32>,
      %swap3A_96 = vector.shape_cast %swap3A_95 : vector<1x16xf32> to vector<16xf32>
      %swap3A_97 = vector.shape_cast %broadcast_in_dim3A_92 : vector<16xf32> to vector<1x16xf32>
      tpu.vector_store %arg8[%swap3A_93, %swap3A_94], %swap3A_97 {strides = array<i32>} : memref<64x128xf32, #tpu.memory_space<vmem>>, vector<1x16xf32>,
      %scan3A_98 = arith.constant 0 : i32
      scf.yield %scan3A_98 : i32
    }
    %scan3A_6 = arith.constant 64 : i32
    %scan3A_7 = arith.constant 0 : i32
    %scan3A_8 = arith.constant 0 : i32
    %scan3A_9 = arith.constant 10 : i32
    %scan3A_10 = arith.addi %scan3A_8, %scan3A_9 : i32
    %scan3A_11 = arith.constant 1 : i32
    %scan3A_12 = scf.for %scan3A_42 = %scan3A_8 to %scan3A_10 step %scan3A_11 iter_args(%scan3A_43 = %scan3A_7) -> (i32)  : i32 {
      %mul3A_44 = arith.constant 640 : i32
      %mul3A_45 = arith.muli %arg1, %mul3A_44 : i32
      %mul3A_46 = arith.constant 64 : i32
      %mul3A_47 = arith.muli %scan3A_42, %mul3A_46 : i32
      %add3A_48 = arith.addi %mul3A_45, %mul3A_47 : i32
      "tpu.region"() ({
        %run_scoped3A = tpu.sem_alloc : memref<!tpu.dma_semaphore, #tpu.memory_space<semaphore_mem>>
        %dma_start3A_50 = arith.constant 0 : i32
        %dma_start3A_51 = tpu.memref_slice %arg9[%add3A_48, %dma_start3A_50] : memref<10240x128xf32, #tpu.memory_space<vmem_shared>> -> memref<64x128xf32, #tpu.memory_space<vmem_shared>>
        %dma_start3A_52 = arith.constant 0 : i32
        %dma_start3A_53 = tpu.memref_slice %arg9[%add3A_48, %dma_start3A_52] : memref<10240x128xf32, #tpu.memory_space<vmem_shared>> -> memref<64x128xf32, #tpu.memory_space<vmem_shared>>
        tpu.enqueue_dma source(%arg8 : memref<64x128xf32, #tpu.memory_space<vmem>>) target(%dma_start3A_53 : memref<64x128xf32, #tpu.memory_space<vmem_shared>>) target_semaphore(%run_scoped3A : memref<!tpu.dma_semaphore, #tpu.memory_space<semaphore_mem>>)
        %dma_wait3A = arith.constant 0 : i32
        %dma_wait3A_54 = tpu.memref_slice %arg9[%add3A_48, %dma_wait3A] : memref<10240x128xf32, #tpu.memory_space<vmem_shared>> -> memref<64x128xf32, #tpu.memory_space<vmem_shared>>
        %dma_wait3A_55 = arith.constant 0 : i32
        %dma_wait3A_56 = tpu.memref_slice %arg9[%add3A_48, %dma_wait3A_55] : memref<10240x128xf32, #tpu.memory_space<vmem_shared>> -> memref<64x128xf32, #tpu.memory_space<vmem_shared>>
        tpu.wait_dma2 semaphore(%run_scoped3A : memref<!tpu.dma_semaphore, #tpu.memory_space<semaphore_mem>>) src(%arg8 : memref<64x128xf32, #tpu.memory_space<vmem>>) dst(%dma_wait3A_56 : memref<64x128xf32, #tpu.memory_space<vmem_shared>>)
        tpu.yield
      }) : () -> ()
      %scan3A_49 = arith.constant 0 : i32
      scf.yield %scan3A_49 : i32
    }
    %scan3A_13 = arith.constant 10 : i32
    %barrier3A = arith.constant 0 : index
    tpu.barrier barrier_id(%barrier3A)
    %mul3A_14 = arith.constant 12544 : i32
    %mul3A_15 = arith.muli %arg1, %mul3A_14 : i32
    %add3A = arith.constant 0 : i32
    %add3A_16 = arith.addi %mul3A_15, %add3A : i32
    %dma_start3A = tpu.memref_slice %arg3[%add3A_16] : memref<200704xi32, #tpu.memory_space<hbm>> -> memref<64xi32, #tpu.memory_space<hbm>>
    %dma_start3A_17 = tpu.memref_slice %arg3[%add3A_16] : memref<200704xi32, #tpu.memory_space<hbm>> -> memref<64xi32, #tpu.memory_space<hbm>>
    tpu.enqueue_dma source(%dma_start3A_17 : memref<64xi32, #tpu.memory_space<hbm>>) target(%arg5 : memref<64xi32, #tpu.memory_space<vmem>>) target_semaphore(%arg10 : memref<!tpu.dma_semaphore, #tpu.memory_space<semaphore_mem>>)
    %dma_start3A_18 = tpu.memref_slice %arg2[%add3A_16, %mul3A_0] : memref<200704x256xf32, #tpu.memory_space<hbm>> -> memref<64x128xf32, #tpu.memory_space<hbm>>
    %dma_start3A_19 = tpu.memref_slice %arg2[%add3A_16, %mul3A_0] : memref<200704x256xf32, #tpu.memory_space<hbm>> -> memref<64x128xf32, #tpu.memory_space<hbm>>
    tpu.enqueue_dma source(%dma_start3A_19 : memref<64x128xf32, #tpu.memory_space<hbm>>) target(%arg7 : memref<64x128xf32, #tpu.memory_space<vmem>>) target_semaphore(%arg10 : memref<!tpu.dma_semaphore, #tpu.memory_space<semaphore_mem>>)
    %mul3A_20 = arith.constant 12544 : i32
    %mul3A_21 = arith.muli %arg1, %mul3A_20 : i32
    %add3A_22 = arith.constant 64 : i32
    %add3A_23 = arith.addi %mul3A_21, %add3A_22 : i32
    %dma_start3A_24 = tpu.memref_slice %arg3[%add3A_23] : memref<200704xi32, #tpu.memory_space<hbm>> -> memref<64xi32, #tpu.memory_space<hbm>>
    %dma_start3A_25 = tpu.memref_slice %arg3[%add3A_23] : memref<200704xi32, #tpu.memory_space<hbm>> -> memref<64xi32, #tpu.memory_space<hbm>>
    tpu.enqueue_dma source(%dma_start3A_25 : memref<64xi32, #tpu.memory_space<hbm>>) target(%arg6 : memref<64xi32, #tpu.memory_space<vmem>>) target_semaphore(%arg11 : memref<!tpu.dma_semaphore, #tpu.memory_space<semaphore_mem>>)
    %dma_start3A_26 = tpu.memref_slice %arg2[%add3A_23, %mul3A_0] : memref<200704x256xf32, #tpu.memory_space<hbm>> -> memref<64x128xf32, #tpu.memory_space<hbm>>
    %dma_start3A_27 = tpu.memref_slice %arg2[%add3A_23, %mul3A_0] : memref<200704x256xf32, #tpu.memory_space<hbm>> -> memref<64x128xf32, #tpu.memory_space<hbm>>
    tpu.enqueue_dma source(%dma_start3A_27 : memref<64x128xf32, #tpu.memory_space<hbm>>) target(%arg8 : memref<64x128xf32, #tpu.memory_space<vmem>>) target_semaphore(%arg11 : memref<!tpu.dma_semaphore, #tpu.memory_space<semaphore_mem>>)
    %scan3A_28 = arith.constant 0 : i32
    %scan3A_29 = arith.constant 0 : i32
    %scan3A_30 = arith.constant 98 : i32
    %scan3A_31 = arith.addi %scan3A_29, %scan3A_30 : i32
    %scan3A_32 = arith.constant 1 : i32
    %scan3A_33 = scf.for %scan3A_42 = %scan3A_29 to %scan3A_31 step %scan3A_32 iter_args(%scan3A_43 = %scan3A_28) -> (i32)  : i32 {
      %mul3A_44 = arith.constant 2 : i32
      %mul3A_45 = arith.muli %mul3A_44, %scan3A_42 : i32
      %mul3A_46 = arith.constant 12544 : i32
      %mul3A_47 = arith.muli %arg1, %mul3A_46 : i32
      %mul3A_48 = arith.constant 64 : i32
      %mul3A_49 = arith.muli %mul3A_45, %mul3A_48 : i32
      %add3A_50 = arith.addi %mul3A_47, %mul3A_49 : i32
      %dma_wait3A = tpu.memref_slice %arg3[%add3A_50] : memref<200704xi32, #tpu.memory_space<hbm>> -> memref<64xi32, #tpu.memory_space<hbm>>
      %dma_wait3A_51 = tpu.memref_slice %arg3[%add3A_50] : memref<200704xi32, #tpu.memory_space<hbm>> -> memref<64xi32, #tpu.memory_space<hbm>>
      tpu.wait_dma2 semaphore(%arg10 : memref<!tpu.dma_semaphore, #tpu.memory_space<semaphore_mem>>) src(%dma_wait3A_51 : memref<64xi32, #tpu.memory_space<hbm>>) dst(%arg5 : memref<64xi32, #tpu.memory_space<vmem>>)
      %dma_wait3A_52 = tpu.memref_slice %arg2[%add3A_50, %mul3A_0] : memref<200704x256xf32, #tpu.memory_space<hbm>> -> memref<64x128xf32, #tpu.memory_space<hbm>>
      %dma_wait3A_53 = tpu.memref_slice %arg2[%add3A_50, %mul3A_0] : memref<200704x256xf32, #tpu.memory_space<hbm>> -> memref<64x128xf32, #tpu.memory_space<hbm>>
      tpu.wait_dma2 semaphore(%arg10 : memref<!tpu.dma_semaphore, #tpu.memory_space<semaphore_mem>>) src(%dma_wait3A_53 : memref<64x128xf32, #tpu.memory_space<hbm>>) dst(%arg7 : memref<64x128xf32, #tpu.memory_space<vmem>>)
      "tpu.region"() ({
        %run_scoped3A = tpu.sem_alloc : memref<!tpu.dma_semaphore, #tpu.memory_space<semaphore_mem>>
        %dma_start3A_79 = arith.constant 0 : i32
        %dma_start3A_80 = arith.constant 0 : i32
        %dma_start3A_81 = tpu.memref_slice %arg9[%dma_start3A_79, %dma_start3A_80] : memref<10240x128xf32, #tpu.memory_space<vmem_shared>> -> memref<10240x128xf32, #tpu.memory_space<vmem_shared>>
        tpu.enqueue_indirect_dma source(%arg7 : memref<64x128xf32, #tpu.memory_space<vmem>>) target(%dma_start3A_81 : memref<10240x128xf32, #tpu.memory_space<vmem_shared>>) offsets(%arg5 : memref<64xi32, #tpu.memory_space<vmem>>) semaphore(%run_scoped3A : memref<!tpu.dma_semaphore, #tpu.memory_space<semaphore_mem>>) {add = true}
        %dma_wait3A_82 = arith.constant 0 : i32
        %dma_wait3A_83 = arith.constant 0 : i32
        %dma_wait3A_84 = tpu.memref_slice %arg9[%dma_wait3A_82, %dma_wait3A_83] : memref<10240x128xf32, #tpu.memory_space<vmem_shared>> -> memref<10240x128xf32, #tpu.memory_space<vmem_shared>>
        tpu.wait_indirect_dma semaphore(%run_scoped3A : memref<!tpu.dma_semaphore, #tpu.memory_space<semaphore_mem>>) src(%arg7 : memref<64x128xf32, #tpu.memory_space<vmem>>) dst(%dma_wait3A_84 : memref<10240x128xf32, #tpu.memory_space<vmem_shared>>)
        tpu.yield
      }) : () -> ()
      %add3A_54 = arith.constant 2 : i32
      %add3A_55 = arith.addi %mul3A_45, %add3A_54 : i32
      %lt3A = arith.constant 196 : i32
      %lt3A_56 = arith.cmpi slt, %add3A_55, %lt3A : i32
      %convert_element_type3A_57 = arith.extui %lt3A_56 : i1 to i32
      %cond3A_58 = arith.constant 0 : i32
      %cond3A_59 = arith.cmpi ne, %convert_element_type3A_57, %cond3A_58 : i32
      scf.if %cond3A_59 {
        %add3A_79 = arith.constant 2 : i32
        %add3A_80 = arith.addi %mul3A_45, %add3A_79 : i32
        %mul3A_81 = arith.constant 12544 : i32
        %mul3A_82 = arith.muli %arg1, %mul3A_81 : i32
        %mul3A_83 = arith.constant 64 : i32
        %mul3A_84 = arith.muli %add3A_80, %mul3A_83 : i32
        %add3A_85 = arith.addi %mul3A_82, %mul3A_84 : i32
        %dma_start3A_86 = tpu.memref_slice %arg3[%add3A_85] : memref<200704xi32, #tpu.memory_space<hbm>> -> memref<64xi32, #tpu.memory_space<hbm>>
        %dma_start3A_87 = tpu.memref_slice %arg3[%add3A_85] : memref<200704xi32, #tpu.memory_space<hbm>> -> memref<64xi32, #tpu.memory_space<hbm>>
        tpu.enqueue_dma source(%dma_start3A_87 : memref<64xi32, #tpu.memory_space<hbm>>) target(%arg5 : memref<64xi32, #tpu.memory_space<vmem>>) target_semaphore(%arg10 : memref<!tpu.dma_semaphore, #tpu.memory_space<semaphore_mem>>)
        %dma_start3A_88 = tpu.memref_slice %arg2[%add3A_85, %mul3A_0] : memref<200704x256xf32, #tpu.memory_space<hbm>> -> memref<64x128xf32, #tpu.memory_space<hbm>>
        %dma_start3A_89 = tpu.memref_slice %arg2[%add3A_85, %mul3A_0] : memref<200704x256xf32, #tpu.memory_space<hbm>> -> memref<64x128xf32, #tpu.memory_space<hbm>>
        tpu.enqueue_dma source(%dma_start3A_89 : memref<64x128xf32, #tpu.memory_space<hbm>>) target(%arg7 : memref<64x128xf32, #tpu.memory_space<vmem>>) target_semaphore(%arg10 : memref<!tpu.dma_semaphore, #tpu.memory_space<semaphore_mem>>)
      } else {
      }
      %add3A_60 = arith.constant 1 : i32
      %add3A_61 = arith.addi %mul3A_45, %add3A_60 : i32
      %mul3A_62 = arith.constant 12544 : i32
      %mul3A_63 = arith.muli %arg1, %mul3A_62 : i32
      %mul3A_64 = arith.constant 64 : i32
      %mul3A_65 = arith.muli %add3A_61, %mul3A_64 : i32
      %add3A_66 = arith.addi %mul3A_63, %mul3A_65 : i32
      %dma_wait3A_67 = tpu.memref_slice %arg3[%add3A_66] : memref<200704xi32, #tpu.memory_space<hbm>> -> memref<64xi32, #tpu.memory_space<hbm>>
      %dma_wait3A_68 = tpu.memref_slice %arg3[%add3A_66] : memref<200704xi32, #tpu.memory_space<hbm>> -> memref<64xi32, #tpu.memory_space<hbm>>
      tpu.wait_dma2 semaphore(%arg11 : memref<!tpu.dma_semaphore, #tpu.memory_space<semaphore_mem>>) src(%dma_wait3A_68 : memref<64xi32, #tpu.memory_space<hbm>>) dst(%arg6 : memref<64xi32, #tpu.memory_space<vmem>>)
      %dma_wait3A_69 = tpu.memref_slice %arg2[%add3A_66, %mul3A_0] : memref<200704x256xf32, #tpu.memory_space<hbm>> -> memref<64x128xf32, #tpu.memory_space<hbm>>
      %dma_wait3A_70 = tpu.memref_slice %arg2[%add3A_66, %mul3A_0] : memref<200704x256xf32, #tpu.memory_space<hbm>> -> memref<64x128xf32, #tpu.memory_space<hbm>>
      tpu.wait_dma2 semaphore(%arg11 : memref<!tpu.dma_semaphore, #tpu.memory_space<semaphore_mem>>) src(%dma_wait3A_70 : memref<64x128xf32, #tpu.memory_space<hbm>>) dst(%arg8 : memref<64x128xf32, #tpu.memory_space<vmem>>)
      "tpu.region"() ({
        %run_scoped3A = tpu.sem_alloc : memref<!tpu.dma_semaphore, #tpu.memory_space<semaphore_mem>>
        %dma_start3A_79 = arith.constant 0 : i32
        %dma_start3A_80 = arith.constant 0 : i32
        %dma_start3A_81 = tpu.memref_slice %arg9[%dma_start3A_79, %dma_start3A_80] : memref<10240x128xf32, #tpu.memory_space<vmem_shared>> -> memref<10240x128xf32, #tpu.memory_space<vmem_shared>>
        tpu.enqueue_indirect_dma source(%arg8 : memref<64x128xf32, #tpu.memory_space<vmem>>) target(%dma_start3A_81 : memref<10240x128xf32, #tpu.memory_space<vmem_shared>>) offsets(%arg6 : memref<64xi32, #tpu.memory_space<vmem>>) semaphore(%run_scoped3A : memref<!tpu.dma_semaphore, #tpu.memory_space<semaphore_mem>>) {add = true}
        %dma_wait3A_82 = arith.constant 0 : i32
        %dma_wait3A_83 = arith.constant 0 : i32
        %dma_wait3A_84 = tpu.memref_slice %arg9[%dma_wait3A_82, %dma_wait3A_83] : memref<10240x128xf32, #tpu.memory_space<vmem_shared>> -> memref<10240x128xf32, #tpu.memory_space<vmem_shared>>
        tpu.wait_indirect_dma semaphore(%run_scoped3A : memref<!tpu.dma_semaphore, #tpu.memory_space<semaphore_mem>>) src(%arg8 : memref<64x128xf32, #tpu.memory_space<vmem>>) dst(%dma_wait3A_84 : memref<10240x128xf32, #tpu.memory_space<vmem_shared>>)
        tpu.yield
      }) : () -> ()
      %add3A_71 = arith.constant 3 : i32
      %add3A_72 = arith.addi %mul3A_45, %add3A_71 : i32
      %lt3A_73 = arith.constant 196 : i32
      %lt3A_74 = arith.cmpi slt, %add3A_72, %lt3A_73 : i32
      %convert_element_type3A_75 = arith.extui %lt3A_74 : i1 to i32
      %cond3A_76 = arith.constant 0 : i32
      %cond3A_77 = arith.cmpi ne, %convert_element_type3A_75, %cond3A_76 : i32
      scf.if %cond3A_77 {
        %add3A_79 = arith.constant 3 : i32
        %add3A_80 = arith.addi %mul3A_45, %add3A_79 : i32
        %mul3A_81 = arith.constant 12544 : i32
        %mul3A_82 = arith.muli %arg1, %mul3A_81 : i32
        %mul3A_83 = arith.constant 64 : i32
        %mul3A_84 = arith.muli %add3A_80, %mul3A_83 : i32
        %add3A_85 = arith.addi %mul3A_82, %mul3A_84 : i32
        %dma_start3A_86 = tpu.memref_slice %arg3[%add3A_85] : memref<200704xi32, #tpu.memory_space<hbm>> -> memref<64xi32, #tpu.memory_space<hbm>>
        %dma_start3A_87 = tpu.memref_slice %arg3[%add3A_85] : memref<200704xi32, #tpu.memory_space<hbm>> -> memref<64xi32, #tpu.memory_space<hbm>>
        tpu.enqueue_dma source(%dma_start3A_87 : memref<64xi32, #tpu.memory_space<hbm>>) target(%arg6 : memref<64xi32, #tpu.memory_space<vmem>>) target_semaphore(%arg11 : memref<!tpu.dma_semaphore, #tpu.memory_space<semaphore_mem>>)
        %dma_start3A_88 = tpu.memref_slice %arg2[%add3A_85, %mul3A_0] : memref<200704x256xf32, #tpu.memory_space<hbm>> -> memref<64x128xf32, #tpu.memory_space<hbm>>
        %dma_start3A_89 = tpu.memref_slice %arg2[%add3A_85, %mul3A_0] : memref<200704x256xf32, #tpu.memory_space<hbm>> -> memref<64x128xf32, #tpu.memory_space<hbm>>
        tpu.enqueue_dma source(%dma_start3A_89 : memref<64x128xf32, #tpu.memory_space<hbm>>) target(%arg8 : memref<64x128xf32, #tpu.memory_space<vmem>>) target_semaphore(%arg11 : memref<!tpu.dma_semaphore, #tpu.memory_space<semaphore_mem>>)
      } else {
      }
      %scan3A_78 = arith.constant 0 : i32
      scf.yield %scan3A_78 : i32
    }
    %scan3A_34 = arith.constant 98 : i32
    %barrier3A_35 = arith.constant 0 : index
    tpu.barrier barrier_id(%barrier3A_35)
    %mul3A_36 = arith.constant 624 : i32
    %mul3A_37 = arith.muli %arg1, %mul3A_36 : i32
    %mul3A_38 = arith.constant 624 : i32
    %mul3A_39 = arith.muli %arg1, %mul3A_38 : i32
    "tpu.region"() ({
      %run_scoped3A = tpu.sem_alloc : memref<!tpu.dma_semaphore, #tpu.memory_space<semaphore_mem>>
      %dma_start3A_42 = tpu.memref_slice %arg4[%mul3A_39, %mul3A_0] : memref<10000x256xf32, #tpu.memory_space<hbm>> -> memref<624x128xf32, #tpu.memory_space<hbm>>
      %dma_start3A_43 = arith.constant 0 : i32
      %dma_start3A_44 = tpu.memref_slice %arg9[%mul3A_37, %dma_start3A_43] : memref<10240x128xf32, #tpu.memory_space<vmem_shared>> -> memref<624x128xf32, #tpu.memory_space<vmem_shared>>
      tpu.enqueue_dma source(%dma_start3A_44 : memref<624x128xf32, #tpu.memory_space<vmem_shared>>) target(%dma_start3A_42 : memref<624x128xf32, #tpu.memory_space<hbm>>) target_semaphore(%run_scoped3A : memref<!tpu.dma_semaphore, #tpu.memory_space<semaphore_mem>>)
      %dma_wait3A = tpu.memref_slice %arg4[%mul3A_39, %mul3A_0] : memref<10000x256xf32, #tpu.memory_space<hbm>> -> memref<624x128xf32, #tpu.memory_space<hbm>>
      %dma_wait3A_45 = arith.constant 0 : i32
      %dma_wait3A_46 = tpu.memref_slice %arg9[%mul3A_37, %dma_wait3A_45] : memref<10240x128xf32, #tpu.memory_space<vmem_shared>> -> memref<624x128xf32, #tpu.memory_space<vmem_shared>>
      tpu.wait_dma2 semaphore(%run_scoped3A : memref<!tpu.dma_semaphore, #tpu.memory_space<semaphore_mem>>) src(%dma_wait3A_46 : memref<624x128xf32, #tpu.memory_space<vmem_shared>>) dst(%dma_wait3A : memref<624x128xf32, #tpu.memory_space<hbm>>)
      tpu.yield
    }) : () -> ()
    %eq3A = arith.constant 15 : i32
    %eq3A_40 = arith.cmpi eq, %arg1, %eq3A : i32
    %convert_element_type3A = arith.extui %eq3A_40 : i1 to i32
    %cond3A = arith.constant 0 : i32
    %cond3A_41 = arith.cmpi ne, %convert_element_type3A, %cond3A : i32
    scf.if %cond3A_41 {
      "tpu.region"() ({
        %run_scoped3A = tpu.sem_alloc : memref<!tpu.dma_semaphore, #tpu.memory_space<semaphore_mem>>
        %dma_start3A_42 = arith.constant 9984 : i32
        %dma_start3A_43 = tpu.memref_slice %arg4[%dma_start3A_42, %mul3A_0] : memref<10000x256xf32, #tpu.memory_space<hbm>> -> memref<16x128xf32, #tpu.memory_space<hbm>>
        %dma_start3A_44 = arith.constant 9984 : i32
        %dma_start3A_45 = arith.constant 0 : i32
        %dma_start3A_46 = tpu.memref_slice %arg9[%dma_start3A_44, %dma_start3A_45] : memref<10240x128xf32, #tpu.memory_space<vmem_shared>> -> memref<16x128xf32, #tpu.memory_space<vmem_shared>>
        tpu.enqueue_dma source(%dma_start3A_46 : memref<16x128xf32, #tpu.memory_space<vmem_shared>>) target(%dma_start3A_43 : memref<16x128xf32, #tpu.memory_space<hbm>>) target_semaphore(%run_scoped3A : memref<!tpu.dma_semaphore, #tpu.memory_space<semaphore_mem>>)
        %dma_wait3A = arith.constant 9984 : i32
        %dma_wait3A_47 = tpu.memref_slice %arg4[%dma_wait3A, %mul3A_0] : memref<10000x256xf32, #tpu.memory_space<hbm>> -> memref<16x128xf32, #tpu.memory_space<hbm>>
        %dma_wait3A_48 = arith.constant 9984 : i32
        %dma_wait3A_49 = arith.constant 0 : i32
        %dma_wait3A_50 = tpu.memref_slice %arg9[%dma_wait3A_48, %dma_wait3A_49] : memref<10240x128xf32, #tpu.memory_space<vmem_shared>> -> memref<16x128xf32, #tpu.memory_space<vmem_shared>>
        tpu.wait_dma2 semaphore(%run_scoped3A : memref<!tpu.dma_semaphore, #tpu.memory_space<semaphore_mem>>) src(%dma_wait3A_50 : memref<16x128xf32, #tpu.memory_space<vmem_shared>>) dst(%dma_wait3A_47 : memref<16x128xf32, #tpu.memory_space<hbm>>)
        tpu.yield
      }) : () -> ()
    } else {
    }
    return
  }
}

#map = affine_map<(d0, d1) -> (0, 0)>
#map1 = affine_map<(d0, d1) -> (0)>
module attributes {stable_mosaic.version = 14 : i64} {
  func.func @k(%arg0: i32, %arg1: i32, %arg2: memref<10000x128xf32, #tpu.memory_space<hbm>>, %arg3: memref<160000xi32, #tpu.memory_space<hbm>>, %arg4: memref<160000x128xf32, #tpu.memory_space<hbm>>, %arg5: memref<5000xi32, #tpu.memory_space<vmem>>, %arg6: memref<200x128xf32, #tpu.memory_space<vmem>>, %arg7: memref<200x128xf32, #tpu.memory_space<vmem>>, %arg8: memref<!tpu.dma_semaphore, #tpu.memory_space<semaphore_mem>>, %arg9: memref<!tpu.dma_semaphore, #tpu.memory_space<semaphore_mem>>, %arg10: memref<!tpu.dma_semaphore, #tpu.memory_space<semaphore_mem>>, %arg11: memref<!tpu.dma_semaphore, #tpu.memory_space<semaphore_mem>>) attributes {dimension_semantics = [#tpu.dimension_semantics<core_parallel>, #tpu.dimension_semantics<subcore_parallel>], iteration_bounds = array<i64: 2, 16>, scalar_prefetch = 0 : i64, scratch_operands = 7 : i64, tpu.core_type = #tpu.core_type<sc_vector_subcore>, window_params = [{transform_indices = #map}, {transform_indices = #map1}, {transform_indices = #map}]} {
    %mul3A = arith.constant 2 : i32
    %mul3A_0 = arith.muli %arg1, %mul3A : i32
    %add3A = arith.addi %mul3A_0, %arg0 : i32
    %mul3A_1 = arith.constant 5000 : i32
    %mul3A_2 = arith.muli %add3A, %mul3A_1 : i32
    "tpu.region"() ({
      %run_scoped3A = tpu.sem_alloc : memref<!tpu.dma_semaphore, #tpu.memory_space<semaphore_mem>>
      %dma_start3A_40 = tpu.memref_slice %arg3[%mul3A_2] : memref<160000xi32, #tpu.memory_space<hbm>> -> memref<5000xi32, #tpu.memory_space<hbm>>
      %dma_start3A_41 = tpu.memref_slice %arg3[%mul3A_2] : memref<160000xi32, #tpu.memory_space<hbm>> -> memref<5000xi32, #tpu.memory_space<hbm>>
      tpu.enqueue_dma source(%dma_start3A_41 : memref<5000xi32, #tpu.memory_space<hbm>>) target(%arg5 : memref<5000xi32, #tpu.memory_space<vmem>>) target_semaphore(%run_scoped3A : memref<!tpu.dma_semaphore, #tpu.memory_space<semaphore_mem>>)
      %dma_wait3A_42 = tpu.memref_slice %arg3[%mul3A_2] : memref<160000xi32, #tpu.memory_space<hbm>> -> memref<5000xi32, #tpu.memory_space<hbm>>
      %dma_wait3A_43 = tpu.memref_slice %arg3[%mul3A_2] : memref<160000xi32, #tpu.memory_space<hbm>> -> memref<5000xi32, #tpu.memory_space<hbm>>
      tpu.wait_dma2 semaphore(%run_scoped3A : memref<!tpu.dma_semaphore, #tpu.memory_space<semaphore_mem>>) src(%dma_wait3A_43 : memref<5000xi32, #tpu.memory_space<hbm>>) dst(%arg5 : memref<5000xi32, #tpu.memory_space<vmem>>)
      tpu.yield
    }) : () -> ()
    %dma_start3A = arith.constant 0 : i32
    %dma_start3A_3 = tpu.memref_slice %arg5[%dma_start3A] : memref<5000xi32, #tpu.memory_space<vmem>> -> memref<200xi32, #tpu.memory_space<vmem>>
    %dma_start3A_4 = arith.constant 0 : i32
    %dma_start3A_5 = arith.constant 0 : i32
    %dma_start3A_6 = tpu.memref_slice %arg2[%dma_start3A_4, %dma_start3A_5] : memref<10000x128xf32, #tpu.memory_space<hbm>> -> memref<10000x128xf32, #tpu.memory_space<hbm>>
    tpu.enqueue_indirect_dma source(%dma_start3A_6 : memref<10000x128xf32, #tpu.memory_space<hbm>>) target(%arg6 : memref<200x128xf32, #tpu.memory_space<vmem>>) offsets(%dma_start3A_3 : memref<200xi32, #tpu.memory_space<vmem>>) semaphore(%arg8 : memref<!tpu.dma_semaphore, #tpu.memory_space<semaphore_mem>>)
    %dma_start3A_7 = arith.constant 200 : i32
    %dma_start3A_8 = tpu.memref_slice %arg5[%dma_start3A_7] : memref<5000xi32, #tpu.memory_space<vmem>> -> memref<200xi32, #tpu.memory_space<vmem>>
    %dma_start3A_9 = arith.constant 0 : i32
    %dma_start3A_10 = arith.constant 0 : i32
    %dma_start3A_11 = tpu.memref_slice %arg2[%dma_start3A_9, %dma_start3A_10] : memref<10000x128xf32, #tpu.memory_space<hbm>> -> memref<10000x128xf32, #tpu.memory_space<hbm>>
    tpu.enqueue_indirect_dma source(%dma_start3A_11 : memref<10000x128xf32, #tpu.memory_space<hbm>>) target(%arg7 : memref<200x128xf32, #tpu.memory_space<vmem>>) offsets(%dma_start3A_8 : memref<200xi32, #tpu.memory_space<vmem>>) semaphore(%arg9 : memref<!tpu.dma_semaphore, #tpu.memory_space<semaphore_mem>>)
    %scan3A = arith.constant 0 : i32
    %scan3A_12 = arith.constant 0 : i32
    %scan3A_13 = arith.constant 12 : i32
    %scan3A_14 = arith.addi %scan3A_12, %scan3A_13 : i32
    %scan3A_15 = arith.constant 1 : i32
    %scan3A_16 = scf.for %scan3A_40 = %scan3A_12 to %scan3A_14 step %scan3A_15 iter_args(%scan3A_41 = %scan3A) -> (i32)  : i32 {
      %mul3A_42 = arith.constant 2 : i32
      %mul3A_43 = arith.muli %mul3A_42, %scan3A_40 : i32
      %mul3A_44 = arith.constant 200 : i32
      %mul3A_45 = arith.muli %mul3A_43, %mul3A_44 : i32
      %dma_wait3A_46 = tpu.memref_slice %arg5[%mul3A_45] : memref<5000xi32, #tpu.memory_space<vmem>> -> memref<200xi32, #tpu.memory_space<vmem>>
      %dma_wait3A_47 = arith.constant 0 : i32
      %dma_wait3A_48 = arith.constant 0 : i32
      %dma_wait3A_49 = tpu.memref_slice %arg2[%dma_wait3A_47, %dma_wait3A_48] : memref<10000x128xf32, #tpu.memory_space<hbm>> -> memref<10000x128xf32, #tpu.memory_space<hbm>>
      tpu.wait_indirect_dma semaphore(%arg8 : memref<!tpu.dma_semaphore, #tpu.memory_space<semaphore_mem>>) src(%dma_wait3A_49 : memref<10000x128xf32, #tpu.memory_space<hbm>>) dst(%arg6 : memref<200x128xf32, #tpu.memory_space<vmem>>)
      %mul3A_50 = arith.constant 200 : i32
      %mul3A_51 = arith.muli %mul3A_43, %mul3A_50 : i32
      %add3A_52 = arith.addi %mul3A_2, %mul3A_51 : i32
      %dma_start3A_53 = arith.constant 0 : i32
      %dma_start3A_54 = tpu.memref_slice %arg4[%add3A_52, %dma_start3A_53] : memref<160000x128xf32, #tpu.memory_space<hbm>> -> memref<200x128xf32, #tpu.memory_space<hbm>>
      %dma_start3A_55 = arith.constant 0 : i32
      %dma_start3A_56 = tpu.memref_slice %arg4[%add3A_52, %dma_start3A_55] : memref<160000x128xf32, #tpu.memory_space<hbm>> -> memref<200x128xf32, #tpu.memory_space<hbm>>
      tpu.enqueue_dma source(%arg6 : memref<200x128xf32, #tpu.memory_space<vmem>>) target(%dma_start3A_56 : memref<200x128xf32, #tpu.memory_space<hbm>>) target_semaphore(%arg10 : memref<!tpu.dma_semaphore, #tpu.memory_space<semaphore_mem>>)
      %add3A_57 = arith.constant 2 : i32
      %add3A_58 = arith.addi %mul3A_43, %add3A_57 : i32
      %lt3A = arith.constant 25 : i32
      %lt3A_59 = arith.cmpi slt, %add3A_58, %lt3A : i32
      %convert_element_type3A = arith.extui %lt3A_59 : i1 to i32
      %cond3A = arith.constant 0 : i32
      %cond3A_60 = arith.cmpi ne, %convert_element_type3A, %cond3A : i32
      scf.if %cond3A_60 {
        %add3A_84 = arith.constant 2 : i32
        %add3A_85 = arith.addi %mul3A_43, %add3A_84 : i32
        %sub3A = arith.constant 2 : i32
        %sub3A_86 = arith.subi %add3A_85, %sub3A : i32
        %mul3A_87 = arith.constant 200 : i32
        %mul3A_88 = arith.muli %sub3A_86, %mul3A_87 : i32
        %add3A_89 = arith.addi %mul3A_2, %mul3A_88 : i32
        %dma_wait3A_90 = arith.constant 0 : i32
        %dma_wait3A_91 = tpu.memref_slice %arg4[%add3A_89, %dma_wait3A_90] : memref<160000x128xf32, #tpu.memory_space<hbm>> -> memref<200x128xf32, #tpu.memory_space<hbm>>
        %dma_wait3A_92 = arith.constant 0 : i32
        %dma_wait3A_93 = tpu.memref_slice %arg4[%add3A_89, %dma_wait3A_92] : memref<160000x128xf32, #tpu.memory_space<hbm>> -> memref<200x128xf32, #tpu.memory_space<hbm>>
        tpu.wait_dma2 semaphore(%arg10 : memref<!tpu.dma_semaphore, #tpu.memory_space<semaphore_mem>>) src(%arg6 : memref<200x128xf32, #tpu.memory_space<vmem>>) dst(%dma_wait3A_93 : memref<200x128xf32, #tpu.memory_space<hbm>>)
        %mul3A_94 = arith.constant 200 : i32
        %mul3A_95 = arith.muli %add3A_85, %mul3A_94 : i32
        %dma_start3A_96 = tpu.memref_slice %arg5[%mul3A_95] : memref<5000xi32, #tpu.memory_space<vmem>> -> memref<200xi32, #tpu.memory_space<vmem>>
        %dma_start3A_97 = arith.constant 0 : i32
        %dma_start3A_98 = arith.constant 0 : i32
        %dma_start3A_99 = tpu.memref_slice %arg2[%dma_start3A_97, %dma_start3A_98] : memref<10000x128xf32, #tpu.memory_space<hbm>> -> memref<10000x128xf32, #tpu.memory_space<hbm>>
        tpu.enqueue_indirect_dma source(%dma_start3A_99 : memref<10000x128xf32, #tpu.memory_space<hbm>>) target(%arg6 : memref<200x128xf32, #tpu.memory_space<vmem>>) offsets(%dma_start3A_96 : memref<200xi32, #tpu.memory_space<vmem>>) semaphore(%arg8 : memref<!tpu.dma_semaphore, #tpu.memory_space<semaphore_mem>>)
      } else {
      }
      %add3A_61 = arith.constant 1 : i32
      %add3A_62 = arith.addi %mul3A_43, %add3A_61 : i32
      %mul3A_63 = arith.constant 200 : i32
      %mul3A_64 = arith.muli %add3A_62, %mul3A_63 : i32
      %dma_wait3A_65 = tpu.memref_slice %arg5[%mul3A_64] : memref<5000xi32, #tpu.memory_space<vmem>> -> memref<200xi32, #tpu.memory_space<vmem>>
      %dma_wait3A_66 = arith.constant 0 : i32
      %dma_wait3A_67 = arith.constant 0 : i32
      %dma_wait3A_68 = tpu.memref_slice %arg2[%dma_wait3A_66, %dma_wait3A_67] : memref<10000x128xf32, #tpu.memory_space<hbm>> -> memref<10000x128xf32, #tpu.memory_space<hbm>>
      tpu.wait_indirect_dma semaphore(%arg9 : memref<!tpu.dma_semaphore, #tpu.memory_space<semaphore_mem>>) src(%dma_wait3A_68 : memref<10000x128xf32, #tpu.memory_space<hbm>>) dst(%arg7 : memref<200x128xf32, #tpu.memory_space<vmem>>)
      %mul3A_69 = arith.constant 200 : i32
      %mul3A_70 = arith.muli %add3A_62, %mul3A_69 : i32
      %add3A_71 = arith.addi %mul3A_2, %mul3A_70 : i32
      %dma_start3A_72 = arith.constant 0 : i32
      %dma_start3A_73 = tpu.memref_slice %arg4[%add3A_71, %dma_start3A_72] : memref<160000x128xf32, #tpu.memory_space<hbm>> -> memref<200x128xf32, #tpu.memory_space<hbm>>
      %dma_start3A_74 = arith.constant 0 : i32
      %dma_start3A_75 = tpu.memref_slice %arg4[%add3A_71, %dma_start3A_74] : memref<160000x128xf32, #tpu.memory_space<hbm>> -> memref<200x128xf32, #tpu.memory_space<hbm>>
      tpu.enqueue_dma source(%arg7 : memref<200x128xf32, #tpu.memory_space<vmem>>) target(%dma_start3A_75 : memref<200x128xf32, #tpu.memory_space<hbm>>) target_semaphore(%arg11 : memref<!tpu.dma_semaphore, #tpu.memory_space<semaphore_mem>>)
      %add3A_76 = arith.constant 3 : i32
      %add3A_77 = arith.addi %mul3A_43, %add3A_76 : i32
      %lt3A_78 = arith.constant 25 : i32
      %lt3A_79 = arith.cmpi slt, %add3A_77, %lt3A_78 : i32
      %convert_element_type3A_80 = arith.extui %lt3A_79 : i1 to i32
      %cond3A_81 = arith.constant 0 : i32
      %cond3A_82 = arith.cmpi ne, %convert_element_type3A_80, %cond3A_81 : i32
      scf.if %cond3A_82 {
        %add3A_84 = arith.constant 3 : i32
        %add3A_85 = arith.addi %mul3A_43, %add3A_84 : i32
        %sub3A = arith.constant 2 : i32
        %sub3A_86 = arith.subi %add3A_85, %sub3A : i32
        %mul3A_87 = arith.constant 200 : i32
        %mul3A_88 = arith.muli %sub3A_86, %mul3A_87 : i32
        %add3A_89 = arith.addi %mul3A_2, %mul3A_88 : i32
        %dma_wait3A_90 = arith.constant 0 : i32
        %dma_wait3A_91 = tpu.memref_slice %arg4[%add3A_89, %dma_wait3A_90] : memref<160000x128xf32, #tpu.memory_space<hbm>> -> memref<200x128xf32, #tpu.memory_space<hbm>>
        %dma_wait3A_92 = arith.constant 0 : i32
        %dma_wait3A_93 = tpu.memref_slice %arg4[%add3A_89, %dma_wait3A_92] : memref<160000x128xf32, #tpu.memory_space<hbm>> -> memref<200x128xf32, #tpu.memory_space<hbm>>
        tpu.wait_dma2 semaphore(%arg11 : memref<!tpu.dma_semaphore, #tpu.memory_space<semaphore_mem>>) src(%arg7 : memref<200x128xf32, #tpu.memory_space<vmem>>) dst(%dma_wait3A_93 : memref<200x128xf32, #tpu.memory_space<hbm>>)
        %mul3A_94 = arith.constant 200 : i32
        %mul3A_95 = arith.muli %add3A_85, %mul3A_94 : i32
        %dma_start3A_96 = tpu.memref_slice %arg5[%mul3A_95] : memref<5000xi32, #tpu.memory_space<vmem>> -> memref<200xi32, #tpu.memory_space<vmem>>
        %dma_start3A_97 = arith.constant 0 : i32
        %dma_start3A_98 = arith.constant 0 : i32
        %dma_start3A_99 = tpu.memref_slice %arg2[%dma_start3A_97, %dma_start3A_98] : memref<10000x128xf32, #tpu.memory_space<hbm>> -> memref<10000x128xf32, #tpu.memory_space<hbm>>
        tpu.enqueue_indirect_dma source(%dma_start3A_99 : memref<10000x128xf32, #tpu.memory_space<hbm>>) target(%arg7 : memref<200x128xf32, #tpu.memory_space<vmem>>) offsets(%dma_start3A_96 : memref<200xi32, #tpu.memory_space<vmem>>) semaphore(%arg9 : memref<!tpu.dma_semaphore, #tpu.memory_space<semaphore_mem>>)
      } else {
      }
      %scan3A_83 = arith.constant 0 : i32
      scf.yield %scan3A_83 : i32
    }
    %scan3A_17 = arith.constant 12 : i32
    %dma_wait3A = arith.constant 4800 : i32
    %dma_wait3A_18 = tpu.memref_slice %arg5[%dma_wait3A] : memref<5000xi32, #tpu.memory_space<vmem>> -> memref<200xi32, #tpu.memory_space<vmem>>
    %dma_wait3A_19 = arith.constant 0 : i32
    %dma_wait3A_20 = arith.constant 0 : i32
    %dma_wait3A_21 = tpu.memref_slice %arg2[%dma_wait3A_19, %dma_wait3A_20] : memref<10000x128xf32, #tpu.memory_space<hbm>> -> memref<10000x128xf32, #tpu.memory_space<hbm>>
    tpu.wait_indirect_dma semaphore(%arg8 : memref<!tpu.dma_semaphore, #tpu.memory_space<semaphore_mem>>) src(%dma_wait3A_21 : memref<10000x128xf32, #tpu.memory_space<hbm>>) dst(%arg6 : memref<200x128xf32, #tpu.memory_space<vmem>>)
    %add3A_22 = arith.constant 4800 : i32
    %add3A_23 = arith.addi %mul3A_2, %add3A_22 : i32
    %dma_start3A_24 = arith.constant 0 : i32
    %dma_start3A_25 = tpu.memref_slice %arg4[%add3A_23, %dma_start3A_24] : memref<160000x128xf32, #tpu.memory_space<hbm>> -> memref<200x128xf32, #tpu.memory_space<hbm>>
    %dma_start3A_26 = arith.constant 0 : i32
    %dma_start3A_27 = tpu.memref_slice %arg4[%add3A_23, %dma_start3A_26] : memref<160000x128xf32, #tpu.memory_space<hbm>> -> memref<200x128xf32, #tpu.memory_space<hbm>>
    tpu.enqueue_dma source(%arg6 : memref<200x128xf32, #tpu.memory_space<vmem>>) target(%dma_start3A_27 : memref<200x128xf32, #tpu.memory_space<hbm>>) target_semaphore(%arg10 : memref<!tpu.dma_semaphore, #tpu.memory_space<semaphore_mem>>)
    %add3A_28 = arith.constant 4800 : i32
    %add3A_29 = arith.addi %mul3A_2, %add3A_28 : i32
    %dma_wait3A_30 = arith.constant 0 : i32
    %dma_wait3A_31 = tpu.memref_slice %arg4[%add3A_29, %dma_wait3A_30] : memref<160000x128xf32, #tpu.memory_space<hbm>> -> memref<200x128xf32, #tpu.memory_space<hbm>>
    %dma_wait3A_32 = arith.constant 0 : i32
    %dma_wait3A_33 = tpu.memref_slice %arg4[%add3A_29, %dma_wait3A_32] : memref<160000x128xf32, #tpu.memory_space<hbm>> -> memref<200x128xf32, #tpu.memory_space<hbm>>
    tpu.wait_dma2 semaphore(%arg10 : memref<!tpu.dma_semaphore, #tpu.memory_space<semaphore_mem>>) src(%arg6 : memref<200x128xf32, #tpu.memory_space<vmem>>) dst(%dma_wait3A_33 : memref<200x128xf32, #tpu.memory_space<hbm>>)
    %add3A_34 = arith.constant 4600 : i32
    %add3A_35 = arith.addi %mul3A_2, %add3A_34 : i32
    %dma_wait3A_36 = arith.constant 0 : i32
    %dma_wait3A_37 = tpu.memref_slice %arg4[%add3A_35, %dma_wait3A_36] : memref<160000x128xf32, #tpu.memory_space<hbm>> -> memref<200x128xf32, #tpu.memory_space<hbm>>
    %dma_wait3A_38 = arith.constant 0 : i32
    %dma_wait3A_39 = tpu.memref_slice %arg4[%add3A_35, %dma_wait3A_38] : memref<160000x128xf32, #tpu.memory_space<hbm>> -> memref<200x128xf32, #tpu.memory_space<hbm>>
    tpu.wait_dma2 semaphore(%arg11 : memref<!tpu.dma_semaphore, #tpu.memory_space<semaphore_mem>>) src(%arg7 : memref<200x128xf32, #tpu.memory_space<vmem>>) dst(%dma_wait3A_39 : memref<200x128xf32, #tpu.memory_space<hbm>>)
    return
  }
}

module attributes {stable_mosaic.version = 14 : i64} {
  func.func @body(%arg0: i32, %arg1: memref<400x256xf32, #tpu.memory_space<vmem>>, %arg2: memref<400x16xf32, #tpu.memory_space<vmem>>, %arg3: memref<400x16xf32, #tpu.memory_space<vmem>>, %arg4: memref<256x512xf32, #tpu.memory_space<vmem>>, %arg5: memref<256x512xf32, #tpu.memory_space<vmem>>, %arg6: memref<256x512xf32, #tpu.memory_space<vmem>>, %arg7: memref<256x512xf32, #tpu.memory_space<vmem>>, %arg8: memref<16x512xf32, #tpu.memory_space<vmem>>, %arg9: memref<16x512xf32, #tpu.memory_space<vmem>>, %arg10: memref<256x16xf32, #tpu.memory_space<vmem>>, %arg11: memref<1x512xf32, #tpu.memory_space<vmem>>, %arg12: memref<1x512xf32, #tpu.memory_space<vmem>>, %arg13: memref<1x16xf32, #tpu.memory_space<vmem>>, %arg14: memref<400x512xf32, #tpu.memory_space<vmem>>, %arg15: memref<400x256xf32, #tpu.memory_space<vmem>>, %arg16: memref<400x256xf32, #tpu.memory_space<vmem>>, %arg17: memref<400x256xf32, #tpu.memory_space<vmem>>, %arg18: memref<400x16xf32, #tpu.memory_space<vmem>>, %arg19: memref<400x128xf32, #tpu.memory_space<vmem>>) attributes {dimension_semantics = [#tpu.dimension_semantics<arbitrary>], iteration_bounds = array<i64: 25>, scalar_prefetch = 0 : i64, scratch_operands = 0 : i64, tpu.core_type = #tpu.core_type<tc>, window_params = [{transform_indices = @transform_0, window_bounds = array<i64: 400, 256>}, {transform_indices = @transform_1, window_bounds = array<i64: 400, 16>}, {transform_indices = @transform_2, window_bounds = array<i64: 400, 16>}, {pipeline_mode = #tpu.pipeline_mode<synchronous>, transform_indices = @transform_3, window_bounds = array<i64: 256, 512>}, {pipeline_mode = #tpu.pipeline_mode<synchronous>, transform_indices = @transform_4, window_bounds = array<i64: 256, 512>}, {pipeline_mode = #tpu.pipeline_mode<synchronous>, transform_indices = @transform_5, window_bounds = array<i64: 256, 512>}, {pipeline_mode = #tpu.pipeline_mode<synchronous>, transform_indices = @transform_6, window_bounds = array<i64: 256, 512>}, {pipeline_mode = #tpu.pipeline_mode<synchronous>, transform_indices = @transform_7, window_bounds = array<i64: 16, 512>}, {pipeline_mode = #tpu.pipeline_mode<synchronous>, transform_indices = @transform_8, window_bounds = array<i64: 16, 512>}, {pipeline_mode = #tpu.pipeline_mode<synchronous>, transform_indices = @transform_9, window_bounds = array<i64: 256, 16>}, {pipeline_mode = #tpu.pipeline_mode<synchronous>, transform_indices = @transform_10, window_bounds = array<i64: 1, 512>}, {pipeline_mode = #tpu.pipeline_mode<synchronous>, transform_indices = @transform_11, window_bounds = array<i64: 1, 512>}, {pipeline_mode = #tpu.pipeline_mode<synchronous>, transform_indices = @transform_12, window_bounds = array<i64: 1, 16>}, {transform_indices = @transform_13, window_bounds = array<i64: 400, 512>}, {transform_indices = @transform_14, window_bounds = array<i64: 400, 256>}, {transform_indices = @transform_15, window_bounds = array<i64: 400, 256>}, {transform_indices = @transform_16, window_bounds = array<i64: 400, 256>}, {transform_indices = @transform_17, window_bounds = array<i64: 400, 16>}, {transform_indices = @transform_18, window_bounds = array<i64: 400, 128>}]} {
    %get3A = arith.constant 0 : index
    %get3A_0 = arith.constant 0 : index
    %get3A_1 = vector.load %arg1[%get3A, %get3A_0] : memref<400x256xf32, #tpu.memory_space<vmem>>, vector<400x256xf32>
    %slice3A = vector.extract_strided_slice %get3A_1 {offsets = [0, 0], sizes = [400, 128], strides = [1, 1]} : vector<400x256xf32> to vector<400x128xf32>
    %slice3A_2 = vector.extract_strided_slice %get3A_1 {offsets = [0, 128], sizes = [400, 128], strides = [1, 1]} : vector<400x256xf32> to vector<400x128xf32>
    %convert_element_type3A = arith.truncf %slice3A : vector<400x128xf32> to vector<400x128xbf16>
    %convert_element_type3A_3 = arith.extf %convert_element_type3A : vector<400x128xbf16> to vector<400x128xf32>
    %convert_element_type3A_4 = arith.truncf %slice3A_2 : vector<400x128xf32> to vector<400x128xbf16>
    %convert_element_type3A_5 = arith.extf %convert_element_type3A_4 : vector<400x128xbf16> to vector<400x128xf32>
    %bitcast_convert_type3A = tpu.bitcast %convert_element_type3A_3 : vector<400x128xf32> -> vector<400x128xi32>
    %shift_right_logical3A = arith.constant 16 : i32
    %shift_right_logical3A_6 = vector.broadcast %shift_right_logical3A : i32 to vector<400x128xi32>
    %shift_right_logical3A_7 = arith.shrui %bitcast_convert_type3A, %shift_right_logical3A_6 : vector<400x128xi32>
    %bitcast_convert_type3A_8 = tpu.bitcast %convert_element_type3A_5 : vector<400x128xf32> -> vector<400x128xi32>
    %and3A = arith.constant -65536 : i32
    %and3A_9 = vector.broadcast %and3A : i32 to vector<400x128xi32>
    %and3A_10 = arith.andi %bitcast_convert_type3A_8, %and3A_9 : vector<400x128xi32>
    %or3A = arith.ori %shift_right_logical3A_7, %and3A_10 : vector<400x128xi32>
    %bitcast_convert_type3A_11 = tpu.bitcast %or3A : vector<400x128xi32> -> vector<400x128xf32>
    %swap3A = arith.constant 0 : index
    %swap3A_12 = arith.constant 0 : index
    %swap3A_13 = vector.load %arg19[%swap3A, %swap3A_12] : memref<400x128xf32, #tpu.memory_space<vmem>>, vector<400x128xf32>
    tpu.vector_store %arg19[%swap3A, %swap3A_12], %bitcast_convert_type3A_11 {strides = array<i32>} : memref<400x128xf32, #tpu.memory_space<vmem>>, vector<400x128xf32>,
    %get3A_14 = arith.constant 0 : index
    %get3A_15 = arith.constant 0 : index
    %get3A_16 = vector.load %arg4[%get3A_14, %get3A_15] : memref<256x512xf32, #tpu.memory_space<vmem>>, vector<256x512xf32>
    %dot_general3A = arith.constant dense<0.000000e+00> : vector<400x512xf32>
    %dot_general3A_17 = tpu.matmul %get3A_1, %get3A_16, %dot_general3A {dimension_numbers = #tpu.dot_dimension_numbers<[1], [0], [0], [1], [0, 0, 1, 1], [], []>, transpose_lhs_hint = false} : vector<400x256xf32>, vector<256x512xf32>, vector<400x512xf32> -> vector<400x512xf32>
    %get3A_18 = arith.constant 0 : index
    %get3A_19 = arith.constant 0 : index
    %get3A_20 = vector.load %arg11[%get3A_18, %get3A_19] : memref<1x512xf32, #tpu.memory_space<vmem>>, vector<1x512xf32>
    %add3A = vector.broadcast %get3A_20 : vector<1x512xf32> to vector<400x512xf32>
    %add3A_21 = arith.addf %dot_general3A_17, %add3A : vector<400x512xf32>
    %swap3A_22 = arith.constant 0 : index
    %swap3A_23 = arith.constant 0 : index
    %swap3A_24 = vector.load %arg14[%swap3A_22, %swap3A_23] : memref<400x512xf32, #tpu.memory_space<vmem>>, vector<400x512xf32>
    tpu.vector_store %arg14[%swap3A_22, %swap3A_23], %add3A_21 {strides = array<i32>} : memref<400x512xf32, #tpu.memory_space<vmem>>, vector<400x512xf32>,
    %get3A_25 = arith.constant 0 : index
    %get3A_26 = arith.constant 0 : index
    %get3A_27 = vector.load %arg5[%get3A_25, %get3A_26] : memref<256x512xf32, #tpu.memory_space<vmem>>, vector<256x512xf32>
    %dot_general3A_28 = arith.constant dense<0.000000e+00> : vector<400x512xf32>
    %dot_general3A_29 = tpu.matmul %get3A_1, %get3A_27, %dot_general3A_28 {dimension_numbers = #tpu.dot_dimension_numbers<[1], [0], [0], [1], [0, 0, 1, 1], [], []>, transpose_lhs_hint = false} : vector<400x256xf32>, vector<256x512xf32>, vector<400x512xf32> -> vector<400x512xf32>
    %get3A_30 = arith.constant 0 : index
    %get3A_31 = arith.constant 0 : index
    %get3A_32 = vector.load %arg2[%get3A_30, %get3A_31] : memref<400x16xf32, #tpu.memory_space<vmem>>, vector<400x16xf32>
    %get3A_33 = arith.constant 0 : index
    %get3A_34 = arith.constant 0 : index
    %get3A_35 = vector.load %arg8[%get3A_33, %get3A_34] : memref<16x512xf32, #tpu.memory_space<vmem>>, vector<16x512xf32>
    %dot_general3A_36 = arith.constant dense<0.000000e+00> : vector<400x512xf32>
    %dot_general3A_37 = tpu.matmul %get3A_32, %get3A_35, %dot_general3A_36 {dimension_numbers = #tpu.dot_dimension_numbers<[1], [0], [0], [1], [0, 0, 1, 1], [], []>, transpose_lhs_hint = false} : vector<400x16xf32>, vector<16x512xf32>, vector<400x512xf32> -> vector<400x512xf32>
    %add3A_38 = arith.addf %dot_general3A_29, %dot_general3A_37 : vector<400x512xf32>
    %get3A_39 = arith.constant 0 : index
    %get3A_40 = arith.constant 0 : index
    %get3A_41 = vector.load %arg3[%get3A_39, %get3A_40] : memref<400x16xf32, #tpu.memory_space<vmem>>, vector<400x16xf32>
    %get3A_42 = arith.constant 0 : index
    %get3A_43 = arith.constant 0 : index
    %get3A_44 = vector.load %arg9[%get3A_42, %get3A_43] : memref<16x512xf32, #tpu.memory_space<vmem>>, vector<16x512xf32>
    %dot_general3A_45 = arith.constant dense<0.000000e+00> : vector<400x512xf32>
    %dot_general3A_46 = tpu.matmul %get3A_41, %get3A_44, %dot_general3A_45 {dimension_numbers = #tpu.dot_dimension_numbers<[1], [0], [0], [1], [0, 0, 1, 1], [], []>, transpose_lhs_hint = false} : vector<400x16xf32>, vector<16x512xf32>, vector<400x512xf32> -> vector<400x512xf32>
    %add3A_47 = arith.addf %add3A_38, %dot_general3A_46 : vector<400x512xf32>
    %get3A_48 = arith.constant 0 : index
    %get3A_49 = arith.constant 0 : index
    %get3A_50 = vector.load %arg12[%get3A_48, %get3A_49] : memref<1x512xf32, #tpu.memory_space<vmem>>, vector<1x512xf32>
    %add3A_51 = vector.broadcast %get3A_50 : vector<1x512xf32> to vector<400x512xf32>
    %add3A_52 = arith.addf %add3A_47, %add3A_51 : vector<400x512xf32>
    %slice3A_53 = vector.extract_strided_slice %add3A_52 {offsets = [0, 0], sizes = [400, 256], strides = [1, 1]} : vector<400x512xf32> to vector<400x256xf32>
    %slice3A_54 = vector.extract_strided_slice %add3A_52 {offsets = [0, 256], sizes = [400, 256], strides = [1, 1]} : vector<400x512xf32> to vector<400x256xf32>
    %convert_element_type3A_55 = arith.truncf %slice3A_53 : vector<400x256xf32> to vector<400x256xbf16>
    %convert_element_type3A_56 = arith.extf %convert_element_type3A_55 : vector<400x256xbf16> to vector<400x256xf32>
    %convert_element_type3A_57 = arith.truncf %slice3A_54 : vector<400x256xf32> to vector<400x256xbf16>
    %convert_element_type3A_58 = arith.extf %convert_element_type3A_57 : vector<400x256xbf16> to vector<400x256xf32>
    %bitcast_convert_type3A_59 = tpu.bitcast %convert_element_type3A_56 : vector<400x256xf32> -> vector<400x256xi32>
    %shift_right_logical3A_60 = arith.constant 16 : i32
    %shift_right_logical3A_61 = vector.broadcast %shift_right_logical3A_60 : i32 to vector<400x256xi32>
    %shift_right_logical3A_62 = arith.shrui %bitcast_convert_type3A_59, %shift_right_logical3A_61 : vector<400x256xi32>
    %bitcast_convert_type3A_63 = tpu.bitcast %convert_element_type3A_58 : vector<400x256xf32> -> vector<400x256xi32>
    %and3A_64 = arith.constant -65536 : i32
    %and3A_65 = vector.broadcast %and3A_64 : i32 to vector<400x256xi32>
    %and3A_66 = arith.andi %bitcast_convert_type3A_63, %and3A_65 : vector<400x256xi32>
    %or3A_67 = arith.ori %shift_right_logical3A_62, %and3A_66 : vector<400x256xi32>
    %bitcast_convert_type3A_68 = tpu.bitcast %or3A_67 : vector<400x256xi32> -> vector<400x256xf32>
    %swap3A_69 = arith.constant 0 : index
    %swap3A_70 = arith.constant 0 : index
    %swap3A_71 = vector.load %arg15[%swap3A_69, %swap3A_70] : memref<400x256xf32, #tpu.memory_space<vmem>>, vector<400x256xf32>
    tpu.vector_store %arg15[%swap3A_69, %swap3A_70], %bitcast_convert_type3A_68 {strides = array<i32>} : memref<400x256xf32, #tpu.memory_space<vmem>>, vector<400x256xf32>,
    %get3A_72 = arith.constant 0 : index
    %get3A_73 = arith.constant 0 : index
    %get3A_74 = vector.load %arg6[%get3A_72, %get3A_73] : memref<256x512xf32, #tpu.memory_space<vmem>>, vector<256x512xf32>
    %dot_general3A_75 = arith.constant dense<0.000000e+00> : vector<400x512xf32>
    %dot_general3A_76 = tpu.matmul %get3A_1, %get3A_74, %dot_general3A_75 {dimension_numbers = #tpu.dot_dimension_numbers<[1], [0], [0], [1], [0, 0, 1, 1], [], []>, transpose_lhs_hint = false} : vector<400x256xf32>, vector<256x512xf32>, vector<400x512xf32> -> vector<400x512xf32>
    %slice3A_77 = vector.extract_strided_slice %dot_general3A_76 {offsets = [0, 0], sizes = [400, 256], strides = [1, 1]} : vector<400x512xf32> to vector<400x256xf32>
    %slice3A_78 = vector.extract_strided_slice %dot_general3A_76 {offsets = [0, 256], sizes = [400, 256], strides = [1, 1]} : vector<400x512xf32> to vector<400x256xf32>
    %convert_element_type3A_79 = arith.truncf %slice3A_77 : vector<400x256xf32> to vector<400x256xbf16>
    %convert_element_type3A_80 = arith.extf %convert_element_type3A_79 : vector<400x256xbf16> to vector<400x256xf32>
    %convert_element_type3A_81 = arith.truncf %slice3A_78 : vector<400x256xf32> to vector<400x256xbf16>
    %convert_element_type3A_82 = arith.extf %convert_element_type3A_81 : vector<400x256xbf16> to vector<400x256xf32>
    %bitcast_convert_type3A_83 = tpu.bitcast %convert_element_type3A_80 : vector<400x256xf32> -> vector<400x256xi32>
    %shift_right_logical3A_84 = arith.constant 16 : i32
    %shift_right_logical3A_85 = vector.broadcast %shift_right_logical3A_84 : i32 to vector<400x256xi32>
    %shift_right_logical3A_86 = arith.shrui %bitcast_convert_type3A_83, %shift_right_logical3A_85 : vector<400x256xi32>
    %bitcast_convert_type3A_87 = tpu.bitcast %convert_element_type3A_82 : vector<400x256xf32> -> vector<400x256xi32>
    %and3A_88 = arith.constant -65536 : i32
    %and3A_89 = vector.broadcast %and3A_88 : i32 to vector<400x256xi32>
    %and3A_90 = arith.andi %bitcast_convert_type3A_87, %and3A_89 : vector<400x256xi32>
    %or3A_91 = arith.ori %shift_right_logical3A_86, %and3A_90 : vector<400x256xi32>
    %bitcast_convert_type3A_92 = tpu.bitcast %or3A_91 : vector<400x256xi32> -> vector<400x256xf32>
    %swap3A_93 = arith.constant 0 : index
    %swap3A_94 = arith.constant 0 : index
    %swap3A_95 = vector.load %arg16[%swap3A_93, %swap3A_94] : memref<400x256xf32, #tpu.memory_space<vmem>>, vector<400x256xf32>
    tpu.vector_store %arg16[%swap3A_93, %swap3A_94], %bitcast_convert_type3A_92 {strides = array<i32>} : memref<400x256xf32, #tpu.memory_space<vmem>>, vector<400x256xf32>,
    %get3A_96 = arith.constant 0 : index
    %get3A_97 = arith.constant 0 : index
    %get3A_98 = vector.load %arg7[%get3A_96, %get3A_97] : memref<256x512xf32, #tpu.memory_space<vmem>>, vector<256x512xf32>
    %dot_general3A_99 = arith.constant dense<0.000000e+00> : vector<400x512xf32>
    %dot_general3A_100 = tpu.matmul %get3A_1, %get3A_98, %dot_general3A_99 {dimension_numbers = #tpu.dot_dimension_numbers<[1], [0], [0], [1], [0, 0, 1, 1], [], []>, transpose_lhs_hint = false} : vector<400x256xf32>, vector<256x512xf32>, vector<400x512xf32> -> vector<400x512xf32>
    %slice3A_101 = vector.extract_strided_slice %dot_general3A_100 {offsets = [0, 0], sizes = [400, 256], strides = [1, 1]} : vector<400x512xf32> to vector<400x256xf32>
    %slice3A_102 = vector.extract_strided_slice %dot_general3A_100 {offsets = [0, 256], sizes = [400, 256], strides = [1, 1]} : vector<400x512xf32> to vector<400x256xf32>
    %convert_element_type3A_103 = arith.truncf %slice3A_101 : vector<400x256xf32> to vector<400x256xbf16>
    %convert_element_type3A_104 = arith.extf %convert_element_type3A_103 : vector<400x256xbf16> to vector<400x256xf32>
    %convert_element_type3A_105 = arith.truncf %slice3A_102 : vector<400x256xf32> to vector<400x256xbf16>
    %convert_element_type3A_106 = arith.extf %convert_element_type3A_105 : vector<400x256xbf16> to vector<400x256xf32>
    %bitcast_convert_type3A_107 = tpu.bitcast %convert_element_type3A_104 : vector<400x256xf32> -> vector<400x256xi32>
    %shift_right_logical3A_108 = arith.constant 16 : i32
    %shift_right_logical3A_109 = vector.broadcast %shift_right_logical3A_108 : i32 to vector<400x256xi32>
    %shift_right_logical3A_110 = arith.shrui %bitcast_convert_type3A_107, %shift_right_logical3A_109 : vector<400x256xi32>
    %bitcast_convert_type3A_111 = tpu.bitcast %convert_element_type3A_106 : vector<400x256xf32> -> vector<400x256xi32>
    %and3A_112 = arith.constant -65536 : i32
    %and3A_113 = vector.broadcast %and3A_112 : i32 to vector<400x256xi32>
    %and3A_114 = arith.andi %bitcast_convert_type3A_111, %and3A_113 : vector<400x256xi32>
    %or3A_115 = arith.ori %shift_right_logical3A_110, %and3A_114 : vector<400x256xi32>
    %bitcast_convert_type3A_116 = tpu.bitcast %or3A_115 : vector<400x256xi32> -> vector<400x256xf32>
    %swap3A_117 = arith.constant 0 : index
    %swap3A_118 = arith.constant 0 : index
    %swap3A_119 = vector.load %arg17[%swap3A_117, %swap3A_118] : memref<400x256xf32, #tpu.memory_space<vmem>>, vector<400x256xf32>
    tpu.vector_store %arg17[%swap3A_117, %swap3A_118], %bitcast_convert_type3A_116 {strides = array<i32>} : memref<400x256xf32, #tpu.memory_space<vmem>>, vector<400x256xf32>,
    %get3A_120 = arith.constant 0 : index
    %get3A_121 = arith.constant 0 : index
    %get3A_122 = vector.load %arg10[%get3A_120, %get3A_121] : memref<256x16xf32, #tpu.memory_space<vmem>>, vector<256x16xf32>
    %dot_general3A_123 = arith.constant dense<0.000000e+00> : vector<400x16xf32>
    %dot_general3A_124 = tpu.matmul %get3A_1, %get3A_122, %dot_general3A_123 {dimension_numbers = #tpu.dot_dimension_numbers<[1], [0], [0], [1], [0, 0, 1, 1], [], []>, transpose_lhs_hint = false} : vector<400x256xf32>, vector<256x16xf32>, vector<400x16xf32> -> vector<400x16xf32>
    %get3A_125 = arith.constant 0 : index
    %get3A_126 = arith.constant 0 : index
    %get3A_127 = vector.load %arg13[%get3A_125, %get3A_126] : memref<1x16xf32, #tpu.memory_space<vmem>>, vector<1x16xf32>
    %add3A_128 = vector.broadcast %get3A_127 : vector<1x16xf32> to vector<400x16xf32>
    %add3A_129 = arith.addf %dot_general3A_124, %add3A_128 : vector<400x16xf32>
    %swap3A_130 = arith.constant 0 : index
    %swap3A_131 = arith.constant 0 : index
    %swap3A_132 = vector.load %arg18[%swap3A_130, %swap3A_131] : memref<400x16xf32, #tpu.memory_space<vmem>>, vector<400x16xf32>
    tpu.vector_store %arg18[%swap3A_130, %swap3A_131], %add3A_129 {strides = array<i32>} : memref<400x16xf32, #tpu.memory_space<vmem>>, vector<400x16xf32>,
    return
  }
  func.func @transform_0(%arg0: i32) -> (i32, i32) {
    %c0_i32 = arith.constant 0 : i32
    %c0_i32_0 = arith.constant 0 : i32
    return %arg0, %c0_i32 : i32, i32
  }
  func.func @transform_1(%arg0: i32) -> (i32, i32) {
    %c0_i32 = arith.constant 0 : i32
    %c0_i32_0 = arith.constant 0 : i32
    return %arg0, %c0_i32 : i32, i32
  }
  func.func @transform_2(%arg0: i32) -> (i32, i32) {
    %c0_i32 = arith.constant 0 : i32
    %c0_i32_0 = arith.constant 0 : i32
    return %arg0, %c0_i32 : i32, i32
  }
  func.func @transform_3(%arg0: i32) -> (i32, i32) {
    %c0_i32 = arith.constant 0 : i32
    %c0_i32_0 = arith.constant 0 : i32
    %c0_i32_1 = arith.constant 0 : i32
    return %c0_i32, %c0_i32_0 : i32, i32
  }
  func.func @transform_4(%arg0: i32) -> (i32, i32) {
    %c0_i32 = arith.constant 0 : i32
    %c0_i32_0 = arith.constant 0 : i32
    %c0_i32_1 = arith.constant 0 : i32
    return %c0_i32, %c0_i32_0 : i32, i32
  }
  func.func @transform_5(%arg0: i32) -> (i32, i32) {
    %c0_i32 = arith.constant 0 : i32
    %c0_i32_0 = arith.constant 0 : i32
    %c0_i32_1 = arith.constant 0 : i32
    return %c0_i32, %c0_i32_0 : i32, i32
  }
  func.func @transform_6(%arg0: i32) -> (i32, i32) {
    %c0_i32 = arith.constant 0 : i32
    %c0_i32_0 = arith.constant 0 : i32
    %c0_i32_1 = arith.constant 0 : i32
    return %c0_i32, %c0_i32_0 : i32, i32
  }
  func.func @transform_7(%arg0: i32) -> (i32, i32) {
    %c0_i32 = arith.constant 0 : i32
    %c0_i32_0 = arith.constant 0 : i32
    %c0_i32_1 = arith.constant 0 : i32
    return %c0_i32, %c0_i32_0 : i32, i32
  }
  func.func @transform_8(%arg0: i32) -> (i32, i32) {
    %c0_i32 = arith.constant 0 : i32
    %c0_i32_0 = arith.constant 0 : i32
    %c0_i32_1 = arith.constant 0 : i32
    return %c0_i32, %c0_i32_0 : i32, i32
  }
  func.func @transform_9(%arg0: i32) -> (i32, i32) {
    %c0_i32 = arith.constant 0 : i32
    %c0_i32_0 = arith.constant 0 : i32
    %c0_i32_1 = arith.constant 0 : i32
    return %c0_i32, %c0_i32_0 : i32, i32
  }
  func.func @transform_10(%arg0: i32) -> (i32, i32) {
    %c0_i32 = arith.constant 0 : i32
    %c0_i32_0 = arith.constant 0 : i32
    %c0_i32_1 = arith.constant 0 : i32
    return %c0_i32, %c0_i32_0 : i32, i32
  }
  func.func @transform_11(%arg0: i32) -> (i32, i32) {
    %c0_i32 = arith.constant 0 : i32
    %c0_i32_0 = arith.constant 0 : i32
    %c0_i32_1 = arith.constant 0 : i32
    return %c0_i32, %c0_i32_0 : i32, i32
  }
  func.func @transform_12(%arg0: i32) -> (i32, i32) {
    %c0_i32 = arith.constant 0 : i32
    %c0_i32_0 = arith.constant 0 : i32
    %c0_i32_1 = arith.constant 0 : i32
    return %c0_i32, %c0_i32_0 : i32, i32
  }
  func.func @transform_13(%arg0: i32) -> (i32, i32) {
    %c0_i32 = arith.constant 0 : i32
    %c0_i32_0 = arith.constant 0 : i32
    return %arg0, %c0_i32 : i32, i32
  }
  func.func @transform_14(%arg0: i32) -> (i32, i32) {
    %c0_i32 = arith.constant 0 : i32
    %c0_i32_0 = arith.constant 0 : i32
    return %arg0, %c0_i32 : i32, i32
  }
  func.func @transform_15(%arg0: i32) -> (i32, i32) {
    %c0_i32 = arith.constant 0 : i32
    %c0_i32_0 = arith.constant 0 : i32
    return %arg0, %c0_i32 : i32, i32
  }
  func.func @transform_16(%arg0: i32) -> (i32, i32) {
    %c0_i32 = arith.constant 0 : i32
    %c0_i32_0 = arith.constant 0 : i32
    return %arg0, %c0_i32 : i32, i32
  }
  func.func @transform_17(%arg0: i32) -> (i32, i32) {
    %c0_i32 = arith.constant 0 : i32
    %c0_i32_0 = arith.constant 0 : i32
    return %arg0, %c0_i32 : i32, i32
  }
  func.func @transform_18(%arg0: i32) -> (i32, i32) {
    %c0_i32 = arith.constant 0 : i32
    %c0_i32_0 = arith.constant 0 : i32
    return %arg0, %c0_i32 : i32, i32
  }
}

module attributes {stable_mosaic.version = 14 : i64} {
  func.func @body(%arg0: i32, %arg1: memref<1024x256xf32, #tpu.memory_space<vmem>>, %arg2: memref<1024x256xf32, #tpu.memory_space<vmem>>) attributes {dimension_semantics = [#tpu.dimension_semantics<arbitrary>], iteration_bounds = array<i64: 196>, scalar_prefetch = 0 : i64, scratch_operands = 0 : i64, tpu.core_type = #tpu.core_type<tc>, window_params = [{transform_indices = @transform_0, window_bounds = array<i64: 1024, 256>}, {transform_indices = @transform_1, window_bounds = array<i64: 1024, 256>}]} {
    %get3A = arith.constant 0 : index
    %get3A_0 = arith.constant 0 : index
    %get3A_1 = vector.load %arg1[%get3A, %get3A_0] : memref<1024x256xf32, #tpu.memory_space<vmem>>, vector<1024x256xf32>
    %bitcast_convert_type3A = tpu.bitcast %get3A_1 : vector<1024x256xf32> -> vector<1024x256xi32>
    %shift_left3A = arith.constant 16 : i32
    %shift_left3A_2 = vector.broadcast %shift_left3A : i32 to vector<1024x256xi32>
    %shift_left3A_3 = arith.shli %bitcast_convert_type3A, %shift_left3A_2 : vector<1024x256xi32>
    %bitcast_convert_type3A_4 = tpu.bitcast %shift_left3A_3 : vector<1024x256xi32> -> vector<1024x256xf32>
    %and3A = arith.constant -65536 : i32
    %and3A_5 = vector.broadcast %and3A : i32 to vector<1024x256xi32>
    %and3A_6 = arith.andi %bitcast_convert_type3A, %and3A_5 : vector<1024x256xi32>
    %bitcast_convert_type3A_7 = tpu.bitcast %and3A_6 : vector<1024x256xi32> -> vector<1024x256xf32>
    %neg3A = arith.constant 0.000000e+00 : f32
    %neg3A_8 = vector.broadcast %neg3A : f32 to vector<1024x256xf32>
    %neg3A_9 = arith.subf %neg3A_8, %bitcast_convert_type3A_4 : vector<1024x256xf32>
    %exp3A = math.exp %neg3A_9 : vector<1024x256xf32>
    %add3A = arith.constant 1.000000e+00 : f32
    %add3A_10 = vector.broadcast %add3A : f32 to vector<1024x256xf32>
    %add3A_11 = arith.addf %add3A_10, %exp3A : vector<1024x256xf32>
    %div3A = arith.constant 1.000000e+00 : f32
    %div3A_12 = vector.broadcast %div3A : f32 to vector<1024x256xf32>
    %div3A_13 = arith.divf %div3A_12, %add3A_11 : vector<1024x256xf32>
    %max3A = arith.constant 0.000000e+00 : f32
    %max3A_14 = vector.broadcast %max3A : f32 to vector<1024x256xf32>
    %max3A_15 = arith.maximumf %bitcast_convert_type3A_7, %max3A_14 : vector<1024x256xf32>
    %abs3A = math.absf %bitcast_convert_type3A_7 : vector<1024x256xf32>
    %neg3A_16 = arith.constant 0.000000e+00 : f32
    %neg3A_17 = vector.broadcast %neg3A_16 : f32 to vector<1024x256xf32>
    %neg3A_18 = arith.subf %neg3A_17, %abs3A : vector<1024x256xf32>
    %exp3A_19 = math.exp %neg3A_18 : vector<1024x256xf32>
    %log1p3A = math.log1p %exp3A_19 : vector<1024x256xf32>
    %add3A_20 = arith.addf %max3A_15, %log1p3A : vector<1024x256xf32>
    %mul3A = arith.mulf %div3A_13, %add3A_20 : vector<1024x256xf32>
    %swap3A = arith.constant 0 : index
    %swap3A_21 = arith.constant 0 : index
    %swap3A_22 = vector.load %arg2[%swap3A, %swap3A_21] : memref<1024x256xf32, #tpu.memory_space<vmem>>, vector<1024x256xf32>
    tpu.vector_store %arg2[%swap3A, %swap3A_21], %mul3A {strides = array<i32>} : memref<1024x256xf32, #tpu.memory_space<vmem>>, vector<1024x256xf32>,
    return
  }
  func.func @transform_0(%arg0: i32) -> (i32, i32) {
    %c0_i32 = arith.constant 0 : i32
    %c0_i32_0 = arith.constant 0 : i32
    return %arg0, %c0_i32 : i32, i32
  }
  func.func @transform_1(%arg0: i32) -> (i32, i32) {
    %c0_i32 = arith.constant 0 : i32
    %c0_i32_0 = arith.constant 0 : i32
    return %arg0, %c0_i32 : i32, i32
  }
}

module attributes {stable_mosaic.version = 14 : i64} {
  func.func @body(%arg0: i32, %arg1: memref<1280x128xf32, #tpu.memory_space<vmem>>, %arg2: memref<80x512xf32, #tpu.memory_space<vmem>>, %arg3: memref<80x16xf32, #tpu.memory_space<vmem>>, %arg4: memref<1280x16xf32, #tpu.memory_space<vmem>>, %arg5: memref<256x512xf32, #tpu.memory_space<vmem>>, %arg6: memref<256x16xf32, #tpu.memory_space<vmem>>, %arg7: memref<16x512xf32, #tpu.memory_space<vmem>>, %arg8: memref<16x16xf32, #tpu.memory_space<vmem>>, %arg9: memref<2x512xf32, #tpu.memory_space<vmem>>, %arg10: memref<2x16xf32, #tpu.memory_space<vmem>>) attributes {dimension_semantics = [#tpu.dimension_semantics<arbitrary>], iteration_bounds = array<i64: 125>, scalar_prefetch = 0 : i64, scratch_operands = 0 : i64, tpu.core_type = #tpu.core_type<tc>, window_params = [{transform_indices = @transform_0, window_bounds = array<i64: 1280, 128>}, {transform_indices = @transform_1, window_bounds = array<i64: 80, 512>}, {transform_indices = @transform_2, window_bounds = array<i64: 80, 16>}, {transform_indices = @transform_3, window_bounds = array<i64: 1280, 16>}, {pipeline_mode = #tpu.pipeline_mode<synchronous>, transform_indices = @transform_4, window_bounds = array<i64: 256, 512>}, {pipeline_mode = #tpu.pipeline_mode<synchronous>, transform_indices = @transform_5, window_bounds = array<i64: 256, 16>}, {pipeline_mode = #tpu.pipeline_mode<synchronous>, transform_indices = @transform_6, window_bounds = array<i64: 16, 512>}, {pipeline_mode = #tpu.pipeline_mode<synchronous>, transform_indices = @transform_7, window_bounds = array<i64: 16, 16>}, {pipeline_mode = #tpu.pipeline_mode<synchronous>, transform_indices = @transform_8, window_bounds = array<i64: 2, 512>}, {pipeline_mode = #tpu.pipeline_mode<synchronous>, transform_indices = @transform_9, window_bounds = array<i64: 2, 16>}]} {
    %get3A = arith.constant 0 : index
    %get3A_0 = arith.constant 0 : index
    %get3A_1 = vector.load %arg1[%get3A, %get3A_0] : memref<1280x128xf32, #tpu.memory_space<vmem>>, vector<1280x128xf32>
    %bitcast_convert_type3A = tpu.bitcast %get3A_1 : vector<1280x128xf32> -> vector<1280x128xi32>
    %shift_left3A = arith.constant 16 : i32
    %shift_left3A_2 = vector.broadcast %shift_left3A : i32 to vector<1280x128xi32>
    %shift_left3A_3 = arith.shli %bitcast_convert_type3A, %shift_left3A_2 : vector<1280x128xi32>
    %bitcast_convert_type3A_4 = tpu.bitcast %shift_left3A_3 : vector<1280x128xi32> -> vector<1280x128xf32>
    %and3A = arith.constant -65536 : i32
    %and3A_5 = vector.broadcast %and3A : i32 to vector<1280x128xi32>
    %and3A_6 = arith.andi %bitcast_convert_type3A, %and3A_5 : vector<1280x128xi32>
    %bitcast_convert_type3A_7 = tpu.bitcast %and3A_6 : vector<1280x128xi32> -> vector<1280x128xf32>
    %concatenate3A = tpu.concatenate %bitcast_convert_type3A_4, %bitcast_convert_type3A_7 in 1 : vector<1280x128xf32>, vector<1280x128xf32> -> vector<1280x256xf32>
    %get3A_8 = arith.constant 0 : index
    %get3A_9 = arith.constant 0 : index
    %get3A_10 = vector.load %arg5[%get3A_8, %get3A_9] : memref<256x512xf32, #tpu.memory_space<vmem>>, vector<256x512xf32>
    %dot_general3A = arith.constant dense<0.000000e+00> : vector<1280x512xf32>
    %dot_general3A_11 = tpu.matmul %concatenate3A, %get3A_10, %dot_general3A {dimension_numbers = #tpu.dot_dimension_numbers<[1], [0], [0], [1], [0, 0, 1, 1], [], []>, transpose_lhs_hint = false} : vector<1280x256xf32>, vector<256x512xf32>, vector<1280x512xf32> -> vector<1280x512xf32>
    %get3A_12 = arith.constant 0 : index
    %get3A_13 = arith.constant 0 : index
    %get3A_14 = vector.load %arg4[%get3A_12, %get3A_13] : memref<1280x16xf32, #tpu.memory_space<vmem>>, vector<1280x16xf32>
    %get3A_15 = arith.constant 0 : index
    %get3A_16 = arith.constant 0 : index
    %get3A_17 = vector.load %arg7[%get3A_15, %get3A_16] : memref<16x512xf32, #tpu.memory_space<vmem>>, vector<16x512xf32>
    %dot_general3A_18 = arith.constant dense<0.000000e+00> : vector<1280x512xf32>
    %dot_general3A_19 = tpu.matmul %get3A_14, %get3A_17, %dot_general3A_18 {dimension_numbers = #tpu.dot_dimension_numbers<[1], [0], [0], [1], [0, 0, 1, 1], [], []>, transpose_lhs_hint = false} : vector<1280x16xf32>, vector<16x512xf32>, vector<1280x512xf32> -> vector<1280x512xf32>
    %reshape3A = vector.shape_cast %dot_general3A_11 : vector<1280x512xf32> to vector<80x16x512xf32>
    %get3A_20 = arith.constant 0 : index
    %get3A_21 = arith.constant 0 : index
    %get3A_22 = vector.load %arg2[%get3A_20, %get3A_21] : memref<80x512xf32, #tpu.memory_space<vmem>>, vector<80x512xf32>
    %broadcast_in_dim3A = vector.shape_cast %get3A_22 : vector<80x512xf32> to vector<80x1x512xf32>
    %add3A = vector.broadcast %broadcast_in_dim3A : vector<80x1x512xf32> to vector<80x16x512xf32>
    %add3A_23 = arith.addf %reshape3A, %add3A : vector<80x16x512xf32>
    %reshape3A_24 = vector.shape_cast %dot_general3A_19 : vector<1280x512xf32> to vector<80x16x512xf32>
    %add3A_25 = arith.addf %add3A_23, %reshape3A_24 : vector<80x16x512xf32>
    %get3A_26 = arith.constant 0 : index
    %get3A_27 = arith.constant 0 : index
    %get3A_28 = vector.load %arg6[%get3A_26, %get3A_27] : memref<256x16xf32, #tpu.memory_space<vmem>>, vector<256x16xf32>
    %dot_general3A_29 = arith.constant dense<0.000000e+00> : vector<1280x16xf32>
    %dot_general3A_30 = tpu.matmul %concatenate3A, %get3A_28, %dot_general3A_29 {dimension_numbers = #tpu.dot_dimension_numbers<[1], [0], [0], [1], [0, 0, 1, 1], [], []>, transpose_lhs_hint = false} : vector<1280x256xf32>, vector<256x16xf32>, vector<1280x16xf32> -> vector<1280x16xf32>
    %get3A_31 = arith.constant 0 : index
    %get3A_32 = arith.constant 0 : index
    %get3A_33 = vector.load %arg4[%get3A_31, %get3A_32] : memref<1280x16xf32, #tpu.memory_space<vmem>>, vector<1280x16xf32>
    %get3A_34 = arith.constant 0 : index
    %get3A_35 = arith.constant 0 : index
    %get3A_36 = vector.load %arg8[%get3A_34, %get3A_35] : memref<16x16xf32, #tpu.memory_space<vmem>>, vector<16x16xf32>
    %dot_general3A_37 = arith.constant dense<0.000000e+00> : vector<1280x16xf32>
    %dot_general3A_38 = tpu.matmul %get3A_33, %get3A_36, %dot_general3A_37 {dimension_numbers = #tpu.dot_dimension_numbers<[1], [0], [0], [1], [0, 0, 1, 1], [], []>, transpose_lhs_hint = false} : vector<1280x16xf32>, vector<16x16xf32>, vector<1280x16xf32> -> vector<1280x16xf32>
    %reshape3A_39 = vector.shape_cast %dot_general3A_30 : vector<1280x16xf32> to vector<80x16x16xf32>
    %get3A_40 = arith.constant 0 : index
    %get3A_41 = arith.constant 0 : index
    %get3A_42 = vector.load %arg3[%get3A_40, %get3A_41] : memref<80x16xf32, #tpu.memory_space<vmem>>, vector<80x16xf32>
    %broadcast_in_dim3A_43 = vector.shape_cast %get3A_42 : vector<80x16xf32> to vector<80x1x16xf32>
    %add3A_44 = vector.broadcast %broadcast_in_dim3A_43 : vector<80x1x16xf32> to vector<80x16x16xf32>
    %add3A_45 = arith.addf %reshape3A_39, %add3A_44 : vector<80x16x16xf32>
    %reshape3A_46 = vector.shape_cast %dot_general3A_38 : vector<1280x16xf32> to vector<80x16x16xf32>
    %add3A_47 = arith.addf %add3A_45, %reshape3A_46 : vector<80x16x16xf32>
    %reduce_sum3A = arith.constant dense<0.000000e+00> : vector<512xf32>
    %reduce_sum3A_48 = vector.multi_reduction <add>, %add3A_25, %reduce_sum3A [0, 1] : vector<80x16x512xf32> to vector<512xf32>
    %broadcast_in_dim3A_49 = vector.shape_cast %reduce_sum3A_48 : vector<512xf32> to vector<1x512xf32>
    %mul3A = arith.mulf %add3A_25, %add3A_25 : vector<80x16x512xf32>
    %reduce_sum3A_50 = arith.constant dense<0.000000e+00> : vector<512xf32>
    %reduce_sum3A_51 = vector.multi_reduction <add>, %mul3A, %reduce_sum3A_50 [0, 1] : vector<80x16x512xf32> to vector<512xf32>
    %broadcast_in_dim3A_52 = vector.shape_cast %reduce_sum3A_51 : vector<512xf32> to vector<1x512xf32>
    %concatenate3A_53 = tpu.concatenate %broadcast_in_dim3A_49, %broadcast_in_dim3A_52 in 0 : vector<1x512xf32>, vector<1x512xf32> -> vector<2x512xf32>
    %reduce_sum3A_54 = arith.constant dense<0.000000e+00> : vector<16xf32>
    %reduce_sum3A_55 = vector.multi_reduction <add>, %add3A_47, %reduce_sum3A_54 [0, 1] : vector<80x16x16xf32> to vector<16xf32>
    %broadcast_in_dim3A_56 = vector.shape_cast %reduce_sum3A_55 : vector<16xf32> to vector<1x16xf32>
    %mul3A_57 = arith.mulf %add3A_47, %add3A_47 : vector<80x16x16xf32>
    %reduce_sum3A_58 = arith.constant dense<0.000000e+00> : vector<16xf32>
    %reduce_sum3A_59 = vector.multi_reduction <add>, %mul3A_57, %reduce_sum3A_58 [0, 1] : vector<80x16x16xf32> to vector<16xf32>
    %broadcast_in_dim3A_60 = vector.shape_cast %reduce_sum3A_59 : vector<16xf32> to vector<1x16xf32>
    %concatenate3A_61 = tpu.concatenate %broadcast_in_dim3A_56, %broadcast_in_dim3A_60 in 0 : vector<1x16xf32>, vector<1x16xf32> -> vector<2x16xf32>
    %eq3A = arith.constant 0 : i32
    %eq3A_62 = arith.cmpi eq, %arg0, %eq3A : i32
    %convert_element_type3A = arith.extui %eq3A_62 : i1 to i32
    %cond3A = arith.constant 0 : i32
    %cond3A_63 = arith.cmpi ne, %convert_element_type3A, %cond3A : i32
    scf.if %cond3A_63 {
      %broadcast_in_dim3A_77 = arith.constant 0.000000e+00 : f32
      %broadcast_in_dim3A_78 = vector.broadcast %broadcast_in_dim3A_77 : f32 to vector<2x512xf32>
      %swap3A_79 = arith.constant 0 : index
      %swap3A_80 = arith.constant 0 : index
      %swap3A_81 = vector.load %arg9[%swap3A_79, %swap3A_80] : memref<2x512xf32, #tpu.memory_space<vmem>>, vector<2x512xf32>
      tpu.vector_store %arg9[%swap3A_79, %swap3A_80], %broadcast_in_dim3A_78 {strides = array<i32>} : memref<2x512xf32, #tpu.memory_space<vmem>>, vector<2x512xf32>,
      %broadcast_in_dim3A_82 = arith.constant 0.000000e+00 : f32
      %broadcast_in_dim3A_83 = vector.broadcast %broadcast_in_dim3A_82 : f32 to vector<2x16xf32>
      %swap3A_84 = arith.constant 0 : index
      %swap3A_85 = arith.constant 0 : index
      %swap3A_86 = vector.load %arg10[%swap3A_84, %swap3A_85] : memref<2x16xf32, #tpu.memory_space<vmem>>, vector<2x16xf32>
      tpu.vector_store %arg10[%swap3A_84, %swap3A_85], %broadcast_in_dim3A_83 {strides = array<i32>} : memref<2x16xf32, #tpu.memory_space<vmem>>, vector<2x16xf32>,
    } else {
    }
    %get3A_64 = arith.constant 0 : index
    %get3A_65 = arith.constant 0 : index
    %get3A_66 = vector.load %arg9[%get3A_64, %get3A_65] : memref<2x512xf32, #tpu.memory_space<vmem>>, vector<2x512xf32>
    %add3A_67 = arith.addf %get3A_66, %concatenate3A_53 : vector<2x512xf32>
    %swap3A = arith.constant 0 : index
    %swap3A_68 = arith.constant 0 : index
    %swap3A_69 = vector.load %arg9[%swap3A, %swap3A_68] : memref<2x512xf32, #tpu.memory_space<vmem>>, vector<2x512xf32>
    tpu.vector_store %arg9[%swap3A, %swap3A_68], %add3A_67 {strides = array<i32>} : memref<2x512xf32, #tpu.memory_space<vmem>>, vector<2x512xf32>,
    %get3A_70 = arith.constant 0 : index
    %get3A_71 = arith.constant 0 : index
    %get3A_72 = vector.load %arg10[%get3A_70, %get3A_71] : memref<2x16xf32, #tpu.memory_space<vmem>>, vector<2x16xf32>
    %add3A_73 = arith.addf %get3A_72, %concatenate3A_61 : vector<2x16xf32>
    %swap3A_74 = arith.constant 0 : index
    %swap3A_75 = arith.constant 0 : index
    %swap3A_76 = vector.load %arg10[%swap3A_74, %swap3A_75] : memref<2x16xf32, #tpu.memory_space<vmem>>, vector<2x16xf32>
    tpu.vector_store %arg10[%swap3A_74, %swap3A_75], %add3A_73 {strides = array<i32>} : memref<2x16xf32, #tpu.memory_space<vmem>>, vector<2x16xf32>,
    return
  }
  func.func @transform_0(%arg0: i32) -> (i32, i32) {
    %c0_i32 = arith.constant 0 : i32
    %c0_i32_0 = arith.constant 0 : i32
    return %arg0, %c0_i32 : i32, i32
  }
  func.func @transform_1(%arg0: i32) -> (i32, i32) {
    %c0_i32 = arith.constant 0 : i32
    %c0_i32_0 = arith.constant 0 : i32
    return %arg0, %c0_i32 : i32, i32
  }
  func.func @transform_2(%arg0: i32) -> (i32, i32) {
    %c0_i32 = arith.constant 0 : i32
    %c0_i32_0 = arith.constant 0 : i32
    return %arg0, %c0_i32 : i32, i32
  }
  func.func @transform_3(%arg0: i32) -> (i32, i32) {
    %c0_i32 = arith.constant 0 : i32
    %c0_i32_0 = arith.constant 0 : i32
    return %arg0, %c0_i32 : i32, i32
  }
  func.func @transform_4(%arg0: i32) -> (i32, i32) {
    %c0_i32 = arith.constant 0 : i32
    %c0_i32_0 = arith.constant 0 : i32
    %c0_i32_1 = arith.constant 0 : i32
    return %c0_i32, %c0_i32_0 : i32, i32
  }
  func.func @transform_5(%arg0: i32) -> (i32, i32) {
    %c0_i32 = arith.constant 0 : i32
    %c0_i32_0 = arith.constant 0 : i32
    %c0_i32_1 = arith.constant 0 : i32
    return %c0_i32, %c0_i32_0 : i32, i32
  }
  func.func @transform_6(%arg0: i32) -> (i32, i32) {
    %c0_i32 = arith.constant 0 : i32
    %c0_i32_0 = arith.constant 0 : i32
    %c0_i32_1 = arith.constant 0 : i32
    return %c0_i32, %c0_i32_0 : i32, i32
  }
  func.func @transform_7(%arg0: i32) -> (i32, i32) {
    %c0_i32 = arith.constant 0 : i32
    %c0_i32_0 = arith.constant 0 : i32
    %c0_i32_1 = arith.constant 0 : i32
    return %c0_i32, %c0_i32_0 : i32, i32
  }
  func.func @transform_8(%arg0: i32) -> (i32, i32) {
    %c0_i32 = arith.constant 0 : i32
    %c0_i32_0 = arith.constant 0 : i32
    %c0_i32_1 = arith.constant 0 : i32
    return %c0_i32, %c0_i32_0 : i32, i32
  }
  func.func @transform_9(%arg0: i32) -> (i32, i32) {
    %c0_i32 = arith.constant 0 : i32
    %c0_i32_0 = arith.constant 0 : i32
    %c0_i32_1 = arith.constant 0 : i32
    return %c0_i32, %c0_i32_0 : i32, i32
  }
}

module attributes {stable_mosaic.version = 14 : i64} {
  func.func @body(%arg0: i32, %arg1: memref<1280x128xf32, #tpu.memory_space<vmem>>, %arg2: memref<80x512xf32, #tpu.memory_space<vmem>>, %arg3: memref<80x16xf32, #tpu.memory_space<vmem>>, %arg4: memref<1280x16xf32, #tpu.memory_space<vmem>>, %arg5: memref<256x512xf32, #tpu.memory_space<vmem>>, %arg6: memref<256x16xf32, #tpu.memory_space<vmem>>, %arg7: memref<16x512xf32, #tpu.memory_space<vmem>>, %arg8: memref<16x16xf32, #tpu.memory_space<vmem>>, %arg9: memref<2x512xf32, #tpu.memory_space<vmem>>, %arg10: memref<2x16xf32, #tpu.memory_space<vmem>>, %arg11: memref<1x512xf32, #tpu.memory_space<vmem>>, %arg12: memref<1x512xf32, #tpu.memory_space<vmem>>, %arg13: memref<1x16xf32, #tpu.memory_space<vmem>>, %arg14: memref<1x16xf32, #tpu.memory_space<vmem>>, %arg15: memref<80x256xf32, #tpu.memory_space<vmem>>, %arg16: memref<1280x16xf32, #tpu.memory_space<vmem>>, %arg17: memref<2x256xf32, #tpu.memory_space<vmem>>) attributes {dimension_semantics = [#tpu.dimension_semantics<arbitrary>], iteration_bounds = array<i64: 125>, scalar_prefetch = 0 : i64, scratch_operands = 0 : i64, tpu.core_type = #tpu.core_type<tc>, window_params = [{transform_indices = @transform_0, window_bounds = array<i64: 1280, 128>}, {transform_indices = @transform_1, window_bounds = array<i64: 80, 512>}, {transform_indices = @transform_2, window_bounds = array<i64: 80, 16>}, {transform_indices = @transform_3, window_bounds = array<i64: 1280, 16>}, {pipeline_mode = #tpu.pipeline_mode<synchronous>, transform_indices = @transform_4, window_bounds = array<i64: 256, 512>}, {pipeline_mode = #tpu.pipeline_mode<synchronous>, transform_indices = @transform_5, window_bounds = array<i64: 256, 16>}, {pipeline_mode = #tpu.pipeline_mode<synchronous>, transform_indices = @transform_6, window_bounds = array<i64: 16, 512>}, {pipeline_mode = #tpu.pipeline_mode<synchronous>, transform_indices = @transform_7, window_bounds = array<i64: 16, 16>}, {pipeline_mode = #tpu.pipeline_mode<synchronous>, transform_indices = @transform_8, window_bounds = array<i64: 2, 512>}, {pipeline_mode = #tpu.pipeline_mode<synchronous>, transform_indices = @transform_9, window_bounds = array<i64: 2, 16>}, {pipeline_mode = #tpu.pipeline_mode<synchronous>, transform_indices = @transform_10, window_bounds = array<i64: 1, 512>}, {pipeline_mode = #tpu.pipeline_mode<synchronous>, transform_indices = @transform_11, window_bounds = array<i64: 1, 512>}, {pipeline_mode = #tpu.pipeline_mode<synchronous>, transform_indices = @transform_12, window_bounds = array<i64: 1, 16>}, {pipeline_mode = #tpu.pipeline_mode<synchronous>, transform_indices = @transform_13, window_bounds = array<i64: 1, 16>}, {transform_indices = @transform_14, window_bounds = array<i64: 80, 256>}, {transform_indices = @transform_15, window_bounds = array<i64: 1280, 16>}, {pipeline_mode = #tpu.pipeline_mode<synchronous>, transform_indices = @transform_16, window_bounds = array<i64: 2, 256>}]} {
    %get3A = arith.constant 0 : index
    %get3A_0 = arith.constant 0 : index
    %get3A_1 = vector.load %arg1[%get3A, %get3A_0] : memref<1280x128xf32, #tpu.memory_space<vmem>>, vector<1280x128xf32>
    %bitcast_convert_type3A = tpu.bitcast %get3A_1 : vector<1280x128xf32> -> vector<1280x128xi32>
    %shift_left3A = arith.constant 16 : i32
    %shift_left3A_2 = vector.broadcast %shift_left3A : i32 to vector<1280x128xi32>
    %shift_left3A_3 = arith.shli %bitcast_convert_type3A, %shift_left3A_2 : vector<1280x128xi32>
    %bitcast_convert_type3A_4 = tpu.bitcast %shift_left3A_3 : vector<1280x128xi32> -> vector<1280x128xf32>
    %and3A = arith.constant -65536 : i32
    %and3A_5 = vector.broadcast %and3A : i32 to vector<1280x128xi32>
    %and3A_6 = arith.andi %bitcast_convert_type3A, %and3A_5 : vector<1280x128xi32>
    %bitcast_convert_type3A_7 = tpu.bitcast %and3A_6 : vector<1280x128xi32> -> vector<1280x128xf32>
    %concatenate3A = tpu.concatenate %bitcast_convert_type3A_4, %bitcast_convert_type3A_7 in 1 : vector<1280x128xf32>, vector<1280x128xf32> -> vector<1280x256xf32>
    %get3A_8 = arith.constant 0 : index
    %get3A_9 = arith.constant 0 : index
    %get3A_10 = vector.load %arg5[%get3A_8, %get3A_9] : memref<256x512xf32, #tpu.memory_space<vmem>>, vector<256x512xf32>
    %dot_general3A = arith.constant dense<0.000000e+00> : vector<1280x512xf32>
    %dot_general3A_11 = tpu.matmul %concatenate3A, %get3A_10, %dot_general3A {dimension_numbers = #tpu.dot_dimension_numbers<[1], [0], [0], [1], [0, 0, 1, 1], [], []>, transpose_lhs_hint = false} : vector<1280x256xf32>, vector<256x512xf32>, vector<1280x512xf32> -> vector<1280x512xf32>
    %get3A_12 = arith.constant 0 : index
    %get3A_13 = arith.constant 0 : index
    %get3A_14 = vector.load %arg4[%get3A_12, %get3A_13] : memref<1280x16xf32, #tpu.memory_space<vmem>>, vector<1280x16xf32>
    %get3A_15 = arith.constant 0 : index
    %get3A_16 = arith.constant 0 : index
    %get3A_17 = vector.load %arg7[%get3A_15, %get3A_16] : memref<16x512xf32, #tpu.memory_space<vmem>>, vector<16x512xf32>
    %dot_general3A_18 = arith.constant dense<0.000000e+00> : vector<1280x512xf32>
    %dot_general3A_19 = tpu.matmul %get3A_14, %get3A_17, %dot_general3A_18 {dimension_numbers = #tpu.dot_dimension_numbers<[1], [0], [0], [1], [0, 0, 1, 1], [], []>, transpose_lhs_hint = false} : vector<1280x16xf32>, vector<16x512xf32>, vector<1280x512xf32> -> vector<1280x512xf32>
    %reshape3A = vector.shape_cast %dot_general3A_11 : vector<1280x512xf32> to vector<80x16x512xf32>
    %get3A_20 = arith.constant 0 : index
    %get3A_21 = arith.constant 0 : index
    %get3A_22 = vector.load %arg2[%get3A_20, %get3A_21] : memref<80x512xf32, #tpu.memory_space<vmem>>, vector<80x512xf32>
    %broadcast_in_dim3A = vector.shape_cast %get3A_22 : vector<80x512xf32> to vector<80x1x512xf32>
    %add3A = vector.broadcast %broadcast_in_dim3A : vector<80x1x512xf32> to vector<80x16x512xf32>
    %add3A_23 = arith.addf %reshape3A, %add3A : vector<80x16x512xf32>
    %reshape3A_24 = vector.shape_cast %dot_general3A_19 : vector<1280x512xf32> to vector<80x16x512xf32>
    %add3A_25 = arith.addf %add3A_23, %reshape3A_24 : vector<80x16x512xf32>
    %get3A_26 = arith.constant 0 : index
    %get3A_27 = arith.constant 0 : index
    %get3A_28 = vector.load %arg9[%get3A_26, %get3A_27] : memref<2x512xf32, #tpu.memory_space<vmem>>, vector<1x512xf32>
    %div3A = arith.constant 1.600000e+05 : f32
    %div3A_29 = vector.broadcast %div3A : f32 to vector<1x512xf32>
    %div3A_30 = arith.divf %get3A_28, %div3A_29 : vector<1x512xf32>
    %get3A_31 = arith.constant 1 : index
    %get3A_32 = arith.constant 0 : index
    %get3A_33 = vector.load %arg9[%get3A_31, %get3A_32] : memref<2x512xf32, #tpu.memory_space<vmem>>, vector<1x512xf32>
    %div3A_34 = arith.constant 1.600000e+05 : f32
    %div3A_35 = vector.broadcast %div3A_34 : f32 to vector<1x512xf32>
    %div3A_36 = arith.divf %get3A_33, %div3A_35 : vector<1x512xf32>
    %mul3A = arith.mulf %div3A_30, %div3A_30 : vector<1x512xf32>
    %sub3A = arith.subf %div3A_36, %mul3A : vector<1x512xf32>
    %broadcast_in_dim3A_37 = vector.shape_cast %div3A_30 : vector<1x512xf32> to vector<1x1x512xf32>
    %sub3A_38 = vector.broadcast %broadcast_in_dim3A_37 : vector<1x1x512xf32> to vector<80x16x512xf32>
    %sub3A_39 = arith.subf %add3A_25, %sub3A_38 : vector<80x16x512xf32>
    %broadcast_in_dim3A_40 = vector.shape_cast %sub3A : vector<1x512xf32> to vector<1x1x512xf32>
    %add3A_41 = arith.constant 9.99999974E-6 : f32
    %add3A_42 = vector.broadcast %add3A_41 : f32 to vector<1x1x512xf32>
    %add3A_43 = arith.addf %broadcast_in_dim3A_40, %add3A_42 : vector<1x1x512xf32>
    %rsqrt3A = math.rsqrt %add3A_43 : vector<1x1x512xf32>
    %mul3A_44 = vector.broadcast %rsqrt3A : vector<1x1x512xf32> to vector<80x16x512xf32>
    %mul3A_45 = arith.mulf %sub3A_39, %mul3A_44 : vector<80x16x512xf32>
    %get3A_46 = arith.constant 0 : index
    %get3A_47 = arith.constant 0 : index
    %get3A_48 = vector.load %arg11[%get3A_46, %get3A_47] : memref<1x512xf32, #tpu.memory_space<vmem>>, vector<1x512xf32>
    %broadcast_in_dim3A_49 = vector.shape_cast %get3A_48 : vector<1x512xf32> to vector<1x1x512xf32>
    %mul3A_50 = vector.broadcast %broadcast_in_dim3A_49 : vector<1x1x512xf32> to vector<80x16x512xf32>
    %mul3A_51 = arith.mulf %mul3A_45, %mul3A_50 : vector<80x16x512xf32>
    %get3A_52 = arith.constant 0 : index
    %get3A_53 = arith.constant 0 : index
    %get3A_54 = vector.load %arg12[%get3A_52, %get3A_53] : memref<1x512xf32, #tpu.memory_space<vmem>>, vector<1x512xf32>
    %broadcast_in_dim3A_55 = vector.shape_cast %get3A_54 : vector<1x512xf32> to vector<1x1x512xf32>
    %add3A_56 = vector.broadcast %broadcast_in_dim3A_55 : vector<1x1x512xf32> to vector<80x16x512xf32>
    %add3A_57 = arith.addf %mul3A_51, %add3A_56 : vector<80x16x512xf32>
    %slice3A = vector.extract_strided_slice %add3A_57 {offsets = [0, 0, 0], sizes = [80, 16, 256], strides = [1, 1, 1]} : vector<80x16x512xf32> to vector<80x16x256xf32>
    %slice3A_58 = vector.extract_strided_slice %add3A_57 {offsets = [0, 0, 256], sizes = [80, 16, 256], strides = [1, 1, 1]} : vector<80x16x512xf32> to vector<80x16x256xf32>
    %neg3A = arith.constant 0.000000e+00 : f32
    %neg3A_59 = vector.broadcast %neg3A : f32 to vector<80x16x256xf32>
    %neg3A_60 = arith.subf %neg3A_59, %slice3A : vector<80x16x256xf32>
    %exp3A = math.exp %neg3A_60 : vector<80x16x256xf32>
    %add3A_61 = arith.constant 1.000000e+00 : f32
    %add3A_62 = vector.broadcast %add3A_61 : f32 to vector<80x16x256xf32>
    %add3A_63 = arith.addf %add3A_62, %exp3A : vector<80x16x256xf32>
    %div3A_64 = arith.constant 1.000000e+00 : f32
    %div3A_65 = vector.broadcast %div3A_64 : f32 to vector<80x16x256xf32>
    %div3A_66 = arith.divf %div3A_65, %add3A_63 : vector<80x16x256xf32>
    %max3A = arith.constant 0.000000e+00 : f32
    %max3A_67 = vector.broadcast %max3A : f32 to vector<80x16x256xf32>
    %max3A_68 = arith.maximumf %slice3A_58, %max3A_67 : vector<80x16x256xf32>
    %abs3A = math.absf %slice3A_58 : vector<80x16x256xf32>
    %neg3A_69 = arith.constant 0.000000e+00 : f32
    %neg3A_70 = vector.broadcast %neg3A_69 : f32 to vector<80x16x256xf32>
    %neg3A_71 = arith.subf %neg3A_70, %abs3A : vector<80x16x256xf32>
    %exp3A_72 = math.exp %neg3A_71 : vector<80x16x256xf32>
    %log1p3A = math.log1p %exp3A_72 : vector<80x16x256xf32>
    %add3A_73 = arith.addf %max3A_68, %log1p3A : vector<80x16x256xf32>
    %mul3A_74 = arith.mulf %div3A_66, %add3A_73 : vector<80x16x256xf32>
    %reduce_sum3A = arith.constant dense<0.000000e+00> : vector<80x256xf32>
    %reduce_sum3A_75 = vector.multi_reduction <add>, %mul3A_74, %reduce_sum3A [1] : vector<80x16x256xf32> to vector<80x256xf32>
    %swap3A = arith.constant 0 : index
    %swap3A_76 = arith.constant 0 : index
    %swap3A_77 = vector.load %arg15[%swap3A, %swap3A_76] : memref<80x256xf32, #tpu.memory_space<vmem>>, vector<80x256xf32>
    tpu.vector_store %arg15[%swap3A, %swap3A_76], %reduce_sum3A_75 {strides = array<i32>} : memref<80x256xf32, #tpu.memory_space<vmem>>, vector<80x256xf32>,
    %reduce_sum3A_78 = arith.constant dense<0.000000e+00> : vector<256xf32>
    %reduce_sum3A_79 = vector.multi_reduction <add>, %reduce_sum3A_75, %reduce_sum3A_78 [0] : vector<80x256xf32> to vector<256xf32>
    %broadcast_in_dim3A_80 = vector.shape_cast %reduce_sum3A_79 : vector<256xf32> to vector<1x256xf32>
    %mul3A_81 = arith.mulf %reduce_sum3A_75, %reduce_sum3A_75 : vector<80x256xf32>
    %reduce_sum3A_82 = arith.constant dense<0.000000e+00> : vector<256xf32>
    %reduce_sum3A_83 = vector.multi_reduction <add>, %mul3A_81, %reduce_sum3A_82 [0] : vector<80x256xf32> to vector<256xf32>
    %broadcast_in_dim3A_84 = vector.shape_cast %reduce_sum3A_83 : vector<256xf32> to vector<1x256xf32>
    %concatenate3A_85 = tpu.concatenate %broadcast_in_dim3A_80, %broadcast_in_dim3A_84 in 0 : vector<1x256xf32>, vector<1x256xf32> -> vector<2x256xf32>
    %eq3A = arith.constant 0 : i32
    %eq3A_86 = arith.cmpi eq, %arg0, %eq3A : i32
    %convert_element_type3A = arith.extui %eq3A_86 : i1 to i32
    %cond3A = arith.constant 0 : i32
    %cond3A_87 = arith.cmpi ne, %convert_element_type3A, %cond3A : i32
    scf.if %cond3A_87 {
      %broadcast_in_dim3A_161 = arith.constant 0.000000e+00 : f32
      %broadcast_in_dim3A_162 = vector.broadcast %broadcast_in_dim3A_161 : f32 to vector<2x256xf32>
      %swap3A_163 = arith.constant 0 : index
      %swap3A_164 = arith.constant 0 : index
      %swap3A_165 = vector.load %arg17[%swap3A_163, %swap3A_164] : memref<2x256xf32, #tpu.memory_space<vmem>>, vector<2x256xf32>
      tpu.vector_store %arg17[%swap3A_163, %swap3A_164], %broadcast_in_dim3A_162 {strides = array<i32>} : memref<2x256xf32, #tpu.memory_space<vmem>>, vector<2x256xf32>,
    } else {
    }
    %get3A_88 = arith.constant 0 : index
    %get3A_89 = arith.constant 0 : index
    %get3A_90 = vector.load %arg17[%get3A_88, %get3A_89] : memref<2x256xf32, #tpu.memory_space<vmem>>, vector<2x256xf32>
    %add3A_91 = arith.addf %get3A_90, %concatenate3A_85 : vector<2x256xf32>
    %swap3A_92 = arith.constant 0 : index
    %swap3A_93 = arith.constant 0 : index
    %swap3A_94 = vector.load %arg17[%swap3A_92, %swap3A_93] : memref<2x256xf32, #tpu.memory_space<vmem>>, vector<2x256xf32>
    tpu.vector_store %arg17[%swap3A_92, %swap3A_93], %add3A_91 {strides = array<i32>} : memref<2x256xf32, #tpu.memory_space<vmem>>, vector<2x256xf32>,
    %get3A_95 = arith.constant 0 : index
    %get3A_96 = arith.constant 0 : index
    %get3A_97 = vector.load %arg6[%get3A_95, %get3A_96] : memref<256x16xf32, #tpu.memory_space<vmem>>, vector<256x16xf32>
    %dot_general3A_98 = arith.constant dense<0.000000e+00> : vector<1280x16xf32>
    %dot_general3A_99 = tpu.matmul %concatenate3A, %get3A_97, %dot_general3A_98 {dimension_numbers = #tpu.dot_dimension_numbers<[1], [0], [0], [1], [0, 0, 1, 1], [], []>, transpose_lhs_hint = false} : vector<1280x256xf32>, vector<256x16xf32>, vector<1280x16xf32> -> vector<1280x16xf32>
    %get3A_100 = arith.constant 0 : index
    %get3A_101 = arith.constant 0 : index
    %get3A_102 = vector.load %arg4[%get3A_100, %get3A_101] : memref<1280x16xf32, #tpu.memory_space<vmem>>, vector<1280x16xf32>
    %get3A_103 = arith.constant 0 : index
    %get3A_104 = arith.constant 0 : index
    %get3A_105 = vector.load %arg8[%get3A_103, %get3A_104] : memref<16x16xf32, #tpu.memory_space<vmem>>, vector<16x16xf32>
    %dot_general3A_106 = arith.constant dense<0.000000e+00> : vector<1280x16xf32>
    %dot_general3A_107 = tpu.matmul %get3A_102, %get3A_105, %dot_general3A_106 {dimension_numbers = #tpu.dot_dimension_numbers<[1], [0], [0], [1], [0, 0, 1, 1], [], []>, transpose_lhs_hint = false} : vector<1280x16xf32>, vector<16x16xf32>, vector<1280x16xf32> -> vector<1280x16xf32>
    %get3A_108 = arith.constant 0 : index
    %get3A_109 = arith.constant 0 : index
    %get3A_110 = vector.load %arg3[%get3A_108, %get3A_109] : memref<80x16xf32, #tpu.memory_space<vmem>>, vector<80x16xf32>
    %broadcast_in_dim3A_111 = vector.shape_cast %get3A_110 : vector<80x16xf32> to vector<80x1x16xf32>
    %broadcast_in_dim3A_112 = vector.broadcast %broadcast_in_dim3A_111 : vector<80x1x16xf32> to vector<80x16x16xf32>
    %reshape3A_113 = vector.shape_cast %broadcast_in_dim3A_112 : vector<80x16x16xf32> to vector<1280x16xf32>
    %add3A_114 = arith.addf %dot_general3A_99, %reshape3A_113 : vector<1280x16xf32>
    %add3A_115 = arith.addf %add3A_114, %dot_general3A_107 : vector<1280x16xf32>
    %get3A_116 = arith.constant 0 : index
    %get3A_117 = arith.constant 0 : index
    %get3A_118 = vector.load %arg10[%get3A_116, %get3A_117] : memref<2x16xf32, #tpu.memory_space<vmem>>, vector<1x16xf32>
    %div3A_119 = arith.constant 1.600000e+05 : f32
    %div3A_120 = vector.broadcast %div3A_119 : f32 to vector<1x16xf32>
    %div3A_121 = arith.divf %get3A_118, %div3A_120 : vector<1x16xf32>
    %get3A_122 = arith.constant 1 : index
    %get3A_123 = arith.constant 0 : index
    %get3A_124 = vector.load %arg10[%get3A_122, %get3A_123] : memref<2x16xf32, #tpu.memory_space<vmem>>, vector<1x16xf32>
    %div3A_125 = arith.constant 1.600000e+05 : f32
    %div3A_126 = vector.broadcast %div3A_125 : f32 to vector<1x16xf32>
    %div3A_127 = arith.divf %get3A_124, %div3A_126 : vector<1x16xf32>
    %mul3A_128 = arith.mulf %div3A_121, %div3A_121 : vector<1x16xf32>
    %sub3A_129 = arith.subf %div3A_127, %mul3A_128 : vector<1x16xf32>
    %sub3A_130 = vector.broadcast %div3A_121 : vector<1x16xf32> to vector<1280x16xf32>
    %sub3A_131 = arith.subf %add3A_115, %sub3A_130 : vector<1280x16xf32>
    %add3A_132 = arith.constant 9.99999974E-6 : f32
    %add3A_133 = vector.broadcast %add3A_132 : f32 to vector<1x16xf32>
    %add3A_134 = arith.addf %sub3A_129, %add3A_133 : vector<1x16xf32>
    %rsqrt3A_135 = math.rsqrt %add3A_134 : vector<1x16xf32>
    %mul3A_136 = vector.broadcast %rsqrt3A_135 : vector<1x16xf32> to vector<1280x16xf32>
    %mul3A_137 = arith.mulf %sub3A_131, %mul3A_136 : vector<1280x16xf32>
    %get3A_138 = arith.constant 0 : index
    %get3A_139 = arith.constant 0 : index
    %get3A_140 = vector.load %arg13[%get3A_138, %get3A_139] : memref<1x16xf32, #tpu.memory_space<vmem>>, vector<1x16xf32>
    %mul3A_141 = vector.broadcast %get3A_140 : vector<1x16xf32> to vector<1280x16xf32>
    %mul3A_142 = arith.mulf %mul3A_137, %mul3A_141 : vector<1280x16xf32>
    %get3A_143 = arith.constant 0 : index
    %get3A_144 = arith.constant 0 : index
    %get3A_145 = vector.load %arg14[%get3A_143, %get3A_144] : memref<1x16xf32, #tpu.memory_space<vmem>>, vector<1x16xf32>
    %add3A_146 = vector.broadcast %get3A_145 : vector<1x16xf32> to vector<1280x16xf32>
    %add3A_147 = arith.addf %mul3A_142, %add3A_146 : vector<1280x16xf32>
    %max3A_148 = arith.constant 0.000000e+00 : f32
    %max3A_149 = vector.broadcast %max3A_148 : f32 to vector<1280x16xf32>
    %max3A_150 = arith.maximumf %add3A_147, %max3A_149 : vector<1280x16xf32>
    %abs3A_151 = math.absf %add3A_147 : vector<1280x16xf32>
    %neg3A_152 = arith.constant 0.000000e+00 : f32
    %neg3A_153 = vector.broadcast %neg3A_152 : f32 to vector<1280x16xf32>
    %neg3A_154 = arith.subf %neg3A_153, %abs3A_151 : vector<1280x16xf32>
    %exp3A_155 = math.exp %neg3A_154 : vector<1280x16xf32>
    %log1p3A_156 = math.log1p %exp3A_155 : vector<1280x16xf32>
    %add3A_157 = arith.addf %max3A_150, %log1p3A_156 : vector<1280x16xf32>
    %swap3A_158 = arith.constant 0 : index
    %swap3A_159 = arith.constant 0 : index
    %swap3A_160 = vector.load %arg16[%swap3A_158, %swap3A_159] : memref<1280x16xf32, #tpu.memory_space<vmem>>, vector<1280x16xf32>
    tpu.vector_store %arg16[%swap3A_158, %swap3A_159], %add3A_157 {strides = array<i32>} : memref<1280x16xf32, #tpu.memory_space<vmem>>, vector<1280x16xf32>,
    return
  }
  func.func @transform_0(%arg0: i32) -> (i32, i32) {
    %c0_i32 = arith.constant 0 : i32
    %c0_i32_0 = arith.constant 0 : i32
    return %arg0, %c0_i32 : i32, i32
  }
  func.func @transform_1(%arg0: i32) -> (i32, i32) {
    %c0_i32 = arith.constant 0 : i32
    %c0_i32_0 = arith.constant 0 : i32
    return %arg0, %c0_i32 : i32, i32
  }
  func.func @transform_2(%arg0: i32) -> (i32, i32) {
    %c0_i32 = arith.constant 0 : i32
    %c0_i32_0 = arith.constant 0 : i32
    return %arg0, %c0_i32 : i32, i32
  }
  func.func @transform_3(%arg0: i32) -> (i32, i32) {
    %c0_i32 = arith.constant 0 : i32
    %c0_i32_0 = arith.constant 0 : i32
    return %arg0, %c0_i32 : i32, i32
  }
  func.func @transform_4(%arg0: i32) -> (i32, i32) {
    %c0_i32 = arith.constant 0 : i32
    %c0_i32_0 = arith.constant 0 : i32
    %c0_i32_1 = arith.constant 0 : i32
    return %c0_i32, %c0_i32_0 : i32, i32
  }
  func.func @transform_5(%arg0: i32) -> (i32, i32) {
    %c0_i32 = arith.constant 0 : i32
    %c0_i32_0 = arith.constant 0 : i32
    %c0_i32_1 = arith.constant 0 : i32
    return %c0_i32, %c0_i32_0 : i32, i32
  }
  func.func @transform_6(%arg0: i32) -> (i32, i32) {
    %c0_i32 = arith.constant 0 : i32
    %c0_i32_0 = arith.constant 0 : i32
    %c0_i32_1 = arith.constant 0 : i32
    return %c0_i32, %c0_i32_0 : i32, i32
  }
  func.func @transform_7(%arg0: i32) -> (i32, i32) {
    %c0_i32 = arith.constant 0 : i32
    %c0_i32_0 = arith.constant 0 : i32
    %c0_i32_1 = arith.constant 0 : i32
    return %c0_i32, %c0_i32_0 : i32, i32
  }
  func.func @transform_8(%arg0: i32) -> (i32, i32) {
    %c0_i32 = arith.constant 0 : i32
    %c0_i32_0 = arith.constant 0 : i32
    %c0_i32_1 = arith.constant 0 : i32
    return %c0_i32, %c0_i32_0 : i32, i32
  }
  func.func @transform_9(%arg0: i32) -> (i32, i32) {
    %c0_i32 = arith.constant 0 : i32
    %c0_i32_0 = arith.constant 0 : i32
    %c0_i32_1 = arith.constant 0 : i32
    return %c0_i32, %c0_i32_0 : i32, i32
  }
  func.func @transform_10(%arg0: i32) -> (i32, i32) {
    %c0_i32 = arith.constant 0 : i32
    %c0_i32_0 = arith.constant 0 : i32
    %c0_i32_1 = arith.constant 0 : i32
    return %c0_i32, %c0_i32_0 : i32, i32
  }
  func.func @transform_11(%arg0: i32) -> (i32, i32) {
    %c0_i32 = arith.constant 0 : i32
    %c0_i32_0 = arith.constant 0 : i32
    %c0_i32_1 = arith.constant 0 : i32
    return %c0_i32, %c0_i32_0 : i32, i32
  }
  func.func @transform_12(%arg0: i32) -> (i32, i32) {
    %c0_i32 = arith.constant 0 : i32
    %c0_i32_0 = arith.constant 0 : i32
    %c0_i32_1 = arith.constant 0 : i32
    return %c0_i32, %c0_i32_0 : i32, i32
  }
  func.func @transform_13(%arg0: i32) -> (i32, i32) {
    %c0_i32 = arith.constant 0 : i32
    %c0_i32_0 = arith.constant 0 : i32
    %c0_i32_1 = arith.constant 0 : i32
    return %c0_i32, %c0_i32_0 : i32, i32
  }
  func.func @transform_14(%arg0: i32) -> (i32, i32) {
    %c0_i32 = arith.constant 0 : i32
    %c0_i32_0 = arith.constant 0 : i32
    return %arg0, %c0_i32 : i32, i32
  }
  func.func @transform_15(%arg0: i32) -> (i32, i32) {
    %c0_i32 = arith.constant 0 : i32
    %c0_i32_0 = arith.constant 0 : i32
    return %arg0, %c0_i32 : i32, i32
  }
  func.func @transform_16(%arg0: i32) -> (i32, i32) {
    %c0_i32 = arith.constant 0 : i32
    %c0_i32_0 = arith.constant 0 : i32
    %c0_i32_1 = arith.constant 0 : i32
    return %c0_i32, %c0_i32_0 : i32, i32
  }
}

module attributes {stable_mosaic.version = 14 : i64} {
  func.func @body(%arg0: i32, %arg1: memref<1000x256xf32, #tpu.memory_space<vmem>>, %arg2: memref<1000x256xf32, #tpu.memory_space<vmem>>, %arg3: memref<1000x256xf32, #tpu.memory_space<vmem>>, %arg4: memref<2x256xf32, #tpu.memory_space<vmem>>, %arg5: memref<1x256xf32, #tpu.memory_space<vmem>>, %arg6: memref<1x256xf32, #tpu.memory_space<vmem>>, %arg7: memref<1000x256xf32, #tpu.memory_space<vmem>>) attributes {dimension_semantics = [#tpu.dimension_semantics<arbitrary>], iteration_bounds = array<i64: 10>, scalar_prefetch = 0 : i64, scratch_operands = 0 : i64, tpu.core_type = #tpu.core_type<tc>, window_params = [{transform_indices = @transform_0, window_bounds = array<i64: 1000, 256>}, {transform_indices = @transform_1, window_bounds = array<i64: 1000, 256>}, {transform_indices = @transform_2, window_bounds = array<i64: 1000, 256>}, {pipeline_mode = #tpu.pipeline_mode<synchronous>, transform_indices = @transform_3, window_bounds = array<i64: 2, 256>}, {pipeline_mode = #tpu.pipeline_mode<synchronous>, transform_indices = @transform_4, window_bounds = array<i64: 1, 256>}, {pipeline_mode = #tpu.pipeline_mode<synchronous>, transform_indices = @transform_5, window_bounds = array<i64: 1, 256>}, {transform_indices = @transform_6, window_bounds = array<i64: 1000, 256>}]} {
    %get3A = arith.constant 0 : index
    %get3A_0 = arith.constant 0 : index
    %get3A_1 = vector.load %arg4[%get3A, %get3A_0] : memref<2x256xf32, #tpu.memory_space<vmem>>, vector<1x256xf32>
    %div3A = arith.constant 1.000000e+04 : f32
    %div3A_2 = vector.broadcast %div3A : f32 to vector<1x256xf32>
    %div3A_3 = arith.divf %get3A_1, %div3A_2 : vector<1x256xf32>
    %get3A_4 = arith.constant 1 : index
    %get3A_5 = arith.constant 0 : index
    %get3A_6 = vector.load %arg4[%get3A_4, %get3A_5] : memref<2x256xf32, #tpu.memory_space<vmem>>, vector<1x256xf32>
    %div3A_7 = arith.constant 1.000000e+04 : f32
    %div3A_8 = vector.broadcast %div3A_7 : f32 to vector<1x256xf32>
    %div3A_9 = arith.divf %get3A_6, %div3A_8 : vector<1x256xf32>
    %mul3A = arith.mulf %div3A_3, %div3A_3 : vector<1x256xf32>
    %sub3A = arith.subf %div3A_9, %mul3A : vector<1x256xf32>
    %get3A_10 = arith.constant 0 : index
    %get3A_11 = arith.constant 0 : index
    %get3A_12 = vector.load %arg2[%get3A_10, %get3A_11] : memref<1000x256xf32, #tpu.memory_space<vmem>>, vector<1000x256xf32>
    %sub3A_13 = vector.broadcast %div3A_3 : vector<1x256xf32> to vector<1000x256xf32>
    %sub3A_14 = arith.subf %get3A_12, %sub3A_13 : vector<1000x256xf32>
    %add3A = arith.constant 9.99999974E-6 : f32
    %add3A_15 = vector.broadcast %add3A : f32 to vector<1x256xf32>
    %add3A_16 = arith.addf %sub3A, %add3A_15 : vector<1x256xf32>
    %rsqrt3A = math.rsqrt %add3A_16 : vector<1x256xf32>
    %mul3A_17 = vector.broadcast %rsqrt3A : vector<1x256xf32> to vector<1000x256xf32>
    %mul3A_18 = arith.mulf %sub3A_14, %mul3A_17 : vector<1000x256xf32>
    %get3A_19 = arith.constant 0 : index
    %get3A_20 = arith.constant 0 : index
    %get3A_21 = vector.load %arg5[%get3A_19, %get3A_20] : memref<1x256xf32, #tpu.memory_space<vmem>>, vector<1x256xf32>
    %mul3A_22 = vector.broadcast %get3A_21 : vector<1x256xf32> to vector<1000x256xf32>
    %mul3A_23 = arith.mulf %mul3A_18, %mul3A_22 : vector<1000x256xf32>
    %get3A_24 = arith.constant 0 : index
    %get3A_25 = arith.constant 0 : index
    %get3A_26 = vector.load %arg6[%get3A_24, %get3A_25] : memref<1x256xf32, #tpu.memory_space<vmem>>, vector<1x256xf32>
    %add3A_27 = vector.broadcast %get3A_26 : vector<1x256xf32> to vector<1000x256xf32>
    %add3A_28 = arith.addf %mul3A_23, %add3A_27 : vector<1000x256xf32>
    %get3A_29 = arith.constant 0 : index
    %get3A_30 = arith.constant 0 : index
    %get3A_31 = vector.load %arg1[%get3A_29, %get3A_30] : memref<1000x256xf32, #tpu.memory_space<vmem>>, vector<1000x256xf32>
    %add3A_32 = arith.addf %get3A_31, %add3A_28 : vector<1000x256xf32>
    %get3A_33 = arith.constant 0 : index
    %get3A_34 = arith.constant 0 : index
    %get3A_35 = vector.load %arg3[%get3A_33, %get3A_34] : memref<1000x256xf32, #tpu.memory_space<vmem>>, vector<1000x256xf32>
    %add3A_36 = arith.addf %add3A_32, %get3A_35 : vector<1000x256xf32>
    %max3A = arith.constant 0.000000e+00 : f32
    %max3A_37 = vector.broadcast %max3A : f32 to vector<1000x256xf32>
    %max3A_38 = arith.maximumf %add3A_36, %max3A_37 : vector<1000x256xf32>
    %abs3A = math.absf %add3A_36 : vector<1000x256xf32>
    %neg3A = arith.constant 0.000000e+00 : f32
    %neg3A_39 = vector.broadcast %neg3A : f32 to vector<1000x256xf32>
    %neg3A_40 = arith.subf %neg3A_39, %abs3A : vector<1000x256xf32>
    %exp3A = math.exp %neg3A_40 : vector<1000x256xf32>
    %log1p3A = math.log1p %exp3A : vector<1000x256xf32>
    %add3A_41 = arith.addf %max3A_38, %log1p3A : vector<1000x256xf32>
    %swap3A = arith.constant 0 : index
    %swap3A_42 = arith.constant 0 : index
    %swap3A_43 = vector.load %arg7[%swap3A, %swap3A_42] : memref<1000x256xf32, #tpu.memory_space<vmem>>, vector<1000x256xf32>
    tpu.vector_store %arg7[%swap3A, %swap3A_42], %add3A_41 {strides = array<i32>} : memref<1000x256xf32, #tpu.memory_space<vmem>>, vector<1000x256xf32>,
    return
  }
  func.func @transform_0(%arg0: i32) -> (i32, i32) {
    %c0_i32 = arith.constant 0 : i32
    %c0_i32_0 = arith.constant 0 : i32
    return %arg0, %c0_i32 : i32, i32
  }
  func.func @transform_1(%arg0: i32) -> (i32, i32) {
    %c0_i32 = arith.constant 0 : i32
    %c0_i32_0 = arith.constant 0 : i32
    return %arg0, %c0_i32 : i32, i32
  }
  func.func @transform_2(%arg0: i32) -> (i32, i32) {
    %c0_i32 = arith.constant 0 : i32
    %c0_i32_0 = arith.constant 0 : i32
    return %arg0, %c0_i32 : i32, i32
  }
  func.func @transform_3(%arg0: i32) -> (i32, i32) {
    %c0_i32 = arith.constant 0 : i32
    %c0_i32_0 = arith.constant 0 : i32
    %c0_i32_1 = arith.constant 0 : i32
    return %c0_i32, %c0_i32_0 : i32, i32
  }
  func.func @transform_4(%arg0: i32) -> (i32, i32) {
    %c0_i32 = arith.constant 0 : i32
    %c0_i32_0 = arith.constant 0 : i32
    %c0_i32_1 = arith.constant 0 : i32
    return %c0_i32, %c0_i32_0 : i32, i32
  }
  func.func @transform_5(%arg0: i32) -> (i32, i32) {
    %c0_i32 = arith.constant 0 : i32
    %c0_i32_0 = arith.constant 0 : i32
    %c0_i32_1 = arith.constant 0 : i32
    return %c0_i32, %c0_i32_0 : i32, i32
  }
  func.func @transform_6(%arg0: i32) -> (i32, i32) {
    %c0_i32 = arith.constant 0 : i32
    %c0_i32_0 = arith.constant 0 : i32
    return %arg0, %c0_i32 : i32, i32
  }
}

</mosaic_0001>

<sc_bundles>
// kernel: kernel.10.cloned.1.call-start
scs
__scs_entry_jumppad:
0x0: {  	(pc) =	sbr.rel $0x88, $3  }
0x1: {  	(tag) =	ssettag $0x0;
	lr =	simm.s32 $0x1  }
0x2: {  	[smem:$0x3F8F] =	sst lr;
	_ =	strace $0xD0000000  }
0x3: {  	_ = 	snop  }
0x4: {  	_ = 	snop  }
0x5: {  	_ = 	snop  }
0x6: {  	_ = 	snop  }
0x7: {  	_ = 	snop  }
__scs_overlays_trampoline_lowered:
0x8: {  	[smem:$0x3F9E] =	sst s0  }
0x9: {  	[smem:$0x3F9F] =	sst s1  }
0xa: {  	[smem:$0x3FA0] =	sst s2  }
0xb: {  	[smem:$0x3FA1] =	sst s3  }
0xc: {  	[smem:$0x3FA2] =	sst s4  }
0xd: {  	[smem:$0x3FA3] =	sst s5  }
0xe: {  	[smem:$0x3FA4] =	sst s6  }
0xf: {  	[smem:$0x3FA5] =	sst s7  }
0x10: {  	[smem:$0x3FA6] =	sst s8  }
0x11: {  	[smem:$0x3FA7] =	sst s9;
	s0 =	simm.s32 @!p0 $0x0  }
0x12: {  	s1 =	sld [smem:$0x3F8D];
	s0 =	simm.s32 @p0 $0x1  }
0x13: {  	[smem:$0x3FA8] =	sst s0;
	s0 =	simm.s32 @!p1 $0x0  }
0x14: {  	s2 =	sld [smem:$0x3F8C];
	s0 =	simm.s32 @p1 $0x1  }
0x15: {  	[smem:$0x3FA9] =	sst s0;
	s0 =	simm.s32 @!p2 $0x0  }
0x16: {  	s3 =	sld [smem:$0x3FDB];
	s0 =	simm.s32 @p2 $0x1  }
0x17: {  	s4 =	simm.s32 $0x1BF5;
	[smem:$0x3FAB] =	sst s0  }
0x18: {  	s0 =	sld [smem:$0x3F8E];
	_ =	swait.ge [sflag:s4], $0x0  }
0x19: {  	s7 =	sld [smem:$0x3F8F]  }
0x1a: {  	s8 =	sadd.s32 $0xFFFFE003, lr  }
0x1b: {  	s9 =	sadd.s32 $0xFFFFFEF7, lr;
	s5 =	simm.s32 $0xFFFFFFFF;
	p2 =	slt.u32 s8, $0xFFFFF086  }
0x1c: {  	p1 =	slt.u32 s9, $0xF7A;
	s5 =	simm.s32 @!p2 $0x0  }
0x1d: {  	s5 =	simm.s32 @p1 $0x1;
	p0 =	seq.s32 s7, s2  }
0x1e: {  	s7 =	smul.u32 @!p0 $0xF7A, s2;
	p2 =	seq.s32 @!p0 s5, $0x0  }
0x1f: {  	s9 =	smul.u32 $0xF7A, s1;
	s8 =	simm.s32 @!p0 $0x1BF5;
	p2 =	por !p2, p0  }
0x20: {  	[sflag:s8] =	ssyncset.s32 @!p0 $0xFFFFF086;
	s6 =	sadd.s32 @!p0 s3, s7;
	s7 =	simm.s32 @!p0 $0x108  }
0x21: {  	s3 =	sadd.s32 s3, s9;
	s6 =	sadd.s32 @!p0 $0x88, s6;
	s7 =	simm.s32 @p2 $0x1082  }
0x22: {  	[simem:s7], [sflag:s8] =	dma.local @!p0 [hbm:s6], $0xF7A  }
0x23: {  	s9 =	sor.u32 $0xD0000000, s2;
	s6 =	simm.s32 $0x108;
	_ =	swait.ge @!p0 [sflag:s8], $0x0  }
0x24: {  	s3 =	sadd.s32 $0x88, s3;
	s6 =	simm.s32 @!p1 $0x1082;
	[sflag:s4] =	ssyncset.s32 $0xFFFFF086  }
0x25: {  	[simem:s6], [sflag:s4] =	dma.local [hbm:s3], $0xF7A  }
0x26: {  	[smem:$0x3F8F] =	sst s1;
	(tag) =	ssettag s2;
	_ =	strace s9  }
0x27: {  	s1 =	sld [smem:$0x3F9F]  }
0x28: {  	s2 =	sld [smem:$0x3FA0]  }
0x29: {  	s4 =	sld [smem:$0x3FA2]  }
0x2a: {  	p0 =	seq.s32 s5, $0x0;
	s5 =	sld [smem:$0x3FA3]  }
0x2b: {  	s6 =	sld [smem:$0x3FA4]  }
0x2c: {  	s7 =	sld [smem:$0x3FA5]  }
0x2d: {  	s3 =	simm.s32 $0x108;
	s8 =	sld [smem:$0x3FA6]  }
0x2e: {  	s3 =	simm.s32 @!p0 $0x1082;
	s9 =	sld [smem:$0x3FA7]  }
0x2f: {  	lr =	sadd.s32 s0, s3;
	s0 =	sld [smem:$0x3F9E]  }
0x30: {  	s3 =	sld [smem:$0x3FA1]  }
0x31: {  	[smem:$0x3FAA] =	sst s10  }
0x32: {  	s10 =	sld [smem:$0x3FA8];
	_ =	sdelay $0x3  }
0x33: {  	p0 =	seq.s32 s10, $0x1;
	s10 =	sld [smem:$0x3FAA];
	_ =	sdelay $0x3  }
0x34: {  	[smem:$0x3FAA] =	sst s10  }
0x35: {  	s10 =	sld [smem:$0x3FA9];
	_ =	sdelay $0x3  }
0x36: {  	p1 =	seq.s32 s10, $0x1;
	s10 =	sld [smem:$0x3FAA];
	_ =	sdelay $0x3  }
0x37: {  	[smem:$0x3FAA] =	sst s10  }
0x38: {  	s10 =	sld [smem:$0x3FAB]  }
0x39: {  	_ = 	snop;
	(pc) =	sbr.ind lr, $3  }
0x3a: {  	_ = 	snop  }
0x3b: {  	_ = 	snop  }
0x3c: {  	p2 =	seq.s32 s10, $0x1;
	s10 =	sld [smem:$0x3FAA]  }
0x3d: {  	_ =	shalt  }
0x3e: {  	_ =	shalt  }
0x3f: {  	_ =	shalt  }
0x40: {  	_ =	shalt  }
0x41: {  	_ =	shalt  }
0x42: {  	_ =	shalt  }
0x43: {  	_ =	shalt  }
0x44: {  	_ =	shalt  }
0x45: {  	_ =	shalt  }
0x46: {  	_ =	shalt  }
0x47: {  	_ =	shalt  }
0x48: {  	_ =	shalt  }
0x49: {  	_ =	shalt  }
0x4a: {  	_ =	shalt  }
0x4b: {  	_ =	shalt  }
0x4c: {  	_ =	shalt  }
0x4d: {  	_ =	shalt  }
0x4e: {  	_ =	shalt  }
0x4f: {  	_ =	shalt  }
0x50: {  	_ =	shalt  }
0x51: {  	_ =	shalt  }
0x52: {  	_ =	shalt  }
0x53: {  	_ =	shalt  }
0x54: {  	_ =	shalt  }
0x55: {  	_ =	shalt  }
0x56: {  	_ =	shalt  }
0x57: {  	_ =	shalt  }
0x58: {  	_ =	shalt  }
0x59: {  	_ =	shalt  }
0x5a: {  	_ =	shalt  }
0x5b: {  	_ =	shalt  }
0x5c: {  	_ =	shalt  }
0x5d: {  	_ =	shalt  }
0x5e: {  	_ =	shalt  }
0x5f: {  	_ =	shalt  }
0x60: {  	_ =	shalt  }
0x61: {  	_ =	shalt  }
0x62: {  	_ =	shalt  }
0x63: {  	_ =	shalt  }
0x64: {  	_ =	shalt  }
0x65: {  	_ =	shalt  }
0x66: {  	_ =	shalt  }
0x67: {  	_ =	shalt  }
0x68: {  	_ =	shalt  }
0x69: {  	_ =	shalt  }
0x6a: {  	_ =	shalt  }
0x6b: {  	_ =	shalt  }
0x6c: {  	_ =	shalt  }
0x6d: {  	_ =	shalt  }
0x6e: {  	_ =	shalt  }
0x6f: {  	_ =	shalt  }
0x70: {  	_ =	shalt  }
0x71: {  	_ =	shalt  }
0x72: {  	_ =	shalt  }
0x73: {  	_ =	shalt  }
0x74: {  	_ =	shalt  }
0x75: {  	_ =	shalt  }
0x76: {  	_ =	shalt  }
0x77: {  	_ =	shalt  }
0x78: {  	_ =	shalt  }
0x79: {  	_ =	shalt  }
0x7a: {  	_ =	shalt  }
0x7b: {  	_ =	shalt  }
0x7c: {  	_ =	shalt  }
0x7d: {  	_ =	shalt  }
0x7e: {  	_ =	shalt  }
0x7f: {  	_ =	shalt  }
0x80: {  	_ =	shalt  }
0x81: {  	_ =	shalt  }
0x82: {  	_ =	shalt  }
0x83: {  	_ =	shalt  }
0x84: {  	_ =	shalt  }
0x85: {  	_ =	shalt  }
0x86: {  	_ =	shalt  }
0x87: {  	_ =	shalt  }
.Lfunc_end0:
.L_simem_size_0:
called_computation_lowered:
.L_overlay_start_0:
0x88: {  	s2 =	sld [smem:$0x3FD9]  }
0x89: {  	s3 =	sld [smem:$0x3FFE];
	_ =	sdelay $0x1  }
0x8a: {  	s1 =	srdreg.scid  }
0x8b: {  	s0 =	sand.u32 $0x1, s1  }
0x8c: {  	s17 =	sshll.u32 s0, $0xA;
	s2 =	sadd.s32 s3, s2  }
0x8d: {  	s2 =	sadd.s32 s2, s17  }
0x8e: {  	[smem:$0x3FB6] =	sst s2  }
0x8f: {  	_ = 	snop  }
0x90: {  	(tm) =	ssettm $0x1  }
0x91: {  	s18 =	sld [smem:$0x3FFB];
	_ =	sdelay $0x3  }
0x92: {  	_ =	strace s18  }
0x93: {  	s2 =	sld [smem:$0x3FFC];
	_ =	sdelay $0x3  }
0x94: {  	_ =	strace s2  }
0x95: {  	s2 =	sld [smem:$0x3FFD];
	_ =	sdelay $0x3  }
0x96: {  	_ =	strace s2  }
0x97: {  	_ =	strace $0x8FFFFFFF  }
0x98: {  	s19 =	sld [smem:$0x3FDB];
	_ =	sdelay $0x1  }
0x99: {  	s20 =	simm.s32 $_scs_section_size  }
0x9a: {  	s4 =	simm.s32 $_size__tile_overlayer_lowered;
	s5 =	simm.s32 $_tile_overlayer_lowered  }
0x9b: {  	s6 =	simm.s32 $0x1BFF;
	s21 =	sshll.u32 s5, $0x1;
	s3 =	sadd.s32 s20, s19  }
0x9c: {  	s22 =	simm.s32 $0x0;
	s4 =	sshll.u32 s4, $0x1;
	s5 =	sadd.s32 s21, s3  }
0x9d: {  	[timem:s22], [sflag:s6] =	dma.local [hbm:s5], s4  }
0x9e: {  	_ =	swait.ge [sflag:s6], s4  }
0x9f: {  	s4 =	ssub.s32 $0x0, s4;
	[sflag:s6] =	ssyncset.done $0x0  }
0xa0: {  	[sflag:s6] =	ssyncadd.s32 s4;
	_ =	sdelay $0x1  }
0xa1: {  	s23 =	simm.s32 $0x1B8B  }
0xa2: {  	_ =	swait.ge [sflag:s23], $0x1  }
0xa3: {  	[sflag:s23] =	ssyncset.done $0x0  }
0xa4: {  	[sflag:s23] =	ssyncadd.s32 $0xFFFFFFFF  }
0xa5: {  	s4 =	sld [smem:$0x0]  }
0xa6: {  	s5 =	sand.u32 $0xFFFFFFFE, s1  }
0xa7: {  	p0 =	sne.s32 s1, s5  }
0xa8: {  	s5 =	sshll.u32 @p0 s5, $0xE  }
0xa9: {  	s5 =	sadd.s32 @p0 $0x11B8D, s5;
	s6 =	sshll.u32 @p0 s4, $0x11  }
0xaa: {  	s5 =	sor.u32 @p0 s6, s5  }
0xab: {  	[sflag:s5] =	ssyncadd.remote.s32 @p0 $0x1;
	_ =	sdelay $0x1  }
0xac: {  	s5 =	simm.s32 @p0 $0x1B8D  }
0xad: {  	_ =	swait.eq @p0 [sflag:s5], $0x1  }
0xae: {  	[sflag:s5] =	ssyncadd.s32 @p0 $0xFFFFFFFF  }
0xaf: {  	s6 =	sshll.u32 @!p0 s1, $0xE  }
0xb0: {  	s6 =	sor.u32 @!p0 $0x4000, s6;
	s5 =	simm.s32 @!p0 $0x1B8D  }
0xb1: {  	s4 =	sshll.u32 @!p0 s4, $0x11;
	s6 =	sadd.s32 @!p0 $0x11B8D, s6;
	_ =	swait.eq @!p0 [sflag:s5], $0x1  }
0xb2: {  	s4 =	sor.u32 @!p0 s4, s6;
	[sflag:s5] =	ssyncadd.s32 @!p0 $0xFFFFFFFF  }
0xb3: {  	s25 =	simm.s32 $0x1B8E;
	s24 =	sld [smem:$0x3FFE];
	[sflag:s4] =	ssyncadd.remote.s32 @!p0 $0x1  }
0xb4: {  	s26 =	simm.s32 $execute0_lowered;
	[smem:$0x3FD2] =	sst s25  }
0xb5: {  	s5 =	sshll.u32 s26, $0x1;
	_ =	strace $0x80000049;
	[dreg:$0x1] =	wrdreg $0xFFFFFFFF  }
0xb6: {  	s28 =	simm.s32 $_size_execute0_lowered;
	s3 =	sadd.s32 s3, s5;
	[dreg:$0x0] =	wrdreg $0x0  }
0xb7: {  	s5 =	sshll.u32 s28, $0x1;
	[dreg:$0x2] =	wrdreg s3  }
0xb8: {  	[dreg:$0x3] =	wrdreg s5  }
0xb9: {  	[dreg:$0x4] =	wrdreg $0xC0  }
0xba: {  	_ =	task [dreg:s22], $0x5FFFF  }
0xbb: {  	[dreg:$0x1] =	wrdreg $0xFFFFFFFF  }
0xbc: {  	[dreg:$0x0] =	wrdreg $0x60  }
0xbd: {  	[dreg:$0x2] =	wrdreg s24  }
0xbe: {  	[dreg:$0x3] =	wrdreg $0x9  }
0xbf: {  	_ =	task.clear_ibuf [dreg:s22], $0x4FFFF;
	_ =	strace $0x90000049  }
0xc0: {  	s29 =	simm.s32 $0x9;
	_ =	strace $0x8000004B  }
0xc1: {  	_ =	swait.ge [sflag:s29], $0x1  }
0xc2: {  	[sflag:s29] =	ssyncadd.s32 $0xFFFFFFFF  }
0xc3: {  	_ =	strace $0x9000004B  }
0xc4: {  	_ =	sfence  }
0xc5: {  	s30 =	sld [smem:$0x0];
	_ =	sdelay $0x2  }
0xc6: {  	s31 =	sshll.u32 s1, $0xD;
	s1 =	sshrl.u32 s1, $0x2  }
0xc7: {  	s4 =	sand.u32 $0x4000, s31;
	s1 =	sadd.s32 s1, s30  }
0xc8: {  	s0 =	sor.u32 s4, s0;
	s1 =	sshll.u32 s1, $0x11  }
0xc9: {  	s0 =	sor.u32 s1, s0  }
0xca: {  	s0 =	sadd.s32 $0x8F2B, s0  }
0xcb: {  	[sflag:s0] =	ssyncadd.remote.s32 $0x1  }
0xcc: {  	_ =	sfence.sel $0xFFFF  }
0xcd: {  	[dreg:$0x0] =	wrdreg $0xFFFFFFFF;
	(pc) =	sbr.abs _section_cstart, $3  }
0xce: {  	[dreg:$0x1] =	wrdreg $0xFFFFFFFF  }
0xcf: {  	_ =	task.clear_ibuf [dreg:s22], $0x2FFFF;
	_ =	strace $0x9FFFFFFF  }
0xd0: {  	(tm) =	ssettm $0x7FFFFFFF  }
0xd1: {  	_ =	shalt  }
tec
execute0_lowered:
.L_overlay_start_1:
0x0: {  	(tag) =	ssettag $0x1  }
0x1: {  	s1 =	srdreg.scid  }
0x2: {  	s0 =	stileid.u32;
	s4 =	rddreg [dreg:$0x0]  }
0x3: {  	s2 =	simm.s32 $0x0;
	s13 =	simm.s32 $0x7800;
	s14 =	simm.s32 $0x1  }
0x4: {  	s15 =	simm.s32 $0x3;
	s16 =	simm.s32 $0x2;
	s17 =	simm.s32 $0x4  }
0x5: {  	s18 =	simm.s32 $0x12C0;
	s6 =	sand.u32 $0x1, s1;
	s3 =	sshll.u32 s0, $0x1  }
0x6: {  	s1 =	rddreg [dreg:$0x1];
	s31 =	smul.u32 $0x27100, s0;
	s5 =	sor.u32 s6, s3  }
0x7: {  	s19 =	simm.s32 $0x0;
	[smem:$0x7FF] =	sst s2;
	s7 =	smul.u32 $0x1388, s5  }
0x8: {  	s10 =	sadd.s32 $0x77F000, s4;
	s8 =	ssub.s32 $0x2, s6;
	s9 =	smul.u32 $0x9C400, s5  }
0x9: {  	_ =	strace $0x8000004A;
	s29 =	sshrl.u32 s8, $0x1;
	s11 =	smul.u32 $0x13880, s5  }
0xa: {  	s3 =	sadd.s32 $0x10BC00, s4;
	s12 =	smul.u32 $0x13880, s6;
	s8 =	ssub.s32 s8, s29  }
0xb: {  	s7 =	sshrl.u32 s7, $0x3;
	s9 =	sshrl.u32 s9, $0x3;
	s11 =	sadd.s32 s10, s11  }
0xc: {  	s6 =	smax.u32 s8, $0x1;
	s7 =	sadd.s32 s7, s4;
	s30 =	sadd.s32 s10, s9  }
0xd: {  	s9 =	sadd.s32 s31, s10;
	s8 =	sadd.s32 $0x11F80, s11;
	s10 =	simm.s32 $0x5  }
0xe: {  	s4 =	sadd.s32 $0x77A000, s7;
	s5 =	sadd.s32 $0x12C00, s30;
	s7 =	sadd.s32 $0x11300, s11  }
0xf: {  	s9 =	sadd.s32 s12, s9;
	s11 =	simm.s32 $0xC8;
	s12 =	simm.s32 $0x1400  }
.LBB2_1:
0x10: {  	[tilespmem:s2], [sflag:$0x5] =	stream.linear.gather [hbm4b:s4+s2], $0x1388, $0x38;
	[tilespmem:$0xDC00] =	vst v63  }
0x11: {  	_ =	swait.ge [sflag:s10], $0x1388  }
0x12: {  	[sflag:s10] =	ssyncset.done $0x0  }
0x13: {  	[sflag:s10] =	ssyncadd.s32 $0xFFFFEC78  }
0x14: {  	[tilespmem:s12], [sflag:$0x1] =	stream.indirect.gather [hbm4b:s3+s11], $0x80, s2, s11, $0xb8;
	[tilespmem:$0xDC00] =	vst v63  }
0x15: {  	_ = 	snop  }
0x16: {  	[tilespmem:s13], [sflag:$0x2] =	stream.indirect.gather [hbm4b:s3+s11], $0x80, s11, s11, $0xb8;
	[tilespmem:$0xDC00] =	vst v63  }
0x17: {  	_ =	swait.ge [sflag:s14], $0x6400  }
0x18: {  	[sflag:s14] =	ssyncset.done $0x0  }
0x19: {  	s20 =	sadd.s32 $0x0, s9;
	[sflag:s14] =	ssyncadd.s32 $0xFFFF9C00  }
0x1a: {  	[hbm4b:s20+s2] =	stream.linear.scatter [tilespmem:s12], [sflag:$0x3], $0x6400, $0x38;
	[tilespmem:$0xDC00] =	vst v63  }
0x1b: {  	_ =	swait.ge [sflag:s15], $0x6400  }
0x1c: {  	[sflag:s15] =	ssyncset.done $0x0  }
0x1d: {  	s21 =	simm.s32 $0x190;
	[sflag:s15] =	ssyncadd.s32 $0xFFFF9C00  }
0x1e: {  	[tilespmem:s12], [sflag:$0x1] =	stream.indirect.gather [hbm4b:s3+s11], $0x80, s21, s11, $0xb8;
	[tilespmem:$0xDC00] =	vst v63  }
0x1f: {  	_ =	swait.ge [sflag:s16], $0x6400  }
0x20: {  	[sflag:s16] =	ssyncset.done $0x0  }
0x21: {  	s20 =	sadd.s32 $0xC80, s20;
	[sflag:s16] =	ssyncadd.s32 $0xFFFF9C00  }
0x22: {  	[hbm4b:s20+s2] =	stream.linear.scatter [tilespmem:s13], [sflag:$0x4], $0x6400, $0x38;
	[tilespmem:$0xDC00] =	vst v63  }
0x23: {  	_ =	swait.ge [sflag:s17], $0x6400  }
0x24: {  	s22 =	simm.s32 $0x3E8;
	[sflag:s17] =	ssyncset.done $0x0  }
0x25: {  	s21 =	simm.s32 $0x1900;
	s20 =	simm.s32 $0x258;
	[sflag:s17] =	ssyncadd.s32 $0xFFFF9C00  }
.LBB2_2:
0x26: {  	[tilespmem:s13], [sflag:$0x2] =	stream.indirect.gather [hbm4b:s3+s11], $0x80, s20, s11, $0xb8;
	[tilespmem:$0xDC00] =	vst v63  }
0x27: {  	s23 =	smov.u32 s21;
	s20 =	smov.u32 s22  }
0x28: {  	p0 =	sne.s32 s21, $0xFA00;
	s21 =	sadd.s32 $0x1900, s21;
	_ =	swait.ge [sflag:s14], $0x6400  }
0x29: {  	[sflag:s14] =	ssyncset.done $0x0  }
0x2a: {  	s23 =	sadd.s32 s23, s9;
	[sflag:s14] =	ssyncadd.s32 $0xFFFF9C00  }
0x2b: {  	[hbm4b:s23+s2] =	stream.linear.scatter [tilespmem:s12], [sflag:$0x3], $0x6400, $0x38;
	[tilespmem:$0xDC00] =	vst v63  }
0x2c: {  	_ =	swait.ge [sflag:s15], $0x6400  }
0x2d: {  	[sflag:s15] =	ssyncset.done $0x0  }
0x2e: {  	s24 =	sadd.s32 $0xFFFFFF38, s22;
	[sflag:s15] =	ssyncadd.s32 $0xFFFF9C00  }
0x2f: {  	[tilespmem:s12], [sflag:$0x1] =	stream.indirect.gather [hbm4b:s3+s11], $0x80, s24, s11, $0xb8;
	[tilespmem:$0xDC00] =	vst v63  }
0x30: {  	_ =	swait.ge [sflag:s16], $0x6400  }
0x31: {  	[sflag:s16] =	ssyncset.done $0x0  }
.Ltmp0:
0x32: {  	s23 =	sadd.s32 $0xC80, s23;
	[sflag:s16] =	ssyncadd.s32 $0xFFFF9C00;
	(pc) =	sbr.rel @p0 .LBB2_2-.Ltmp0, $4  }
0x33: {  	[hbm4b:s23+s2] =	stream.linear.scatter [tilespmem:s13], [sflag:$0x4], $0x6400, $0x38;
	[tilespmem:$0xDC00] =	vst v63  }
0x34: {  	_ =	swait.ge [sflag:s17], $0x6400  }
0x35: {  	[sflag:s17] =	ssyncset.done $0x0  }
0x36: {  	s22 =	sadd.s32 $0x190, s22;
	[sflag:s17] =	ssyncadd.s32 $0xFFFF9C00  }
0x37: {  	[tilespmem:s13], [sflag:$0x2] =	stream.indirect.gather [hbm4b:s3+s11], $0x80, s20, s11, $0xb8;
	[tilespmem:$0xDC00] =	vst v63  }
0x38: {  	_ =	swait.ge [sflag:s14], $0x6400  }
0x39: {  	[sflag:s14] =	ssyncset.done $0x0  }
0x3a: {  	[sflag:s14] =	ssyncadd.s32 $0xFFFF9C00  }
0x3b: {  	[hbm4b:s7+s2] =	stream.linear.scatter [tilespmem:s12], [sflag:$0x3], $0x6400, $0x38;
	[tilespmem:$0xDC00] =	vst v63  }
0x3c: {  	_ =	swait.ge [sflag:s15], $0x6400  }
0x3d: {  	[sflag:s15] =	ssyncset.done $0x0  }
0x3e: {  	[sflag:s15] =	ssyncadd.s32 $0xFFFF9C00  }
0x3f: {  	[tilespmem:s12], [sflag:$0x1] =	stream.indirect.gather [hbm4b:s3+s11], $0x80, s18, s11, $0xb8;
	[tilespmem:$0xDC00] =	vst v63  }
0x40: {  	_ =	swait.ge [sflag:s16], $0x6400  }
0x41: {  	[sflag:s16] =	ssyncset.done $0x0  }
0x42: {  	[sflag:s16] =	ssyncadd.s32 $0xFFFF9C00  }
0x43: {  	[hbm4b:s8+s2] =	stream.linear.scatter [tilespmem:s13], [sflag:$0x4], $0x6400, $0x38;
	[tilespmem:$0xDC00] =	vst v63  }
0x44: {  	_ =	swait.ge [sflag:s14], $0x6400  }
0x45: {  	[sflag:s14] =	ssyncset.done $0x0  }
0x46: {  	s19 =	sadd.s32 $0x1, s19;
	[sflag:s14] =	ssyncadd.s32 $0xFFFF9C00  }
0x47: {  	[hbm4b:s5+s2] =	stream.linear.scatter [tilespmem:s12], [sflag:$0x3], $0x6400, $0x38;
	[tilespmem:$0xDC00] =	vst v63  }
0x48: {  	p0 =	sne.s32 s19, s6;
	_ =	swait.ge [sflag:s15], $0x6400  }
.Ltmp1:
0x49: {  	[sflag:s15] =	ssyncset.done $0x0;
	(pc) =	sbr.rel @p0 .LBB2_1-.Ltmp1, $4  }
0x4a: {  	[sflag:s15] =	ssyncadd.s32 $0xFFFF9C00  }
0x4b: {  	_ =	swait.ge [sflag:s17], $0x6400  }
0x4c: {  	[sflag:s17] =	ssyncset.done $0x0  }
0x4d: {  	[sflag:s17] =	ssyncadd.s32 $0xFFFF9C00  }
0x4e: {  	_ =	sfence.sel $0x180000  }
0x4f: {  	[bflag:$0x0] =	sbarrier.arrive $0xFFFF  }
0x50: {  	p0 =	sne.s32 s0, $0x0;
	_ =	strace $0x9000004A  }
0x51: {  	s0 =	sadd.s32 @!p0 $0x100000, s1;
	[bflag:$0x2] =	sbarrier.arrive $0xFFFF  }
0x52: {  	[sflag:s0] =	ssyncadd.tile.s32 @!p0 $0x1;
	_ =	shalt  }
.Lfunc_end2:
_tile_overlayer_lowered:
.L_overlay_start_2:
0x53: {  	(tag) =	ssettag $0x2  }
0x54: {  	s0 =	rddreg [dreg:$0x0];
	s2 =	stileid.u32  }
0x55: {  	s1 =	rddreg [dreg:$0x1];
	p0 =	sne.s32 s2, $0x0  }
0x56: {  	s3 =	rddreg [dreg:$0x2];
	[bflag:$0x3] =	sbarrier.arrive $0xFFFF;
	s2 =	simm.s32 @!p0 $0x1C05  }
0x57: {  	[timem:s3], [sflag:s2] =	dma.local @!p0 [hbm:s0], s1  }
0x58: {  	s0 =	simm.s32 @!p0 $0x5  }
0x59: {  	_ =	swait.ge @!p0 [sflag:s0], s1  }
0x5a: {  	s1 =	ssub.s32 @!p0 $0x0, s1;
	[sflag:s0] =	ssyncset.done @!p0 $0x0  }
0x5b: {  	[sflag:s0] =	ssyncadd.s32 @!p0 s1  }
0x5c: {  	[bflag:$0x3] =	sbarrier.arrive $0xFFFF  }
0x5d: {  	_ =	shalt  }

// kernel: kernel.13.cloned.1.call-start
scs
__scs_entry_jumppad:
0x0: {  	(pc) =	sbr.rel $0x88, $3  }
0x1: {  	(tag) =	ssettag $0x0;
	lr =	simm.s32 $0x1  }
0x2: {  	[smem:$0x3F8F] =	sst lr;
	_ =	strace $0xD0000000  }
0x3: {  	_ = 	snop  }
0x4: {  	_ = 	snop  }
0x5: {  	_ = 	snop  }
0x6: {  	_ = 	snop  }
0x7: {  	_ = 	snop  }
__scs_overlays_trampoline_lowered:
0x8: {  	[smem:$0x3F9E] =	sst s0  }
0x9: {  	[smem:$0x3F9F] =	sst s1  }
0xa: {  	[smem:$0x3FA0] =	sst s2  }
0xb: {  	[smem:$0x3FA1] =	sst s3  }
0xc: {  	[smem:$0x3FA2] =	sst s4  }
0xd: {  	[smem:$0x3FA3] =	sst s5  }
0xe: {  	[smem:$0x3FA4] =	sst s6  }
0xf: {  	[smem:$0x3FA5] =	sst s7  }
0x10: {  	[smem:$0x3FA6] =	sst s8  }
0x11: {  	[smem:$0x3FA7] =	sst s9;
	s0 =	simm.s32 @!p0 $0x0  }
0x12: {  	s1 =	sld [smem:$0x3F8D];
	s0 =	simm.s32 @p0 $0x1  }
0x13: {  	[smem:$0x3FA8] =	sst s0;
	s0 =	simm.s32 @!p1 $0x0  }
0x14: {  	s2 =	sld [smem:$0x3F8C];
	s0 =	simm.s32 @p1 $0x1  }
0x15: {  	[smem:$0x3FA9] =	sst s0;
	s0 =	simm.s32 @!p2 $0x0  }
0x16: {  	s3 =	sld [smem:$0x3FDB];
	s0 =	simm.s32 @p2 $0x1  }
0x17: {  	s4 =	simm.s32 $0x1BF5;
	[smem:$0x3FAB] =	sst s0  }
0x18: {  	s0 =	sld [smem:$0x3F8E];
	_ =	swait.ge [sflag:s4], $0x0  }
0x19: {  	s7 =	sld [smem:$0x3F8F]  }
0x1a: {  	s8 =	sadd.s32 $0xFFFFE003, lr  }
0x1b: {  	s9 =	sadd.s32 $0xFFFFFEF7, lr;
	s5 =	simm.s32 $0xFFFFFFFF;
	p2 =	slt.u32 s8, $0xFFFFF086  }
0x1c: {  	p1 =	slt.u32 s9, $0xF7A;
	s5 =	simm.s32 @!p2 $0x0  }
0x1d: {  	s5 =	simm.s32 @p1 $0x1;
	p0 =	seq.s32 s7, s2  }
0x1e: {  	s7 =	smul.u32 @!p0 $0xF7A, s2;
	p2 =	seq.s32 @!p0 s5, $0x0  }
0x1f: {  	s9 =	smul.u32 $0xF7A, s1;
	s8 =	simm.s32 @!p0 $0x1BF5;
	p2 =	por !p2, p0  }
0x20: {  	[sflag:s8] =	ssyncset.s32 @!p0 $0xFFFFF086;
	s6 =	sadd.s32 @!p0 s3, s7;
	s7 =	simm.s32 @!p0 $0x108  }
0x21: {  	s3 =	sadd.s32 s3, s9;
	s6 =	sadd.s32 @!p0 $0x88, s6;
	s7 =	simm.s32 @p2 $0x1082  }
0x22: {  	[simem:s7], [sflag:s8] =	dma.local @!p0 [hbm:s6], $0xF7A  }
0x23: {  	s9 =	sor.u32 $0xD0000000, s2;
	s6 =	simm.s32 $0x108;
	_ =	swait.ge @!p0 [sflag:s8], $0x0  }
0x24: {  	s3 =	sadd.s32 $0x88, s3;
	s6 =	simm.s32 @!p1 $0x1082;
	[sflag:s4] =	ssyncset.s32 $0xFFFFF086  }
0x25: {  	[simem:s6], [sflag:s4] =	dma.local [hbm:s3], $0xF7A  }
0x26: {  	[smem:$0x3F8F] =	sst s1;
	(tag) =	ssettag s2;
	_ =	strace s9  }
0x27: {  	s1 =	sld [smem:$0x3F9F]  }
0x28: {  	s2 =	sld [smem:$0x3FA0]  }
0x29: {  	s4 =	sld [smem:$0x3FA2]  }
0x2a: {  	p0 =	seq.s32 s5, $0x0;
	s5 =	sld [smem:$0x3FA3]  }
0x2b: {  	s6 =	sld [smem:$0x3FA4]  }
0x2c: {  	s7 =	sld [smem:$0x3FA5]  }
0x2d: {  	s3 =	simm.s32 $0x108;
	s8 =	sld [smem:$0x3FA6]  }
0x2e: {  	s3 =	simm.s32 @!p0 $0x1082;
	s9 =	sld [smem:$0x3FA7]  }
0x2f: {  	lr =	sadd.s32 s0, s3;
	s0 =	sld [smem:$0x3F9E]  }
0x30: {  	s3 =	sld [smem:$0x3FA1]  }
0x31: {  	[smem:$0x3FAA] =	sst s10  }
0x32: {  	s10 =	sld [smem:$0x3FA8];
	_ =	sdelay $0x3  }
0x33: {  	p0 =	seq.s32 s10, $0x1;
	s10 =	sld [smem:$0x3FAA];
	_ =	sdelay $0x3  }
0x34: {  	[smem:$0x3FAA] =	sst s10  }
0x35: {  	s10 =	sld [smem:$0x3FA9];
	_ =	sdelay $0x3  }
0x36: {  	p1 =	seq.s32 s10, $0x1;
	s10 =	sld [smem:$0x3FAA];
	_ =	sdelay $0x3  }
0x37: {  	[smem:$0x3FAA] =	sst s10  }
0x38: {  	s10 =	sld [smem:$0x3FAB]  }
0x39: {  	_ = 	snop;
	(pc) =	sbr.ind lr, $3  }
0x3a: {  	_ = 	snop  }
0x3b: {  	_ = 	snop  }
0x3c: {  	p2 =	seq.s32 s10, $0x1;
	s10 =	sld [smem:$0x3FAA]  }
0x3d: {  	_ =	shalt  }
0x3e: {  	_ =	shalt  }
0x3f: {  	_ =	shalt  }
0x40: {  	_ =	shalt  }
0x41: {  	_ =	shalt  }
0x42: {  	_ =	shalt  }
0x43: {  	_ =	shalt  }
0x44: {  	_ =	shalt  }
0x45: {  	_ =	shalt  }
0x46: {  	_ =	shalt  }
0x47: {  	_ =	shalt  }
0x48: {  	_ =	shalt  }
0x49: {  	_ =	shalt  }
0x4a: {  	_ =	shalt  }
0x4b: {  	_ =	shalt  }
0x4c: {  	_ =	shalt  }
0x4d: {  	_ =	shalt  }
0x4e: {  	_ =	shalt  }
0x4f: {  	_ =	shalt  }
0x50: {  	_ =	shalt  }
0x51: {  	_ =	shalt  }
0x52: {  	_ =	shalt  }
0x53: {  	_ =	shalt  }
0x54: {  	_ =	shalt  }
0x55: {  	_ =	shalt  }
0x56: {  	_ =	shalt  }
0x57: {  	_ =	shalt  }
0x58: {  	_ =	shalt  }
0x59: {  	_ =	shalt  }
0x5a: {  	_ =	shalt  }
0x5b: {  	_ =	shalt  }
0x5c: {  	_ =	shalt  }
0x5d: {  	_ =	shalt  }
0x5e: {  	_ =	shalt  }
0x5f: {  	_ =	shalt  }
0x60: {  	_ =	shalt  }
0x61: {  	_ =	shalt  }
0x62: {  	_ =	shalt  }
0x63: {  	_ =	shalt  }
0x64: {  	_ =	shalt  }
0x65: {  	_ =	shalt  }
0x66: {  	_ =	shalt  }
0x67: {  	_ =	shalt  }
0x68: {  	_ =	shalt  }
0x69: {  	_ =	shalt  }
0x6a: {  	_ =	shalt  }
0x6b: {  	_ =	shalt  }
0x6c: {  	_ =	shalt  }
0x6d: {  	_ =	shalt  }
0x6e: {  	_ =	shalt  }
0x6f: {  	_ =	shalt  }
0x70: {  	_ =	shalt  }
0x71: {  	_ =	shalt  }
0x72: {  	_ =	shalt  }
0x73: {  	_ =	shalt  }
0x74: {  	_ =	shalt  }
0x75: {  	_ =	shalt  }
0x76: {  	_ =	shalt  }
0x77: {  	_ =	shalt  }
0x78: {  	_ =	shalt  }
0x79: {  	_ =	shalt  }
0x7a: {  	_ =	shalt  }
0x7b: {  	_ =	shalt  }
0x7c: {  	_ =	shalt  }
0x7d: {  	_ =	shalt  }
0x7e: {  	_ =	shalt  }
0x7f: {  	_ =	shalt  }
0x80: {  	_ =	shalt  }
0x81: {  	_ =	shalt  }
0x82: {  	_ =	shalt  }
0x83: {  	_ =	shalt  }
0x84: {  	_ =	shalt  }
0x85: {  	_ =	shalt  }
0x86: {  	_ =	shalt  }
0x87: {  	_ =	shalt  }
.Lfunc_end0:
.L_simem_size_0:
called_computation.1_lowered:
.L_overlay_start_0:
0x88: {  	s2 =	sld [smem:$0x3FD9]  }
0x89: {  	s3 =	sld [smem:$0x3FFE];
	_ =	sdelay $0x1  }
0x8a: {  	s1 =	srdreg.scid  }
0x8b: {  	s0 =	sand.u32 $0x1, s1  }
0x8c: {  	s14 =	sshll.u32 s0, $0xA;
	s2 =	sadd.s32 s3, s2  }
0x8d: {  	s2 =	sadd.s32 s2, s14  }
0x8e: {  	[smem:$0x3FB6] =	sst s2  }
0x8f: {  	_ = 	snop  }
0x90: {  	s2 =	sld [smem:$0x3FD0];
	_ =	sdelay $0x2  }
0x91: {  	s15 =	simm.s32 $0xB;
	s4 =	simm.s32 $0x10  }
0x92: {  	[smem:s4], [sflag:s15] =	dma.local [hbm:s2], $0x1  }
0x93: {  	_ =	swait.eq [sflag:s15], $0x1  }
0x94: {  	[sflag:s15] =	ssyncset.done $0x0  }
0x95: {  	s16 =	sld [smem:$0x10];
	[sflag:s15] =	ssyncadd.s32 $0xFFFFFFFF  }
0x96: {  	s17 =	sld [smem:$0x11];
	(tm) =	ssettm $0x1  }
0x97: {  	s18 =	sld [smem:$0x3FFB];
	_ =	sdelay $0x3  }
0x98: {  	_ =	strace s18  }
0x99: {  	s4 =	sld [smem:$0x3FFC];
	_ =	sdelay $0x3  }
0x9a: {  	_ =	strace s4  }
0x9b: {  	s4 =	sld [smem:$0x3FFD];
	_ =	sdelay $0x3  }
0x9c: {  	_ =	strace s4  }
0x9d: {  	_ =	strace $0x8FFFFFFF  }
0x9e: {  	s19 =	sld [smem:$0x3FDB];
	_ =	sdelay $0x1  }
0x9f: {  	s5 =	simm.s32 $_scs_section_size  }
0xa0: {  	s6 =	simm.s32 $_size__tile_overlayer_lowered;
	s7 =	simm.s32 $_tile_overlayer_lowered  }
0xa1: {  	s22 =	simm.s32 $0x1BFF;
	s21 =	sshll.u32 s7, $0x1;
	s4 =	sadd.s32 s5, s19  }
0xa2: {  	s8 =	simm.s32 $0x0;
	s20 =	sshll.u32 s6, $0x1;
	s6 =	sadd.s32 s21, s4  }
0xa3: {  	[timem:s8], [sflag:s22] =	dma.local [hbm:s6], s20  }
0xa4: {  	_ =	swait.ge [sflag:s22], s20  }
0xa5: {  	s5 =	ssub.s32 $0x0, s20;
	[sflag:s22] =	ssyncset.done $0x0  }
0xa6: {  	[sflag:s22] =	ssyncadd.s32 s5;
	_ =	sdelay $0x1  }
0xa7: {  	s23 =	simm.s32 $0x1B8B  }
0xa8: {  	_ =	swait.ge [sflag:s23], $0x1  }
0xa9: {  	[sflag:s23] =	ssyncset.done $0x0  }
0xaa: {  	s25 =	simm.s32 $0x1B8E;
	s24 =	sld [smem:$0x3FFE];
	[sflag:s23] =	ssyncadd.s32 $0xFFFFFFFF  }
0xab: {  	s26 =	simm.s32 $execute0_lowered;
	[smem:$0x3FD2] =	sst s25  }
0xac: {  	s6 =	sshll.u32 s26, $0x1;
	_ =	strace $0x80000046;
	[dreg:$0x1] =	wrdreg $0xFFFFFFFF  }
0xad: {  	s28 =	simm.s32 $_size_execute0_lowered;
	s4 =	sadd.s32 s4, s6;
	[dreg:$0x0] =	wrdreg $0x0  }
0xae: {  	s6 =	sshll.u32 s28, $0x1;
	[dreg:$0x2] =	wrdreg s4  }
0xaf: {  	[dreg:$0x3] =	wrdreg s6  }
0xb0: {  	[dreg:$0x4] =	wrdreg $0xC0  }
0xb1: {  	_ =	task [dreg:s8], $0x5FFFF  }
0xb2: {  	[dreg:$0x1] =	wrdreg $0xFFFFFFFF  }
0xb3: {  	[dreg:$0x0] =	wrdreg $0x60  }
0xb4: {  	[dreg:$0x2] =	wrdreg s16  }
0xb5: {  	[dreg:$0x3] =	wrdreg s17  }
0xb6: {  	[dreg:$0x4] =	wrdreg s24  }
0xb7: {  	[dreg:$0x5] =	wrdreg $0xA  }
0xb8: {  	_ =	task.clear_ibuf [dreg:s8], $0x6FFFF;
	_ =	strace $0x90000046  }
0xb9: {  	s29 =	simm.s32 $0xA;
	_ =	strace $0x80000048  }
0xba: {  	_ =	swait.ge [sflag:s29], $0x1  }
0xbb: {  	[sflag:s29] =	ssyncadd.s32 $0xFFFFFFFF  }
0xbc: {  	_ =	strace $0x90000048  }
0xbd: {  	_ =	sfence  }
0xbe: {  	s30 =	sld [smem:$0x0];
	_ =	sdelay $0x2  }
0xbf: {  	s31 =	sshll.u32 s1, $0xD;
	s1 =	sshrl.u32 s1, $0x2  }
0xc0: {  	s3 =	sand.u32 $0x4000, s31;
	s1 =	sadd.s32 s1, s30  }
0xc1: {  	s0 =	sor.u32 s3, s0;
	s1 =	sshll.u32 s1, $0x11  }
0xc2: {  	s0 =	sor.u32 s1, s0  }
0xc3: {  	s0 =	sadd.s32 $0x8F2B, s0  }
0xc4: {  	[sflag:s0] =	ssyncadd.remote.s32 $0x1  }
0xc5: {  	_ =	sfence.sel $0xFFFF  }
0xc6: {  	[dreg:$0x0] =	wrdreg $0xFFFFFFFF;
	(pc) =	sbr.abs _section_cstart, $3  }
0xc7: {  	[dreg:$0x1] =	wrdreg $0xFFFFFFFF  }
0xc8: {  	_ =	task.clear_ibuf [dreg:s8], $0x2FFFF;
	_ =	strace $0x9FFFFFFF  }
0xc9: {  	(tm) =	ssettm $0x7FFFFFFF  }
tec
execute0_lowered:
.L_overlay_start_1:
0x0: {  	(tag) =	ssettag $0x1  }
0x1: {  	s1 =	rddreg [dreg:$0x0]  }
0x2: {  	s3 =	rddreg [dreg:$0x1];
	s0 =	srdreg.scid  }
0x3: {  	s4 =	stileid.u32;
	s2 =	rddreg [dreg:$0x2];
	s16 =	simm.s32 $0x4980  }
0x4: {  	s17 =	simm.s32 $0x10980;
	s31 =	simm.s32 $0x17180;
	s14 =	simm.s32 $0x18980  }
0x5: {  	s15 =	simm.s32 $0x19180;
	s12 =	simm.s32 $0x1B180;
	s13 =	simm.s32 $0x1B980  }
0x6: {  	s18 =	simm.s32 $0x1C180;
	s19 =	simm.s32 $0x1;
	s20 =	simm.s32 $0x2  }
0x7: {  	s21 =	simm.s32 $0x3;
	s22 =	simm.s32 $0x4;
	s24 =	simm.s32 $0x0  }
0x8: {  	s0 =	sand.u32 $0x1, s0;
	s5 =	sshll.u32 s4, $0x1;
	s4 =	simm.s32 $0x0  }
0x9: {  	s7 =	sor.u32 s0, s5;
	[smem:$0x7FF] =	sst s4;
	s5 =	sadd.s32 $0x21600, s2  }
0xa: {  	s0 =	ssub.s32 $0x2, s0;
	s8 =	smul.u32 $0x1880, s7;
	_ =	strace $0x80000047  }
0xb: {  	s26 =	sshrl.u32 s0, $0x1;
	s10 =	smul.u32 $0x188000, s7;
	s7 =	simm.s32 $0x19980  }
0xc: {  	s0 =	ssub.s32 s0, s26;
	s6 =	sshrl.u32 s8, $0x3;
	s11 =	sor.u32 $0x40, s8  }
.Ltmp0:
0xd: {  	v2 =	vlaneseq.u32;
	s0 =	smax.u32 s0, $0x1;
	s9 =	sadd.s32 s6, s2;
	(pc) =	sbr.rel .LBB2_1-.Ltmp0, $4  }
0xe: {  	v0 =	vand.u32 $0x7, v2;
	v1 =	vshrl.u32 v2, $0x3;
	s8 =	simm.s32 $0x1A180;
	[dreg:$0x7] =	wrdreg s0;
	s28 =	sadd.s32 $0x11200, s9  }
0xf: {  	v63 =	vor.u32 $0x8, v2;
	v62 =	vmul.u32 $0x8, v1;
	[tilespmem:$0x1FFD0] =	vst v0;
	s6 =	sadd.s32 $0x15A000, s2;
	s29 =	sadd.s32 $0x4E00, s9;
	[dreg:$0x4] =	wrdreg s28  }
0x10: {  	[tilespmem:$0x1FFF0] =	vst v63;
	s2 =	simm.s32 $0x17980;
	s30 =	sadd.s32 $0xB000, s9;
	[dreg:$0x5] =	wrdreg s29  }
0x11: {  	vm0 =	vmmov $0xffff;
	[tilespmem:$0x1FFE0] =	vst v62;
	s0 =	simm.s32 $0x18180;
	s9 =	simm.s32 $0x1A980;
	[dreg:$0x6] =	wrdreg s30  }
.LBB2_10:
0x12: {  	_ =	swait.ge [sflag:s21], $0x4000  }
0x13: {  	[sflag:s21] =	ssyncset.done $0x0  }
0x14: {  	[sflag:s21] =	ssyncadd.s32 $0xFFFFC000  }
0x15: {  	_ =	swait.ge [sflag:s22], $0x4000  }
0x16: {  	s24 =	rddreg [dreg:$0x8]  }
0x17: {  	s23 =	rddreg [dreg:$0x7];
	s24 =	sadd.s32 $0x1, s24  }
0x18: {  	p0 =	sne.s32 s24, s23  }
.Ltmp1:
0x19: {  	_ = 	snop;
	(pc) =	sbr.rel @!p0 .LBB2_11-.Ltmp1, $3  }
0x1a: {  	_ =	sdelay $0x1  }
0x1b: {  	[sflag:s22] =	ssyncset.done $0x0  }
0x1c: {  	[sflag:s22] =	ssyncadd.s32 $0xFFFFC000  }
.LBB2_1:
0x1d: {  	[dreg:$0x8] =	wrdreg s24  }
0x1e: {  	s23 =	rddreg [dreg:$0x4];
	s26 =	simm.s32 $0x5  }
0x1f: {  	[tilespmem:s4], [sflag:$0x5] =	stream.linear.gather [hbm4b:s23+s4], $0x1880, $0x38;
	[tilespmem:$0x1C980] =	vst v63  }
0x20: {  	_ =	swait.ge [sflag:s26], $0x1880  }
0x21: {  	[sflag:s26] =	ssyncset.done $0x0  }
0x22: {  	s25 =	simm.s32 $0x1880;
	s28 =	rddreg [dreg:$0x5];
	[sflag:s26] =	ssyncadd.s32 $0xFFFFE780  }
0x23: {  	[tilespmem:s25], [sflag:$0x5] =	stream.linear.gather [hbm4b:s28+s4], $0x1880, $0x38;
	[tilespmem:$0x1C980] =	vst v63  }
0x24: {  	_ =	swait.ge [sflag:s26], $0x1880  }
0x25: {  	[sflag:s26] =	ssyncset.done $0x0  }
0x26: {  	s30 =	simm.s32 $0x3100;
	s29 =	rddreg [dreg:$0x6];
	[sflag:s26] =	ssyncadd.s32 $0xFFFFE780  }
0x27: {  	[tilespmem:s30], [sflag:$0x5] =	stream.linear.gather [hbm4b:s29+s4], $0x1880, $0x38;
	[tilespmem:$0x1C980] =	vst v63  }
0x28: {  	_ =	swait.ge [sflag:s26], $0x1880  }
0x29: {  	[sflag:s26] =	ssyncset.done $0x0  }
0x2a: {  	[sflag:s26] =	ssyncadd.s32 $0xFFFFE780  }
0x2b: {  	v3 =	vld [tilespmem:$0x0];
	_ =	sdelay $0x2  }
0x2c: {  	v0 =	vld [tilespmem:$0x1FFD0]  }
0x2d: {  	v1 =	vld [tilespmem:$0x1FFE0]  }
0x2e: {  	v2 =	vld [tilespmem:$0x1FFF0];
	v4 =	vshll.u32 v3, $0x1  }
0x2f: {  	v3 =	vand.u32 $0x7, v3;
	v4 =	vand.u32 $0xFFFFFFF0, v4  }
0x30: {  	v3 =	vor.u32 v3, v4  }
0x31: {  	v4 =	vperm.xlane v3, v0;
	_ =	sdelay $0x1  }
0x32: {  	v3 =	vperm.xlane v3, v2;
	v4 =	vadd.s32 v1, v4;
	_ =	sdelay $0x1  }
0x33: {  	v3 =	vadd.s32 v1, v3;
	_ =	sdelay $0x2  }
0x34: {  	[tilespmem:s16], [sflag:$0x1] =	stream.indirect_vreg.gather [hbm4b:s1+s4], $0x80, v4, vm0, $0xb8;
	[tilespmem:$0x1C980] =	vst v63  }
0x35: {  	s25 =	simm.s32 $0x5180  }
0x36: {  	[tilespmem:s25], [sflag:$0x1] =	stream.indirect_vreg.gather [hbm4b:s1+s4], $0x80, v3, vm0, $0xb8;
	[tilespmem:$0x1C980] =	vst v63  }
0x37: {  	v3 =	vld [tilespmem:$0x10];
	_ =	sdelay $0x4  }
0x38: {  	v41 =	vshll.u32 v3, $0x1  }
0x39: {  	v3 =	vand.u32 $0x7, v3;
	v4 =	vand.u32 $0xFFFFFFF0, v41  }
0x3a: {  	v3 =	vor.u32 v3, v4  }
0x3b: {  	v4 =	vperm.xlane v3, v0;
	_ =	sdelay $0x1  }
0x3c: {  	v3 =	vperm.xlane v3, v2;
	v4 =	vadd.s32 v1, v4;
	_ =	sdelay $0x1  }
0x3d: {  	v3 =	vadd.s32 v1, v3;
	_ =	sdelay $0x1  }
0x3e: {  	s26 =	simm.s32 $0x5980  }
0x3f: {  	[tilespmem:s26], [sflag:$0x1] =	stream.indirect_vreg.gather [hbm4b:s1+s4], $0x80, v4, vm0, $0xb8;
	[tilespmem:$0x1C980] =	vst v63  }
0x40: {  	s28 =	simm.s32 $0x6180  }
0x41: {  	[tilespmem:s28], [sflag:$0x1] =	stream.indirect_vreg.gather [hbm4b:s1+s4], $0x80, v3, vm0, $0xb8;
	[tilespmem:$0x1C980] =	vst v63  }
0x42: {  	v3 =	vld [tilespmem:$0x20];
	_ =	sdelay $0x4  }
0x43: {  	v42 =	vshll.u32 v3, $0x1  }
0x44: {  	v3 =	vand.u32 $0x7, v3;
	v4 =	vand.u32 $0xFFFFFFF0, v42  }
0x45: {  	v3 =	vor.u32 v3, v4  }
0x46: {  	v4 =	vperm.xlane v3, v0;
	_ =	sdelay $0x1  }
0x47: {  	v3 =	vperm.xlane v3, v2;
	v4 =	vadd.s32 v1, v4;
	_ =	sdelay $0x1  }
0x48: {  	v3 =	vadd.s32 v1, v3;
	_ =	sdelay $0x1  }
0x49: {  	s29 =	simm.s32 $0x6980  }
0x4a: {  	[tilespmem:s29], [sflag:$0x1] =	stream.indirect_vreg.gather [hbm4b:s1+s4], $0x80, v4, vm0, $0xb8;
	[tilespmem:$0x1C980] =	vst v63  }
0x4b: {  	s30 =	simm.s32 $0x7180  }
0x4c: {  	[tilespmem:s30], [sflag:$0x1] =	stream.indirect_vreg.gather [hbm4b:s1+s4], $0x80, v3, vm0, $0xb8;
	[tilespmem:$0x1C980] =	vst v63  }
0x4d: {  	v3 =	vld [tilespmem:$0x30];
	_ =	sdelay $0x4  }
0x4e: {  	v43 =	vshll.u32 v3, $0x1  }
0x4f: {  	v3 =	vand.u32 $0x7, v3;
	v4 =	vand.u32 $0xFFFFFFF0, v43  }
0x50: {  	v3 =	vor.u32 v3, v4  }
0x51: {  	v4 =	vperm.xlane v3, v0;
	_ =	sdelay $0x1  }
0x52: {  	v3 =	vperm.xlane v3, v2;
	v4 =	vadd.s32 v1, v4;
	_ =	sdelay $0x1  }
0x53: {  	v3 =	vadd.s32 v1, v3;
	_ =	sdelay $0x1  }
0x54: {  	s24 =	simm.s32 $0x7980  }
0x55: {  	[tilespmem:s24], [sflag:$0x1] =	stream.indirect_vreg.gather [hbm4b:s1+s4], $0x80, v4, vm0, $0xb8;
	[tilespmem:$0x1C980] =	vst v63  }
0x56: {  	s25 =	simm.s32 $0x8180  }
0x57: {  	[tilespmem:s25], [sflag:$0x1] =	stream.indirect_vreg.gather [hbm4b:s1+s4], $0x80, v3, vm0, $0xb8;
	[tilespmem:$0x1C980] =	vst v63  }
0x58: {  	v3 =	vld [tilespmem:$0x1880];
	_ =	sdelay $0x4  }
0x59: {  	v44 =	vshll.u32 v3, $0x1  }
0x5a: {  	v3 =	vand.u32 $0x7, v3;
	v4 =	vand.u32 $0xFFFFFFF0, v44  }
0x5b: {  	v3 =	vor.u32 v3, v4  }
0x5c: {  	v4 =	vperm.xlane v3, v0;
	_ =	sdelay $0x1  }
0x5d: {  	v3 =	vperm.xlane v3, v2;
	v4 =	vadd.s32 v1, v4;
	_ =	sdelay $0x1  }
0x5e: {  	v3 =	vadd.s32 v1, v3;
	_ =	sdelay $0x1  }
0x5f: {  	s26 =	simm.s32 $0x8980  }
0x60: {  	[tilespmem:s26], [sflag:$0x1] =	stream.indirect_vreg.gather [hbm4b:s3+s4], $0x80, v4, vm0, $0xb8;
	[tilespmem:$0x1C980] =	vst v63  }
0x61: {  	s28 =	simm.s32 $0x9180  }
0x62: {  	[tilespmem:s28], [sflag:$0x1] =	stream.indirect_vreg.gather [hbm4b:s3+s4], $0x80, v3, vm0, $0xb8;
	[tilespmem:$0x1C980] =	vst v63  }
0x63: {  	v3 =	vld [tilespmem:$0x1890];
	_ =	sdelay $0x4  }
0x64: {  	v45 =	vshll.u32 v3, $0x1  }
0x65: {  	v3 =	vand.u32 $0x7, v3;
	v4 =	vand.u32 $0xFFFFFFF0, v45  }
0x66: {  	v3 =	vor.u32 v3, v4  }
0x67: {  	v4 =	vperm.xlane v3, v0;
	_ =	sdelay $0x1  }
0x68: {  	v3 =	vperm.xlane v3, v2;
	v4 =	vadd.s32 v1, v4;
	_ =	sdelay $0x1  }
0x69: {  	v3 =	vadd.s32 v1, v3;
	_ =	sdelay $0x1  }
0x6a: {  	s29 =	simm.s32 $0x9980  }
0x6b: {  	[tilespmem:s29], [sflag:$0x1] =	stream.indirect_vreg.gather [hbm4b:s3+s4], $0x80, v4, vm0, $0xb8;
	[tilespmem:$0x1C980] =	vst v63  }
0x6c: {  	s30 =	simm.s32 $0xA180  }
0x6d: {  	[tilespmem:s30], [sflag:$0x1] =	stream.indirect_vreg.gather [hbm4b:s3+s4], $0x80, v3, vm0, $0xb8;
	[tilespmem:$0x1C980] =	vst v63  }
0x6e: {  	v3 =	vld [tilespmem:$0x18A0];
	_ =	sdelay $0x4  }
0x6f: {  	v46 =	vshll.u32 v3, $0x1  }
0x70: {  	v3 =	vand.u32 $0x7, v3;
	v4 =	vand.u32 $0xFFFFFFF0, v46  }
0x71: {  	v3 =	vor.u32 v3, v4  }
0x72: {  	v4 =	vperm.xlane v3, v0;
	_ =	sdelay $0x1  }
0x73: {  	v3 =	vperm.xlane v3, v2;
	v4 =	vadd.s32 v1, v4;
	_ =	sdelay $0x1  }
0x74: {  	v3 =	vadd.s32 v1, v3;
	_ =	sdelay $0x1  }
0x75: {  	s24 =	simm.s32 $0xA980  }
0x76: {  	[tilespmem:s24], [sflag:$0x1] =	stream.indirect_vreg.gather [hbm4b:s3+s4], $0x80, v4, vm0, $0xb8;
	[tilespmem:$0x1C980] =	vst v63  }
0x77: {  	s25 =	simm.s32 $0xB180  }
0x78: {  	[tilespmem:s25], [sflag:$0x1] =	stream.indirect_vreg.gather [hbm4b:s3+s4], $0x80, v3, vm0, $0xb8;
	[tilespmem:$0x1C980] =	vst v63  }
0x79: {  	v3 =	vld [tilespmem:$0x18B0];
	_ =	sdelay $0x4  }
0x7a: {  	v47 =	vshll.u32 v3, $0x1  }
0x7b: {  	v3 =	vand.u32 $0x7, v3;
	v4 =	vand.u32 $0xFFFFFFF0, v47  }
0x7c: {  	v3 =	vor.u32 v3, v4  }
0x7d: {  	v4 =	vperm.xlane v3, v0;
	_ =	sdelay $0x1  }
0x7e: {  	v3 =	vperm.xlane v3, v2;
	v4 =	vadd.s32 v1, v4;
	_ =	sdelay $0x1  }
0x7f: {  	v3 =	vadd.s32 v1, v3;
	_ =	sdelay $0x1  }
0x80: {  	s26 =	simm.s32 $0xB980  }
0x81: {  	[tilespmem:s26], [sflag:$0x1] =	stream.indirect_vreg.gather [hbm4b:s3+s4], $0x80, v4, vm0, $0xb8;
	[tilespmem:$0x1C980] =	vst v63  }
0x82: {  	s28 =	simm.s32 $0xC180  }
0x83: {  	[tilespmem:s28], [sflag:$0x1] =	stream.indirect_vreg.gather [hbm4b:s3+s4], $0x80, v3, vm0, $0xb8;
	[tilespmem:$0x1C980] =	vst v63  }
0x84: {  	v3 =	vld [tilespmem:$0x3100];
	_ =	sdelay $0x4  }
0x85: {  	v48 =	vshll.u32 v3, $0x1  }
0x86: {  	v3 =	vand.u32 $0x7, v3;
	v4 =	vand.u32 $0xFFFFFFF0, v48  }
0x87: {  	v3 =	vor.u32 v3, v4  }
0x88: {  	v4 =	vperm.xlane v3, v0;
	_ =	sdelay $0x1  }
0x89: {  	v3 =	vperm.xlane v3, v2;
	v4 =	vadd.s32 v1, v4;
	_ =	sdelay $0x1  }
0x8a: {  	v3 =	vadd.s32 v1, v3;
	_ =	sdelay $0x1  }
0x8b: {  	s29 =	simm.s32 $0xC980  }
0x8c: {  	[tilespmem:s29], [sflag:$0x1] =	stream.indirect_vreg.gather [hbm4b:s5+s4], $0x80, v4, vm0, $0xb8;
	[tilespmem:$0x1C980] =	vst v63  }
0x8d: {  	s30 =	simm.s32 $0xD180  }
0x8e: {  	[tilespmem:s30], [sflag:$0x1] =	stream.indirect_vreg.gather [hbm4b:s5+s4], $0x80, v3, vm0, $0xb8;
	[tilespmem:$0x1C980] =	vst v63  }
0x8f: {  	v3 =	vld [tilespmem:$0x3110];
	_ =	sdelay $0x4  }
0x90: {  	v49 =	vshll.u32 v3, $0x1  }
0x91: {  	v3 =	vand.u32 $0x7, v3;
	v4 =	vand.u32 $0xFFFFFFF0, v49  }
0x92: {  	v3 =	vor.u32 v3, v4  }
0x93: {  	v4 =	vperm.xlane v3, v0;
	_ =	sdelay $0x1  }
0x94: {  	v3 =	vperm.xlane v3, v2;
	v4 =	vadd.s32 v1, v4;
	_ =	sdelay $0x1  }
0x95: {  	v3 =	vadd.s32 v1, v3;
	_ =	sdelay $0x1  }
0x96: {  	s24 =	simm.s32 $0xD980  }
0x97: {  	[tilespmem:s24], [sflag:$0x1] =	stream.indirect_vreg.gather [hbm4b:s5+s4], $0x80, v4, vm0, $0xb8;
	[tilespmem:$0x1C980] =	vst v63  }
0x98: {  	s25 =	simm.s32 $0xE180  }
0x99: {  	[tilespmem:s25], [sflag:$0x1] =	stream.indirect_vreg.gather [hbm4b:s5+s4], $0x80, v3, vm0, $0xb8;
	[tilespmem:$0x1C980] =	vst v63  }
0x9a: {  	v3 =	vld [tilespmem:$0x3120];
	_ =	sdelay $0x4  }
0x9b: {  	v50 =	vshll.u32 v3, $0x1  }
0x9c: {  	v3 =	vand.u32 $0x7, v3;
	v4 =	vand.u32 $0xFFFFFFF0, v50  }
0x9d: {  	v3 =	vor.u32 v3, v4  }
0x9e: {  	v4 =	vperm.xlane v3, v0;
	_ =	sdelay $0x1  }
0x9f: {  	v3 =	vperm.xlane v3, v2;
	v4 =	vadd.s32 v1, v4;
	_ =	sdelay $0x1  }
0xa0: {  	v3 =	vadd.s32 v1, v3;
	_ =	sdelay $0x1  }
0xa1: {  	s26 =	simm.s32 $0xE980  }
0xa2: {  	[tilespmem:s26], [sflag:$0x1] =	stream.indirect_vreg.gather [hbm4b:s5+s4], $0x80, v4, vm0, $0xb8;
	[tilespmem:$0x1C980] =	vst v63  }
0xa3: {  	s28 =	simm.s32 $0xF180  }
0xa4: {  	[tilespmem:s28], [sflag:$0x1] =	stream.indirect_vreg.gather [hbm4b:s5+s4], $0x80, v3, vm0, $0xb8;
	[tilespmem:$0x1C980] =	vst v63  }
0xa5: {  	v3 =	vld [tilespmem:$0x3130];
	_ =	sdelay $0x4  }
0xa6: {  	v51 =	vshll.u32 v3, $0x1  }
0xa7: {  	v3 =	vand.u32 $0x7, v3;
	v4 =	vand.u32 $0xFFFFFFF0, v51  }
0xa8: {  	v3 =	vor.u32 v3, v4  }
0xa9: {  	v4 =	vperm.xlane v3, v0;
	_ =	sdelay $0x1  }
0xaa: {  	v3 =	vperm.xlane v3, v2;
	v4 =	vadd.s32 v1, v4;
	_ =	sdelay $0x1  }
0xab: {  	v3 =	vadd.s32 v1, v3;
	_ =	sdelay $0x1  }
0xac: {  	s29 =	simm.s32 $0xF980  }
0xad: {  	[tilespmem:s29], [sflag:$0x1] =	stream.indirect_vreg.gather [hbm4b:s5+s4], $0x80, v4, vm0, $0xb8;
	[tilespmem:$0x1C980] =	vst v63  }
0xae: {  	s30 =	simm.s32 $0x10180  }
0xaf: {  	[tilespmem:s30], [sflag:$0x1] =	stream.indirect_vreg.gather [hbm4b:s5+s4], $0x80, v3, vm0, $0xb8;
	[tilespmem:$0x1C980] =	vst v63  }
0xb0: {  	v3 =	vld [tilespmem:$0x40];
	_ =	sdelay $0x4  }
0xb1: {  	v52 =	vshll.u32 v3, $0x1  }
0xb2: {  	v3 =	vand.u32 $0x7, v3;
	v4 =	vand.u32 $0xFFFFFFF0, v52  }
0xb3: {  	v3 =	vor.u32 v3, v4  }
0xb4: {  	v4 =	vperm.xlane v3, v0;
	_ =	sdelay $0x1  }
0xb5: {  	v3 =	vperm.xlane v3, v2;
	v4 =	vadd.s32 v1, v4;
	_ =	sdelay $0x1  }
0xb6: {  	v3 =	vadd.s32 v1, v3;
	_ =	sdelay $0x2  }
0xb7: {  	[tilespmem:s17], [sflag:$0x2] =	stream.indirect_vreg.gather [hbm4b:s1+s4], $0x80, v4, vm0, $0xb8;
	[tilespmem:$0x1C980] =	vst v63  }
0xb8: {  	s24 =	simm.s32 $0x11180  }
0xb9: {  	[tilespmem:s24], [sflag:$0x2] =	stream.indirect_vreg.gather [hbm4b:s1+s4], $0x80, v3, vm0, $0xb8;
	[tilespmem:$0x1C980] =	vst v63  }
0xba: {  	v3 =	vld [tilespmem:$0x50];
	_ =	sdelay $0x4  }
0xbb: {  	v53 =	vshll.u32 v3, $0x1  }
0xbc: {  	v3 =	vand.u32 $0x7, v3;
	v4 =	vand.u32 $0xFFFFFFF0, v53  }
0xbd: {  	v3 =	vor.u32 v3, v4  }
0xbe: {  	v4 =	vperm.xlane v3, v0;
	_ =	sdelay $0x1  }
0xbf: {  	v3 =	vperm.xlane v3, v2;
	v4 =	vadd.s32 v1, v4;
	_ =	sdelay $0x1  }
0xc0: {  	v3 =	vadd.s32 v1, v3;
	_ =	sdelay $0x1  }
0xc1: {  	s25 =	simm.s32 $0x11980  }
0xc2: {  	[tilespmem:s25], [sflag:$0x2] =	stream.indirect_vreg.gather [hbm4b:s1+s4], $0x80, v4, vm0, $0xb8;
	[tilespmem:$0x1C980] =	vst v63  }
0xc3: {  	s26 =	simm.s32 $0x12180  }
0xc4: {  	[tilespmem:s26], [sflag:$0x2] =	stream.indirect_vreg.gather [hbm4b:s1+s4], $0x80, v3, vm0, $0xb8;
	[tilespmem:$0x1C980] =	vst v63  }
0xc5: {  	v3 =	vld [tilespmem:$0x60];
	_ =	sdelay $0x4  }
0xc6: {  	v54 =	vshll.u32 v3, $0x1  }
0xc7: {  	v3 =	vand.u32 $0x7, v3;
	v4 =	vand.u32 $0xFFFFFFF0, v54  }
0xc8: {  	v3 =	vor.u32 v3, v4  }
0xc9: {  	v4 =	vperm.xlane v3, v0;
	_ =	sdelay $0x1  }
0xca: {  	v3 =	vperm.xlane v3, v2;
	v4 =	vadd.s32 v1, v4;
	_ =	sdelay $0x1  }
0xcb: {  	v3 =	vadd.s32 v1, v3;
	_ =	sdelay $0x1  }
0xcc: {  	s28 =	simm.s32 $0x12980  }
0xcd: {  	[tilespmem:s28], [sflag:$0x2] =	stream.indirect_vreg.gather [hbm4b:s1+s4], $0x80, v4, vm0, $0xb8;
	[tilespmem:$0x1C980] =	vst v63  }
0xce: {  	s29 =	simm.s32 $0x13180  }
0xcf: {  	[tilespmem:s29], [sflag:$0x2] =	stream.indirect_vreg.gather [hbm4b:s1+s4], $0x80, v3, vm0, $0xb8;
	[tilespmem:$0x1C980] =	vst v63  }
0xd0: {  	v3 =	vld [tilespmem:$0x70];
	_ =	sdelay $0x4  }
0xd1: {  	v55 =	vshll.u32 v3, $0x1  }
0xd2: {  	v3 =	vand.u32 $0x7, v3;
	v4 =	vand.u32 $0xFFFFFFF0, v55  }
0xd3: {  	v3 =	vor.u32 v3, v4  }
0xd4: {  	v4 =	vperm.xlane v3, v0;
	_ =	sdelay $0x1  }
0xd5: {  	v3 =	vperm.xlane v3, v2;
	v4 =	vadd.s32 v1, v4;
	_ =	sdelay $0x1  }
0xd6: {  	v3 =	vadd.s32 v1, v3;
	_ =	sdelay $0x1  }
0xd7: {  	s30 =	simm.s32 $0x13980  }
0xd8: {  	[tilespmem:s30], [sflag:$0x2] =	stream.indirect_vreg.gather [hbm4b:s1+s4], $0x80, v4, vm0, $0xb8;
	[tilespmem:$0x1C980] =	vst v63  }
0xd9: {  	s24 =	simm.s32 $0x14180  }
0xda: {  	[tilespmem:s24], [sflag:$0x2] =	stream.indirect_vreg.gather [hbm4b:s1+s4], $0x80, v3, vm0, $0xb8;
	[tilespmem:$0x1C980] =	vst v63  }
0xdb: {  	v3 =	vld [tilespmem:$0x18C0];
	_ =	sdelay $0x4  }
0xdc: {  	v56 =	vshll.u32 v3, $0x1  }
0xdd: {  	v3 =	vand.u32 $0x7, v3;
	v4 =	vand.u32 $0xFFFFFFF0, v56  }
0xde: {  	v3 =	vor.u32 v3, v4  }
0xdf: {  	v4 =	vperm.xlane v3, v0;
	_ =	sdelay $0x1  }
0xe0: {  	v3 =	vperm.xlane v3, v2;
	v4 =	vadd.s32 v1, v4;
	_ =	sdelay $0x1  }
0xe1: {  	v3 =	vadd.s32 v1, v3;
	_ =	sdelay $0x1  }
0xe2: {  	s25 =	simm.s32 $0x14980  }
0xe3: {  	[tilespmem:s25], [sflag:$0x2] =	stream.indirect_vreg.gather [hbm4b:s3+s4], $0x80, v4, vm0, $0xb8;
	[tilespmem:$0x1C980] =	vst v63  }
0xe4: {  	s26 =	simm.s32 $0x15180  }
0xe5: {  	[tilespmem:s26], [sflag:$0x2] =	stream.indirect_vreg.gather [hbm4b:s3+s4], $0x80, v3, vm0, $0xb8;
	[tilespmem:$0x1C980] =	vst v63  }
0xe6: {  	v3 =	vld [tilespmem:$0x18D0];
	_ =	sdelay $0x4  }
0xe7: {  	v57 =	vshll.u32 v3, $0x1  }
0xe8: {  	v3 =	vand.u32 $0x7, v3;
	v4 =	vand.u32 $0xFFFFFFF0, v57  }
0xe9: {  	v3 =	vor.u32 v3, v4  }
0xea: {  	v4 =	vperm.xlane v3, v0;
	_ =	sdelay $0x1  }
0xeb: {  	v3 =	vperm.xlane v3, v2;
	v4 =	vadd.s32 v1, v4;
	_ =	sdelay $0x1  }
0xec: {  	v3 =	vadd.s32 v1, v3;
	_ =	sdelay $0x1  }
0xed: {  	s28 =	simm.s32 $0x15980  }
0xee: {  	[tilespmem:s28], [sflag:$0x2] =	stream.indirect_vreg.gather [hbm4b:s3+s4], $0x80, v4, vm0, $0xb8;
	[tilespmem:$0x1C980] =	vst v63  }
0xef: {  	s29 =	simm.s32 $0x16180  }
0xf0: {  	[tilespmem:s29], [sflag:$0x2] =	stream.indirect_vreg.gather [hbm4b:s3+s4], $0x80, v3, vm0, $0xb8;
	[tilespmem:$0x1C980] =	vst v63  }
0xf1: {  	v3 =	vld [tilespmem:$0x18E0];
	_ =	sdelay $0x4  }
0xf2: {  	v58 =	vshll.u32 v3, $0x1  }
0xf3: {  	v3 =	vand.u32 $0x7, v3;
	v4 =	vand.u32 $0xFFFFFFF0, v58  }
0xf4: {  	v3 =	vor.u32 v3, v4  }
0xf5: {  	v4 =	vperm.xlane v3, v0;
	_ =	sdelay $0x1  }
0xf6: {  	v3 =	vperm.xlane v3, v2;
	v4 =	vadd.s32 v1, v4;
	_ =	sdelay $0x1  }
0xf7: {  	v3 =	vadd.s32 v1, v3;
	_ =	sdelay $0x1  }
0xf8: {  	s30 =	simm.s32 $0x16980  }
0xf9: {  	[tilespmem:s30], [sflag:$0x2] =	stream.indirect_vreg.gather [hbm4b:s3+s4], $0x80, v4, vm0, $0xb8;
	[tilespmem:$0x1C980] =	vst v63  }
0xfa: {  	_ = 	snop  }
0xfb: {  	[tilespmem:s31], [sflag:$0x2] =	stream.indirect_vreg.gather [hbm4b:s3+s4], $0x80, v3, vm0, $0xb8;
	[tilespmem:$0x1C980] =	vst v63  }
0xfc: {  	v3 =	vld [tilespmem:$0x18F0];
	_ =	sdelay $0x4  }
0xfd: {  	v59 =	vshll.u32 v3, $0x1  }
0xfe: {  	v3 =	vand.u32 $0x7, v3;
	v4 =	vand.u32 $0xFFFFFFF0, v59  }
0xff: {  	v3 =	vor.u32 v3, v4  }
0x100: {  	v4 =	vperm.xlane v3, v0;
	_ =	sdelay $0x1  }
0x101: {  	v3 =	vperm.xlane v3, v2;
	v4 =	vadd.s32 v1, v4;
	_ =	sdelay $0x1  }
0x102: {  	v3 =	vadd.s32 v1, v3;
	_ =	sdelay $0x2  }
0x103: {  	[tilespmem:s2], [sflag:$0x2] =	stream.indirect_vreg.gather [hbm4b:s3+s4], $0x80, v4, vm0, $0xb8;
	[tilespmem:$0x1C980] =	vst v63  }
0x104: {  	_ = 	snop  }
0x105: {  	[tilespmem:s0], [sflag:$0x2] =	stream.indirect_vreg.gather [hbm4b:s3+s4], $0x80, v3, vm0, $0xb8;
	[tilespmem:$0x1C980] =	vst v63  }
0x106: {  	v3 =	vld [tilespmem:$0x3140];
	_ =	sdelay $0x4  }
0x107: {  	v60 =	vshll.u32 v3, $0x1  }
0x108: {  	v3 =	vand.u32 $0x7, v3;
	v4 =	vand.u32 $0xFFFFFFF0, v60  }
0x109: {  	v3 =	vor.u32 v3, v4  }
0x10a: {  	v4 =	vperm.xlane v3, v0;
	_ =	sdelay $0x1  }
0x10b: {  	v3 =	vperm.xlane v3, v2;
	v4 =	vadd.s32 v1, v4;
	_ =	sdelay $0x1  }
0x10c: {  	v3 =	vadd.s32 v1, v3;
	_ =	sdelay $0x2  }
0x10d: {  	[tilespmem:s14], [sflag:$0x2] =	stream.indirect_vreg.gather [hbm4b:s5+s4], $0x80, v4, vm0, $0xb8;
	[tilespmem:$0x1C980] =	vst v63  }
0x10e: {  	_ = 	snop  }
0x10f: {  	[tilespmem:s15], [sflag:$0x2] =	stream.indirect_vreg.gather [hbm4b:s5+s4], $0x80, v3, vm0, $0xb8;
	[tilespmem:$0x1C980] =	vst v63  }
0x110: {  	v3 =	vld [tilespmem:$0x3150];
	_ =	sdelay $0x4  }
0x111: {  	v61 =	vshll.u32 v3, $0x1  }
0x112: {  	v3 =	vand.u32 $0x7, v3;
	v4 =	vand.u32 $0xFFFFFFF0, v61  }
0x113: {  	v3 =	vor.u32 v3, v4  }
0x114: {  	v4 =	vperm.xlane v3, v0;
	_ =	sdelay $0x1  }
0x115: {  	v3 =	vperm.xlane v3, v2;
	v4 =	vadd.s32 v1, v4;
	_ =	sdelay $0x1  }
0x116: {  	v3 =	vadd.s32 v1, v3;
	_ =	sdelay $0x2  }
0x117: {  	[tilespmem:s7], [sflag:$0x2] =	stream.indirect_vreg.gather [hbm4b:s5+s4], $0x80, v4, vm0, $0xb8;
	[tilespmem:$0x1C980] =	vst v63  }
0x118: {  	_ = 	snop  }
0x119: {  	[tilespmem:s8], [sflag:$0x2] =	stream.indirect_vreg.gather [hbm4b:s5+s4], $0x80, v3, vm0, $0xb8;
	[tilespmem:$0x1C980] =	vst v63  }
0x11a: {  	v3 =	vld [tilespmem:$0x3160];
	_ =	sdelay $0x4  }
0x11b: {  	v62 =	vshll.u32 v3, $0x1  }
0x11c: {  	v3 =	vand.u32 $0x7, v3;
	v4 =	vand.u32 $0xFFFFFFF0, v62  }
0x11d: {  	v3 =	vor.u32 v3, v4  }
0x11e: {  	v4 =	vperm.xlane v3, v0;
	_ =	sdelay $0x1  }
0x11f: {  	v3 =	vperm.xlane v3, v2;
	v4 =	vadd.s32 v1, v4;
	_ =	sdelay $0x1  }
0x120: {  	v3 =	vadd.s32 v1, v3;
	_ =	sdelay $0x2  }
0x121: {  	[tilespmem:s9], [sflag:$0x2] =	stream.indirect_vreg.gather [hbm4b:s5+s4], $0x80, v4, vm0, $0xb8;
	[tilespmem:$0x1C980] =	vst v63  }
0x122: {  	_ = 	snop  }
0x123: {  	[tilespmem:s12], [sflag:$0x2] =	stream.indirect_vreg.gather [hbm4b:s5+s4], $0x80, v3, vm0, $0xb8;
	[tilespmem:$0x1C980] =	vst v63  }
0x124: {  	v3 =	vld [tilespmem:$0x3170];
	_ =	sdelay $0x4  }
0x125: {  	v63 =	vshll.u32 v3, $0x1  }
0x126: {  	v3 =	vand.u32 $0x7, v3;
	v4 =	vand.u32 $0xFFFFFFF0, v63  }
0x127: {  	v3 =	vor.u32 v3, v4  }
0x128: {  	v4 =	vperm.xlane v3, v0;
	_ =	sdelay $0x1  }
0x129: {  	v3 =	vperm.xlane v3, v2;
	v4 =	vadd.s32 v1, v4;
	_ =	sdelay $0x1  }
0x12a: {  	v3 =	vadd.s32 v1, v3;
	_ =	sdelay $0x2  }
0x12b: {  	[tilespmem:s13], [sflag:$0x2] =	stream.indirect_vreg.gather [hbm4b:s5+s4], $0x80, v4, vm0, $0xb8;
	[tilespmem:$0x1C980] =	vst v63  }
0x12c: {  	s23 =	simm.s32 $0x0  }
0x12d: {  	[tilespmem:s18], [sflag:$0x2] =	stream.indirect_vreg.gather [hbm4b:s5+s4], $0x80, v3, vm0, $0xb8;
	[tilespmem:$0x1C980] =	vst v63  }
.LBB2_2:
0x12e: {  	_ =	swait.ge [sflag:s19], $0x4000  }
0x12f: {  	[sflag:s19] =	ssyncset.done $0x0  }
0x130: {  	[sflag:s19] =	ssyncadd.s32 $0xFFFFC000  }
0x131: {  	_ =	swait.ge [sflag:s19], $0x4000  }
0x132: {  	[sflag:s19] =	ssyncset.done $0x0  }
0x133: {  	[sflag:s19] =	ssyncadd.s32 $0xFFFFC000  }
0x134: {  	s24 =	simm.s32 $0x0;
	_ =	swait.ge [sflag:s19], $0x4000  }
0x135: {  	s25 =	sand.u32 $0x3800, s24;
	s24 =	sand.u32 $0x380, s24;
	[sflag:s19] =	ssyncset.done $0x0  }
0x136: {  	s24 =	sor.u32 s24, s25;
	[sflag:s19] =	ssyncadd.s32 $0xFFFFC000  }
0x137: {  	v3 =	vld [tilespmem:s24+$0xC980]  }
0x138: {  	v4 =	vld [tilespmem:s24+$0xC990]  }
0x139: {  	v5 =	vld [tilespmem:s24+$0xC9A0]  }
0x13a: {  	v6 =	vld [tilespmem:s24+$0xC9B0]  }
0x13b: {  	v7 =	vld [tilespmem:s24+$0xC9C0]  }
0x13c: {  	v8 =	vld [tilespmem:s24+$0xC9D0]  }
0x13d: {  	v9 =	vld [tilespmem:s24+$0xC9E0]  }
0x13e: {  	v10 =	vld [tilespmem:s24+$0xC9F0]  }
0x13f: {  	v11 =	vld [tilespmem:s24+$0xCD80]  }
0x140: {  	v12 =	vld [tilespmem:s24+$0xCD90]  }
0x141: {  	v14 =	vld [tilespmem:s24+$0x8980];
	v13 =	vshll.u32 v3, $0x10;
	v3 =	vand.u32 $0xFFFF0000, v3  }
0x142: {  	v15 =	vld [tilespmem:s24+$0x4980];
	v17 =	vshll.u32 v4, $0x10;
	v4 =	vand.u32 $0xFFFF0000, v4;
	v20 =	vshll.u32 v5, $0x10  }
0x143: {  	v22 =	vld [tilespmem:s24+$0xCDA0];
	v5 =	vand.u32 $0xFFFF0000, v5;
	v21 =	vshll.u32 v6, $0x10;
	v6 =	vand.u32 $0xFFFF0000, v6  }
0x144: {  	v34 =	vld [tilespmem:s24+$0xCDD0];
	v23 =	vshll.u32 v7, $0x10;
	v25 =	vand.u32 $0xFFFF0000, v7;
	v26 =	vshll.u32 v8, $0x10  }
0x145: {  	v56 =	vld [tilespmem:s24+$0x8DA0];
	v28 =	vand.u32 $0xFFFF0000, v8;
	v29 =	vshll.u32 v9, $0x10;
	v30 =	vand.u32 $0xFFFF0000, v9  }
0x146: {  	v27 =	vld [tilespmem:s24+$0x8990];
	v24 =	vshll.u32 v10, $0x10;
	v19 =	vand.u32 $0xFFFF0000, v10;
	v16 =	vshll.u32 v11, $0x10  }
0x147: {  	v9 =	vld [tilespmem:s24+$0x4990];
	v18 =	vand.u32 $0xFFFF0000, v11;
	v7 =	vshll.u32 v12, $0x10;
	v8 =	vshll.u32 v14, $0x10  }
0x148: {  	v10 =	vld [tilespmem:s24+$0xCDB0];
	v11 =	vand.u32 $0xFFFF0000, v14;
	v31 =	vshll.u32 v15, $0x10;
	v15 =	vand.u32 $0xFFFF0000, v15  }
0x149: {  	v14 =	vand.u32 $0xFFFF0000, v12;
	v38 =	vshll.u32 v34, $0x10;
	v36 =	vand.u32 $0xFFFF0000, v34  }
0x14a: {  	v32 =	vld [tilespmem:s24+$0x89A0];
	v58 =	vshll.u32 v56, $0x10;
	v12 =	vadd.f32 v8, v31;
	v11 =	vadd.f32 v11, v15  }
0x14b: {  	v15 =	vshll.u32 v22, $0x10;
	v8 =	vand.u32 $0xFFFF0000, v22;
	v22 =	vshll.u32 v27, $0x10  }
0x14c: {  	v31 =	vld [tilespmem:s24+$0x49A0];
	v27 =	vand.u32 $0xFFFF0000, v27;
	v13 =	vadd.f32 v13, v12;
	v3 =	vadd.f32 v3, v11  }
0x14d: {  	v53 =	vld [tilespmem:s24+$0x89F0];
	v12 =	vshll.u32 v9, $0x10;
	v9 =	vand.u32 $0xFFFF0000, v9;
	v11 =	vand.u32 $0xFFFF0000, v10  }
0x14e: {  	v33 =	vld [tilespmem:s24+$0x89B0];
	v13 =	vadd.s32 $0x8000, v13;
	v3 =	vadd.s32 $0x8000, v3;
	v22 =	vadd.f32 v22, v12  }
0x14f: {  	v12 =	vshll.u32 v10, $0x10;
	v9 =	vadd.f32 v27, v9;
	v10 =	vshll.u32 v32, $0x10  }
0x150: {  	v27 =	vand.u32 $0xFFFF0000, v32;
	v13 =	vshrl.u32 v13, $0x10;
	v3 =	vand.u32 $0xFFFF0000, v3  }
0x151: {  	v17 =	vadd.f32 v17, v22;
	v22 =	vld [tilespmem:s24+$0x49B0];
	v4 =	vadd.f32 v4, v9;
	v9 =	vshll.u32 v31, $0x10  }
0x152: {  	v32 =	vand.u32 $0xFFFF0000, v53;
	v31 =	vand.u32 $0xFFFF0000, v31;
	v9 =	vadd.f32 v10, v9  }
0x153: {  	v10 =	vadd.f32 v27, v31;
	v27 =	vld [tilespmem:s24+$0x89C0];
	v31 =	vshll.u32 v33, $0x10;
	v48 =	vadd.s32 $0x8000, v17  }
0x154: {  	v50 =	vld [tilespmem:s24+$0xCDC0];
	v4 =	vadd.s32 $0x8000, v4;
	v17 =	vor.u32 v3, v13;
	v49 =	vshrl.u32 v48, $0x10  }
0x155: {  	v13 =	vld [tilespmem:s24+$0x49C0];
	v4 =	vand.u32 $0xFFFF0000, v4;
	v20 =	vadd.f32 v20, v9;
	v5 =	vadd.f32 v5, v10  }
0x156: {  	v33 =	vand.u32 $0xFFFF0000, v33;
	v9 =	vor.u32 v4, v49;
	v10 =	vshll.u32 v22, $0x10  }
0x157: {  	v20 =	vadd.s32 $0x8000, v20;
	v5 =	vadd.s32 $0x8000, v5;
	v51 =	vadd.f32 v31, v10  }
0x158: {  	v4 =	vld [tilespmem:s24+$0x89D0];
	v31 =	vshll.u32 v27, $0x10;
	v27 =	vand.u32 $0xFFFF0000, v27;
	v10 =	vand.u32 $0xFFFF0000, v22  }
0x159: {  	v52 =	vld [tilespmem:s24+$0x49D0];
	v5 =	vand.u32 $0xFFFF0000, v5;
	v22 =	vadd.f32 v33, v10;
	v10 =	vshrl.u32 v20, $0x10  }
0x15a: {  	v20 =	vand.u32 $0xFFFF0000, v50;
	v10 =	vor.u32 v5, v10;
	v5 =	vshll.u32 v13, $0x10  }
0x15b: {  	v3 =	vadd.f32 v21, v51;
	v13 =	vand.u32 $0xFFFF0000, v13;
	v5 =	vadd.f32 v31, v5  }
0x15c: {  	v21 =	vshll.u32 v50, $0x10;
	v13 =	vadd.f32 v27, v13;
	v6 =	vadd.f32 v6, v22  }
0x15d: {  	v27 =	vld [tilespmem:s24+$0x89E0];
	v22 =	vshll.u32 v4, $0x10;
	v4 =	vand.u32 $0xFFFF0000, v4;
	v3 =	vadd.s32 $0x8000, v3  }
0x15e: {  	v31 =	vld [tilespmem:s24+$0x49E0];
	v23 =	vadd.f32 v23, v5;
	v25 =	vadd.f32 v25, v13;
	v5 =	vshll.u32 v52, $0x10  }
0x15f: {  	v6 =	vadd.s32 $0x8000, v6;
	v22 =	vadd.f32 v22, v5;
	v5 =	vand.u32 $0xFFFF0000, v52  }
0x160: {  	v13 =	vshrl.u32 v3, $0x10;
	v6 =	vand.u32 $0xFFFF0000, v6;
	v4 =	vadd.f32 v4, v5  }
0x161: {  	v13 =	vor.u32 v6, v13;
	v23 =	vadd.s32 $0x8000, v23;
	v25 =	vadd.s32 $0x8000, v25  }
0x162: {  	v6 =	vld [tilespmem:s24+$0x49F0];
	v22 =	vadd.f32 v26, v22;
	v26 =	vshll.u32 v27, $0x10;
	v23 =	vshrl.u32 v23, $0x10  }
0x163: {  	v25 =	vand.u32 $0xFFFF0000, v25;
	v4 =	vadd.f32 v28, v4;
	v28 =	vshll.u32 v31, $0x10  }
0x164: {  	v27 =	vand.u32 $0xFFFF0000, v27;
	v23 =	vor.u32 v25, v23;
	v25 =	vld [tilespmem:s24+$0x8D90];
	v26 =	vadd.f32 v26, v28  }
0x165: {  	v28 =	vand.u32 $0xFFFF0000, v31;
	v31 =	vshll.u32 v53, $0x10;
	v22 =	vadd.s32 $0x8000, v22  }
0x166: {  	v27 =	vadd.f32 v27, v28;
	v28 =	vld [tilespmem:s24+$0xCDE0];
	v4 =	vadd.s32 $0x8000, v4;
	v22 =	vshrl.u32 v22, $0x10  }
0x167: {  	v26 =	vadd.f32 v29, v26;
	v4 =	vand.u32 $0xFFFF0000, v4;
	v54 =	vand.u32 $0xFFFF0000, v6  }
0x168: {  	v29 =	vld [tilespmem:s24+$0x8D80];
	v27 =	vadd.f32 v30, v27;
	v30 =	vshll.u32 v6, $0x10;
	v22 =	vor.u32 v4, v22  }
0x169: {  	v30 =	vadd.f32 v31, v30;
	v31 =	vld [tilespmem:s24+$0x4D80];
	v26 =	vadd.s32 $0x8000, v26;
	v57 =	vshll.u32 v25, $0x10  }
0x16a: {  	v25 =	vand.u32 $0xFFFF0000, v25;
	v27 =	vadd.s32 $0x8000, v27;
	v26 =	vshrl.u32 v26, $0x10  }
0x16b: {  	v6 =	vshll.u32 v28, $0x10;
	v37 =	vand.u32 $0xFFFF0000, v28;
	v28 =	vadd.f32 v32, v54  }
0x16c: {  	v24 =	vadd.f32 v24, v30;
	v30 =	vld [tilespmem:s24+$0x4D90];
	v27 =	vand.u32 $0xFFFF0000, v27;
	v32 =	vand.u32 $0xFFFF0000, v56  }
0x16d: {  	v55 =	vshll.u32 v29, $0x10;
	v29 =	vand.u32 $0xFFFF0000, v29;
	v19 =	vadd.f32 v19, v28  }
0x16e: {  	v24 =	vadd.s32 $0x8000, v24;
	v28 =	vshll.u32 v31, $0x10;
	v31 =	vand.u32 $0xFFFF0000, v31  }
0x16f: {  	v28 =	vadd.f32 v55, v28;
	v31 =	vadd.f32 v29, v31;
	v19 =	vadd.s32 $0x8000, v19  }
0x170: {  	v24 =	vshrl.u32 v24, $0x10;
	v29 =	vor.u32 v27, v26;
	v26 =	vld [tilespmem:s24+$0x4DA0];
	v19 =	vand.u32 $0xFFFF0000, v19  }
0x171: {  	v27 =	vshll.u32 v30, $0x10;
	v16 =	vadd.f32 v16, v28;
	v18 =	vadd.f32 v18, v31;
	v31 =	vld [tilespmem:s24+$0xCDF0]  }
0x172: {  	v28 =	vor.u32 v19, v24;
	v19 =	vadd.f32 v57, v27;
	v24 =	vld [tilespmem:s24+$0x8DB0];
	v27 =	vand.u32 $0xFFFF0000, v30  }
0x173: {  	v25 =	vadd.f32 v25, v27;
	v16 =	vadd.s32 $0x8000, v16;
	v18 =	vadd.s32 $0x8000, v18  }
0x174: {  	v30 =	vld [tilespmem:s24+$0x4DB0];
	v19 =	vadd.f32 v7, v19;
	v16 =	vshrl.u32 v16, $0x10;
	v18 =	vand.u32 $0xFFFF0000, v18  }
0x175: {  	v14 =	vadd.f32 v14, v25;
	v27 =	vor.u32 v18, v16;
	v16 =	vshll.u32 v26, $0x10  }
0x176: {  	v59 =	vld [tilespmem:s24+$0x8DD0];
	v18 =	vand.u32 $0xFFFF0000, v26;
	v7 =	vshll.u32 v31, $0x10;
	v16 =	vadd.f32 v58, v16  }
0x177: {  	v26 =	vld [tilespmem:s24+$0x8DC0];
	v18 =	vadd.f32 v32, v18;
	v25 =	vshll.u32 v24, $0x10;
	v14 =	vadd.s32 $0x8000, v14  }
0x178: {  	v60 =	vand.u32 $0xFFFF0000, v24;
	v14 =	vand.u32 $0xFFFF0000, v14;
	v61 =	vadd.f32 v15, v16  }
0x179: {  	v15 =	vld [tilespmem:s24+$0x4DC0];
	v18 =	vadd.f32 v8, v18;
	v8 =	vshll.u32 v30, $0x10;
	v16 =	vadd.s32 $0x8000, v19  }
0x17a: {  	v30 =	vand.u32 $0xFFFF0000, v30;
	v19 =	vadd.f32 v25, v8;
	v25 =	vld [tilespmem:s24+$0x8DE0];
	v16 =	vshrl.u32 v16, $0x10  }
0x17b: {  	v8 =	vand.u32 $0xFFFF0000, v31;
	v31 =	vld [tilespmem:s24+$0x8DF0];
	v24 =	vor.u32 v14, v16;
	v14 =	vadd.f32 v60, v30  }
0x17c: {  	v30 =	vshll.u32 v26, $0x10;
	v26 =	vand.u32 $0xFFFF0000, v26;
	v16 =	vand.u32 $0xFFFF0000, v59  }
0x17d: {  	v18 =	vadd.s32 $0x8000, v18;
	v62 =	vadd.f32 v12, v19;
	v19 =	vshll.u32 v59, $0x10  }
0x17e: {  	v35 =	vadd.f32 v11, v14;
	v11 =	vshll.u32 v15, $0x10;
	v12 =	vand.u32 $0xFFFF0000, v15  }
0x17f: {  	v30 =	vadd.f32 v30, v11;
	v15 =	vshll.u32 v25, $0x10;
	v14 =	vand.u32 $0xFFFF0000, v25  }
0x180: {  	v63 =	vadd.f32 v26, v12;
	v11 =	vshll.u32 v31, $0x10;
	v25 =	vadd.s32 $0x8000, v61  }
0x181: {  	v12 =	vand.u32 $0xFFFF0000, v31;
	v31 =	vadd.s32 $0x8000, v62;
	v26 =	vshrl.u32 v25, $0x10  }
0x182: {  	v25 =	vld [tilespmem:s24+$0x4DD0];
	v21 =	vadd.f32 v21, v30;
	v30 =	vand.u32 $0xFFFF0000, v18;
	v18 =	vadd.s32 $0x8000, v35  }
0x183: {  	s26 =	simm.s32 $0x100;
	s25 =	simm.s32 $0x80;
	[tilespmem:s24+$0x4980] =	vst v17;
	v31 =	vshrl.u32 v31, $0x10;
	v17 =	vadd.f32 v20, v63;
	v20 =	vld [tilespmem:s24+$0x4DE0];
	v32 =	vand.u32 $0xFFFF0000, v18  }
.LBB2_3:
0x184: {  	_ =	sdelay $0x1  }
0x185: {  	[tilespmem:s24+$0x4990] =	vst v9  }
0x186: {  	s28 =	sand.u32 $0x3800, s26;
	s29 =	sand.u32 $0x380, s25;
	v9 =	vor.u32 v30, v26;
	v18 =	vor.u32 v32, v31;
	[tilespmem:s24+$0x49A0] =	vst v10;
	v10 =	vadd.s32 $0x8000, v21;
	v21 =	vld [tilespmem:s24+$0x4DF0]  }
0x187: {  	s28 =	sor.u32 s29, s28;
	v17 =	vadd.s32 $0x8000, v17;
	v10 =	vshrl.u32 v10, $0x10;
	v26 =	vshll.u32 v25, $0x10  }
0x188: {  	v19 =	vadd.f32 v19, v26;
	v26 =	vld [tilespmem:s28+$0xC980];
	[tilespmem:s24+$0x49B0] =	vst v13;
	v13 =	vand.u32 $0xFFFF0000, v17;
	v17 =	vand.u32 $0xFFFF0000, v25  }
0x189: {  	v25 =	vld [tilespmem:s28+$0xC990];
	[tilespmem:s24+$0x49C0] =	vst v23;
	v16 =	vadd.f32 v16, v17;
	v17 =	vshll.u32 v20, $0x10;
	v10 =	vor.u32 v13, v10  }
0x18a: {  	v5 =	vadd.f32 v38, v19;
	v19 =	vld [tilespmem:s28+$0xC9A0];
	[tilespmem:s24+$0x49D0] =	vst v22;
	v13 =	vadd.f32 v15, v17;
	v15 =	vand.u32 $0xFFFF0000, v20  }
0x18b: {  	v17 =	vld [tilespmem:s28+$0xC9B0];
	[tilespmem:s24+$0x49E0] =	vst v29;
	v3 =	vadd.f32 v36, v16;
	v14 =	vadd.f32 v14, v15;
	v16 =	vand.u32 $0xFFFF0000, v21  }
0x18c: {  	v5 =	vadd.s32 $0x8000, v5;
	v15 =	vld [tilespmem:s28+$0xC9C0];
	[tilespmem:s24+$0x49F0] =	vst v28;
	v6 =	vadd.f32 v6, v13;
	v13 =	vshll.u32 v21, $0x10  }
0x18d: {  	v12 =	vadd.f32 v12, v16;
	v20 =	vld [tilespmem:s28+$0xC9D0];
	[tilespmem:s24+$0x4D80] =	vst v27;
	v3 =	vadd.s32 $0x8000, v3;
	v11 =	vadd.f32 v11, v13  }
0x18e: {  	v5 =	vshrl.u32 v5, $0x10;
	v4 =	vadd.f32 v37, v14;
	v16 =	vld [tilespmem:s28+$0xC9E0];
	[tilespmem:s24+$0x4D90] =	vst v24;
	v3 =	vand.u32 $0xFFFF0000, v3  }
0x18f: {  	v6 =	vadd.s32 $0x8000, v6;
	v8 =	vadd.f32 v8, v12;
	v14 =	vld [tilespmem:s28+$0xC9F0];
	[tilespmem:s24+$0x4DA0] =	vst v9;
	v7 =	vadd.f32 v7, v11  }
0x190: {  	v3 =	vor.u32 v3, v5;
	v5 =	vshrl.u32 v6, $0x10;
	v4 =	vadd.s32 $0x8000, v4;
	v11 =	vld [tilespmem:s28+$0xCD80];
	[tilespmem:s24+$0x4DB0] =	vst v18  }
0x191: {  	v4 =	vand.u32 $0xFFFF0000, v4;
	v8 =	vadd.s32 $0x8000, v8;
	v6 =	vld [tilespmem:s28+$0xCD90];
	[tilespmem:s24+$0x4DC0] =	vst v10;
	v7 =	vadd.s32 $0x8000, v7  }
0x192: {  	v57 =	vor.u32 v4, v5;
	v5 =	vand.u32 $0xFFFF0000, v8;
	v12 =	vld [tilespmem:s28+$0xCDA0];
	[tilespmem:s24+$0x4DD0] =	vst v3;
	v4 =	vshrl.u32 v7, $0x10  }
0x193: {  	v7 =	vld [tilespmem:s28+$0xCDB0];
	[tilespmem:s24+$0x4DE0] =	vst v57;
	v58 =	vor.u32 v5, v4  }
0x194: {  	v4 =	vld [tilespmem:s28+$0xCDC0];
	[tilespmem:s24+$0x4DF0] =	vst v58;
	s24 =	smov.u32 s28  }
0x195: {  	v3 =	vld [tilespmem:s24+$0xCDD0]  }
0x196: {  	v8 =	vld [tilespmem:s24+$0xCDE0]  }
0x197: {  	v40 =	vshll.u32 v26, $0x10;
	v50 =	vand.u32 $0xFFFF0000, v26;
	v51 =	vshll.u32 v25, $0x10;
	v31 =	vld [tilespmem:s24+$0xCDF0]  }
0x198: {  	v52 =	vand.u32 $0xFFFF0000, v25;
	v9 =	vshll.u32 v19, $0x10;
	v47 =	vand.u32 $0xFFFF0000, v19;
	v59 =	vld [tilespmem:s24+$0x8980]  }
0x199: {  	v44 =	vand.u32 $0xFFFF0000, v17;
	v10 =	vshll.u32 v17, $0x10;
	v42 =	vshll.u32 v15, $0x10;
	v34 =	vld [tilespmem:s24+$0x8990]  }
0x19a: {  	v13 =	vand.u32 $0xFFFF0000, v15;
	v38 =	vshll.u32 v20, $0x10;
	v39 =	vand.u32 $0xFFFF0000, v20;
	v19 =	vld [tilespmem:s24+$0x89A0]  }
0x19b: {  	v23 =	vshll.u32 v16, $0x10;
	v22 =	vand.u32 $0xFFFF0000, v16;
	v33 =	vshll.u32 v14, $0x10;
	v15 =	vld [tilespmem:s24+$0x89B0]  }
0x19c: {  	v29 =	vand.u32 $0xFFFF0000, v14;
	v16 =	vld [tilespmem:s24+$0x89C0];
	v28 =	vshll.u32 v11, $0x10;
	v30 =	vand.u32 $0xFFFF0000, v11  }
0x19d: {  	v14 =	vld [tilespmem:s24+$0x89D0];
	v27 =	vshll.u32 v6, $0x10;
	v26 =	vand.u32 $0xFFFF0000, v6;
	v25 =	vshll.u32 v12, $0x10  }
0x19e: {  	v11 =	vld [tilespmem:s24+$0x89E0];
	v24 =	vand.u32 $0xFFFF0000, v12;
	v0 =	vshll.u32 v7, $0x10;
	v21 =	vand.u32 $0xFFFF0000, v7  }
0x19f: {  	v35 =	vld [tilespmem:s24+$0x8D80];
	v60 =	vshll.u32 v4, $0x10;
	v61 =	vand.u32 $0xFFFF0000, v4;
	v17 =	vshll.u32 v3, $0x10  }
0x1a0: {  	v36 =	vld [tilespmem:s24+$0x8D90];
	v20 =	vand.u32 $0xFFFF0000, v3;
	v6 =	vshll.u32 v8, $0x10;
	v18 =	vand.u32 $0xFFFF0000, v8  }
0x1a1: {  	v62 =	vld [tilespmem:s24+$0x4980];
	v7 =	vshll.u32 v31, $0x10;
	v8 =	vand.u32 $0xFFFF0000, v31;
	v53 =	vshll.u32 v59, $0x10  }
0x1a2: {  	v12 =	vld [tilespmem:s24+$0x89F0];
	v54 =	vand.u32 $0xFFFF0000, v59;
	v55 =	vshll.u32 v34, $0x10;
	v56 =	vand.u32 $0xFFFF0000, v34  }
0x1a3: {  	[tilespmem:$0x1FFB0] =	vst v60;
	v31 =	vld [tilespmem:s24+$0x8DA0];
	v57 =	vshll.u32 v19, $0x10;
	v58 =	vand.u32 $0xFFFF0000, v19;
	v59 =	vshll.u32 v15, $0x10  }
0x1a4: {  	[tilespmem:$0x1FFC0] =	vst v61;
	v19 =	vld [tilespmem:s24+$0x8DB0];
	v60 =	vand.u32 $0xFFFF0000, v15;
	v61 =	vshll.u32 v16, $0x10;
	v63 =	vand.u32 $0xFFFF0000, v16  }
0x1a5: {  	[tilespmem:$0x1FFA0] =	vst v0;
	v15 =	vld [tilespmem:s24+$0x8DC0];
	v0 =	vshll.u32 v14, $0x10;
	v2 =	vand.u32 $0xFFFF0000, v14;
	v1 =	vshll.u32 v11, $0x10  }
0x1a6: {  	v3 =	vand.u32 $0xFFFF0000, v11;
	v11 =	vld [tilespmem:s24+$0x8DD0];
	v45 =	vshll.u32 v35, $0x10;
	v46 =	vand.u32 $0xFFFF0000, v35  }
0x1a7: {  	v4 =	vld [tilespmem:s24+$0x4990];
	v43 =	vshll.u32 v36, $0x10;
	v41 =	vand.u32 $0xFFFF0000, v36;
	v14 =	vshll.u32 v62, $0x10  }
0x1a8: {  	v14 =	vadd.f32 v53, v14;
	v49 =	vshll.u32 v12, $0x10;
	v48 =	vand.u32 $0xFFFF0000, v12;
	v12 =	vld [tilespmem:s24+$0x8DE0]  }
0x1a9: {  	v37 =	vshll.u32 v31, $0x10;
	v36 =	vand.u32 $0xFFFF0000, v31;
	v35 =	vshll.u32 v19, $0x10  }
0x1aa: {  	v5 =	vld [tilespmem:s24+$0x8DF0];
	v34 =	vand.u32 $0xFFFF0000, v19;
	v31 =	vshll.u32 v15, $0x10;
	v32 =	vand.u32 $0xFFFF0000, v15  }
0x1ab: {  	v15 =	vand.u32 $0xFFFF0000, v62;
	v19 =	vshll.u32 v11, $0x10;
	v16 =	vand.u32 $0xFFFF0000, v11  }
0x1ac: {  	v11 =	vshll.u32 v4, $0x10;
	v4 =	vand.u32 $0xFFFF0000, v4;
	v62 =	vadd.f32 v54, v15;
	v54 =	vld [tilespmem:s24+$0x49A0]  }
0x1ad: {  	v40 =	vadd.f32 v40, v14;
	v4 =	vadd.f32 v56, v4;
	v15 =	vshll.u32 v12, $0x10  }
0x1ae: {  	v14 =	vand.u32 $0xFFFF0000, v12;
	v50 =	vadd.f32 v50, v62;
	v62 =	vadd.f32 v55, v11  }
0x1af: {  	v12 =	vand.u32 $0xFFFF0000, v5;
	v11 =	vshll.u32 v5, $0x10;
	v4 =	vadd.f32 v52, v4  }
0x1b0: {  	v5 =	vadd.s32 $0x8000, v40;
	v55 =	vadd.s32 $0x8000, v50;
	v56 =	vadd.f32 v51, v62;
	v51 =	vld [tilespmem:s24+$0x49B0]  }
0x1b1: {  	v4 =	vadd.s32 $0x8000, v4;
	v40 =	vand.u32 $0xFFFF0000, v55;
	v62 =	vshll.u32 v54, $0x10  }
0x1b2: {  	v55 =	vld [tilespmem:s24+$0x49E0];
	v50 =	vadd.s32 $0x8000, v56;
	v56 =	vand.u32 $0xFFFF0000, v54;
	v52 =	vadd.f32 v57, v62  }
0x1b3: {  	v5 =	vshrl.u32 v5, $0x10;
	v4 =	vand.u32 $0xFFFF0000, v4;
	v57 =	vld [tilespmem:s24+$0x49C0];
	v53 =	vadd.f32 v58, v56  }
0x1b4: {  	v40 =	vor.u32 v40, v5;
	v62 =	vld [tilespmem:s24+$0x49D0];
	v5 =	vshrl.u32 v50, $0x10;
	v52 =	vadd.f32 v9, v52  }
0x1b5: {  	v9 =	vor.u32 v4, v5;
	v47 =	vadd.f32 v47, v53;
	v58 =	vshll.u32 v51, $0x10  }
0x1b6: {  	v5 =	vand.u32 $0xFFFF0000, v51;
	v4 =	vadd.f32 v59, v58;
	v59 =	vadd.s32 $0x8000, v52  }
0x1b7: {  	v5 =	vadd.f32 v60, v5;
	v60 =	vshll.u32 v55, $0x10;
	v47 =	vadd.s32 $0x8000, v47  }
0x1b8: {  	v51 =	vshrl.u32 v59, $0x10;
	v53 =	vshll.u32 v57, $0x10;
	v54 =	vand.u32 $0xFFFF0000, v57  }
0x1b9: {  	v56 =	vshll.u32 v62, $0x10;
	v1 =	vadd.f32 v1, v60;
	v4 =	vadd.f32 v10, v4  }
0x1ba: {  	v57 =	vand.u32 $0xFFFF0000, v62;
	v5 =	vadd.f32 v44, v5;
	v44 =	vadd.f32 v61, v53  }
0x1bb: {  	v47 =	vand.u32 $0xFFFF0000, v47;
	v0 =	vadd.f32 v0, v56;
	v2 =	vadd.f32 v2, v57  }
0x1bc: {  	v61 =	vand.u32 $0xFFFF0000, v55;
	v10 =	vor.u32 v47, v51;
	v47 =	vadd.f32 v63, v54  }
0x1bd: {  	v3 =	vadd.f32 v3, v61;
	v1 =	vadd.f32 v23, v1;
	v4 =	vadd.s32 $0x8000, v4  }
0x1be: {  	v5 =	vadd.s32 $0x8000, v5;
	v42 =	vadd.f32 v42, v44;
	v0 =	vadd.f32 v38, v0  }
0x1bf: {  	v2 =	vadd.f32 v39, v2;
	v4 =	vshrl.u32 v4, $0x10;
	v5 =	vand.u32 $0xFFFF0000, v5  }
0x1c0: {  	v47 =	vadd.f32 v13, v47;
	v3 =	vadd.f32 v22, v3;
	v13 =	vor.u32 v5, v4;
	v5 =	vld [tilespmem:s24+$0x49F0]  }
0x1c1: {  	v62 =	vld [tilespmem:s24+$0x4D80];
	v1 =	vadd.s32 $0x8000, v1;
	v4 =	vadd.s32 $0x8000, v42;
	v0 =	vadd.s32 $0x8000, v0  }
0x1c2: {  	v51 =	vld [tilespmem:s24+$0x4DA0];
	v2 =	vadd.s32 $0x8000, v2;
	v1 =	vshrl.u32 v1, $0x10;
	v4 =	vshrl.u32 v4, $0x10  }
0x1c3: {  	v58 =	vadd.s32 $0x8000, v47;
	v0 =	vshrl.u32 v0, $0x10;
	v2 =	vand.u32 $0xFFFF0000, v2  }
0x1c4: {  	v47 =	vadd.s32 $0x8000, v3;
	v59 =	vand.u32 $0xFFFF0000, v58;
	v22 =	vor.u32 v2, v0  }
0x1c5: {  	v2 =	vand.u32 $0xFFFF0000, v47;
	v23 =	vshll.u32 v5, $0x10;
	v5 =	vand.u32 $0xFFFF0000, v5  }
0x1c6: {  	v63 =	vadd.f32 v49, v23;
	v44 =	vadd.f32 v48, v5;
	v5 =	vshll.u32 v62, $0x10  }
0x1c7: {  	v55 =	vshll.u32 v51, $0x10;
	v23 =	vor.u32 v59, v4;
	v4 =	vld [tilespmem:s24+$0x4D90];
	v5 =	vadd.f32 v45, v5  }
0x1c8: {  	v48 =	vadd.f32 v33, v63;
	v0 =	vadd.f32 v29, v44;
	v29 =	vand.u32 $0xFFFF0000, v62  }
0x1c9: {  	v49 =	vadd.f32 v46, v29;
	v29 =	vor.u32 v2, v1;
	v52 =	vadd.f32 v28, v5  }
0x1ca: {  	v2 =	vand.u32 $0xFFFF0000, v51;
	v3 =	vadd.s32 $0x8000, v48;
	v0 =	vadd.s32 $0x8000, v0  }
0x1cb: {  	v50 =	vshrl.u32 v3, $0x10;
	v0 =	vand.u32 $0xFFFF0000, v0;
	v5 =	vadd.f32 v30, v49  }
0x1cc: {  	v30 =	vshll.u32 v4, $0x10;
	v54 =	vand.u32 $0xFFFF0000, v4;
	v3 =	vadd.s32 $0x8000, v52  }
0x1cd: {  	v53 =	vadd.f32 v43, v30;
	v1 =	vadd.f32 v41, v54;
	v4 =	vadd.s32 $0x8000, v5;
	v5 =	vld [tilespmem:s24+$0x4DB0]  }
0x1ce: {  	v2 =	vadd.f32 v36, v2;
	v28 =	vor.u32 v0, v50;
	v3 =	vshrl.u32 v3, $0x10  }
0x1cf: {  	v59 =	vld [tilespmem:$0x1FFA0];
	v4 =	vand.u32 $0xFFFF0000, v4;
	v0 =	vadd.f32 v27, v53;
	v1 =	vadd.f32 v26, v1  }
0x1d0: {  	v27 =	vor.u32 v4, v3;
	v3 =	vadd.f32 v37, v55;
	v4 =	vld [tilespmem:s24+$0x4DC0]  }
0x1d1: {  	v2 =	vadd.f32 v24, v2;
	v0 =	vadd.s32 $0x8000, v0;
	v1 =	vadd.s32 $0x8000, v1  }
0x1d2: {  	v0 =	vshrl.u32 v0, $0x10;
	v3 =	vadd.f32 v25, v3;
	v25 =	vshll.u32 v5, $0x10  }
0x1d3: {  	v62 =	vld [tilespmem:$0x1FFB0];
	v1 =	vand.u32 $0xFFFF0000, v1;
	v5 =	vand.u32 $0xFFFF0000, v5;
	v25 =	vadd.f32 v35, v25  }
0x1d4: {  	p0 =	sne.s32 s26, $0x3F00;
	v63 =	vld [tilespmem:$0x1FFC0];
	v58 =	vadd.s32 $0x8000, v2;
	v24 =	vor.u32 v1, v0;
	v57 =	vadd.f32 v34, v5  }
.Ltmp2:
0x1d5: {  	v56 =	vadd.s32 $0x8000, v3;
	v60 =	vshll.u32 v4, $0x10;
	v2 =	vadd.f32 v59, v25;
	(pc) =	sbr.rel @p0 .LBB2_3-.Ltmp2, $4  }
0x1d6: {  	v4 =	vand.u32 $0xFFFF0000, v4;
	v1 =	vadd.f32 v21, v57;
	v3 =	vadd.f32 v31, v60  }
0x1d7: {  	v30 =	vand.u32 $0xFFFF0000, v58;
	v26 =	vshrl.u32 v56, $0x10;
	v4 =	vadd.f32 v32, v4  }
0x1d8: {  	v36 =	vmovc v20;
	v20 =	vld [tilespmem:s24+$0x4DE0];
	v2 =	vadd.s32 $0x8000, v2;
	v61 =	vadd.s32 $0x8000, v1;
	v21 =	vadd.f32 v62, v3  }
0x1d9: {  	s25 =	sadd.s32 $0x80, s25;
	s26 =	sadd.s32 $0x100, s26;
	[tilespmem:s24+$0x4980] =	vst v40;
	v38 =	vmovc v17;
	v37 =	vmovc v18;
	v25 =	vld [tilespmem:s24+$0x4DD0];
	v17 =	vadd.f32 v63, v4;
	v31 =	vshrl.u32 v2, $0x10;
	v32 =	vand.u32 $0xFFFF0000, v61  }
0x1da: {  	_ = 	snop  }
0x1db: {  	v5 =	vld [tilespmem:s24+$0x4DF0]  }
0x1dc: {  	[tilespmem:s24+$0x4990] =	vst v9;
	v0 =	vor.u32 v30, v26;
	v3 =	vadd.s32 $0x8000, v21;
	v4 =	vadd.s32 $0x8000, v17  }
0x1dd: {  	[tilespmem:s24+$0x49A0] =	vst v10;
	v3 =	vshrl.u32 v3, $0x10;
	v4 =	vand.u32 $0xFFFF0000, v4;
	v51 =	vshll.u32 v20, $0x10  }
0x1de: {  	[tilespmem:s24+$0x49B0] =	vst v13;
	v3 =	vor.u32 v4, v3;
	v53 =	vand.u32 $0xFFFF0000, v20;
	v2 =	vshll.u32 v25, $0x10  }
0x1df: {  	[tilespmem:s24+$0x49C0] =	vst v23;
	v50 =	vand.u32 $0xFFFF0000, v25;
	v52 =	vadd.f32 v15, v51;
	v10 =	vadd.f32 v14, v53  }
0x1e0: {  	[tilespmem:s24+$0x49D0] =	vst v22;
	v2 =	vadd.f32 v19, v2;
	v9 =	vadd.f32 v16, v50;
	v54 =	vshll.u32 v5, $0x10  }
0x1e1: {  	[tilespmem:s24+$0x49E0] =	vst v29;
	v5 =	vand.u32 $0xFFFF0000, v5;
	v4 =	vadd.f32 v6, v52;
	v6 =	vadd.f32 v11, v54  }
0x1e2: {  	v1 =	vor.u32 v32, v31;
	[tilespmem:s24+$0x49F0] =	vst v28;
	v5 =	vadd.f32 v12, v5;
	v10 =	vadd.f32 v37, v10  }
0x1e3: {  	[tilespmem:s24+$0x4D80] =	vst v27;
	v2 =	vadd.f32 v38, v2;
	v9 =	vadd.f32 v36, v9;
	v55 =	vadd.s32 $0x8000, v4  }
0x1e4: {  	[tilespmem:s24+$0x4D90] =	vst v24;
	v56 =	vadd.f32 v7, v6;
	v5 =	vadd.f32 v8, v5;
	v58 =	vadd.s32 $0x8000, v10  }
0x1e5: {  	[tilespmem:s24+$0x4DA0] =	vst v0;
	v2 =	vadd.s32 $0x8000, v2;
	v9 =	vadd.s32 $0x8000, v9;
	v0 =	vshrl.u32 v55, $0x10  }
0x1e6: {  	p0 =	seq.s32 s23, $0x30;
	[tilespmem:s24+$0x4DB0] =	vst v1;
	v2 =	vshrl.u32 v2, $0x10;
	v9 =	vand.u32 $0xFFFF0000, v9;
	v59 =	vadd.s32 $0x8000, v56  }
.Ltmp3:
0x1e7: {  	s25 =	sshll.u32 s23, $0xF;
	[tilespmem:s24+$0x4DC0] =	vst v3;
	v60 =	vadd.s32 $0x8000, v5;
	v57 =	vor.u32 v9, v2;
	v2 =	vand.u32 $0xFFFF0000, v58;
	(pc) =	sbr.rel @p0 .LBB2_6-.Ltmp3, $4  }
0x1e8: {  	s25 =	sadd.s32 s10, s25;
	v61 =	vshrl.u32 v59, $0x10;
	v62 =	vand.u32 $0xFFFF0000, v60;
	[tilespmem:s24+$0x4DD0] =	vst v57;
	v0 =	vor.u32 v2, v0  }
0x1e9: {  	s25 =	sshrl.u32 s25, $0x3;
	v63 =	vor.u32 v62, v61;
	[tilespmem:s24+$0x4DE0] =	vst v0  }
0x1ea: {  	s30 =	sadd.s32 s6, s25;
	[tilespmem:s24+$0x4DF0] =	vst v63;
	s24 =	sshll.u32 s23, $0x7  }
0x1eb: {  	[hbm4b:s30+s4] =	stream.linear.scatter [tilespmem:s16], [sflag:$0x3], $0x4000, $0x38;
	[tilespmem:$0x1C980] =	vst v63  }
0x1ec: {  	_ =	swait.ge [sflag:s21], $0x4000  }
0x1ed: {  	[sflag:s21] =	ssyncset.done $0x0  }
0x1ee: {  	[sflag:s21] =	ssyncadd.s32 $0xFFFFC000  }
0x1ef: {  	v0 =	vld [tilespmem:s24+$0x80];
	_ =	sdelay $0x2  }
0x1f0: {  	v2 =	vld [tilespmem:$0x1FFD0]  }
0x1f1: {  	v3 =	vld [tilespmem:$0x1FFE0]  }
0x1f2: {  	v4 =	vld [tilespmem:$0x1FFF0];
	v1 =	vshll.u32 v0, $0x1  }
0x1f3: {  	v0 =	vand.u32 $0x7, v0;
	v1 =	vand.u32 $0xFFFFFFF0, v1  }
0x1f4: {  	v0 =	vor.u32 v0, v1  }
0x1f5: {  	v1 =	vperm.xlane v0, v2;
	_ =	sdelay $0x1  }
0x1f6: {  	v0 =	vperm.xlane v0, v4;
	v1 =	vadd.s32 v3, v1;
	_ =	sdelay $0x1  }
0x1f7: {  	v0 =	vadd.s32 v3, v0;
	_ =	sdelay $0x2  }
0x1f8: {  	[tilespmem:s16], [sflag:$0x1] =	stream.indirect_vreg.gather [hbm4b:s1+s4], $0x80, v1, vm0, $0xb8;
	[tilespmem:$0x1C980] =	vst v63  }
0x1f9: {  	s25 =	simm.s32 $0x5180  }
0x1fa: {  	[tilespmem:s25], [sflag:$0x1] =	stream.indirect_vreg.gather [hbm4b:s1+s4], $0x80, v0, vm0, $0xb8;
	[tilespmem:$0x1C980] =	vst v63  }
0x1fb: {  	v0 =	vld [tilespmem:s24+$0x90];
	_ =	sdelay $0x4  }
0x1fc: {  	v53 =	vshll.u32 v0, $0x1  }
0x1fd: {  	v0 =	vand.u32 $0x7, v0;
	v1 =	vand.u32 $0xFFFFFFF0, v53  }
0x1fe: {  	v0 =	vor.u32 v0, v1  }
0x1ff: {  	v1 =	vperm.xlane v0, v2;
	_ =	sdelay $0x1  }
0x200: {  	v0 =	vperm.xlane v0, v4;
	v1 =	vadd.s32 v3, v1;
	_ =	sdelay $0x1  }
0x201: {  	v0 =	vadd.s32 v3, v0;
	_ =	sdelay $0x1  }
0x202: {  	s29 =	simm.s32 $0x5980  }
0x203: {  	[tilespmem:s29], [sflag:$0x1] =	stream.indirect_vreg.gather [hbm4b:s1+s4], $0x80, v1, vm0, $0xb8;
	[tilespmem:$0x1C980] =	vst v63  }
0x204: {  	s30 =	simm.s32 $0x6180  }
0x205: {  	[tilespmem:s30], [sflag:$0x1] =	stream.indirect_vreg.gather [hbm4b:s1+s4], $0x80, v0, vm0, $0xb8;
	[tilespmem:$0x1C980] =	vst v63  }
0x206: {  	v0 =	vld [tilespmem:s24+$0xA0];
	_ =	sdelay $0x4  }
0x207: {  	v54 =	vshll.u32 v0, $0x1  }
0x208: {  	v0 =	vand.u32 $0x7, v0;
	v1 =	vand.u32 $0xFFFFFFF0, v54  }
0x209: {  	v0 =	vor.u32 v0, v1  }
0x20a: {  	v1 =	vperm.xlane v0, v2;
	_ =	sdelay $0x1  }
0x20b: {  	v0 =	vperm.xlane v0, v4;
	v1 =	vadd.s32 v3, v1;
	_ =	sdelay $0x1  }
0x20c: {  	v0 =	vadd.s32 v3, v0;
	_ =	sdelay $0x1  }
0x20d: {  	s26 =	simm.s32 $0x6980  }
0x20e: {  	[tilespmem:s26], [sflag:$0x1] =	stream.indirect_vreg.gather [hbm4b:s1+s4], $0x80, v1, vm0, $0xb8;
	[tilespmem:$0x1C980] =	vst v63  }
0x20f: {  	s28 =	simm.s32 $0x7180  }
0x210: {  	[tilespmem:s28], [sflag:$0x1] =	stream.indirect_vreg.gather [hbm4b:s1+s4], $0x80, v0, vm0, $0xb8;
	[tilespmem:$0x1C980] =	vst v63  }
0x211: {  	v0 =	vld [tilespmem:s24+$0xB0];
	_ =	sdelay $0x4  }
0x212: {  	v55 =	vshll.u32 v0, $0x1  }
0x213: {  	v0 =	vand.u32 $0x7, v0;
	v1 =	vand.u32 $0xFFFFFFF0, v55  }
0x214: {  	v0 =	vor.u32 v0, v1  }
0x215: {  	v1 =	vperm.xlane v0, v2;
	_ =	sdelay $0x1  }
0x216: {  	v0 =	vperm.xlane v0, v4;
	v1 =	vadd.s32 v3, v1;
	_ =	sdelay $0x1  }
0x217: {  	v0 =	vadd.s32 v3, v0;
	_ =	sdelay $0x1  }
0x218: {  	s29 =	simm.s32 $0x7980  }
0x219: {  	[tilespmem:s29], [sflag:$0x1] =	stream.indirect_vreg.gather [hbm4b:s1+s4], $0x80, v1, vm0, $0xb8;
	[tilespmem:$0x1C980] =	vst v63  }
0x21a: {  	s30 =	simm.s32 $0x8180  }
0x21b: {  	[tilespmem:s30], [sflag:$0x1] =	stream.indirect_vreg.gather [hbm4b:s1+s4], $0x80, v0, vm0, $0xb8;
	[tilespmem:$0x1C980] =	vst v63  }
0x21c: {  	v0 =	vld [tilespmem:s24+$0x1900];
	_ =	sdelay $0x4  }
0x21d: {  	v56 =	vshll.u32 v0, $0x1  }
0x21e: {  	v0 =	vand.u32 $0x7, v0;
	v1 =	vand.u32 $0xFFFFFFF0, v56  }
0x21f: {  	v0 =	vor.u32 v0, v1  }
0x220: {  	v1 =	vperm.xlane v0, v2;
	_ =	sdelay $0x1  }
0x221: {  	v0 =	vperm.xlane v0, v4;
	v1 =	vadd.s32 v3, v1;
	_ =	sdelay $0x1  }
0x222: {  	v0 =	vadd.s32 v3, v0;
	_ =	sdelay $0x1  }
0x223: {  	s26 =	simm.s32 $0x8980  }
0x224: {  	[tilespmem:s26], [sflag:$0x1] =	stream.indirect_vreg.gather [hbm4b:s3+s4], $0x80, v1, vm0, $0xb8;
	[tilespmem:$0x1C980] =	vst v63  }
0x225: {  	s28 =	simm.s32 $0x9180  }
0x226: {  	[tilespmem:s28], [sflag:$0x1] =	stream.indirect_vreg.gather [hbm4b:s3+s4], $0x80, v0, vm0, $0xb8;
	[tilespmem:$0x1C980] =	vst v63  }
0x227: {  	v0 =	vld [tilespmem:s24+$0x1910];
	_ =	sdelay $0x4  }
0x228: {  	v57 =	vshll.u32 v0, $0x1  }
0x229: {  	v0 =	vand.u32 $0x7, v0;
	v1 =	vand.u32 $0xFFFFFFF0, v57  }
0x22a: {  	v0 =	vor.u32 v0, v1  }
0x22b: {  	v1 =	vperm.xlane v0, v2;
	_ =	sdelay $0x1  }
0x22c: {  	v0 =	vperm.xlane v0, v4;
	v1 =	vadd.s32 v3, v1;
	_ =	sdelay $0x1  }
0x22d: {  	v0 =	vadd.s32 v3, v0;
	_ =	sdelay $0x1  }
0x22e: {  	s29 =	simm.s32 $0x9980  }
0x22f: {  	[tilespmem:s29], [sflag:$0x1] =	stream.indirect_vreg.gather [hbm4b:s3+s4], $0x80, v1, vm0, $0xb8;
	[tilespmem:$0x1C980] =	vst v63  }
0x230: {  	s30 =	simm.s32 $0xA180  }
0x231: {  	[tilespmem:s30], [sflag:$0x1] =	stream.indirect_vreg.gather [hbm4b:s3+s4], $0x80, v0, vm0, $0xb8;
	[tilespmem:$0x1C980] =	vst v63  }
0x232: {  	v0 =	vld [tilespmem:s24+$0x1920];
	_ =	sdelay $0x4  }
0x233: {  	v58 =	vshll.u32 v0, $0x1  }
0x234: {  	v0 =	vand.u32 $0x7, v0;
	v1 =	vand.u32 $0xFFFFFFF0, v58  }
0x235: {  	v0 =	vor.u32 v0, v1  }
0x236: {  	v1 =	vperm.xlane v0, v2;
	_ =	sdelay $0x1  }
0x237: {  	v0 =	vperm.xlane v0, v4;
	v1 =	vadd.s32 v3, v1;
	_ =	sdelay $0x1  }
0x238: {  	v0 =	vadd.s32 v3, v0;
	_ =	sdelay $0x1  }
0x239: {  	s26 =	simm.s32 $0xA980  }
0x23a: {  	[tilespmem:s26], [sflag:$0x1] =	stream.indirect_vreg.gather [hbm4b:s3+s4], $0x80, v1, vm0, $0xb8;
	[tilespmem:$0x1C980] =	vst v63  }
0x23b: {  	s28 =	simm.s32 $0xB180  }
0x23c: {  	[tilespmem:s28], [sflag:$0x1] =	stream.indirect_vreg.gather [hbm4b:s3+s4], $0x80, v0, vm0, $0xb8;
	[tilespmem:$0x1C980] =	vst v63  }
0x23d: {  	v0 =	vld [tilespmem:s24+$0x1930];
	_ =	sdelay $0x4  }
0x23e: {  	v59 =	vshll.u32 v0, $0x1  }
0x23f: {  	v0 =	vand.u32 $0x7, v0;
	v1 =	vand.u32 $0xFFFFFFF0, v59  }
0x240: {  	v0 =	vor.u32 v0, v1  }
0x241: {  	v1 =	vperm.xlane v0, v2;
	_ =	sdelay $0x1  }
0x242: {  	v0 =	vperm.xlane v0, v4;
	v1 =	vadd.s32 v3, v1;
	_ =	sdelay $0x1  }
0x243: {  	v0 =	vadd.s32 v3, v0;
	_ =	sdelay $0x1  }
0x244: {  	s29 =	simm.s32 $0xB980  }
0x245: {  	[tilespmem:s29], [sflag:$0x1] =	stream.indirect_vreg.gather [hbm4b:s3+s4], $0x80, v1, vm0, $0xb8;
	[tilespmem:$0x1C980] =	vst v63  }
0x246: {  	s30 =	simm.s32 $0xC180  }
0x247: {  	[tilespmem:s30], [sflag:$0x1] =	stream.indirect_vreg.gather [hbm4b:s3+s4], $0x80, v0, vm0, $0xb8;
	[tilespmem:$0x1C980] =	vst v63  }
0x248: {  	v0 =	vld [tilespmem:s24+$0x3180];
	_ =	sdelay $0x4  }
0x249: {  	v60 =	vshll.u32 v0, $0x1  }
0x24a: {  	v0 =	vand.u32 $0x7, v0;
	v1 =	vand.u32 $0xFFFFFFF0, v60  }
0x24b: {  	v0 =	vor.u32 v0, v1  }
0x24c: {  	v1 =	vperm.xlane v0, v2;
	_ =	sdelay $0x1  }
0x24d: {  	v0 =	vperm.xlane v0, v4;
	v1 =	vadd.s32 v3, v1;
	_ =	sdelay $0x1  }
0x24e: {  	v0 =	vadd.s32 v3, v0;
	_ =	sdelay $0x1  }
0x24f: {  	s26 =	simm.s32 $0xC980  }
0x250: {  	[tilespmem:s26], [sflag:$0x1] =	stream.indirect_vreg.gather [hbm4b:s5+s4], $0x80, v1, vm0, $0xb8;
	[tilespmem:$0x1C980] =	vst v63  }
0x251: {  	s28 =	simm.s32 $0xD180  }
0x252: {  	[tilespmem:s28], [sflag:$0x1] =	stream.indirect_vreg.gather [hbm4b:s5+s4], $0x80, v0, vm0, $0xb8;
	[tilespmem:$0x1C980] =	vst v63  }
0x253: {  	v0 =	vld [tilespmem:s24+$0x3190];
	_ =	sdelay $0x4  }
0x254: {  	v61 =	vshll.u32 v0, $0x1  }
0x255: {  	v0 =	vand.u32 $0x7, v0;
	v1 =	vand.u32 $0xFFFFFFF0, v61  }
0x256: {  	v0 =	vor.u32 v0, v1  }
0x257: {  	v1 =	vperm.xlane v0, v2;
	_ =	sdelay $0x1  }
0x258: {  	v0 =	vperm.xlane v0, v4;
	v1 =	vadd.s32 v3, v1;
	_ =	sdelay $0x1  }
0x259: {  	v0 =	vadd.s32 v3, v0;
	_ =	sdelay $0x1  }
0x25a: {  	s29 =	simm.s32 $0xD980  }
0x25b: {  	[tilespmem:s29], [sflag:$0x1] =	stream.indirect_vreg.gather [hbm4b:s5+s4], $0x80, v1, vm0, $0xb8;
	[tilespmem:$0x1C980] =	vst v63  }
0x25c: {  	s30 =	simm.s32 $0xE180  }
0x25d: {  	[tilespmem:s30], [sflag:$0x1] =	stream.indirect_vreg.gather [hbm4b:s5+s4], $0x80, v0, vm0, $0xb8;
	[tilespmem:$0x1C980] =	vst v63  }
0x25e: {  	v0 =	vld [tilespmem:s24+$0x31A0];
	_ =	sdelay $0x4  }
0x25f: {  	v62 =	vshll.u32 v0, $0x1  }
0x260: {  	v0 =	vand.u32 $0x7, v0;
	v1 =	vand.u32 $0xFFFFFFF0, v62  }
0x261: {  	v0 =	vor.u32 v0, v1  }
0x262: {  	v1 =	vperm.xlane v0, v2;
	_ =	sdelay $0x1  }
0x263: {  	v0 =	vperm.xlane v0, v4;
	v1 =	vadd.s32 v3, v1;
	_ =	sdelay $0x1  }
0x264: {  	v0 =	vadd.s32 v3, v0;
	_ =	sdelay $0x1  }
0x265: {  	s26 =	simm.s32 $0xE980  }
0x266: {  	[tilespmem:s26], [sflag:$0x1] =	stream.indirect_vreg.gather [hbm4b:s5+s4], $0x80, v1, vm0, $0xb8;
	[tilespmem:$0x1C980] =	vst v63  }
0x267: {  	s28 =	simm.s32 $0xF180  }
0x268: {  	[tilespmem:s28], [sflag:$0x1] =	stream.indirect_vreg.gather [hbm4b:s5+s4], $0x80, v0, vm0, $0xb8;
	[tilespmem:$0x1C980] =	vst v63  }
0x269: {  	v0 =	vld [tilespmem:s24+$0x31B0];
	_ =	sdelay $0x4  }
0x26a: {  	v63 =	vshll.u32 v0, $0x1  }
0x26b: {  	v0 =	vand.u32 $0x7, v0;
	v1 =	vand.u32 $0xFFFFFFF0, v63  }
0x26c: {  	v0 =	vor.u32 v0, v1  }
0x26d: {  	v1 =	vperm.xlane v0, v2;
	_ =	sdelay $0x1  }
0x26e: {  	v0 =	vperm.xlane v0, v4;
	v1 =	vadd.s32 v3, v1;
	_ =	sdelay $0x1  }
0x26f: {  	v0 =	vadd.s32 v3, v0;
	_ =	sdelay $0x1  }
0x270: {  	s29 =	simm.s32 $0xF980  }
0x271: {  	[tilespmem:s29], [sflag:$0x1] =	stream.indirect_vreg.gather [hbm4b:s5+s4], $0x80, v1, vm0, $0xb8;
	[tilespmem:$0x1C980] =	vst v63  }
0x272: {  	s30 =	simm.s32 $0x10180  }
0x273: {  	[tilespmem:s30], [sflag:$0x1] =	stream.indirect_vreg.gather [hbm4b:s5+s4], $0x80, v0, vm0, $0xb8;
	[tilespmem:$0x1C980] =	vst v63  }
.LBB2_6:
0x274: {  	_ =	swait.ge [sflag:s20], $0x4000  }
0x275: {  	[sflag:s20] =	ssyncset.done $0x0  }
0x276: {  	[sflag:s20] =	ssyncadd.s32 $0xFFFFC000  }
0x277: {  	_ =	swait.ge [sflag:s20], $0x4000  }
0x278: {  	[sflag:s20] =	ssyncset.done $0x0  }
0x279: {  	[sflag:s20] =	ssyncadd.s32 $0xFFFFC000  }
0x27a: {  	s25 =	simm.s32 $0x0;
	_ =	swait.ge [sflag:s20], $0x4000  }
0x27b: {  	s26 =	sand.u32 $0x3800, s25;
	s25 =	sand.u32 $0x380, s25;
	[sflag:s20] =	ssyncset.done $0x0  }
0x27c: {  	s25 =	sor.u32 s25, s26;
	[sflag:s20] =	ssyncadd.s32 $0xFFFFC000  }
0x27d: {  	v0 =	vld [tilespmem:s25+$0x18980]  }
0x27e: {  	v1 =	vld [tilespmem:s25+$0x18990]  }
0x27f: {  	v2 =	vld [tilespmem:s25+$0x189A0]  }
0x280: {  	v3 =	vld [tilespmem:s25+$0x189B0]  }
0x281: {  	v4 =	vld [tilespmem:s25+$0x189C0]  }
0x282: {  	v5 =	vld [tilespmem:s25+$0x189D0]  }
0x283: {  	v6 =	vld [tilespmem:s25+$0x189E0]  }
0x284: {  	v7 =	vld [tilespmem:s25+$0x189F0]  }
0x285: {  	v8 =	vld [tilespmem:s25+$0x18D80]  }
0x286: {  	v9 =	vld [tilespmem:s25+$0x18D90]  }
0x287: {  	v11 =	vld [tilespmem:s25+$0x14980];
	v10 =	vshll.u32 v0, $0x10;
	v0 =	vand.u32 $0xFFFF0000, v0  }
0x288: {  	v12 =	vld [tilespmem:s25+$0x10980];
	v13 =	vshll.u32 v1, $0x10;
	v1 =	vand.u32 $0xFFFF0000, v1;
	v20 =	vshll.u32 v2, $0x10  }
0x289: {  	v17 =	vld [tilespmem:s25+$0x18DA0];
	v2 =	vand.u32 $0xFFFF0000, v2;
	v21 =	vshll.u32 v3, $0x10;
	v3 =	vand.u32 $0xFFFF0000, v3  }
0x28a: {  	v25 =	vld [tilespmem:s25+$0x14990];
	v22 =	vshll.u32 v4, $0x10;
	v4 =	vand.u32 $0xFFFF0000, v4;
	v23 =	vshll.u32 v5, $0x10  }
0x28b: {  	v31 =	vld [tilespmem:s25+$0x109C0];
	v26 =	vand.u32 $0xFFFF0000, v5;
	v27 =	vshll.u32 v6, $0x10;
	v6 =	vand.u32 $0xFFFF0000, v6  }
0x28c: {  	v28 =	vld [tilespmem:s25+$0x18DB0];
	v24 =	vshll.u32 v7, $0x10;
	v19 =	vand.u32 $0xFFFF0000, v7;
	v16 =	vshll.u32 v8, $0x10  }
0x28d: {  	v5 =	vld [tilespmem:s25+$0x10990];
	v18 =	vand.u32 $0xFFFF0000, v8;
	v7 =	vshll.u32 v9, $0x10;
	v8 =	vshll.u32 v11, $0x10  }
0x28e: {  	v11 =	vand.u32 $0xFFFF0000, v11;
	v15 =	vshll.u32 v12, $0x10;
	v12 =	vand.u32 $0xFFFF0000, v12  }
0x28f: {  	v29 =	vld [tilespmem:s25+$0x149A0];
	v14 =	vand.u32 $0xFFFF0000, v9;
	v9 =	vadd.f32 v8, v15;
	v11 =	vadd.f32 v11, v12  }
0x290: {  	v30 =	vld [tilespmem:s25+$0x149B0];
	v51 =	vshll.u32 v31, $0x10;
	v15 =	vshll.u32 v17, $0x10;
	v8 =	vand.u32 $0xFFFF0000, v17  }
0x291: {  	v12 =	vshll.u32 v25, $0x10;
	v9 =	vadd.f32 v10, v9;
	v0 =	vadd.f32 v0, v11  }
0x292: {  	v17 =	vld [tilespmem:s25+$0x109A0];
	v25 =	vand.u32 $0xFFFF0000, v25;
	v11 =	vand.u32 $0xFFFF0000, v28;
	v10 =	vshll.u32 v5, $0x10  }
0x293: {  	v5 =	vand.u32 $0xFFFF0000, v5;
	v9 =	vadd.s32 $0x8000, v9;
	v0 =	vadd.s32 $0x8000, v0  }
0x294: {  	v10 =	vadd.f32 v12, v10;
	v12 =	vshll.u32 v28, $0x10;
	v5 =	vadd.f32 v25, v5  }
0x295: {  	v25 =	vshll.u32 v29, $0x10;
	v28 =	vand.u32 $0xFFFF0000, v29;
	v29 =	vshll.u32 v30, $0x10  }
0x296: {  	v50 =	vld [tilespmem:s25+$0x149D0];
	v9 =	vshrl.u32 v9, $0x10;
	v0 =	vand.u32 $0xFFFF0000, v0;
	v10 =	vadd.f32 v13, v10  }
0x297: {  	v13 =	vld [tilespmem:s25+$0x109B0];
	v1 =	vadd.f32 v1, v5;
	v5 =	vshll.u32 v17, $0x10;
	v17 =	vand.u32 $0xFFFF0000, v17  }
0x298: {  	v5 =	vadd.f32 v25, v5;
	v25 =	vadd.f32 v28, v17;
	v28 =	vld [tilespmem:s25+$0x149C0];
	v10 =	vadd.s32 $0x8000, v10  }
0x299: {  	v17 =	vor.u32 v0, v9;
	v1 =	vadd.s32 $0x8000, v1;
	v48 =	vshrl.u32 v10, $0x10  }
0x29a: {  	v1 =	vand.u32 $0xFFFF0000, v1;
	v5 =	vadd.f32 v20, v5;
	v2 =	vadd.f32 v2, v25  }
0x29b: {  	v20 =	vld [tilespmem:s25+$0x18DC0];
	v25 =	vand.u32 $0xFFFF0000, v30;
	v9 =	vor.u32 v1, v48;
	v1 =	vand.u32 $0xFFFF0000, v50  }
0x29c: {  	v30 =	vld [tilespmem:s25+$0x18DD0];
	v10 =	vshll.u32 v13, $0x10;
	v5 =	vadd.s32 $0x8000, v5;
	v2 =	vadd.s32 $0x8000, v2  }
0x29d: {  	v49 =	vadd.f32 v29, v10;
	v29 =	vshll.u32 v28, $0x10;
	v28 =	vand.u32 $0xFFFF0000, v28  }
0x29e: {  	v10 =	vand.u32 $0xFFFF0000, v13;
	v5 =	vshrl.u32 v5, $0x10;
	v2 =	vand.u32 $0xFFFF0000, v2  }
0x29f: {  	v13 =	vadd.f32 v25, v10;
	v10 =	vor.u32 v2, v5;
	v5 =	vand.u32 $0xFFFF0000, v31  }
0x2a0: {  	v25 =	vld [tilespmem:s25+$0x109D0];
	v2 =	vadd.f32 v29, v51;
	v0 =	vadd.f32 v21, v49;
	v21 =	vshll.u32 v20, $0x10  }
0x2a1: {  	v5 =	vadd.f32 v28, v5;
	v20 =	vand.u32 $0xFFFF0000, v20;
	v35 =	vshll.u32 v30, $0x10  }
0x2a2: {  	v33 =	vand.u32 $0xFFFF0000, v30;
	v3 =	vadd.f32 v3, v13;
	v2 =	vadd.f32 v22, v2  }
0x2a3: {  	v28 =	vld [tilespmem:s25+$0x149E0];
	v13 =	vshll.u32 v50, $0x10;
	v4 =	vadd.f32 v4, v5;
	v0 =	vadd.s32 $0x8000, v0  }
0x2a4: {  	v22 =	vld [tilespmem:s25+$0x109E0];
	v3 =	vadd.s32 $0x8000, v3;
	v0 =	vshrl.u32 v0, $0x10;
	v2 =	vadd.s32 $0x8000, v2  }
0x2a5: {  	v52 =	vld [tilespmem:s25+$0x109F0];
	v5 =	vshll.u32 v25, $0x10;
	v2 =	vshrl.u32 v2, $0x10;
	v4 =	vadd.s32 $0x8000, v4  }
0x2a6: {  	v29 =	vadd.f32 v13, v5;
	v5 =	vand.u32 $0xFFFF0000, v25;
	v25 =	vld [tilespmem:s25+$0x149F0];
	v13 =	vand.u32 $0xFFFF0000, v3  }
0x2a7: {  	v4 =	vand.u32 $0xFFFF0000, v4;
	v1 =	vadd.f32 v1, v5;
	v13 =	vor.u32 v13, v0  }
0x2a8: {  	v23 =	vadd.f32 v23, v29;
	v29 =	vshll.u32 v28, $0x10;
	v28 =	vand.u32 $0xFFFF0000, v28  }
0x2a9: {  	v53 =	vld [tilespmem:s25+$0x14D90];
	v1 =	vadd.f32 v26, v1;
	v26 =	vshll.u32 v22, $0x10;
	v22 =	vand.u32 $0xFFFF0000, v22  }
0x2aa: {  	v31 =	vld [tilespmem:s25+$0x10D80];
	v0 =	vand.u32 $0xFFFF0000, v52;
	v26 =	vadd.f32 v29, v26;
	v22 =	vadd.f32 v28, v22  }
0x2ab: {  	v28 =	vld [tilespmem:s25+$0x18DE0];
	v29 =	vshll.u32 v25, $0x10;
	v1 =	vadd.s32 $0x8000, v1;
	v25 =	vand.u32 $0xFFFF0000, v25  }
0x2ac: {  	v26 =	vadd.f32 v27, v26;
	v30 =	vadd.f32 v6, v22;
	v6 =	vshll.u32 v52, $0x10  }
0x2ad: {  	v27 =	vld [tilespmem:s25+$0x14D80];
	v22 =	vadd.s32 $0x8000, v23;
	v1 =	vand.u32 $0xFFFF0000, v1;
	v0 =	vadd.f32 v25, v0  }
0x2ae: {  	v23 =	vor.u32 v4, v2;
	v29 =	vadd.f32 v29, v6;
	v6 =	vshrl.u32 v22, $0x10  }
0x2af: {  	v2 =	vand.u32 $0xFFFF0000, v53;
	v22 =	vor.u32 v1, v6;
	v0 =	vadd.f32 v19, v0  }
0x2b0: {  	v19 =	vshll.u32 v31, $0x10;
	v26 =	vadd.s32 $0x8000, v26;
	v6 =	vshll.u32 v28, $0x10  }
0x2b1: {  	v34 =	vand.u32 $0xFFFF0000, v28;
	v24 =	vadd.f32 v24, v29;
	v28 =	vand.u32 $0xFFFF0000, v31  }
0x2b2: {  	v31 =	vshll.u32 v53, $0x10;
	v54 =	vshll.u32 v27, $0x10;
	v25 =	vand.u32 $0xFFFF0000, v27;
	v27 =	vld [tilespmem:s25+$0x10D90]  }
0x2b3: {  	v26 =	vshrl.u32 v26, $0x10;
	v0 =	vadd.s32 $0x8000, v0;
	v24 =	vadd.s32 $0x8000, v24  }
0x2b4: {  	v1 =	vadd.f32 v54, v19;
	v19 =	vadd.f32 v25, v28;
	v28 =	vadd.s32 $0x8000, v30  }
0x2b5: {  	v0 =	vand.u32 $0xFFFF0000, v0;
	v25 =	vld [tilespmem:s25+$0x14DA0];
	v24 =	vshrl.u32 v24, $0x10;
	v28 =	vand.u32 $0xFFFF0000, v28  }
0x2b6: {  	v29 =	vor.u32 v28, v26;
	v26 =	vld [tilespmem:s25+$0x10DA0];
	v1 =	vadd.f32 v16, v1;
	v16 =	vadd.f32 v18, v19  }
0x2b7: {  	v19 =	vld [tilespmem:s25+$0x18DF0];
	v28 =	vor.u32 v0, v24;
	v18 =	vshll.u32 v27, $0x10;
	v27 =	vand.u32 $0xFFFF0000, v27  }
0x2b8: {  	v1 =	vadd.s32 $0x8000, v1;
	v16 =	vadd.s32 $0x8000, v16;
	v55 =	vadd.f32 v31, v18  }
0x2b9: {  	v18 =	vld [tilespmem:s25+$0x14DB0];
	v2 =	vadd.f32 v2, v27;
	v1 =	vshrl.u32 v1, $0x10;
	v16 =	vand.u32 $0xFFFF0000, v16  }
0x2ba: {  	v30 =	vld [tilespmem:s25+$0x10DB0];
	v24 =	vshll.u32 v25, $0x10;
	v25 =	vand.u32 $0xFFFF0000, v25;
	v27 =	vor.u32 v16, v1  }
0x2bb: {  	v0 =	vadd.f32 v7, v55;
	v56 =	vshll.u32 v26, $0x10;
	v2 =	vadd.f32 v14, v2  }
0x2bc: {  	v16 =	vand.u32 $0xFFFF0000, v26;
	v7 =	vshll.u32 v19, $0x10;
	v1 =	vadd.f32 v24, v56  }
0x2bd: {  	v26 =	vld [tilespmem:s25+$0x14DC0];
	v16 =	vadd.f32 v25, v16;
	v0 =	vadd.s32 $0x8000, v0;
	v2 =	vadd.s32 $0x8000, v2  }
0x2be: {  	v25 =	vld [tilespmem:s25+$0x14DD0];
	v14 =	vshll.u32 v18, $0x10;
	v18 =	vand.u32 $0xFFFF0000, v18;
	v1 =	vadd.f32 v15, v1  }
0x2bf: {  	v32 =	vld [tilespmem:s25+$0x14DE0];
	v31 =	vadd.f32 v8, v16;
	v8 =	vshll.u32 v30, $0x10;
	v0 =	vshrl.u32 v0, $0x10  }
0x2c0: {  	v15 =	vld [tilespmem:s25+$0x10DC0];
	v2 =	vand.u32 $0xFFFF0000, v2;
	v16 =	vand.u32 $0xFFFF0000, v30;
	v14 =	vadd.f32 v14, v8  }
0x2c1: {  	v8 =	vand.u32 $0xFFFF0000, v19;
	v24 =	vor.u32 v2, v0;
	v58 =	vadd.f32 v18, v16  }
0x2c2: {  	v57 =	vld [tilespmem:s25+$0x14DF0];
	v18 =	vshll.u32 v26, $0x10;
	v26 =	vand.u32 $0xFFFF0000, v26;
	v60 =	vadd.s32 $0x8000, v1  }
0x2c3: {  	v61 =	vadd.s32 $0x8000, v31;
	v30 =	vadd.f32 v12, v14;
	v19 =	vshll.u32 v25, $0x10  }
0x2c4: {  	v2 =	vadd.f32 v11, v58;
	v16 =	vand.u32 $0xFFFF0000, v25;
	v14 =	vand.u32 $0xFFFF0000, v32  }
0x2c5: {  	v11 =	vshll.u32 v15, $0x10;
	v12 =	vand.u32 $0xFFFF0000, v15;
	v15 =	vshll.u32 v32, $0x10  }
0x2c6: {  	v62 =	vadd.s32 $0x8000, v30;
	v30 =	vand.u32 $0xFFFF0000, v61;
	v63 =	vadd.s32 $0x8000, v2  }
0x2c7: {  	v18 =	vadd.f32 v18, v11;
	v59 =	vadd.f32 v26, v12;
	v11 =	vshll.u32 v57, $0x10  }
0x2c8: {  	v25 =	vld [tilespmem:s25+$0x10DD0];
	v12 =	vand.u32 $0xFFFF0000, v57;
	v26 =	vshrl.u32 v60, $0x10;
	v31 =	vshrl.u32 v62, $0x10  }
0x2c9: {  	s28 =	simm.s32 $0x100;
	s26 =	simm.s32 $0x80;
	[tilespmem:s25+$0x10980] =	vst v17;
	v32 =	vand.u32 $0xFFFF0000, v63;
	v21 =	vadd.f32 v21, v18;
	v17 =	vadd.f32 v20, v59;
	v20 =	vld [tilespmem:s25+$0x10DE0]  }
.LBB2_7:
0x2ca: {  	_ =	sdelay $0x1  }
0x2cb: {  	[tilespmem:s25+$0x10990] =	vst v9  }
0x2cc: {  	s29 =	sand.u32 $0x3800, s28;
	s30 =	sand.u32 $0x380, s26;
	v0 =	vor.u32 v30, v26;
	[tilespmem:s25+$0x109A0] =	vst v10;
	v9 =	vadd.s32 $0x8000, v21;
	v10 =	vadd.s32 $0x8000, v17;
	v17 =	vld [tilespmem:s25+$0x10DF0]  }
0x2cd: {  	v1 =	vor.u32 v32, v31;
	s29 =	sor.u32 s30, s29;
	v9 =	vshrl.u32 v9, $0x10;
	v2 =	vshll.u32 v25, $0x10  }
0x2ce: {  	v18 =	vld [tilespmem:s29+$0x18980];
	[tilespmem:s25+$0x109B0] =	vst v13;
	v10 =	vand.u32 $0xFFFF0000, v10;
	v13 =	vand.u32 $0xFFFF0000, v25;
	v2 =	vadd.f32 v19, v2  }
0x2cf: {  	v9 =	vor.u32 v10, v9;
	v19 =	vld [tilespmem:s29+$0x18990];
	[tilespmem:s25+$0x109C0] =	vst v23;
	v5 =	vadd.f32 v16, v13;
	v13 =	vshll.u32 v20, $0x10  }
0x2d0: {  	v16 =	vld [tilespmem:s29+$0x189A0];
	[tilespmem:s25+$0x109D0] =	vst v22;
	v10 =	vadd.f32 v15, v13;
	v13 =	vand.u32 $0xFFFF0000, v20;
	v2 =	vadd.f32 v35, v2  }
0x2d1: {  	v15 =	vld [tilespmem:s29+$0x189B0];
	[tilespmem:s25+$0x109E0] =	vst v29;
	v3 =	vadd.f32 v33, v5;
	v5 =	vadd.f32 v14, v13;
	v14 =	vand.u32 $0xFFFF0000, v17  }
0x2d2: {  	v13 =	vld [tilespmem:s29+$0x189C0];
	[tilespmem:s25+$0x109F0] =	vst v28;
	v6 =	vadd.f32 v6, v10;
	v10 =	vshll.u32 v17, $0x10;
	v2 =	vadd.s32 $0x8000, v2  }
0x2d3: {  	v17 =	vld [tilespmem:s29+$0x189D0];
	[tilespmem:s25+$0x10D80] =	vst v27;
	v3 =	vadd.s32 $0x8000, v3;
	v10 =	vadd.f32 v11, v10;
	v11 =	vadd.f32 v12, v14  }
0x2d4: {  	v4 =	vadd.f32 v34, v5;
	v12 =	vld [tilespmem:s29+$0x189E0];
	[tilespmem:s25+$0x10D90] =	vst v24;
	v2 =	vshrl.u32 v2, $0x10;
	v3 =	vand.u32 $0xFFFF0000, v3  }
0x2d5: {  	v54 =	vadd.s32 $0x8000, v6;
	v5 =	vld [tilespmem:s29+$0x189F0];
	[tilespmem:s25+$0x10DA0] =	vst v0;
	v6 =	vadd.f32 v7, v10;
	v7 =	vadd.f32 v8, v11  }
0x2d6: {  	v55 =	vor.u32 v3, v2;
	v0 =	vshrl.u32 v54, $0x10;
	v56 =	vadd.s32 $0x8000, v4;
	v8 =	vld [tilespmem:s29+$0x18D80];
	[tilespmem:s25+$0x10DB0] =	vst v1  }
0x2d7: {  	v2 =	vand.u32 $0xFFFF0000, v56;
	v57 =	vld [tilespmem:s29+$0x18D90];
	[tilespmem:s25+$0x10DC0] =	vst v9;
	v4 =	vadd.s32 $0x8000, v6;
	v6 =	vadd.s32 $0x8000, v7  }
0x2d8: {  	v0 =	vor.u32 v2, v0;
	v7 =	vld [tilespmem:s29+$0x18DA0];
	[tilespmem:s25+$0x10DD0] =	vst v55;
	v58 =	vshrl.u32 v4, $0x10;
	v59 =	vand.u32 $0xFFFF0000, v6  }
0x2d9: {  	v4 =	vld [tilespmem:s29+$0x18DB0];
	[tilespmem:s25+$0x10DE0] =	vst v0;
	v60 =	vor.u32 v59, v58  }
0x2da: {  	v61 =	vld [tilespmem:s29+$0x18DC0];
	[tilespmem:s25+$0x10DF0] =	vst v60;
	s25 =	smov.u32 s29  }
0x2db: {  	v0 =	vld [tilespmem:s25+$0x18DD0]  }
0x2dc: {  	v62 =	vld [tilespmem:s25+$0x18DE0]  }
0x2dd: {  	v14 =	vld [tilespmem:s25+$0x18DF0]  }
0x2de: {  	v40 =	vand.u32 $0xFFFF0000, v18;
	v50 =	vshll.u32 v19, $0x10;
	v51 =	vand.u32 $0xFFFF0000, v19;
	v31 =	vld [tilespmem:s25+$0x14980]  }
0x2df: {  	v11 =	vshll.u32 v18, $0x10;
	v47 =	vand.u32 $0xFFFF0000, v16;
	v10 =	vshll.u32 v15, $0x10;
	v19 =	vld [tilespmem:s25+$0x14990]  }
0x2e0: {  	v44 =	vand.u32 $0xFFFF0000, v15;
	v9 =	vshll.u32 v16, $0x10;
	v38 =	vshll.u32 v17, $0x10;
	v15 =	vld [tilespmem:s25+$0x149A0]  }
0x2e1: {  	v39 =	vand.u32 $0xFFFF0000, v17;
	v23 =	vshll.u32 v12, $0x10;
	v22 =	vand.u32 $0xFFFF0000, v12;
	v16 =	vld [tilespmem:s25+$0x149B0]  }
0x2e2: {  	v33 =	vshll.u32 v5, $0x10;
	v29 =	vand.u32 $0xFFFF0000, v5;
	v12 =	vld [tilespmem:s25+$0x149C0];
	v28 =	vshll.u32 v8, $0x10  }
0x2e3: {  	v41 =	vld [tilespmem:s25+$0x149D0];
	v30 =	vand.u32 $0xFFFF0000, v8;
	v27 =	vshll.u32 v57, $0x10;
	v26 =	vand.u32 $0xFFFF0000, v57  }
0x2e4: {  	v43 =	vld [tilespmem:s25+$0x149E0];
	v25 =	vshll.u32 v7, $0x10;
	v24 =	vand.u32 $0xFFFF0000, v7;
	v45 =	vshll.u32 v4, $0x10  }
0x2e5: {  	v46 =	vld [tilespmem:s25+$0x149F0];
	v21 =	vand.u32 $0xFFFF0000, v4;
	v63 =	vshll.u32 v61, $0x10;
	v1 =	vand.u32 $0xFFFF0000, v61  }
0x2e6: {  	v36 =	vld [tilespmem:s25+$0x14D80];
	v18 =	vshll.u32 v0, $0x10;
	v17 =	vand.u32 $0xFFFF0000, v0;
	v6 =	vshll.u32 v62, $0x10  }
0x2e7: {  	v37 =	vld [tilespmem:s25+$0x14D90];
	v20 =	vand.u32 $0xFFFF0000, v62;
	v7 =	vshll.u32 v14, $0x10;
	v8 =	vand.u32 $0xFFFF0000, v14  }
0x2e8: {  	v2 =	vshll.u32 v31, $0x10;
	v14 =	vand.u32 $0xFFFF0000, v31;
	v52 =	vshll.u32 v19, $0x10;
	v31 =	vld [tilespmem:s25+$0x14DA0]  }
0x2e9: {  	v53 =	vand.u32 $0xFFFF0000, v19;
	v54 =	vshll.u32 v15, $0x10;
	v55 =	vand.u32 $0xFFFF0000, v15;
	v15 =	vld [tilespmem:s25+$0x14DB0]  }
0x2ea: {  	v56 =	vshll.u32 v16, $0x10;
	v57 =	vand.u32 $0xFFFF0000, v16;
	v58 =	vshll.u32 v12, $0x10;
	v16 =	vld [tilespmem:s25+$0x14DC0]  }
0x2eb: {  	[tilespmem:$0x1FF70] =	vst v45;
	v19 =	vld [tilespmem:s25+$0x10980];
	v59 =	vand.u32 $0xFFFF0000, v12;
	v60 =	vshll.u32 v41, $0x10;
	v61 =	vand.u32 $0xFFFF0000, v41  }
0x2ec: {  	[tilespmem:$0x1FF80] =	vst v63;
	v62 =	vshll.u32 v43, $0x10;
	v63 =	vand.u32 $0xFFFF0000, v43;
	v49 =	vshll.u32 v46, $0x10;
	v12 =	vld [tilespmem:s25+$0x14DD0]  }
0x2ed: {  	[tilespmem:$0x1FF90] =	vst v1;
	v48 =	vand.u32 $0xFFFF0000, v46;
	v45 =	vshll.u32 v36, $0x10;
	v46 =	vand.u32 $0xFFFF0000, v36;
	v1 =	vld [tilespmem:s25+$0x14DE0]  }
0x2ee: {  	v4 =	vld [tilespmem:s25+$0x14DF0];
	v43 =	vshll.u32 v37, $0x10;
	v41 =	vand.u32 $0xFFFF0000, v37;
	v37 =	vshll.u32 v31, $0x10  }
0x2ef: {  	v3 =	vld [tilespmem:s25+$0x10990];
	v36 =	vand.u32 $0xFFFF0000, v31;
	v35 =	vshll.u32 v15, $0x10;
	v34 =	vand.u32 $0xFFFF0000, v15  }
0x2f0: {  	v0 =	vshll.u32 v19, $0x10;
	v31 =	vshll.u32 v16, $0x10;
	v32 =	vand.u32 $0xFFFF0000, v16  }
0x2f1: {  	v5 =	vld [tilespmem:s25+$0x109A0];
	v16 =	vand.u32 $0xFFFF0000, v12;
	v0 =	vadd.f32 v2, v0;
	v2 =	vand.u32 $0xFFFF0000, v19  }
0x2f2: {  	v15 =	vshll.u32 v1, $0x10;
	v19 =	vshll.u32 v12, $0x10;
	v2 =	vadd.f32 v14, v2  }
0x2f3: {  	v12 =	vand.u32 $0xFFFF0000, v4;
	v14 =	vand.u32 $0xFFFF0000, v1;
	v0 =	vadd.f32 v11, v0  }
0x2f4: {  	v11 =	vshll.u32 v3, $0x10;
	v3 =	vand.u32 $0xFFFF0000, v3;
	v1 =	vadd.f32 v40, v2  }
0x2f5: {  	v40 =	vadd.f32 v52, v11;
	v3 =	vadd.f32 v53, v3;
	v11 =	vshll.u32 v4, $0x10  }
0x2f6: {  	v4 =	vld [tilespmem:s25+$0x109B0];
	v52 =	vshll.u32 v5, $0x10;
	v5 =	vand.u32 $0xFFFF0000, v5;
	v0 =	vadd.s32 $0x8000, v0  }
0x2f7: {  	v53 =	vadd.f32 v54, v52;
	v5 =	vadd.f32 v55, v5;
	v1 =	vadd.s32 $0x8000, v1  }
0x2f8: {  	v2 =	vadd.f32 v50, v40;
	v0 =	vshrl.u32 v0, $0x10;
	v3 =	vadd.f32 v51, v3  }
0x2f9: {  	v1 =	vand.u32 $0xFFFF0000, v1;
	v51 =	vadd.f32 v9, v53;
	v5 =	vadd.f32 v47, v5  }
0x2fa: {  	v2 =	vadd.s32 $0x8000, v2;
	v3 =	vadd.s32 $0x8000, v3;
	v40 =	vor.u32 v1, v0  }
0x2fb: {  	v54 =	vshrl.u32 v2, $0x10;
	v55 =	vand.u32 $0xFFFF0000, v3;
	v2 =	vld [tilespmem:s25+$0x109C0];
	v52 =	vshll.u32 v4, $0x10  }
0x2fc: {  	v3 =	vadd.s32 $0x8000, v51;
	v9 =	vor.u32 v55, v54;
	v53 =	vadd.f32 v56, v52  }
0x2fd: {  	v54 =	vand.u32 $0xFFFF0000, v4;
	v4 =	vadd.s32 $0x8000, v5;
	v5 =	vld [tilespmem:s25+$0x109D0];
	v3 =	vshrl.u32 v3, $0x10  }
0x2fe: {  	v51 =	vld [tilespmem:s25+$0x10DA0];
	v1 =	vadd.f32 v57, v54;
	v4 =	vand.u32 $0xFFFF0000, v4;
	v0 =	vadd.f32 v10, v53  }
0x2ff: {  	v42 =	vshll.u32 v13, $0x10;
	v13 =	vand.u32 $0xFFFF0000, v13;
	v10 =	vor.u32 v4, v3  }
0x300: {  	v4 =	vld [tilespmem:s25+$0x109E0];
	v1 =	vadd.f32 v44, v1;
	v55 =	vshll.u32 v2, $0x10;
	v0 =	vadd.s32 $0x8000, v0  }
0x301: {  	v2 =	vand.u32 $0xFFFF0000, v2;
	v3 =	vadd.f32 v58, v55;
	v0 =	vshrl.u32 v0, $0x10  }
0x302: {  	v2 =	vadd.f32 v59, v2;
	v56 =	vshll.u32 v5, $0x10;
	v5 =	vand.u32 $0xFFFF0000, v5  }
0x303: {  	v1 =	vadd.s32 $0x8000, v1;
	v55 =	vshll.u32 v51, $0x10;
	v58 =	vadd.f32 v61, v5  }
0x304: {  	v59 =	vld [tilespmem:s25+$0x109F0];
	v1 =	vand.u32 $0xFFFF0000, v1;
	v3 =	vadd.f32 v42, v3;
	v2 =	vadd.f32 v13, v2  }
0x305: {  	v42 =	vadd.f32 v60, v56;
	v60 =	vshll.u32 v4, $0x10;
	v4 =	vand.u32 $0xFFFF0000, v4  }
0x306: {  	v13 =	vor.u32 v1, v0;
	v1 =	vadd.f32 v39, v58;
	v4 =	vadd.f32 v63, v4  }
0x307: {  	v57 =	vadd.s32 $0x8000, v3;
	v2 =	vadd.s32 $0x8000, v2;
	v5 =	vadd.f32 v38, v42  }
0x308: {  	v38 =	vadd.f32 v62, v60;
	v0 =	vshrl.u32 v57, $0x10;
	v2 =	vand.u32 $0xFFFF0000, v2  }
0x309: {  	v61 =	vld [tilespmem:s25+$0x10D80];
	v1 =	vadd.s32 $0x8000, v1;
	v4 =	vadd.f32 v22, v4;
	v3 =	vand.u32 $0xFFFF0000, v59  }
0x30a: {  	v5 =	vadd.s32 $0x8000, v5;
	v1 =	vand.u32 $0xFFFF0000, v1;
	v38 =	vadd.f32 v23, v38  }
0x30b: {  	v23 =	vshll.u32 v59, $0x10;
	v63 =	vadd.f32 v48, v3;
	v5 =	vshrl.u32 v5, $0x10  }
0x30c: {  	v62 =	vadd.f32 v49, v23;
	v23 =	vor.u32 v2, v0;
	v47 =	vadd.s32 $0x8000, v4  }
0x30d: {  	v4 =	vld [tilespmem:s25+$0x10D90];
	v22 =	vor.u32 v1, v5;
	v44 =	vadd.s32 $0x8000, v38;
	v2 =	vand.u32 $0xFFFF0000, v47  }
0x30e: {  	v0 =	vadd.f32 v29, v63;
	v5 =	vshll.u32 v61, $0x10;
	v29 =	vand.u32 $0xFFFF0000, v61  }
0x30f: {  	v48 =	vadd.f32 v33, v62;
	v1 =	vshrl.u32 v44, $0x10;
	v5 =	vadd.f32 v45, v5  }
0x310: {  	v49 =	vadd.f32 v46, v29;
	v0 =	vadd.s32 $0x8000, v0;
	v29 =	vor.u32 v2, v1  }
0x311: {  	v2 =	vand.u32 $0xFFFF0000, v51;
	v3 =	vadd.s32 $0x8000, v48;
	v0 =	vand.u32 $0xFFFF0000, v0  }
0x312: {  	v52 =	vadd.f32 v28, v5;
	v5 =	vadd.f32 v30, v49;
	v30 =	vshll.u32 v4, $0x10  }
0x313: {  	v50 =	vshrl.u32 v3, $0x10;
	v54 =	vand.u32 $0xFFFF0000, v4;
	v53 =	vadd.f32 v43, v30  }
0x314: {  	v3 =	vadd.s32 $0x8000, v52;
	v4 =	vadd.s32 $0x8000, v5;
	v1 =	vadd.f32 v41, v54;
	v5 =	vld [tilespmem:s25+$0x10DB0]  }
0x315: {  	v2 =	vadd.f32 v36, v2;
	v28 =	vor.u32 v0, v50;
	v3 =	vshrl.u32 v3, $0x10  }
0x316: {  	v59 =	vld [tilespmem:$0x1FF70];
	v4 =	vand.u32 $0xFFFF0000, v4;
	v0 =	vadd.f32 v27, v53;
	v1 =	vadd.f32 v26, v1  }
0x317: {  	v27 =	vor.u32 v4, v3;
	v3 =	vadd.f32 v37, v55;
	v4 =	vld [tilespmem:s25+$0x10DC0]  }
0x318: {  	v2 =	vadd.f32 v24, v2;
	v0 =	vadd.s32 $0x8000, v0;
	v1 =	vadd.s32 $0x8000, v1  }
0x319: {  	v3 =	vadd.f32 v25, v3;
	v0 =	vshrl.u32 v0, $0x10;
	v25 =	vshll.u32 v5, $0x10  }
0x31a: {  	v62 =	vld [tilespmem:$0x1FF80];
	v1 =	vand.u32 $0xFFFF0000, v1;
	v5 =	vand.u32 $0xFFFF0000, v5;
	v25 =	vadd.f32 v35, v25  }
0x31b: {  	p1 =	sne.s32 s28, $0x3F00;
	v63 =	vld [tilespmem:$0x1FF90];
	v58 =	vadd.s32 $0x8000, v2;
	v24 =	vor.u32 v1, v0;
	v57 =	vadd.f32 v34, v5  }
.Ltmp4:
0x31c: {  	v56 =	vadd.s32 $0x8000, v3;
	v60 =	vshll.u32 v4, $0x10;
	v2 =	vadd.f32 v59, v25;
	(pc) =	sbr.rel @p1 .LBB2_7-.Ltmp4, $4  }
0x31d: {  	v4 =	vand.u32 $0xFFFF0000, v4;
	v1 =	vadd.f32 v21, v57;
	v3 =	vadd.f32 v31, v60  }
0x31e: {  	v30 =	vand.u32 $0xFFFF0000, v58;
	v26 =	vshrl.u32 v56, $0x10;
	v4 =	vadd.f32 v32, v4  }
0x31f: {  	v34 =	vmovc v20;
	v20 =	vld [tilespmem:s25+$0x10DE0];
	v2 =	vadd.s32 $0x8000, v2;
	v61 =	vadd.s32 $0x8000, v1;
	v21 =	vadd.f32 v62, v3  }
0x320: {  	s26 =	sadd.s32 $0x80, s26;
	s28 =	sadd.s32 $0x100, s28;
	[tilespmem:s25+$0x10980] =	vst v40;
	v33 =	vmovc v17;
	v35 =	vmovc v18;
	v25 =	vld [tilespmem:s25+$0x10DD0];
	v17 =	vadd.f32 v63, v4;
	v31 =	vshrl.u32 v2, $0x10;
	v32 =	vand.u32 $0xFFFF0000, v61  }
0x321: {  	_ = 	snop  }
0x322: {  	v5 =	vld [tilespmem:s25+$0x10DF0]  }
0x323: {  	[tilespmem:s25+$0x10990] =	vst v9;
	v0 =	vor.u32 v30, v26;
	v3 =	vadd.s32 $0x8000, v21;
	v4 =	vadd.s32 $0x8000, v17  }
0x324: {  	[tilespmem:s25+$0x109A0] =	vst v10;
	v3 =	vshrl.u32 v3, $0x10;
	v4 =	vand.u32 $0xFFFF0000, v4;
	v51 =	vshll.u32 v20, $0x10  }
0x325: {  	[tilespmem:s25+$0x109B0] =	vst v13;
	v3 =	vor.u32 v4, v3;
	v53 =	vand.u32 $0xFFFF0000, v20;
	v2 =	vshll.u32 v25, $0x10  }
0x326: {  	[tilespmem:s25+$0x109C0] =	vst v23;
	v50 =	vand.u32 $0xFFFF0000, v25;
	v52 =	vadd.f32 v15, v51;
	v10 =	vadd.f32 v14, v53  }
0x327: {  	[tilespmem:s25+$0x109D0] =	vst v22;
	v2 =	vadd.f32 v19, v2;
	v9 =	vadd.f32 v16, v50;
	v54 =	vshll.u32 v5, $0x10  }
0x328: {  	[tilespmem:s25+$0x109E0] =	vst v29;
	v5 =	vand.u32 $0xFFFF0000, v5;
	v4 =	vadd.f32 v6, v52;
	v6 =	vadd.f32 v11, v54  }
0x329: {  	v1 =	vor.u32 v32, v31;
	[tilespmem:s25+$0x109F0] =	vst v28;
	v5 =	vadd.f32 v12, v5;
	v10 =	vadd.f32 v34, v10  }
0x32a: {  	[tilespmem:s25+$0x10D80] =	vst v27;
	v2 =	vadd.f32 v35, v2;
	v9 =	vadd.f32 v33, v9;
	v55 =	vadd.s32 $0x8000, v4  }
0x32b: {  	[tilespmem:s25+$0x10D90] =	vst v24;
	v56 =	vadd.f32 v7, v6;
	v5 =	vadd.f32 v8, v5;
	v58 =	vadd.s32 $0x8000, v10  }
0x32c: {  	[tilespmem:s25+$0x10DA0] =	vst v0;
	v2 =	vadd.s32 $0x8000, v2;
	v9 =	vadd.s32 $0x8000, v9;
	v0 =	vshrl.u32 v55, $0x10  }
0x32d: {  	[tilespmem:s25+$0x10DB0] =	vst v1;
	v2 =	vshrl.u32 v2, $0x10;
	v9 =	vand.u32 $0xFFFF0000, v9;
	v59 =	vadd.s32 $0x8000, v56  }
.Ltmp5:
0x32e: {  	[tilespmem:s25+$0x10DC0] =	vst v3;
	v60 =	vadd.s32 $0x8000, v5;
	v57 =	vor.u32 v9, v2;
	v2 =	vand.u32 $0xFFFF0000, v58;
	(pc) =	sbr.rel @p0 .LBB2_10-.Ltmp5, $4  }
0x32f: {  	s26 =	sadd.s32 s24, s11;
	v61 =	vshrl.u32 v59, $0x10;
	v62 =	vand.u32 $0xFFFF0000, v60;
	[tilespmem:s25+$0x10DD0] =	vst v57;
	v0 =	vor.u32 v2, v0  }
0x330: {  	s26 =	sshll.u32 s26, $0x5;
	v63 =	vor.u32 v62, v61;
	[tilespmem:s25+$0x10DE0] =	vst v0  }
0x331: {  	s30 =	sadd.s32 s6, s26;
	[tilespmem:s25+$0x10DF0] =	vst v63  }
0x332: {  	[hbm4b:s30+s4] =	stream.linear.scatter [tilespmem:s17], [sflag:$0x4], $0x4000, $0x38;
	[tilespmem:$0x1C980] =	vst v63  }
0x333: {  	_ =	swait.ge [sflag:s22], $0x4000  }
0x334: {  	[sflag:s22] =	ssyncset.done $0x0  }
0x335: {  	[sflag:s22] =	ssyncadd.s32 $0xFFFFC000  }
0x336: {  	v0 =	vld [tilespmem:s24+$0xC0];
	_ =	sdelay $0x2  }
0x337: {  	v2 =	vld [tilespmem:$0x1FFD0]  }
0x338: {  	v3 =	vld [tilespmem:$0x1FFE0]  }
0x339: {  	v4 =	vld [tilespmem:$0x1FFF0];
	v1 =	vshll.u32 v0, $0x1  }
0x33a: {  	v0 =	vand.u32 $0x7, v0;
	v1 =	vand.u32 $0xFFFFFFF0, v1  }
0x33b: {  	v0 =	vor.u32 v0, v1  }
0x33c: {  	v1 =	vperm.xlane v0, v2;
	_ =	sdelay $0x1  }
0x33d: {  	v0 =	vperm.xlane v0, v4;
	v1 =	vadd.s32 v3, v1;
	_ =	sdelay $0x1  }
0x33e: {  	v0 =	vadd.s32 v3, v0;
	_ =	sdelay $0x2  }
0x33f: {  	[tilespmem:s17], [sflag:$0x2] =	stream.indirect_vreg.gather [hbm4b:s1+s4], $0x80, v1, vm0, $0xb8;
	[tilespmem:$0x1C980] =	vst v63  }
0x340: {  	s25 =	simm.s32 $0x11180  }
0x341: {  	[tilespmem:s25], [sflag:$0x2] =	stream.indirect_vreg.gather [hbm4b:s1+s4], $0x80, v0, vm0, $0xb8;
	[tilespmem:$0x1C980] =	vst v63  }
0x342: {  	v0 =	vld [tilespmem:s24+$0xD0];
	_ =	sdelay $0x4  }
0x343: {  	v53 =	vshll.u32 v0, $0x1  }
0x344: {  	v0 =	vand.u32 $0x7, v0;
	v1 =	vand.u32 $0xFFFFFFF0, v53  }
0x345: {  	v0 =	vor.u32 v0, v1  }
0x346: {  	v1 =	vperm.xlane v0, v2;
	_ =	sdelay $0x1  }
0x347: {  	v0 =	vperm.xlane v0, v4;
	v1 =	vadd.s32 v3, v1;
	_ =	sdelay $0x1  }
0x348: {  	v0 =	vadd.s32 v3, v0;
	_ =	sdelay $0x1  }
0x349: {  	s28 =	simm.s32 $0x11980  }
0x34a: {  	[tilespmem:s28], [sflag:$0x2] =	stream.indirect_vreg.gather [hbm4b:s1+s4], $0x80, v1, vm0, $0xb8;
	[tilespmem:$0x1C980] =	vst v63  }
0x34b: {  	s29 =	simm.s32 $0x12180  }
0x34c: {  	[tilespmem:s29], [sflag:$0x2] =	stream.indirect_vreg.gather [hbm4b:s1+s4], $0x80, v0, vm0, $0xb8;
	[tilespmem:$0x1C980] =	vst v63  }
0x34d: {  	v0 =	vld [tilespmem:s24+$0xE0];
	_ =	sdelay $0x4  }
0x34e: {  	v54 =	vshll.u32 v0, $0x1  }
0x34f: {  	v0 =	vand.u32 $0x7, v0;
	v1 =	vand.u32 $0xFFFFFFF0, v54  }
0x350: {  	v0 =	vor.u32 v0, v1  }
0x351: {  	v1 =	vperm.xlane v0, v2;
	_ =	sdelay $0x1  }
0x352: {  	v0 =	vperm.xlane v0, v4;
	v1 =	vadd.s32 v3, v1;
	_ =	sdelay $0x1  }
0x353: {  	v0 =	vadd.s32 v3, v0;
	_ =	sdelay $0x1  }
0x354: {  	s30 =	simm.s32 $0x12980  }
0x355: {  	[tilespmem:s30], [sflag:$0x2] =	stream.indirect_vreg.gather [hbm4b:s1+s4], $0x80, v1, vm0, $0xb8;
	[tilespmem:$0x1C980] =	vst v63  }
0x356: {  	s26 =	simm.s32 $0x13180  }
0x357: {  	[tilespmem:s26], [sflag:$0x2] =	stream.indirect_vreg.gather [hbm4b:s1+s4], $0x80, v0, vm0, $0xb8;
	[tilespmem:$0x1C980] =	vst v63  }
0x358: {  	v0 =	vld [tilespmem:s24+$0xF0];
	_ =	sdelay $0x4  }
0x359: {  	v55 =	vshll.u32 v0, $0x1  }
0x35a: {  	v0 =	vand.u32 $0x7, v0;
	v1 =	vand.u32 $0xFFFFFFF0, v55  }
0x35b: {  	v0 =	vor.u32 v0, v1  }
0x35c: {  	v1 =	vperm.xlane v0, v2;
	_ =	sdelay $0x1  }
0x35d: {  	v0 =	vperm.xlane v0, v4;
	v1 =	vadd.s32 v3, v1;
	_ =	sdelay $0x1  }
0x35e: {  	v0 =	vadd.s32 v3, v0;
	_ =	sdelay $0x1  }
0x35f: {  	s28 =	simm.s32 $0x13980  }
0x360: {  	[tilespmem:s28], [sflag:$0x2] =	stream.indirect_vreg.gather [hbm4b:s1+s4], $0x80, v1, vm0, $0xb8;
	[tilespmem:$0x1C980] =	vst v63  }
0x361: {  	s29 =	simm.s32 $0x14180  }
0x362: {  	[tilespmem:s29], [sflag:$0x2] =	stream.indirect_vreg.gather [hbm4b:s1+s4], $0x80, v0, vm0, $0xb8;
	[tilespmem:$0x1C980] =	vst v63  }
0x363: {  	v0 =	vld [tilespmem:s24+$0x1940];
	_ =	sdelay $0x4  }
0x364: {  	v56 =	vshll.u32 v0, $0x1  }
0x365: {  	v0 =	vand.u32 $0x7, v0;
	v1 =	vand.u32 $0xFFFFFFF0, v56  }
0x366: {  	v0 =	vor.u32 v0, v1  }
0x367: {  	v1 =	vperm.xlane v0, v2;
	_ =	sdelay $0x1  }
0x368: {  	v0 =	vperm.xlane v0, v4;
	v1 =	vadd.s32 v3, v1;
	_ =	sdelay $0x1  }
0x369: {  	v0 =	vadd.s32 v3, v0;
	_ =	sdelay $0x1  }
0x36a: {  	s30 =	simm.s32 $0x14980  }
0x36b: {  	[tilespmem:s30], [sflag:$0x2] =	stream.indirect_vreg.gather [hbm4b:s3+s4], $0x80, v1, vm0, $0xb8;
	[tilespmem:$0x1C980] =	vst v63  }
0x36c: {  	s26 =	simm.s32 $0x15180  }
0x36d: {  	[tilespmem:s26], [sflag:$0x2] =	stream.indirect_vreg.gather [hbm4b:s3+s4], $0x80, v0, vm0, $0xb8;
	[tilespmem:$0x1C980] =	vst v63  }
0x36e: {  	v0 =	vld [tilespmem:s24+$0x1950];
	_ =	sdelay $0x4  }
0x36f: {  	v57 =	vshll.u32 v0, $0x1  }
0x370: {  	v0 =	vand.u32 $0x7, v0;
	v1 =	vand.u32 $0xFFFFFFF0, v57  }
0x371: {  	v0 =	vor.u32 v0, v1  }
0x372: {  	v1 =	vperm.xlane v0, v2;
	_ =	sdelay $0x1  }
0x373: {  	v0 =	vperm.xlane v0, v4;
	v1 =	vadd.s32 v3, v1;
	_ =	sdelay $0x1  }
0x374: {  	v0 =	vadd.s32 v3, v0;
	_ =	sdelay $0x1  }
0x375: {  	s28 =	simm.s32 $0x15980  }
0x376: {  	[tilespmem:s28], [sflag:$0x2] =	stream.indirect_vreg.gather [hbm4b:s3+s4], $0x80, v1, vm0, $0xb8;
	[tilespmem:$0x1C980] =	vst v63  }
0x377: {  	s29 =	simm.s32 $0x16180  }
0x378: {  	[tilespmem:s29], [sflag:$0x2] =	stream.indirect_vreg.gather [hbm4b:s3+s4], $0x80, v0, vm0, $0xb8;
	[tilespmem:$0x1C980] =	vst v63  }
0x379: {  	v0 =	vld [tilespmem:s24+$0x1960];
	_ =	sdelay $0x4  }
0x37a: {  	v58 =	vshll.u32 v0, $0x1  }
0x37b: {  	v0 =	vand.u32 $0x7, v0;
	v1 =	vand.u32 $0xFFFFFFF0, v58  }
0x37c: {  	v0 =	vor.u32 v0, v1  }
0x37d: {  	v1 =	vperm.xlane v0, v2;
	_ =	sdelay $0x1  }
0x37e: {  	v0 =	vperm.xlane v0, v4;
	v1 =	vadd.s32 v3, v1;
	_ =	sdelay $0x1  }
0x37f: {  	v0 =	vadd.s32 v3, v0;
	_ =	sdelay $0x1  }
0x380: {  	s30 =	simm.s32 $0x16980  }
0x381: {  	[tilespmem:s30], [sflag:$0x2] =	stream.indirect_vreg.gather [hbm4b:s3+s4], $0x80, v1, vm0, $0xb8;
	[tilespmem:$0x1C980] =	vst v63  }
0x382: {  	_ = 	snop  }
0x383: {  	[tilespmem:s31], [sflag:$0x2] =	stream.indirect_vreg.gather [hbm4b:s3+s4], $0x80, v0, vm0, $0xb8;
	[tilespmem:$0x1C980] =	vst v63  }
0x384: {  	v0 =	vld [tilespmem:s24+$0x1970];
	_ =	sdelay $0x4  }
0x385: {  	v59 =	vshll.u32 v0, $0x1  }
0x386: {  	v0 =	vand.u32 $0x7, v0;
	v1 =	vand.u32 $0xFFFFFFF0, v59  }
0x387: {  	v0 =	vor.u32 v0, v1  }
0x388: {  	v1 =	vperm.xlane v0, v2;
	_ =	sdelay $0x1  }
0x389: {  	v0 =	vperm.xlane v0, v4;
	v1 =	vadd.s32 v3, v1;
	_ =	sdelay $0x1  }
0x38a: {  	v0 =	vadd.s32 v3, v0;
	_ =	sdelay $0x2  }
0x38b: {  	[tilespmem:s2], [sflag:$0x2] =	stream.indirect_vreg.gather [hbm4b:s3+s4], $0x80, v1, vm0, $0xb8;
	[tilespmem:$0x1C980] =	vst v63  }
0x38c: {  	_ = 	snop  }
0x38d: {  	[tilespmem:s0], [sflag:$0x2] =	stream.indirect_vreg.gather [hbm4b:s3+s4], $0x80, v0, vm0, $0xb8;
	[tilespmem:$0x1C980] =	vst v63  }
0x38e: {  	v0 =	vld [tilespmem:s24+$0x31C0];
	_ =	sdelay $0x4  }
0x38f: {  	v60 =	vshll.u32 v0, $0x1  }
0x390: {  	v0 =	vand.u32 $0x7, v0;
	v1 =	vand.u32 $0xFFFFFFF0, v60  }
0x391: {  	v0 =	vor.u32 v0, v1  }
0x392: {  	v1 =	vperm.xlane v0, v2;
	_ =	sdelay $0x1  }
0x393: {  	v0 =	vperm.xlane v0, v4;
	v1 =	vadd.s32 v3, v1;
	_ =	sdelay $0x1  }
0x394: {  	v0 =	vadd.s32 v3, v0;
	_ =	sdelay $0x2  }
0x395: {  	[tilespmem:s14], [sflag:$0x2] =	stream.indirect_vreg.gather [hbm4b:s5+s4], $0x80, v1, vm0, $0xb8;
	[tilespmem:$0x1C980] =	vst v63  }
0x396: {  	_ = 	snop  }
0x397: {  	[tilespmem:s15], [sflag:$0x2] =	stream.indirect_vreg.gather [hbm4b:s5+s4], $0x80, v0, vm0, $0xb8;
	[tilespmem:$0x1C980] =	vst v63  }
0x398: {  	v0 =	vld [tilespmem:s24+$0x31D0];
	_ =	sdelay $0x4  }
0x399: {  	v61 =	vshll.u32 v0, $0x1  }
0x39a: {  	v0 =	vand.u32 $0x7, v0;
	v1 =	vand.u32 $0xFFFFFFF0, v61  }
0x39b: {  	v0 =	vor.u32 v0, v1  }
0x39c: {  	v1 =	vperm.xlane v0, v2;
	_ =	sdelay $0x1  }
0x39d: {  	v0 =	vperm.xlane v0, v4;
	v1 =	vadd.s32 v3, v1;
	_ =	sdelay $0x1  }
0x39e: {  	v0 =	vadd.s32 v3, v0;
	_ =	sdelay $0x2  }
0x39f: {  	[tilespmem:s7], [sflag:$0x2] =	stream.indirect_vreg.gather [hbm4b:s5+s4], $0x80, v1, vm0, $0xb8;
	[tilespmem:$0x1C980] =	vst v63  }
0x3a0: {  	_ = 	snop  }
0x3a1: {  	[tilespmem:s8], [sflag:$0x2] =	stream.indirect_vreg.gather [hbm4b:s5+s4], $0x80, v0, vm0, $0xb8;
	[tilespmem:$0x1C980] =	vst v63  }
0x3a2: {  	v0 =	vld [tilespmem:s24+$0x31E0];
	_ =	sdelay $0x4  }
0x3a3: {  	v62 =	vshll.u32 v0, $0x1  }
0x3a4: {  	v0 =	vand.u32 $0x7, v0;
	v1 =	vand.u32 $0xFFFFFFF0, v62  }
0x3a5: {  	v0 =	vor.u32 v0, v1  }
0x3a6: {  	v1 =	vperm.xlane v0, v2;
	_ =	sdelay $0x1  }
0x3a7: {  	v0 =	vperm.xlane v0, v4;
	v1 =	vadd.s32 v3, v1;
	_ =	sdelay $0x1  }
0x3a8: {  	v0 =	vadd.s32 v3, v0;
	_ =	sdelay $0x2  }
0x3a9: {  	[tilespmem:s9], [sflag:$0x2] =	stream.indirect_vreg.gather [hbm4b:s5+s4], $0x80, v1, vm0, $0xb8;
	[tilespmem:$0x1C980] =	vst v63  }
0x3aa: {  	_ = 	snop  }
0x3ab: {  	[tilespmem:s12], [sflag:$0x2] =	stream.indirect_vreg.gather [hbm4b:s5+s4], $0x80, v0, vm0, $0xb8;
	[tilespmem:$0x1C980] =	vst v63  }
0x3ac: {  	v0 =	vld [tilespmem:s24+$0x31F0];
	_ =	sdelay $0x4  }
0x3ad: {  	v63 =	vshll.u32 v0, $0x1  }
0x3ae: {  	v0 =	vand.u32 $0x7, v0;
	v1 =	vand.u32 $0xFFFFFFF0, v63  }
0x3af: {  	v0 =	vor.u32 v0, v1  }
0x3b0: {  	v1 =	vperm.xlane v0, v2;
	_ =	sdelay $0x1  }
0x3b1: {  	v0 =	vperm.xlane v0, v4;
	v1 =	vadd.s32 v3, v1;
	_ =	sdelay $0x1  }
0x3b2: {  	v0 =	vadd.s32 v3, v0  }
.Ltmp6:
0x3b3: {  	_ = 	snop;
	(pc) =	sbr.rel .LBB2_2-.Ltmp6, $4  }
0x3b4: {  	_ = 	snop  }
0x3b5: {  	[tilespmem:s13], [sflag:$0x2] =	stream.indirect_vreg.gather [hbm4b:s5+s4], $0x80, v1, vm0, $0xb8;
	[tilespmem:$0x1C980] =	vst v63  }
0x3b6: {  	s23 =	sadd.s32 $0x1, s23  }
0x3b7: {  	[tilespmem:s18], [sflag:$0x2] =	stream.indirect_vreg.gather [hbm4b:s5+s4], $0x80, v0, vm0, $0xb8;
	[tilespmem:$0x1C980] =	vst v63  }
.LBB2_11:
0x3b8: {  	_ =	sfence.sel $0x180000  }
0x3b9: {  	[bflag:$0x0] =	sbarrier.arrive $0xFFFF  }
0x3ba: {  	_ =	strace $0x90000047  }
0x3bb: {  	s0 =	stileid.u32;
	[bflag:$0x2] =	sbarrier.arrive $0xFFFF  }
0x3bc: {  	p0 =	sne.s32 s0, $0x0;
	s0 =	rddreg [dreg:$0x3]  }
0x3bd: {  	s0 =	sadd.s32 @!p0 $0x100000, s0  }
0x3be: {  	[sflag:s0] =	ssyncadd.tile.s32 @!p0 $0x1;
	_ =	shalt  }
.Lfunc_end2:
_tile_overlayer_lowered:
.L_overlay_start_2:
0x3bf: {  	(tag) =	ssettag $0x2  }
0x3c0: {  	s0 =	rddreg [dreg:$0x0];
	s2 =	stileid.u32  }
0x3c1: {  	s1 =	rddreg [dreg:$0x1];
	p0 =	sne.s32 s2, $0x0  }
0x3c2: {  	s3 =	rddreg [dreg:$0x2];
	[bflag:$0x3] =	sbarrier.arrive $0xFFFF;
	s2 =	simm.s32 @!p0 $0x1C05  }
0x3c3: {  	[timem:s3], [sflag:s2] =	dma.local @!p0 [hbm:s0], s1  }
0x3c4: {  	s0 =	simm.s32 @!p0 $0x5  }
0x3c5: {  	_ =	swait.ge @!p0 [sflag:s0], s1  }
0x3c6: {  	s1 =	ssub.s32 @!p0 $0x0, s1;
	[sflag:s0] =	ssyncset.done @!p0 $0x0  }
0x3c7: {  	[sflag:s0] =	ssyncadd.s32 @!p0 s1  }
0x3c8: {  	[bflag:$0x3] =	sbarrier.arrive $0xFFFF  }
0x3c9: {  	_ =	shalt  }

// kernel: kernel.16.cloned.1.call-start
scs
__scs_entry_jumppad:
0x0: {  	(pc) =	sbr.rel $0x88, $3  }
0x1: {  	(tag) =	ssettag $0x0;
	lr =	simm.s32 $0x1  }
0x2: {  	[smem:$0x3F8F] =	sst lr;
	_ =	strace $0xD0000000  }
0x3: {  	_ = 	snop  }
0x4: {  	_ = 	snop  }
0x5: {  	_ = 	snop  }
0x6: {  	_ = 	snop  }
0x7: {  	_ = 	snop  }
__scs_overlays_trampoline_lowered:
0x8: {  	[smem:$0x3F9E] =	sst s0  }
0x9: {  	[smem:$0x3F9F] =	sst s1  }
0xa: {  	[smem:$0x3FA0] =	sst s2  }
0xb: {  	[smem:$0x3FA1] =	sst s3  }
0xc: {  	[smem:$0x3FA2] =	sst s4  }
0xd: {  	[smem:$0x3FA3] =	sst s5  }
0xe: {  	[smem:$0x3FA4] =	sst s6  }
0xf: {  	[smem:$0x3FA5] =	sst s7  }
0x10: {  	[smem:$0x3FA6] =	sst s8  }
0x11: {  	[smem:$0x3FA7] =	sst s9;
	s0 =	simm.s32 @!p0 $0x0  }
0x12: {  	s1 =	sld [smem:$0x3F8D];
	s0 =	simm.s32 @p0 $0x1  }
0x13: {  	[smem:$0x3FA8] =	sst s0;
	s0 =	simm.s32 @!p1 $0x0  }
0x14: {  	s2 =	sld [smem:$0x3F8C];
	s0 =	simm.s32 @p1 $0x1  }
0x15: {  	[smem:$0x3FA9] =	sst s0;
	s0 =	simm.s32 @!p2 $0x0  }
0x16: {  	s3 =	sld [smem:$0x3FDB];
	s0 =	simm.s32 @p2 $0x1  }
0x17: {  	s4 =	simm.s32 $0x1BF5;
	[smem:$0x3FAB] =	sst s0  }
0x18: {  	s0 =	sld [smem:$0x3F8E];
	_ =	swait.ge [sflag:s4], $0x0  }
0x19: {  	s7 =	sld [smem:$0x3F8F]  }
0x1a: {  	s8 =	sadd.s32 $0xFFFFE003, lr  }
0x1b: {  	s9 =	sadd.s32 $0xFFFFFEF7, lr;
	s5 =	simm.s32 $0xFFFFFFFF;
	p2 =	slt.u32 s8, $0xFFFFF086  }
0x1c: {  	p1 =	slt.u32 s9, $0xF7A;
	s5 =	simm.s32 @!p2 $0x0  }
0x1d: {  	s5 =	simm.s32 @p1 $0x1;
	p0 =	seq.s32 s7, s2  }
0x1e: {  	s7 =	smul.u32 @!p0 $0xF7A, s2;
	p2 =	seq.s32 @!p0 s5, $0x0  }
0x1f: {  	s9 =	smul.u32 $0xF7A, s1;
	s8 =	simm.s32 @!p0 $0x1BF5;
	p2 =	por !p2, p0  }
0x20: {  	[sflag:s8] =	ssyncset.s32 @!p0 $0xFFFFF086;
	s6 =	sadd.s32 @!p0 s3, s7;
	s7 =	simm.s32 @!p0 $0x108  }
0x21: {  	s3 =	sadd.s32 s3, s9;
	s6 =	sadd.s32 @!p0 $0x88, s6;
	s7 =	simm.s32 @p2 $0x1082  }
0x22: {  	[simem:s7], [sflag:s8] =	dma.local @!p0 [hbm:s6], $0xF7A  }
0x23: {  	s9 =	sor.u32 $0xD0000000, s2;
	s6 =	simm.s32 $0x108;
	_ =	swait.ge @!p0 [sflag:s8], $0x0  }
0x24: {  	s3 =	sadd.s32 $0x88, s3;
	s6 =	simm.s32 @!p1 $0x1082;
	[sflag:s4] =	ssyncset.s32 $0xFFFFF086  }
0x25: {  	[simem:s6], [sflag:s4] =	dma.local [hbm:s3], $0xF7A  }
0x26: {  	[smem:$0x3F8F] =	sst s1;
	(tag) =	ssettag s2;
	_ =	strace s9  }
0x27: {  	s1 =	sld [smem:$0x3F9F]  }
0x28: {  	s2 =	sld [smem:$0x3FA0]  }
0x29: {  	s4 =	sld [smem:$0x3FA2]  }
0x2a: {  	p0 =	seq.s32 s5, $0x0;
	s5 =	sld [smem:$0x3FA3]  }
0x2b: {  	s6 =	sld [smem:$0x3FA4]  }
0x2c: {  	s7 =	sld [smem:$0x3FA5]  }
0x2d: {  	s3 =	simm.s32 $0x108;
	s8 =	sld [smem:$0x3FA6]  }
0x2e: {  	s3 =	simm.s32 @!p0 $0x1082;
	s9 =	sld [smem:$0x3FA7]  }
0x2f: {  	lr =	sadd.s32 s0, s3;
	s0 =	sld [smem:$0x3F9E]  }
0x30: {  	s3 =	sld [smem:$0x3FA1]  }
0x31: {  	[smem:$0x3FAA] =	sst s10  }
0x32: {  	s10 =	sld [smem:$0x3FA8];
	_ =	sdelay $0x3  }
0x33: {  	p0 =	seq.s32 s10, $0x1;
	s10 =	sld [smem:$0x3FAA];
	_ =	sdelay $0x3  }
0x34: {  	[smem:$0x3FAA] =	sst s10  }
0x35: {  	s10 =	sld [smem:$0x3FA9];
	_ =	sdelay $0x3  }
0x36: {  	p1 =	seq.s32 s10, $0x1;
	s10 =	sld [smem:$0x3FAA];
	_ =	sdelay $0x3  }
0x37: {  	[smem:$0x3FAA] =	sst s10  }
0x38: {  	s10 =	sld [smem:$0x3FAB]  }
0x39: {  	_ = 	snop;
	(pc) =	sbr.ind lr, $3  }
0x3a: {  	_ = 	snop  }
0x3b: {  	_ = 	snop  }
0x3c: {  	p2 =	seq.s32 s10, $0x1;
	s10 =	sld [smem:$0x3FAA]  }
0x3d: {  	_ =	shalt  }
0x3e: {  	_ =	shalt  }
0x3f: {  	_ =	shalt  }
0x40: {  	_ =	shalt  }
0x41: {  	_ =	shalt  }
0x42: {  	_ =	shalt  }
0x43: {  	_ =	shalt  }
0x44: {  	_ =	shalt  }
0x45: {  	_ =	shalt  }
0x46: {  	_ =	shalt  }
0x47: {  	_ =	shalt  }
0x48: {  	_ =	shalt  }
0x49: {  	_ =	shalt  }
0x4a: {  	_ =	shalt  }
0x4b: {  	_ =	shalt  }
0x4c: {  	_ =	shalt  }
0x4d: {  	_ =	shalt  }
0x4e: {  	_ =	shalt  }
0x4f: {  	_ =	shalt  }
0x50: {  	_ =	shalt  }
0x51: {  	_ =	shalt  }
0x52: {  	_ =	shalt  }
0x53: {  	_ =	shalt  }
0x54: {  	_ =	shalt  }
0x55: {  	_ =	shalt  }
0x56: {  	_ =	shalt  }
0x57: {  	_ =	shalt  }
0x58: {  	_ =	shalt  }
0x59: {  	_ =	shalt  }
0x5a: {  	_ =	shalt  }
0x5b: {  	_ =	shalt  }
0x5c: {  	_ =	shalt  }
0x5d: {  	_ =	shalt  }
0x5e: {  	_ =	shalt  }
0x5f: {  	_ =	shalt  }
0x60: {  	_ =	shalt  }
0x61: {  	_ =	shalt  }
0x62: {  	_ =	shalt  }
0x63: {  	_ =	shalt  }
0x64: {  	_ =	shalt  }
0x65: {  	_ =	shalt  }
0x66: {  	_ =	shalt  }
0x67: {  	_ =	shalt  }
0x68: {  	_ =	shalt  }
0x69: {  	_ =	shalt  }
0x6a: {  	_ =	shalt  }
0x6b: {  	_ =	shalt  }
0x6c: {  	_ =	shalt  }
0x6d: {  	_ =	shalt  }
0x6e: {  	_ =	shalt  }
0x6f: {  	_ =	shalt  }
0x70: {  	_ =	shalt  }
0x71: {  	_ =	shalt  }
0x72: {  	_ =	shalt  }
0x73: {  	_ =	shalt  }
0x74: {  	_ =	shalt  }
0x75: {  	_ =	shalt  }
0x76: {  	_ =	shalt  }
0x77: {  	_ =	shalt  }
0x78: {  	_ =	shalt  }
0x79: {  	_ =	shalt  }
0x7a: {  	_ =	shalt  }
0x7b: {  	_ =	shalt  }
0x7c: {  	_ =	shalt  }
0x7d: {  	_ =	shalt  }
0x7e: {  	_ =	shalt  }
0x7f: {  	_ =	shalt  }
0x80: {  	_ =	shalt  }
0x81: {  	_ =	shalt  }
0x82: {  	_ =	shalt  }
0x83: {  	_ =	shalt  }
0x84: {  	_ =	shalt  }
0x85: {  	_ =	shalt  }
0x86: {  	_ =	shalt  }
0x87: {  	_ =	shalt  }
.Lfunc_end0:
.L_simem_size_0:
called_computation.2_lowered:
.L_overlay_start_0:
0x88: {  	s2 =	sld [smem:$0x3FD9]  }
0x89: {  	s3 =	sld [smem:$0x3FFE];
	_ =	sdelay $0x1  }
0x8a: {  	s1 =	srdreg.scid  }
0x8b: {  	s0 =	sand.u32 $0x1, s1  }
0x8c: {  	s17 =	sshll.u32 s0, $0xA;
	s2 =	sadd.s32 s3, s2  }
0x8d: {  	s2 =	sadd.s32 s2, s17  }
0x8e: {  	[smem:$0x3FB6] =	sst s2  }
0x8f: {  	_ = 	snop  }
0x90: {  	(tm) =	ssettm $0x1  }
0x91: {  	s18 =	sld [smem:$0x3FFB];
	_ =	sdelay $0x3  }
0x92: {  	_ =	strace s18  }
0x93: {  	s2 =	sld [smem:$0x3FFC];
	_ =	sdelay $0x3  }
0x94: {  	_ =	strace s2  }
0x95: {  	s2 =	sld [smem:$0x3FFD];
	_ =	sdelay $0x3  }
0x96: {  	_ =	strace s2  }
0x97: {  	_ =	strace $0x8FFFFFFF  }
0x98: {  	s19 =	sld [smem:$0x3FDB];
	_ =	sdelay $0x1  }
0x99: {  	s20 =	simm.s32 $_scs_section_size  }
0x9a: {  	s4 =	simm.s32 $_size__tile_overlayer_lowered;
	s5 =	simm.s32 $_tile_overlayer_lowered  }
0x9b: {  	s6 =	simm.s32 $0x1BFF;
	s21 =	sshll.u32 s5, $0x1;
	s3 =	sadd.s32 s20, s19  }
0x9c: {  	s22 =	simm.s32 $0x0;
	s4 =	sshll.u32 s4, $0x1;
	s5 =	sadd.s32 s21, s3  }
0x9d: {  	[timem:s22], [sflag:s6] =	dma.local [hbm:s5], s4  }
0x9e: {  	_ =	swait.ge [sflag:s6], s4  }
0x9f: {  	s4 =	ssub.s32 $0x0, s4;
	[sflag:s6] =	ssyncset.done $0x0  }
0xa0: {  	[sflag:s6] =	ssyncadd.s32 s4;
	_ =	sdelay $0x1  }
0xa1: {  	s23 =	simm.s32 $0x1B8B  }
0xa2: {  	_ =	swait.ge [sflag:s23], $0x1  }
0xa3: {  	[sflag:s23] =	ssyncset.done $0x0  }
0xa4: {  	[sflag:s23] =	ssyncadd.s32 $0xFFFFFFFF  }
0xa5: {  	s4 =	sld [smem:$0x0]  }
0xa6: {  	s5 =	sand.u32 $0xFFFFFFFE, s1  }
0xa7: {  	p0 =	sne.s32 s1, s5  }
0xa8: {  	s5 =	sshll.u32 @p0 s5, $0xE  }
0xa9: {  	s5 =	sadd.s32 @p0 $0x11B8D, s5;
	s6 =	sshll.u32 @p0 s4, $0x11  }
0xaa: {  	s5 =	sor.u32 @p0 s6, s5  }
0xab: {  	[sflag:s5] =	ssyncadd.remote.s32 @p0 $0x1;
	_ =	sdelay $0x1  }
0xac: {  	s5 =	simm.s32 @p0 $0x1B8D  }
0xad: {  	_ =	swait.eq @p0 [sflag:s5], $0x1  }
0xae: {  	[sflag:s5] =	ssyncadd.s32 @p0 $0xFFFFFFFF  }
0xaf: {  	s6 =	sshll.u32 @!p0 s1, $0xE  }
0xb0: {  	s6 =	sor.u32 @!p0 $0x4000, s6;
	s5 =	simm.s32 @!p0 $0x1B8D  }
0xb1: {  	s4 =	sshll.u32 @!p0 s4, $0x11;
	s6 =	sadd.s32 @!p0 $0x11B8D, s6;
	_ =	swait.eq @!p0 [sflag:s5], $0x1  }
0xb2: {  	s4 =	sor.u32 @!p0 s4, s6;
	[sflag:s5] =	ssyncadd.s32 @!p0 $0xFFFFFFFF  }
0xb3: {  	s25 =	simm.s32 $0x1B8E;
	s24 =	sld [smem:$0x3FFE];
	[sflag:s4] =	ssyncadd.remote.s32 @!p0 $0x1  }
0xb4: {  	s26 =	simm.s32 $execute0_lowered;
	[smem:$0x3FD2] =	sst s25  }
0xb5: {  	s5 =	sshll.u32 s26, $0x1;
	_ =	strace $0x8000004C;
	[dreg:$0x1] =	wrdreg $0xFFFFFFFF  }
0xb6: {  	s28 =	simm.s32 $_size_execute0_lowered;
	s3 =	sadd.s32 s3, s5;
	[dreg:$0x0] =	wrdreg $0x0  }
0xb7: {  	s5 =	sshll.u32 s28, $0x1;
	[dreg:$0x2] =	wrdreg s3  }
0xb8: {  	[dreg:$0x3] =	wrdreg s5  }
0xb9: {  	[dreg:$0x4] =	wrdreg $0xC0  }
0xba: {  	_ =	task [dreg:s22], $0x5FFFF  }
0xbb: {  	[dreg:$0x1] =	wrdreg $0xFFFFFFFF  }
0xbc: {  	[dreg:$0x0] =	wrdreg $0x60  }
0xbd: {  	[dreg:$0x2] =	wrdreg s24  }
0xbe: {  	[dreg:$0x3] =	wrdreg $0x41000  }
0xbf: {  	[dreg:$0x4] =	wrdreg $0xA  }
0xc0: {  	_ =	task.clear_ibuf [dreg:s22], $0x5FFFF;
	_ =	strace $0x9000004C  }
0xc1: {  	s29 =	simm.s32 $0xA;
	_ =	strace $0x8000004E  }
0xc2: {  	_ =	swait.ge [sflag:s29], $0x1  }
0xc3: {  	[sflag:s29] =	ssyncadd.s32 $0xFFFFFFFF  }
0xc4: {  	_ =	strace $0x9000004E  }
0xc5: {  	_ =	sfence  }
0xc6: {  	s30 =	sld [smem:$0x0];
	_ =	sdelay $0x2  }
0xc7: {  	s31 =	sshll.u32 s1, $0xD;
	s1 =	sshrl.u32 s1, $0x2  }
0xc8: {  	s4 =	sand.u32 $0x4000, s31;
	s1 =	sadd.s32 s1, s30  }
0xc9: {  	s0 =	sor.u32 s4, s0;
	s1 =	sshll.u32 s1, $0x11  }
0xca: {  	s0 =	sor.u32 s1, s0  }
0xcb: {  	s0 =	sadd.s32 $0x8F2B, s0  }
0xcc: {  	[sflag:s0] =	ssyncadd.remote.s32 $0x1  }
0xcd: {  	_ =	sfence.sel $0xFFFF  }
0xce: {  	[dreg:$0x0] =	wrdreg $0xFFFFFFFF;
	(pc) =	sbr.abs _section_cstart, $3  }
0xcf: {  	[dreg:$0x1] =	wrdreg $0xFFFFFFFF  }
0xd0: {  	_ =	task.clear_ibuf [dreg:s22], $0x2FFFF;
	_ =	strace $0x9FFFFFFF  }
0xd1: {  	(tm) =	ssettm $0x7FFFFFFF  }
tec
execute0_lowered:
.L_overlay_start_1:
0x0: {  	(tag) =	ssettag $0x1  }
0x1: {  	s0 =	rddreg [dreg:$0x0]  }
0x2: {  	s1 =	rddreg [dreg:$0x1]  }
0x3: {  	s2 =	simm.s32 $0x0;
	s3 =	srdreg.scid;
	s14 =	stileid.u32  }
0x4: {  	s28 =	simm.s32 $0x2100;
	s29 =	simm.s32 $0x3;
	s5 =	smul.u32 $0x50000, s14  }
0x5: {  	s30 =	simm.s32 $0x400;
	s31 =	simm.s32 $0x800;
	s8 =	smul.u32 $0x3100, s14  }
0x6: {  	[smem:$0x7FF] =	sst s2;
	s4 =	sadd.s32 $0x9F0000, s0;
	s10 =	smul.u32 $0x310000, s14  }
0x7: {  	s6 =	sadd.s32 $0x17400, s0;
	s3 =	sand.u32 $0x1, s3;
	s16 =	smul.u32 $0x27000, s14  }
0x8: {  	s0 =	sadd.s32 $0x21600, s0;
	s24 =	smul.u32 $0x620, s14;
	p0 =	sne.s32 s14, $0xF  }
0x9: {  	_ =	strace $0x8000004D;
	s7 =	ssub.s32 $0x2, s3;
	s26 =	sshll.u32 s3, $0xA  }
0xa: {  	s3 =	sshll.u32 s3, $0x7;
	s9 =	sshrl.u32 s7, $0x1;
	s5 =	sshrl.u32 s5, $0x2  }
0xb: {  	s11 =	sshrl.u32 s8, $0x3;
	s10 =	sor.u32 s26, s10;
	s8 =	sor.u32 $0x40, s8  }
0xc: {  	s18 =	sor.u32 s26, s16;
	s7 =	ssub.s32 s7, s9;
	s5 =	sadd.s32 s5, s1  }
0xd: {  	s11 =	sadd.s32 s6, s11;
	s13 =	sshrl.u32 s10, $0x3;
	s12 =	sshll.u32 s8, $0x8  }
0xe: {  	s8 =	sshrl.u32 s8, $0x3;
	s25 =	sor.u32 $0xC000, s10;
	[dreg:$0x3] =	wrdreg s11  }
0xf: {  	s11 =	sadd.s32 s4, s13;
	s15 =	sor.u32 s26, s12;
	s13 =	smul.u32 $0x4E000, s14  }
0x10: {  	s8 =	sadd.s32 s6, s8;
	s20 =	smax.u32 s7, $0x1;
	[dreg:$0x4] =	wrdreg s11  }
0x11: {  	s21 =	sadd.s32 $0x2000, s5;
	s22 =	sadd.s32 $0x4000, s5;
	[dreg:$0x5] =	wrdreg s8  }
0x12: {  	s23 =	sadd.s32 $0x6000, s5;
	s16 =	sadd.s32 $0x8000, s5;
	[dreg:$0x9] =	wrdreg s20  }
0x13: {  	s26 =	sshrl.u32 s25, $0x3;
	s7 =	simm.s32 $0x40;
	[dreg:$0xa] =	wrdreg s21  }
0x14: {  	s11 =	sshrl.u32 s15, $0x3;
	s8 =	sshrl.u32 s18, $0x3;
	[dreg:$0xb] =	wrdreg s22  }
0x15: {  	[dreg:$0xc] =	wrdreg s23;
	s18 =	sadd.s32 $0xC000, s5;
	s20 =	sadd.s32 $0x10000, s5  }
0x16: {  	s21 =	sadd.s32 s26, s4;
	s23 =	sor.u32 $0x8000, s10;
	s26 =	sadd.s32 $0x12000, s5  }
0x17: {  	s17 =	sadd.s32 s4, s11;
	s19 =	sshrl.u32 s13, $0x2;
	s8 =	sadd.s32 s0, s8  }
0x18: {  	s0 =	sadd.s32 s3, s0;
	s3 =	sadd.s32 $0x138000, s1;
	[dreg:$0x6] =	wrdreg s17  }
0x19: {  	s9 =	sadd.s32 s19, s1;
	[dreg:$0x7] =	wrdreg s8;
	s0 =	sadd.s32 $0x4E000, s0  }
0x1a: {  	s17 =	sadd.s32 $0xA000, s5;
	s19 =	sadd.s32 $0xE000, s5;
	s25 =	sshrl.u32 @!p0 s3, $0x3  }
0x1b: {  	s3 =	simm.s32 $0x80;
	s8 =	simm.s32 $0x2;
	[dreg:$0x8] =	wrdreg s0  }
0x1c: {  	s0 =	sadd.s32 s24, s6;
	s24 =	sshrl.u32 s9, $0x3;
	s6 =	simm.s32 $0x1  }
0x1d: {  	v0 =	vimm.f32 $0.0e+00;
	s9 =	simm.s32 $0x0;
	s22 =	sadd.s32 $0x18, s0;
	s0 =	simm.s32 $0x100  }
.LBB2_1:
0x1e: {  	s10 =	simm.s32 $0x0;
	s11 =	simm.s32 $0x200  }
.LBB2_2:
0x1f: {  	p1 =	sne.s32 s11, $0x7E00;
	[tilespmem:s10+$0x2170] =	vst v0  }
0x20: {  	[tilespmem:s10+$0x2100] =	vst v0  }
0x21: {  	[tilespmem:s10+$0x2110] =	vst v0  }
.Ltmp0:
0x22: {  	[tilespmem:s10+$0x2120] =	vst v0;
	(pc) =	sbr.rel @p1 .LBB2_2-.Ltmp0, $4  }
0x23: {  	[tilespmem:s10+$0x2130] =	vst v0  }
0x24: {  	[tilespmem:s10+$0x2140] =	vst v0  }
0x25: {  	[tilespmem:s10+$0x2150] =	vst v0  }
0x26: {  	[tilespmem:s10+$0x2160] =	vst v0;
	s10 =	sshra.s32 s11, $0x2;
	s11 =	sadd.s32 $0x200, s11  }
0x27: {  	[tilespmem:s10+$0x2170] =	vst v0  }
0x28: {  	[tilespmem:s10+$0x2100] =	vst v0  }
0x29: {  	[tilespmem:s10+$0x2110] =	vst v0  }
0x2a: {  	[tilespmem:s10+$0x2120] =	vst v0  }
0x2b: {  	[tilespmem:s10+$0x2130] =	vst v0  }
0x2c: {  	[tilespmem:s10+$0x2140] =	vst v0  }
0x2d: {  	[tilespmem:s10+$0x2150] =	vst v0  }
0x2e: {  	[tilespmem:s10+$0x2160] =	vst v0  }
0x2f: {  	[spmem:s5] =	stream.linear.scatter [tilespmem:s28], [sflag:$0x3], $0x2000, $0x38;
	[tilespmem:$0x18100] =	vst v63  }
0x30: {  	_ =	swait.ge [sflag:s29], $0x2000  }
0x31: {  	[sflag:s29] =	ssyncset.done $0x0  }
0x32: {  	s15 =	rddreg [dreg:$0xa];
	[sflag:s29] =	ssyncadd.s32 $0xFFFFE000  }
0x33: {  	[spmem:s15] =	stream.linear.scatter [tilespmem:s28], [sflag:$0x3], $0x2000, $0x38;
	[tilespmem:$0x18100] =	vst v63  }
0x34: {  	_ =	swait.ge [sflag:s29], $0x2000  }
0x35: {  	[sflag:s29] =	ssyncset.done $0x0  }
0x36: {  	s11 =	rddreg [dreg:$0xb];
	[sflag:s29] =	ssyncadd.s32 $0xFFFFE000  }
0x37: {  	[spmem:s11] =	stream.linear.scatter [tilespmem:s28], [sflag:$0x3], $0x2000, $0x38;
	[tilespmem:$0x18100] =	vst v63  }
0x38: {  	_ =	swait.ge [sflag:s29], $0x2000  }
0x39: {  	[sflag:s29] =	ssyncset.done $0x0  }
0x3a: {  	s12 =	rddreg [dreg:$0xc];
	[sflag:s29] =	ssyncadd.s32 $0xFFFFE000  }
0x3b: {  	[spmem:s12] =	stream.linear.scatter [tilespmem:s28], [sflag:$0x3], $0x2000, $0x38;
	[tilespmem:$0x18100] =	vst v63  }
0x3c: {  	_ =	swait.ge [sflag:s29], $0x2000  }
0x3d: {  	[sflag:s29] =	ssyncset.done $0x0  }
0x3e: {  	[sflag:s29] =	ssyncadd.s32 $0xFFFFE000  }
0x3f: {  	[spmem:s16] =	stream.linear.scatter [tilespmem:s28], [sflag:$0x3], $0x2000, $0x38;
	[tilespmem:$0x18100] =	vst v63  }
0x40: {  	_ =	swait.ge [sflag:s29], $0x2000  }
0x41: {  	[sflag:s29] =	ssyncset.done $0x0  }
0x42: {  	[sflag:s29] =	ssyncadd.s32 $0xFFFFE000  }
0x43: {  	[spmem:s17] =	stream.linear.scatter [tilespmem:s28], [sflag:$0x3], $0x2000, $0x38;
	[tilespmem:$0x18100] =	vst v63  }
0x44: {  	_ =	swait.ge [sflag:s29], $0x2000  }
0x45: {  	[sflag:s29] =	ssyncset.done $0x0  }
0x46: {  	[sflag:s29] =	ssyncadd.s32 $0xFFFFE000  }
0x47: {  	[spmem:s18] =	stream.linear.scatter [tilespmem:s28], [sflag:$0x3], $0x2000, $0x38;
	[tilespmem:$0x18100] =	vst v63  }
0x48: {  	_ =	swait.ge [sflag:s29], $0x2000  }
0x49: {  	[sflag:s29] =	ssyncset.done $0x0  }
0x4a: {  	[sflag:s29] =	ssyncadd.s32 $0xFFFFE000  }
0x4b: {  	[spmem:s19] =	stream.linear.scatter [tilespmem:s28], [sflag:$0x3], $0x2000, $0x38;
	[tilespmem:$0x18100] =	vst v63  }
0x4c: {  	_ =	swait.ge [sflag:s29], $0x2000  }
0x4d: {  	[sflag:s29] =	ssyncset.done $0x0  }
0x4e: {  	[sflag:s29] =	ssyncadd.s32 $0xFFFFE000  }
0x4f: {  	[spmem:s20] =	stream.linear.scatter [tilespmem:s28], [sflag:$0x3], $0x2000, $0x38;
	[tilespmem:$0x18100] =	vst v63  }
0x50: {  	_ =	swait.ge [sflag:s29], $0x2000  }
0x51: {  	[sflag:s29] =	ssyncset.done $0x0  }
0x52: {  	[sflag:s29] =	ssyncadd.s32 $0xFFFFE000  }
0x53: {  	[spmem:s26] =	stream.linear.scatter [tilespmem:s28], [sflag:$0x3], $0x2000, $0x38;
	[tilespmem:$0x18100] =	vst v63  }
0x54: {  	_ =	swait.ge [sflag:s29], $0x2000  }
0x55: {  	[sflag:s29] =	ssyncset.done $0x0  }
0x56: {  	[sflag:s29] =	ssyncadd.s32 $0xFFFFE000  }
0x57: {  	[bflag:$0x0] =	sbarrier.arrive $0xFFFF  }
0x58: {  	s13 =	simm.s32 $0x0;
	s11 =	rddreg [dreg:$0x3]  }
0x59: {  	[tilespmem:s13], [sflag:$0x1] =	stream.linear.gather [hbm4b:s11+s13], $0x40, $0x38;
	[tilespmem:$0x18100] =	vst v63  }
0x5a: {  	s14 =	rddreg [dreg:$0x4]  }
0x5b: {  	[tilespmem:s0], [sflag:$0x1] =	stream.strided.gather [hbm4b:s14+s30], $0x2000, s31, s30, $0x38;
	[tilespmem:$0x18100] =	vst v63  }
0x5c: {  	s15 =	rddreg [dreg:$0x5]  }
0x5d: {  	[tilespmem:s3], [sflag:$0x2] =	stream.linear.gather [hbm4b:s15+s13], $0x40, $0x38;
	[tilespmem:$0x18100] =	vst v63  }
0x5e: {  	s12 =	rddreg [dreg:$0x6]  }
0x5f: {  	[tilespmem:s28], [sflag:$0x2] =	stream.strided.gather [hbm4b:s12+s30], $0x2000, s31, s30, $0x38;
	[tilespmem:$0x18100] =	vst v63  }
0x60: {  	_ =	swait.ge [sflag:s6], $0x40  }
0x61: {  	[sflag:s6] =	ssyncset.done $0x0  }
0x62: {  	[sflag:s6] =	ssyncadd.s32 $0xFFFFFFC0  }
0x63: {  	_ =	swait.ge [sflag:s6], $0x2000  }
0x64: {  	[sflag:s6] =	ssyncset.done $0x0  }
0x65: {  	[sflag:s6] =	ssyncadd.s32 $0xFFFFE000  }
0x66: {  	[spmem:s1] =	stream.indirect.scatter.add.f32 [tilespmem:s0], [sflag:$0x3], $0x80, s2, s7, $0xb8;
	[tilespmem:$0x18100] =	vst v63  }
0x67: {  	_ =	swait.ge [sflag:s29], $0x2000  }
0x68: {  	[sflag:s29] =	ssyncset.done $0x0  }
0x69: {  	s14 =	sshrl.u32 s23, $0x3;
	s13 =	sadd.s32 $0xFFFFFFF8, s22;
	[sflag:s29] =	ssyncadd.s32 $0xFFFFE000  }
0x6a: {  	[tilespmem:s2], [sflag:$0x1] =	stream.linear.gather [hbm4b:s13+s2], $0x40, $0x38;
	[tilespmem:$0x18100] =	vst v63  }
0x6b: {  	s15 =	sadd.s32 s4, s14  }
0x6c: {  	[tilespmem:s0], [sflag:$0x1] =	stream.strided.gather [hbm4b:s15+s30], $0x2000, s31, s30, $0x38;
	[tilespmem:$0x18100] =	vst v63  }
0x6d: {  	_ =	swait.ge [sflag:s8], $0x40  }
0x6e: {  	[sflag:s8] =	ssyncset.done $0x0  }
0x6f: {  	[sflag:s8] =	ssyncadd.s32 $0xFFFFFFC0  }
0x70: {  	_ =	swait.ge [sflag:s8], $0x2000  }
0x71: {  	[sflag:s8] =	ssyncset.done $0x0  }
0x72: {  	[sflag:s8] =	ssyncadd.s32 $0xFFFFE000  }
0x73: {  	[spmem:s1] =	stream.indirect.scatter.add.f32 [tilespmem:s28], [sflag:$0x3], $0x80, s3, s7, $0xb8;
	[tilespmem:$0x18100] =	vst v63  }
0x74: {  	_ =	swait.ge [sflag:s29], $0x2000  }
0x75: {  	s10 =	simm.s32 $0x1000;
	s11 =	sadd.s32 $0x10, s22;
	[sflag:s29] =	ssyncset.done $0x0  }
0x76: {  	s12 =	sadd.s32 $0x8000, s23;
	s13 =	sadd.s32 $0x0, s21;
	[sflag:s29] =	ssyncadd.s32 $0xFFFFE000  }
0x77: {  	[tilespmem:s3], [sflag:$0x2] =	stream.linear.gather [hbm4b:s22+s2], $0x40, $0x38;
	[tilespmem:$0x18100] =	vst v63  }
.LBB2_4:
0x78: {  	[tilespmem:s28], [sflag:$0x2] =	stream.strided.gather [hbm4b:s13+s30], $0x2000, s31, s30, $0x38;
	[tilespmem:$0x18100] =	vst v63  }
0x79: {  	s13 =	smov.u32 s10  }
0x7a: {  	p1 =	sne.s32 s10, $0x60000;
	s10 =	sadd.s32 $0x1000, s10;
	_ =	swait.ge [sflag:s6], $0x40  }
0x7b: {  	[sflag:s6] =	ssyncset.done $0x0  }
0x7c: {  	[sflag:s6] =	ssyncadd.s32 $0xFFFFFFC0  }
0x7d: {  	_ =	swait.ge [sflag:s6], $0x2000  }
0x7e: {  	[sflag:s6] =	ssyncset.done $0x0  }
0x7f: {  	[sflag:s6] =	ssyncadd.s32 $0xFFFFE000  }
0x80: {  	[spmem:s1] =	stream.indirect.scatter.add.f32 [tilespmem:s0], [sflag:$0x3], $0x80, s2, s7, $0xb8;
	[tilespmem:$0x18100] =	vst v63  }
0x81: {  	_ =	swait.ge [sflag:s29], $0x2000  }
0x82: {  	[sflag:s29] =	ssyncset.done $0x0  }
0x83: {  	s14 =	sadd.s32 $0xFFFFFFF8, s11;
	s15 =	sshrl.u32 s12, $0x3;
	[sflag:s29] =	ssyncadd.s32 $0xFFFFE000  }
0x84: {  	[tilespmem:s2], [sflag:$0x1] =	stream.linear.gather [hbm4b:s14+s2], $0x40, $0x38;
	[tilespmem:$0x18100] =	vst v63  }
0x85: {  	s14 =	sadd.s32 s4, s15  }
0x86: {  	[tilespmem:s0], [sflag:$0x1] =	stream.strided.gather [hbm4b:s14+s30], $0x2000, s31, s30, $0x38;
	[tilespmem:$0x18100] =	vst v63  }
0x87: {  	_ =	swait.ge [sflag:s8], $0x40  }
0x88: {  	[sflag:s8] =	ssyncset.done $0x0  }
0x89: {  	[sflag:s8] =	ssyncadd.s32 $0xFFFFFFC0  }
0x8a: {  	_ =	swait.ge [sflag:s8], $0x2000  }
0x8b: {  	[sflag:s8] =	ssyncset.done $0x0  }
0x8c: {  	[sflag:s8] =	ssyncadd.s32 $0xFFFFE000  }
0x8d: {  	[spmem:s1] =	stream.indirect.scatter.add.f32 [tilespmem:s28], [sflag:$0x3], $0x80, s3, s7, $0xb8;
	[tilespmem:$0x18100] =	vst v63  }
.Ltmp1:
0x8e: {  	_ =	swait.ge [sflag:s29], $0x2000;
	(pc) =	sbr.rel @p1 .LBB2_4-.Ltmp1, $4  }
0x8f: {  	[sflag:s29] =	ssyncset.done $0x0  }
0x90: {  	[sflag:s29] =	ssyncadd.s32 $0xFFFFE000  }
0x91: {  	[tilespmem:s3], [sflag:$0x2] =	stream.linear.gather [hbm4b:s11+s2], $0x40, $0x38;
	[tilespmem:$0x18100] =	vst v63  }
0x92: {  	s12 =	sadd.s32 $0x8000, s12;
	s13 =	sadd.s32 s13, s21;
	s11 =	sadd.s32 $0x10, s11  }
0x93: {  	[tilespmem:s28], [sflag:$0x2] =	stream.strided.gather [hbm4b:s13+s30], $0x2000, s31, s30, $0x38;
	[tilespmem:$0x18100] =	vst v63  }
0x94: {  	_ =	swait.ge [sflag:s6], $0x40  }
0x95: {  	[sflag:s6] =	ssyncset.done $0x0  }
0x96: {  	[sflag:s6] =	ssyncadd.s32 $0xFFFFFFC0  }
0x97: {  	_ =	swait.ge [sflag:s6], $0x2000  }
0x98: {  	[sflag:s6] =	ssyncset.done $0x0  }
0x99: {  	[sflag:s6] =	ssyncadd.s32 $0xFFFFE000  }
0x9a: {  	[spmem:s1] =	stream.indirect.scatter.add.f32 [tilespmem:s0], [sflag:$0x3], $0x80, s2, s7, $0xb8;
	[tilespmem:$0x18100] =	vst v63  }
0x9b: {  	_ =	swait.ge [sflag:s29], $0x2000  }
0x9c: {  	[sflag:s29] =	ssyncset.done $0x0  }
0x9d: {  	[sflag:s29] =	ssyncadd.s32 $0xFFFFE000  }
0x9e: {  	_ =	swait.ge [sflag:s8], $0x40  }
0x9f: {  	[sflag:s8] =	ssyncset.done $0x0  }
0xa0: {  	[sflag:s8] =	ssyncadd.s32 $0xFFFFFFC0  }
0xa1: {  	_ =	swait.ge [sflag:s8], $0x2000  }
0xa2: {  	[sflag:s8] =	ssyncset.done $0x0  }
0xa3: {  	[sflag:s8] =	ssyncadd.s32 $0xFFFFE000  }
0xa4: {  	[spmem:s1] =	stream.indirect.scatter.add.f32 [tilespmem:s28], [sflag:$0x3], $0x80, s3, s7, $0xb8;
	[tilespmem:$0x18100] =	vst v63  }
0xa5: {  	_ =	swait.ge [sflag:s29], $0x2000  }
0xa6: {  	[sflag:s29] =	ssyncset.done $0x0  }
0xa7: {  	s10 =	stileid.u32;
	[sflag:s29] =	ssyncadd.s32 $0xFFFFE000  }
0xa8: {  	s10 =	sshll.u32 s10, $0x6;
	[bflag:$0x0] =	sbarrier.arrive $0xFFFF  }
0xa9: {  	s12 =	simm.s32 $0x8;
	s10 =	sor.u32 $0x1C03, s10;
	s11 =	rddreg [dreg:$0x7]  }
0xaa: {  	[hbm:s11@s0], [sflag:s10] =	dma.strided [spmem:s24@s3], $0x2700, s12, $0x10   }
0xab: {  	_ =	swait.ge [sflag:s29], $0x2700  }
0xac: {  	s13 =	simm.s32 @!p0 $0x80;
	s11 =	simm.s32 @!p0 $0x8;
	[sflag:s29] =	ssyncset.done $0x0  }
0xad: {  	s12 =	simm.s32 @!p0 $0x100;
	s14 =	rddreg [dreg:$0x8];
	[sflag:s29] =	ssyncadd.s32 $0xFFFFD900  }
0xae: {  	[hbm:s14@s12], [sflag:s10] =	dma.strided @!p0 [spmem:s25@s13], $0x100, s11, $0x10   }
0xaf: {  	s10 =	simm.s32 @!p0 $0x3  }
0xb0: {  	_ =	swait.ge @!p0 [sflag:s10], $0x100  }
0xb1: {  	s9 =	sadd.s32 $0x1, s9;
	s15 =	rddreg [dreg:$0x9]  }
0xb2: {  	p1 =	sne.s32 s9, s15  }
.Ltmp2:
0xb3: {  	_ = 	snop;
	(pc) =	sbr.rel @p1 .LBB2_1-.Ltmp2, $3  }
0xb4: {  	_ =	sdelay $0x1  }
0xb5: {  	[sflag:s10] =	ssyncset.done @!p0 $0x0  }
0xb6: {  	[sflag:s10] =	ssyncadd.s32 @!p0 $0xFFFFFF00  }
0xb7: {  	_ =	sfence.sel $0x180000  }
0xb8: {  	[bflag:$0x0] =	sbarrier.arrive $0xFFFF  }
0xb9: {  	_ =	strace $0x9000004D  }
0xba: {  	s0 =	stileid.u32;
	[bflag:$0x2] =	sbarrier.arrive $0xFFFF  }
0xbb: {  	p0 =	sne.s32 s0, $0x0;
	s0 =	rddreg [dreg:$0x2]  }
0xbc: {  	s0 =	sadd.s32 @!p0 $0x100000, s0  }
0xbd: {  	[sflag:s0] =	ssyncadd.tile.s32 @!p0 $0x1;
	_ =	shalt  }
.Lfunc_end2:
_tile_overlayer_lowered:
.L_overlay_start_2:
0xbe: {  	(tag) =	ssettag $0x2  }
0xbf: {  	s0 =	rddreg [dreg:$0x0];
	s2 =	stileid.u32  }
0xc0: {  	s1 =	rddreg [dreg:$0x1];
	p0 =	sne.s32 s2, $0x0  }
0xc1: {  	s3 =	rddreg [dreg:$0x2];
	[bflag:$0x3] =	sbarrier.arrive $0xFFFF;
	s2 =	simm.s32 @!p0 $0x1C03  }
0xc2: {  	[timem:s3], [sflag:s2] =	dma.local @!p0 [hbm:s0], s1  }
0xc3: {  	s0 =	simm.s32 @!p0 $0x3  }
0xc4: {  	_ =	swait.ge @!p0 [sflag:s0], s1  }
0xc5: {  	s1 =	ssub.s32 @!p0 $0x0, s1;
	[sflag:s0] =	ssyncset.done @!p0 $0x0  }
0xc6: {  	[sflag:s0] =	ssyncadd.s32 @!p0 s1  }
0xc7: {  	[bflag:$0x3] =	sbarrier.arrive $0xFFFF  }
0xc8: {  	_ =	shalt  }

</sc_bundles>
